<compile_context>
chip_gen: v7x
topology: tpu7x:2x2x1
jax: 0.10.2.dev20260603
libtpu: 0.0.44.dev20260713+nightly
codegen_flags: <defaults>
</compile_context>

<pallas_src>
import functools

import numpy as np
import jax
import jax.numpy as jnp
from jax import lax
from jax.experimental import pallas as pl
from jax.experimental.pallas import tpu as pltpu
from jax.experimental.pallas import tpu_sc as plsc

KH, KW = 3, 3
N_TAP = KH * KW

_NC, _NS = 2, 16
_NW = _NC * _NS


def _grid_offset_np(h, w):
    init = np.stack(np.meshgrid(np.arange(KH), np.arange(KW), indexing="ij"))
    init = init.reshape(-1, 2)[None, None, :, :]
    init = np.tile(init, (h, w, 1, 1)).astype(np.float32)
    off0 = int((KH - 1) / 2.0)
    off1 = int((KW - 1) / 2.0)
    grid = np.meshgrid(np.arange(-off0, h - off0), np.arange(-off1, w - off1),
                       indexing="ij")
    grid = np.stack(grid, axis=-1).astype(np.float32)[:, :, None, :]
    grid = np.tile(grid, (1, 1, N_TAP, 1))
    return grid + init


def _prep_kernel(h, w, m, cw2,
                 img, oy, ox, gy, gx, boff,
                 table_out, idx_out, w00, w01, w10, w11):
    x = img[...].astype(jnp.bfloat16)
    lo = lax.bitcast_convert_type(x[:, :cw2], jnp.uint16).astype(jnp.uint32)
    hi = lax.bitcast_convert_type(x[:, cw2:], jnp.uint16).astype(jnp.uint32)
    words = lax.bitcast_convert_type((hi << 16) | lo, jnp.int32)
    zrow = jnp.zeros((w + 1, cw2), jnp.int32)
    table_out[:, 0 * cw2:1 * cw2] = words
    table_out[: m - 1, 1 * cw2:2 * cw2] = words[1:]
    table_out[m - 1 :, 1 * cw2:2 * cw2] = zrow[:1]
    table_out[: m - w, 2 * cw2:3 * cw2] = words[w:]
    table_out[m - w :, 2 * cw2:3 * cw2] = zrow[:w]
    table_out[: m - w - 1, 3 * cw2:4 * cw2] = words[w + 1:]
    table_out[m - w - 1 :, 3 * cw2:4 * cw2] = zrow

    cy = jnp.clip(gy[...] + oy[...], 0.0, float(h - 1))
    cx = jnp.clip(gx[...] + ox[...], 0.0, float(w - 1))
    y0f = jnp.floor(cy)
    x0f = jnp.floor(cx)
    fy = cy - y0f
    fx = cx - x0f
    y0 = y0f.astype(jnp.int32)
    x0 = x0f.astype(jnp.int32)
    idx_out[...] = boff[...] + y0 * w + x0
    gy1 = 1.0 - fy
    gx1 = 1.0 - fx
    w00[...] = gy1 * gx1
    w01[...] = gy1 * fx
    w10[...] = fy * gx1
    w11[...] = fy * fx


def _make_gather(m9, cw2, rows_per_worker, chunk):
    nchunk = rows_per_worker // chunk
    nbuf = 4
    mesh = plsc.VectorSubcoreMesh(core_axis_name="c", subcore_axis_name="s")

    @functools.partial(
        pl.kernel,
        out_type=jax.ShapeDtypeStruct((m9, 4 * cw2), jnp.int32),
        mesh=mesh,
        scratch_types=(
            [pltpu.VMEM((chunk,), jnp.int32)] * nbuf
            + [pltpu.VMEM((chunk, 4 * cw2), jnp.int32)] * nbuf
            + [pltpu.SemaphoreType.DMA] * (2 * nbuf)
        ),
    )
    def gather(table_hbm, idx_hbm, out_hbm, *scr):
        idx_refs = scr[:nbuf]
        buf_refs = scr[nbuf:2 * nbuf]
        gsems = scr[2 * nbuf:3 * nbuf]
        wsems = scr[3 * nbuf:4 * nbuf]
        wid = lax.axis_index("s") * _NC + lax.axis_index("c")
        base = wid * rows_per_worker

        gd = [None] * nbuf
        wd = [None] * nbuf

        def start_gather(ch):
            s = ch % nbuf
            pltpu.sync_copy(idx_hbm.at[pl.ds(base + ch * chunk, chunk)],
                            idx_refs[s])
            gd[s] = pltpu.async_copy(table_hbm.at[idx_refs[s]],
                                     buf_refs[s], gsems[s])

        for ch in range(min(nbuf - 1, nchunk)):
            start_gather(ch)
        for ch in range(nchunk):
            s = ch % nbuf
            nxt = ch + nbuf - 1
            if nxt < nchunk:
                sn = nxt % nbuf
                if wd[sn] is not None:
                    wd[sn].wait()
                    wd[sn] = None
                start_gather(nxt)
            gd[s].wait()
            wd[s] = pltpu.async_copy(
                buf_refs[s],
                out_hbm.at[pl.ds(base + ch * chunk, chunk)],
                wsems[s])
        for s in range(nbuf):
            if wd[s] is not None:
                wd[s].wait()

    return gather


def _blend_matmul_kernel(n_tap, cw2, lb, st_ref, wg_ref, wa_ref, wb_ref,
                         b_ref, o_ref):
    acc_a = None
    acc_b = None
    for n in range(n_tap):
        u = pltpu.bitcast(st_ref[n], jnp.bfloat16)
        mapped = (u[:, 0 * cw2:1 * cw2] * wg_ref[n, :, 0:1]
                  + u[:, 1 * cw2:2 * cw2] * wg_ref[n, :, 1:2]
                  + u[:, 2 * cw2:3 * cw2] * wg_ref[n, :, 2:3]
                  + u[:, 3 * cw2:4 * cw2] * wg_ref[n, :, 3:4])
        da = jnp.dot(mapped, wa_ref[n], preferred_element_type=jnp.float32)
        db = jnp.dot(mapped, wb_ref[n], preferred_element_type=jnp.float32)
        acc_a = da if acc_a is None else acc_a + da
        acc_b = db if acc_b is None else acc_b + db
    o_ref[...] = acc_a + pltpu.roll(acc_b, 2 * lb - 1, 0) + b_ref[...]


def kernel(inputs, offsets, W, b):
    bsz, h, w, c_in = inputs.shape
    n_tap, _, c_out = W.shape
    hw = h * w
    m = bsz * hw
    m9 = m * n_tap
    cw2 = c_in // 2

    grid = _grid_offset_np(h, w)
    gy = np.tile(grid[..., 0].transpose(2, 0, 1)[:, None], (1, bsz, 1, 1))
    gx = np.tile(grid[..., 1].transpose(2, 0, 1)[:, None], (1, bsz, 1, 1))
    boff = np.tile(np.repeat(np.arange(bsz, dtype=np.int32) * hw, hw), n_tap)

    lanes = 128
    rows128 = m9 // lanes
    gy = jnp.asarray(gy.reshape(rows128, lanes))
    gx = jnp.asarray(gx.reshape(rows128, lanes))
    boff = jnp.asarray(boff.reshape(rows128, lanes))

    off5 = offsets.reshape(bsz, h, w, n_tap, 2)
    oy = jnp.transpose(off5[..., 0], (3, 0, 1, 2)).reshape(rows128, lanes)
    ox = jnp.transpose(off5[..., 1], (3, 0, 1, 2)).reshape(rows128, lanes)

    shp_f = jax.ShapeDtypeStruct((rows128, lanes), jnp.float32)
    table4, idx2, w00, w01, w10, w11 = pl.pallas_call(
        functools.partial(_prep_kernel, h, w, m, cw2),
        out_shape=(
            jax.ShapeDtypeStruct((m, 4 * cw2), jnp.int32),
            jax.ShapeDtypeStruct((rows128, lanes), jnp.int32),
            shp_f, shp_f, shp_f, shp_f,
        ),
    )(inputs.reshape(m, c_in), oy, ox, gy, gx, boff)

    wgt9 = (jnp.stack([w00, w01, w10, w11], axis=-1)
            .reshape(n_tap, m, 1, 4).astype(jnp.bfloat16))
    wgt9 = jnp.broadcast_to(wgt9, (n_tap, m, 2, 4)).reshape(n_tap, 2 * m, 4)

    wf = W.astype(jnp.bfloat16)
    wa = wf[:, :cw2, :]
    wb = wf[:, cw2:, :]
    b2 = b.reshape(1, c_out)
    lb = 256

    nseg = 2
    m2 = m // nseg
    m9s = m2 * n_tap
    rows_per_worker = m9s // _NW
    chunk = 32
    sc_fn = _make_gather(m9s, cw2, rows_per_worker, chunk)
    idx3 = idx2.reshape(n_tap, m)

    outs = []
    for seg in range(nseg):
        idx_seg = idx3[:, seg * m2:(seg + 1) * m2].reshape(m9s)
        patches = sc_fn(table4, idx_seg).reshape(n_tap, m2, 4 * cw2)
        wg_seg = wgt9[:, 2 * seg * m2:2 * (seg + 1) * m2]
        out_h = pl.pallas_call(
            functools.partial(_blend_matmul_kernel, n_tap, cw2, lb),
            grid=(m2 // lb,),
            in_specs=[
                pl.BlockSpec((n_tap, lb, 4 * cw2), lambda i: (0, i, 0)),
                pl.BlockSpec((n_tap, 2 * lb, 4), lambda i: (0, i, 0)),
                pl.BlockSpec((n_tap, cw2, c_out), lambda i: (0, 0, 0)),
                pl.BlockSpec((n_tap, cw2, c_out), lambda i: (0, 0, 0)),
                pl.BlockSpec((1, c_out), lambda i: (0, 0)),
            ],
            out_specs=pl.BlockSpec((2 * lb, c_out), lambda i: (i, 0)),
            out_shape=jax.ShapeDtypeStruct((2 * m2, c_out), jnp.float32),
        )(patches, wg_seg, wa, wb, b2)
        outs.append(out_h.reshape(m2, 2, c_out)[:, 0, :])
    out = jnp.concatenate(outs)
    return out.reshape(bsz, h, w, c_out)

# --- scband reference (transcript-rebuilt; emitter-appended) ---
"""Pipeline reference for scband-deformable-conv2d-layer-20349555048916 (READ-ONLY COPY).

The authoritative reference and input builder live on the scoring server;
editing this copy changes nothing except your own understanding.
"""

import jax, jax.numpy as jnp
import numpy as np

KH, KW = 3, 3
B, H, W_DIM, C_IN, C_OUT = 4, 32, 32, 384, 384
N_KERNEL = KH * KW


def _grid_offset(h, w):
    # faithful to the TF code: tf.stack(meshgrid) -> (2, kh, kw), reshaped to (-1, 2)
    init = jnp.stack(jnp.meshgrid(jnp.arange(KH), jnp.arange(KW), indexing='ij'))
    init = jnp.reshape(init, (-1, 2))  # (n, 2) with TF's (quirky) flatten order
    init = init[None, None, :, :]
    init = jnp.tile(init, [h, w, 1, 1]).astype(jnp.float32)  # (h, w, n, 2)
    off0 = int((KH - 1) / 2.0)
    off1 = int((KW - 1) / 2.0)
    grid = jnp.meshgrid(jnp.arange(-off0, h - off0), jnp.arange(-off1, w - off1), indexing='ij')
    grid = jnp.stack(grid, axis=-1).astype(jnp.float32)  # (h, w, 2)
    grid = grid[:, :, None, :]
    grid = jnp.tile(grid, [1, 1, N_KERNEL, 1])  # (h, w, n, 2)
    return grid + init


def setup_inputs(seed: int = 0):
    key = jax.random.key(seed)
    k1, k2, k3 = jax.random.split(key, 3)
    inputs = jax.random.normal(k1, (B, H, W_DIM, C_IN), dtype=jnp.float32)
    offsets = jax.random.normal(k2, (B, H, W_DIM, 2 * N_KERNEL), dtype=jnp.float32)
    W = jax.random.normal(k3, (N_KERNEL, C_IN, C_OUT), dtype=jnp.float32) * 0.02
    b = jnp.zeros((C_OUT,), dtype=jnp.float32)
    return {"inputs": inputs, "offsets": offsets, "W": W, "b": b}


def reference(inputs, offsets, W, b):
    h, w = inputs.shape[1], inputs.shape[2]
    grid_offset = _grid_offset(h, w)  # (h, w, n, 2)
    bsz = inputs.shape[0]
    coords = grid_offset[None] + offsets.reshape(bsz, h, w, N_KERNEL, 2)
    coords = jnp.stack([
        jnp.clip(coords[..., 0], 0.0, float(h - 1)),
        jnp.clip(coords[..., 1], 0.0, float(w - 1)),
    ], axis=-1)
    coords_lt = jnp.floor(coords).astype(jnp.int32)
    coords_rb = jnp.ceil(coords).astype(jnp.int32)
    coords_lb = jnp.stack([coords_lt[..., 0], coords_rb[..., 1]], axis=-1)
    coords_rt = jnp.stack([coords_rb[..., 0], coords_lt[..., 1]], axis=-1)

    def samp(img, cc):
        # img: (h, w, c); cc: (h, w, n, 2) -> (h, w, n, c)
        return img[cc[..., 0], cc[..., 1]]

    gather = jax.vmap(samp)
    vals_lt = gather(inputs, coords_lt)
    vals_rb = gather(inputs, coords_rb)
    vals_lb = gather(inputs, coords_lb)
    vals_rt = gather(inputs, coords_rt)

    off_lt = coords - coords_lt.astype(jnp.float32)  # (b, h, w, n, 2)
    w0 = off_lt[..., 0:1]
    w1 = off_lt[..., 1:2]
    vals_t = vals_lt + (vals_rt - vals_lt) * w0
    vals_b = vals_lb + (vals_rb - vals_lb) * w0
    mapped = vals_t + (vals_b - vals_t) * w1  # (b, h, w, n, c_in)

    # 1x1xn conv over the sampled kernel positions: W is [1,1,n,c_in,c_out] flattened to (n,c_in,c_out)
    out = jnp.einsum('bhwnc,nco->bhwo', mapped, W) + b
    return out  # act = identity

if __name__ == "__main__":
    import jax
    _d = setup_inputs()
    print(jax.jit(kernel)(*tuple(_d.values())))

</pallas_src>

<mosaic_0001>
#map = affine_map<(d0, d1) -> (0, 0)>
#map1 = affine_map<(d0, d1) -> (0)>
module attributes {stable_mosaic.version = 14 : i64} {
  func.func @gather(%arg0: i32, %arg1: i32, %arg2: memref<4096x768xi32, #tpu.memory_space<hbm>>, %arg3: memref<18432xi32, #tpu.memory_space<hbm>>, %arg4: memref<18432x768xi32, #tpu.memory_space<hbm>>, %arg5: memref<32xi32, #tpu.memory_space<vmem>>, %arg6: memref<32xi32, #tpu.memory_space<vmem>>, %arg7: memref<32xi32, #tpu.memory_space<vmem>>, %arg8: memref<32xi32, #tpu.memory_space<vmem>>, %arg9: memref<32x768xi32, #tpu.memory_space<vmem>>, %arg10: memref<32x768xi32, #tpu.memory_space<vmem>>, %arg11: memref<32x768xi32, #tpu.memory_space<vmem>>, %arg12: memref<32x768xi32, #tpu.memory_space<vmem>>, %arg13: memref<!tpu.dma_semaphore, #tpu.memory_space<semaphore_mem>>, %arg14: memref<!tpu.dma_semaphore, #tpu.memory_space<semaphore_mem>>, %arg15: memref<!tpu.dma_semaphore, #tpu.memory_space<semaphore_mem>>, %arg16: memref<!tpu.dma_semaphore, #tpu.memory_space<semaphore_mem>>, %arg17: memref<!tpu.dma_semaphore, #tpu.memory_space<semaphore_mem>>, %arg18: memref<!tpu.dma_semaphore, #tpu.memory_space<semaphore_mem>>, %arg19: memref<!tpu.dma_semaphore, #tpu.memory_space<semaphore_mem>>, %arg20: memref<!tpu.dma_semaphore, #tpu.memory_space<semaphore_mem>>) attributes {dimension_semantics = [#tpu.dimension_semantics<core_parallel>, #tpu.dimension_semantics<subcore_parallel>], iteration_bounds = array<i64: 2, 16>, scalar_prefetch = 0 : i64, scratch_operands = 16 : i64, tpu.core_type = #tpu.core_type<sc_vector_subcore>, window_params = [{transform_indices = #map}, {transform_indices = #map1}, {transform_indices = #map}]} {
    %mul3A = arith.constant 2 : i32
    %mul3A_0 = arith.muli %arg1, %mul3A : i32
    %add3A = arith.addi %mul3A_0, %arg0 : i32
    %mul3A_1 = arith.constant 576 : i32
    %mul3A_2 = arith.muli %add3A, %mul3A_1 : i32
    %add3A_3 = arith.constant 0 : i32
    %add3A_4 = arith.addi %mul3A_2, %add3A_3 : i32
    "tpu.region"() ({
      %run_scoped3A = tpu.sem_alloc : memref<!tpu.dma_semaphore, #tpu.memory_space<semaphore_mem>>
      %dma_start3A_325 = tpu.memref_slice %arg3[%add3A_4] : memref<18432xi32, #tpu.memory_space<hbm>> -> memref<32xi32, #tpu.memory_space<hbm>>
      %dma_start3A_326 = tpu.memref_slice %arg3[%add3A_4] : memref<18432xi32, #tpu.memory_space<hbm>> -> memref<32xi32, #tpu.memory_space<hbm>>
      tpu.enqueue_dma source(%dma_start3A_326 : memref<32xi32, #tpu.memory_space<hbm>>) target(%arg5 : memref<32xi32, #tpu.memory_space<vmem>>) target_semaphore(%run_scoped3A : memref<!tpu.dma_semaphore, #tpu.memory_space<semaphore_mem>>)
      %dma_wait3A_327 = tpu.memref_slice %arg3[%add3A_4] : memref<18432xi32, #tpu.memory_space<hbm>> -> memref<32xi32, #tpu.memory_space<hbm>>
      %dma_wait3A_328 = tpu.memref_slice %arg3[%add3A_4] : memref<18432xi32, #tpu.memory_space<hbm>> -> memref<32xi32, #tpu.memory_space<hbm>>
      tpu.wait_dma2 semaphore(%run_scoped3A : memref<!tpu.dma_semaphore, #tpu.memory_space<semaphore_mem>>) src(%dma_wait3A_328 : memref<32xi32, #tpu.memory_space<hbm>>) dst(%arg5 : memref<32xi32, #tpu.memory_space<vmem>>)
      tpu.yield
    }) : () -> ()
    %dma_start3A = arith.constant 0 : i32
    %dma_start3A_5 = arith.constant 0 : i32
    %dma_start3A_6 = tpu.memref_slice %arg2[%dma_start3A, %dma_start3A_5] : memref<4096x768xi32, #tpu.memory_space<hbm>> -> memref<4096x768xi32, #tpu.memory_space<hbm>>
    tpu.enqueue_indirect_dma source(%dma_start3A_6 : memref<4096x768xi32, #tpu.memory_space<hbm>>) target(%arg9 : memref<32x768xi32, #tpu.memory_space<vmem>>) offsets(%arg5 : memref<32xi32, #tpu.memory_space<vmem>>) semaphore(%arg13 : memref<!tpu.dma_semaphore, #tpu.memory_space<semaphore_mem>>)
    %add3A_7 = arith.constant 32 : i32
    %add3A_8 = arith.addi %mul3A_2, %add3A_7 : i32
    "tpu.region"() ({
      %run_scoped3A = tpu.sem_alloc : memref<!tpu.dma_semaphore, #tpu.memory_space<semaphore_mem>>
      %dma_start3A_325 = tpu.memref_slice %arg3[%add3A_8] : memref<18432xi32, #tpu.memory_space<hbm>> -> memref<32xi32, #tpu.memory_space<hbm>>
      %dma_start3A_326 = tpu.memref_slice %arg3[%add3A_8] : memref<18432xi32, #tpu.memory_space<hbm>> -> memref<32xi32, #tpu.memory_space<hbm>>
      tpu.enqueue_dma source(%dma_start3A_326 : memref<32xi32, #tpu.memory_space<hbm>>) target(%arg6 : memref<32xi32, #tpu.memory_space<vmem>>) target_semaphore(%run_scoped3A : memref<!tpu.dma_semaphore, #tpu.memory_space<semaphore_mem>>)
      %dma_wait3A_327 = tpu.memref_slice %arg3[%add3A_8] : memref<18432xi32, #tpu.memory_space<hbm>> -> memref<32xi32, #tpu.memory_space<hbm>>
      %dma_wait3A_328 = tpu.memref_slice %arg3[%add3A_8] : memref<18432xi32, #tpu.memory_space<hbm>> -> memref<32xi32, #tpu.memory_space<hbm>>
      tpu.wait_dma2 semaphore(%run_scoped3A : memref<!tpu.dma_semaphore, #tpu.memory_space<semaphore_mem>>) src(%dma_wait3A_328 : memref<32xi32, #tpu.memory_space<hbm>>) dst(%arg6 : memref<32xi32, #tpu.memory_space<vmem>>)
      tpu.yield
    }) : () -> ()
    %dma_start3A_9 = arith.constant 0 : i32
    %dma_start3A_10 = arith.constant 0 : i32
    %dma_start3A_11 = tpu.memref_slice %arg2[%dma_start3A_9, %dma_start3A_10] : memref<4096x768xi32, #tpu.memory_space<hbm>> -> memref<4096x768xi32, #tpu.memory_space<hbm>>
    tpu.enqueue_indirect_dma source(%dma_start3A_11 : memref<4096x768xi32, #tpu.memory_space<hbm>>) target(%arg10 : memref<32x768xi32, #tpu.memory_space<vmem>>) offsets(%arg6 : memref<32xi32, #tpu.memory_space<vmem>>) semaphore(%arg14 : memref<!tpu.dma_semaphore, #tpu.memory_space<semaphore_mem>>)
    %add3A_12 = arith.constant 64 : i32
    %add3A_13 = arith.addi %mul3A_2, %add3A_12 : i32
    "tpu.region"() ({
      %run_scoped3A = tpu.sem_alloc : memref<!tpu.dma_semaphore, #tpu.memory_space<semaphore_mem>>
      %dma_start3A_325 = tpu.memref_slice %arg3[%add3A_13] : memref<18432xi32, #tpu.memory_space<hbm>> -> memref<32xi32, #tpu.memory_space<hbm>>
      %dma_start3A_326 = tpu.memref_slice %arg3[%add3A_13] : memref<18432xi32, #tpu.memory_space<hbm>> -> memref<32xi32, #tpu.memory_space<hbm>>
      tpu.enqueue_dma source(%dma_start3A_326 : memref<32xi32, #tpu.memory_space<hbm>>) target(%arg7 : memref<32xi32, #tpu.memory_space<vmem>>) target_semaphore(%run_scoped3A : memref<!tpu.dma_semaphore, #tpu.memory_space<semaphore_mem>>)
      %dma_wait3A_327 = tpu.memref_slice %arg3[%add3A_13] : memref<18432xi32, #tpu.memory_space<hbm>> -> memref<32xi32, #tpu.memory_space<hbm>>
      %dma_wait3A_328 = tpu.memref_slice %arg3[%add3A_13] : memref<18432xi32, #tpu.memory_space<hbm>> -> memref<32xi32, #tpu.memory_space<hbm>>
      tpu.wait_dma2 semaphore(%run_scoped3A : memref<!tpu.dma_semaphore, #tpu.memory_space<semaphore_mem>>) src(%dma_wait3A_328 : memref<32xi32, #tpu.memory_space<hbm>>) dst(%arg7 : memref<32xi32, #tpu.memory_space<vmem>>)
      tpu.yield
    }) : () -> ()
    %dma_start3A_14 = arith.constant 0 : i32
    %dma_start3A_15 = arith.constant 0 : i32
    %dma_start3A_16 = tpu.memref_slice %arg2[%dma_start3A_14, %dma_start3A_15] : memref<4096x768xi32, #tpu.memory_space<hbm>> -> memref<4096x768xi32, #tpu.memory_space<hbm>>
    tpu.enqueue_indirect_dma source(%dma_start3A_16 : memref<4096x768xi32, #tpu.memory_space<hbm>>) target(%arg11 : memref<32x768xi32, #tpu.memory_space<vmem>>) offsets(%arg7 : memref<32xi32, #tpu.memory_space<vmem>>) semaphore(%arg15 : memref<!tpu.dma_semaphore, #tpu.memory_space<semaphore_mem>>)
    %add3A_17 = arith.constant 96 : i32
    %add3A_18 = arith.addi %mul3A_2, %add3A_17 : i32
    "tpu.region"() ({
      %run_scoped3A = tpu.sem_alloc : memref<!tpu.dma_semaphore, #tpu.memory_space<semaphore_mem>>
      %dma_start3A_325 = tpu.memref_slice %arg3[%add3A_18] : memref<18432xi32, #tpu.memory_space<hbm>> -> memref<32xi32, #tpu.memory_space<hbm>>
      %dma_start3A_326 = tpu.memref_slice %arg3[%add3A_18] : memref<18432xi32, #tpu.memory_space<hbm>> -> memref<32xi32, #tpu.memory_space<hbm>>
      tpu.enqueue_dma source(%dma_start3A_326 : memref<32xi32, #tpu.memory_space<hbm>>) target(%arg8 : memref<32xi32, #tpu.memory_space<vmem>>) target_semaphore(%run_scoped3A : memref<!tpu.dma_semaphore, #tpu.memory_space<semaphore_mem>>)
      %dma_wait3A_327 = tpu.memref_slice %arg3[%add3A_18] : memref<18432xi32, #tpu.memory_space<hbm>> -> memref<32xi32, #tpu.memory_space<hbm>>
      %dma_wait3A_328 = tpu.memref_slice %arg3[%add3A_18] : memref<18432xi32, #tpu.memory_space<hbm>> -> memref<32xi32, #tpu.memory_space<hbm>>
      tpu.wait_dma2 semaphore(%run_scoped3A : memref<!tpu.dma_semaphore, #tpu.memory_space<semaphore_mem>>) src(%dma_wait3A_328 : memref<32xi32, #tpu.memory_space<hbm>>) dst(%arg8 : memref<32xi32, #tpu.memory_space<vmem>>)
      tpu.yield
    }) : () -> ()
    %dma_start3A_19 = arith.constant 0 : i32
    %dma_start3A_20 = arith.constant 0 : i32
    %dma_start3A_21 = tpu.memref_slice %arg2[%dma_start3A_19, %dma_start3A_20] : memref<4096x768xi32, #tpu.memory_space<hbm>> -> memref<4096x768xi32, #tpu.memory_space<hbm>>
    tpu.enqueue_indirect_dma source(%dma_start3A_21 : memref<4096x768xi32, #tpu.memory_space<hbm>>) target(%arg12 : memref<32x768xi32, #tpu.memory_space<vmem>>) offsets(%arg8 : memref<32xi32, #tpu.memory_space<vmem>>) semaphore(%arg16 : memref<!tpu.dma_semaphore, #tpu.memory_space<semaphore_mem>>)
    %dma_wait3A = arith.constant 0 : i32
    %dma_wait3A_22 = arith.constant 0 : i32
    %dma_wait3A_23 = tpu.memref_slice %arg2[%dma_wait3A, %dma_wait3A_22] : memref<4096x768xi32, #tpu.memory_space<hbm>> -> memref<4096x768xi32, #tpu.memory_space<hbm>>
    tpu.wait_indirect_dma semaphore(%arg13 : memref<!tpu.dma_semaphore, #tpu.memory_space<semaphore_mem>>) src(%dma_wait3A_23 : memref<4096x768xi32, #tpu.memory_space<hbm>>) dst(%arg9 : memref<32x768xi32, #tpu.memory_space<vmem>>)
    %add3A_24 = arith.constant 0 : i32
    %add3A_25 = arith.addi %mul3A_2, %add3A_24 : i32
    %dma_start3A_26 = arith.constant 0 : i32
    %dma_start3A_27 = tpu.memref_slice %arg4[%add3A_25, %dma_start3A_26] : memref<18432x768xi32, #tpu.memory_space<hbm>> -> memref<32x768xi32, #tpu.memory_space<hbm>>
    %dma_start3A_28 = arith.constant 0 : i32
    %dma_start3A_29 = tpu.memref_slice %arg4[%add3A_25, %dma_start3A_28] : memref<18432x768xi32, #tpu.memory_space<hbm>> -> memref<32x768xi32, #tpu.memory_space<hbm>>
    tpu.enqueue_dma source(%arg9 : memref<32x768xi32, #tpu.memory_space<vmem>>) target(%dma_start3A_29 : memref<32x768xi32, #tpu.memory_space<hbm>>) target_semaphore(%arg17 : memref<!tpu.dma_semaphore, #tpu.memory_space<semaphore_mem>>)
    %dma_wait3A_30 = arith.constant 0 : i32
    %dma_wait3A_31 = tpu.memref_slice %arg4[%add3A_25, %dma_wait3A_30] : memref<18432x768xi32, #tpu.memory_space<hbm>> -> memref<32x768xi32, #tpu.memory_space<hbm>>
    %dma_wait3A_32 = arith.constant 0 : i32
    %dma_wait3A_33 = tpu.memref_slice %arg4[%add3A_25, %dma_wait3A_32] : memref<18432x768xi32, #tpu.memory_space<hbm>> -> memref<32x768xi32, #tpu.memory_space<hbm>>
    tpu.wait_dma2 semaphore(%arg17 : memref<!tpu.dma_semaphore, #tpu.memory_space<semaphore_mem>>) src(%arg9 : memref<32x768xi32, #tpu.memory_space<vmem>>) dst(%dma_wait3A_33 : memref<32x768xi32, #tpu.memory_space<hbm>>)
    %add3A_34 = arith.constant 128 : i32
    %add3A_35 = arith.addi %mul3A_2, %add3A_34 : i32
    "tpu.region"() ({
      %run_scoped3A = tpu.sem_alloc : memref<!tpu.dma_semaphore, #tpu.memory_space<semaphore_mem>>
      %dma_start3A_325 = tpu.memref_slice %arg3[%add3A_35] : memref<18432xi32, #tpu.memory_space<hbm>> -> memref<32xi32, #tpu.memory_space<hbm>>
      %dma_start3A_326 = tpu.memref_slice %arg3[%add3A_35] : memref<18432xi32, #tpu.memory_space<hbm>> -> memref<32xi32, #tpu.memory_space<hbm>>
      tpu.enqueue_dma source(%dma_start3A_326 : memref<32xi32, #tpu.memory_space<hbm>>) target(%arg5 : memref<32xi32, #tpu.memory_space<vmem>>) target_semaphore(%run_scoped3A : memref<!tpu.dma_semaphore, #tpu.memory_space<semaphore_mem>>)
      %dma_wait3A_327 = tpu.memref_slice %arg3[%add3A_35] : memref<18432xi32, #tpu.memory_space<hbm>> -> memref<32xi32, #tpu.memory_space<hbm>>
      %dma_wait3A_328 = tpu.memref_slice %arg3[%add3A_35] : memref<18432xi32, #tpu.memory_space<hbm>> -> memref<32xi32, #tpu.memory_space<hbm>>
      tpu.wait_dma2 semaphore(%run_scoped3A : memref<!tpu.dma_semaphore, #tpu.memory_space<semaphore_mem>>) src(%dma_wait3A_328 : memref<32xi32, #tpu.memory_space<hbm>>) dst(%arg5 : memref<32xi32, #tpu.memory_space<vmem>>)
      tpu.yield
    }) : () -> ()
    %dma_start3A_36 = arith.constant 0 : i32
    %dma_start3A_37 = arith.constant 0 : i32
    %dma_start3A_38 = tpu.memref_slice %arg2[%dma_start3A_36, %dma_start3A_37] : memref<4096x768xi32, #tpu.memory_space<hbm>> -> memref<4096x768xi32, #tpu.memory_space<hbm>>
    tpu.enqueue_indirect_dma source(%dma_start3A_38 : memref<4096x768xi32, #tpu.memory_space<hbm>>) target(%arg9 : memref<32x768xi32, #tpu.memory_space<vmem>>) offsets(%arg5 : memref<32xi32, #tpu.memory_space<vmem>>) semaphore(%arg13 : memref<!tpu.dma_semaphore, #tpu.memory_space<semaphore_mem>>)
    %dma_wait3A_39 = arith.constant 0 : i32
    %dma_wait3A_40 = arith.constant 0 : i32
    %dma_wait3A_41 = tpu.memref_slice %arg2[%dma_wait3A_39, %dma_wait3A_40] : memref<4096x768xi32, #tpu.memory_space<hbm>> -> memref<4096x768xi32, #tpu.memory_space<hbm>>
    tpu.wait_indirect_dma semaphore(%arg14 : memref<!tpu.dma_semaphore, #tpu.memory_space<semaphore_mem>>) src(%dma_wait3A_41 : memref<4096x768xi32, #tpu.memory_space<hbm>>) dst(%arg10 : memref<32x768xi32, #tpu.memory_space<vmem>>)
    %add3A_42 = arith.constant 32 : i32
    %add3A_43 = arith.addi %mul3A_2, %add3A_42 : i32
    %dma_start3A_44 = arith.constant 0 : i32
    %dma_start3A_45 = tpu.memref_slice %arg4[%add3A_43, %dma_start3A_44] : memref<18432x768xi32, #tpu.memory_space<hbm>> -> memref<32x768xi32, #tpu.memory_space<hbm>>
    %dma_start3A_46 = arith.constant 0 : i32
    %dma_start3A_47 = tpu.memref_slice %arg4[%add3A_43, %dma_start3A_46] : memref<18432x768xi32, #tpu.memory_space<hbm>> -> memref<32x768xi32, #tpu.memory_space<hbm>>
    tpu.enqueue_dma source(%arg10 : memref<32x768xi32, #tpu.memory_space<vmem>>) target(%dma_start3A_47 : memref<32x768xi32, #tpu.memory_space<hbm>>) target_semaphore(%arg18 : memref<!tpu.dma_semaphore, #tpu.memory_space<semaphore_mem>>)
    %dma_wait3A_48 = arith.constant 0 : i32
    %dma_wait3A_49 = tpu.memref_slice %arg4[%add3A_43, %dma_wait3A_48] : memref<18432x768xi32, #tpu.memory_space<hbm>> -> memref<32x768xi32, #tpu.memory_space<hbm>>
    %dma_wait3A_50 = arith.constant 0 : i32
    %dma_wait3A_51 = tpu.memref_slice %arg4[%add3A_43, %dma_wait3A_50] : memref<18432x768xi32, #tpu.memory_space<hbm>> -> memref<32x768xi32, #tpu.memory_space<hbm>>
    tpu.wait_dma2 semaphore(%arg18 : memref<!tpu.dma_semaphore, #tpu.memory_space<semaphore_mem>>) src(%arg10 : memref<32x768xi32, #tpu.memory_space<vmem>>) dst(%dma_wait3A_51 : memref<32x768xi32, #tpu.memory_space<hbm>>)
    %add3A_52 = arith.constant 160 : i32
    %add3A_53 = arith.addi %mul3A_2, %add3A_52 : i32
    "tpu.region"() ({
      %run_scoped3A = tpu.sem_alloc : memref<!tpu.dma_semaphore, #tpu.memory_space<semaphore_mem>>
      %dma_start3A_325 = tpu.memref_slice %arg3[%add3A_53] : memref<18432xi32, #tpu.memory_space<hbm>> -> memref<32xi32, #tpu.memory_space<hbm>>
      %dma_start3A_326 = tpu.memref_slice %arg3[%add3A_53] : memref<18432xi32, #tpu.memory_space<hbm>> -> memref<32xi32, #tpu.memory_space<hbm>>
      tpu.enqueue_dma source(%dma_start3A_326 : memref<32xi32, #tpu.memory_space<hbm>>) target(%arg6 : memref<32xi32, #tpu.memory_space<vmem>>) target_semaphore(%run_scoped3A : memref<!tpu.dma_semaphore, #tpu.memory_space<semaphore_mem>>)
      %dma_wait3A_327 = tpu.memref_slice %arg3[%add3A_53] : memref<18432xi32, #tpu.memory_space<hbm>> -> memref<32xi32, #tpu.memory_space<hbm>>
      %dma_wait3A_328 = tpu.memref_slice %arg3[%add3A_53] : memref<18432xi32, #tpu.memory_space<hbm>> -> memref<32xi32, #tpu.memory_space<hbm>>
      tpu.wait_dma2 semaphore(%run_scoped3A : memref<!tpu.dma_semaphore, #tpu.memory_space<semaphore_mem>>) src(%dma_wait3A_328 : memref<32xi32, #tpu.memory_space<hbm>>) dst(%arg6 : memref<32xi32, #tpu.memory_space<vmem>>)
      tpu.yield
    }) : () -> ()
    %dma_start3A_54 = arith.constant 0 : i32
    %dma_start3A_55 = arith.constant 0 : i32
    %dma_start3A_56 = tpu.memref_slice %arg2[%dma_start3A_54, %dma_start3A_55] : memref<4096x768xi32, #tpu.memory_space<hbm>> -> memref<4096x768xi32, #tpu.memory_space<hbm>>
    tpu.enqueue_indirect_dma source(%dma_start3A_56 : memref<4096x768xi32, #tpu.memory_space<hbm>>) target(%arg10 : memref<32x768xi32, #tpu.memory_space<vmem>>) offsets(%arg6 : memref<32xi32, #tpu.memory_space<vmem>>) semaphore(%arg14 : memref<!tpu.dma_semaphore, #tpu.memory_space<semaphore_mem>>)
    %dma_wait3A_57 = arith.constant 0 : i32
    %dma_wait3A_58 = arith.constant 0 : i32
    %dma_wait3A_59 = tpu.memref_slice %arg2[%dma_wait3A_57, %dma_wait3A_58] : memref<4096x768xi32, #tpu.memory_space<hbm>> -> memref<4096x768xi32, #tpu.memory_space<hbm>>
    tpu.wait_indirect_dma semaphore(%arg15 : memref<!tpu.dma_semaphore, #tpu.memory_space<semaphore_mem>>) src(%dma_wait3A_59 : memref<4096x768xi32, #tpu.memory_space<hbm>>) dst(%arg11 : memref<32x768xi32, #tpu.memory_space<vmem>>)
    %add3A_60 = arith.constant 64 : i32
    %add3A_61 = arith.addi %mul3A_2, %add3A_60 : i32
    %dma_start3A_62 = arith.constant 0 : i32
    %dma_start3A_63 = tpu.memref_slice %arg4[%add3A_61, %dma_start3A_62] : memref<18432x768xi32, #tpu.memory_space<hbm>> -> memref<32x768xi32, #tpu.memory_space<hbm>>
    %dma_start3A_64 = arith.constant 0 : i32
    %dma_start3A_65 = tpu.memref_slice %arg4[%add3A_61, %dma_start3A_64] : memref<18432x768xi32, #tpu.memory_space<hbm>> -> memref<32x768xi32, #tpu.memory_space<hbm>>
    tpu.enqueue_dma source(%arg11 : memref<32x768xi32, #tpu.memory_space<vmem>>) target(%dma_start3A_65 : memref<32x768xi32, #tpu.memory_space<hbm>>) target_semaphore(%arg19 : memref<!tpu.dma_semaphore, #tpu.memory_space<semaphore_mem>>)
    %dma_wait3A_66 = arith.constant 0 : i32
    %dma_wait3A_67 = tpu.memref_slice %arg4[%add3A_61, %dma_wait3A_66] : memref<18432x768xi32, #tpu.memory_space<hbm>> -> memref<32x768xi32, #tpu.memory_space<hbm>>
    %dma_wait3A_68 = arith.constant 0 : i32
    %dma_wait3A_69 = tpu.memref_slice %arg4[%add3A_61, %dma_wait3A_68] : memref<18432x768xi32, #tpu.memory_space<hbm>> -> memref<32x768xi32, #tpu.memory_space<hbm>>
    tpu.wait_dma2 semaphore(%arg19 : memref<!tpu.dma_semaphore, #tpu.memory_space<semaphore_mem>>) src(%arg11 : memref<32x768xi32, #tpu.memory_space<vmem>>) dst(%dma_wait3A_69 : memref<32x768xi32, #tpu.memory_space<hbm>>)
    %add3A_70 = arith.constant 192 : i32
    %add3A_71 = arith.addi %mul3A_2, %add3A_70 : i32
    "tpu.region"() ({
      %run_scoped3A = tpu.sem_alloc : memref<!tpu.dma_semaphore, #tpu.memory_space<semaphore_mem>>
      %dma_start3A_325 = tpu.memref_slice %arg3[%add3A_71] : memref<18432xi32, #tpu.memory_space<hbm>> -> memref<32xi32, #tpu.memory_space<hbm>>
      %dma_start3A_326 = tpu.memref_slice %arg3[%add3A_71] : memref<18432xi32, #tpu.memory_space<hbm>> -> memref<32xi32, #tpu.memory_space<hbm>>
      tpu.enqueue_dma source(%dma_start3A_326 : memref<32xi32, #tpu.memory_space<hbm>>) target(%arg7 : memref<32xi32, #tpu.memory_space<vmem>>) target_semaphore(%run_scoped3A : memref<!tpu.dma_semaphore, #tpu.memory_space<semaphore_mem>>)
      %dma_wait3A_327 = tpu.memref_slice %arg3[%add3A_71] : memref<18432xi32, #tpu.memory_space<hbm>> -> memref<32xi32, #tpu.memory_space<hbm>>
      %dma_wait3A_328 = tpu.memref_slice %arg3[%add3A_71] : memref<18432xi32, #tpu.memory_space<hbm>> -> memref<32xi32, #tpu.memory_space<hbm>>
      tpu.wait_dma2 semaphore(%run_scoped3A : memref<!tpu.dma_semaphore, #tpu.memory_space<semaphore_mem>>) src(%dma_wait3A_328 : memref<32xi32, #tpu.memory_space<hbm>>) dst(%arg7 : memref<32xi32, #tpu.memory_space<vmem>>)
      tpu.yield
    }) : () -> ()
    %dma_start3A_72 = arith.constant 0 : i32
    %dma_start3A_73 = arith.constant 0 : i32
    %dma_start3A_74 = tpu.memref_slice %arg2[%dma_start3A_72, %dma_start3A_73] : memref<4096x768xi32, #tpu.memory_space<hbm>> -> memref<4096x768xi32, #tpu.memory_space<hbm>>
    tpu.enqueue_indirect_dma source(%dma_start3A_74 : memref<4096x768xi32, #tpu.memory_space<hbm>>) target(%arg11 : memref<32x768xi32, #tpu.memory_space<vmem>>) offsets(%arg7 : memref<32xi32, #tpu.memory_space<vmem>>) semaphore(%arg15 : memref<!tpu.dma_semaphore, #tpu.memory_space<semaphore_mem>>)
    %dma_wait3A_75 = arith.constant 0 : i32
    %dma_wait3A_76 = arith.constant 0 : i32
    %dma_wait3A_77 = tpu.memref_slice %arg2[%dma_wait3A_75, %dma_wait3A_76] : memref<4096x768xi32, #tpu.memory_space<hbm>> -> memref<4096x768xi32, #tpu.memory_space<hbm>>
    tpu.wait_indirect_dma semaphore(%arg16 : memref<!tpu.dma_semaphore, #tpu.memory_space<semaphore_mem>>) src(%dma_wait3A_77 : memref<4096x768xi32, #tpu.memory_space<hbm>>) dst(%arg12 : memref<32x768xi32, #tpu.memory_space<vmem>>)
    %add3A_78 = arith.constant 96 : i32
    %add3A_79 = arith.addi %mul3A_2, %add3A_78 : i32
    %dma_start3A_80 = arith.constant 0 : i32
    %dma_start3A_81 = tpu.memref_slice %arg4[%add3A_79, %dma_start3A_80] : memref<18432x768xi32, #tpu.memory_space<hbm>> -> memref<32x768xi32, #tpu.memory_space<hbm>>
    %dma_start3A_82 = arith.constant 0 : i32
    %dma_start3A_83 = tpu.memref_slice %arg4[%add3A_79, %dma_start3A_82] : memref<18432x768xi32, #tpu.memory_space<hbm>> -> memref<32x768xi32, #tpu.memory_space<hbm>>
    tpu.enqueue_dma source(%arg12 : memref<32x768xi32, #tpu.memory_space<vmem>>) target(%dma_start3A_83 : memref<32x768xi32, #tpu.memory_space<hbm>>) target_semaphore(%arg20 : memref<!tpu.dma_semaphore, #tpu.memory_space<semaphore_mem>>)
    %dma_wait3A_84 = arith.constant 0 : i32
    %dma_wait3A_85 = tpu.memref_slice %arg4[%add3A_79, %dma_wait3A_84] : memref<18432x768xi32, #tpu.memory_space<hbm>> -> memref<32x768xi32, #tpu.memory_space<hbm>>
    %dma_wait3A_86 = arith.constant 0 : i32
    %dma_wait3A_87 = tpu.memref_slice %arg4[%add3A_79, %dma_wait3A_86] : memref<18432x768xi32, #tpu.memory_space<hbm>> -> memref<32x768xi32, #tpu.memory_space<hbm>>
    tpu.wait_dma2 semaphore(%arg20 : memref<!tpu.dma_semaphore, #tpu.memory_space<semaphore_mem>>) src(%arg12 : memref<32x768xi32, #tpu.memory_space<vmem>>) dst(%dma_wait3A_87 : memref<32x768xi32, #tpu.memory_space<hbm>>)
    %add3A_88 = arith.constant 224 : i32
    %add3A_89 = arith.addi %mul3A_2, %add3A_88 : i32
    "tpu.region"() ({
      %run_scoped3A = tpu.sem_alloc : memref<!tpu.dma_semaphore, #tpu.memory_space<semaphore_mem>>
      %dma_start3A_325 = tpu.memref_slice %arg3[%add3A_89] : memref<18432xi32, #tpu.memory_space<hbm>> -> memref<32xi32, #tpu.memory_space<hbm>>
      %dma_start3A_326 = tpu.memref_slice %arg3[%add3A_89] : memref<18432xi32, #tpu.memory_space<hbm>> -> memref<32xi32, #tpu.memory_space<hbm>>
      tpu.enqueue_dma source(%dma_start3A_326 : memref<32xi32, #tpu.memory_space<hbm>>) target(%arg8 : memref<32xi32, #tpu.memory_space<vmem>>) target_semaphore(%run_scoped3A : memref<!tpu.dma_semaphore, #tpu.memory_space<semaphore_mem>>)
      %dma_wait3A_327 = tpu.memref_slice %arg3[%add3A_89] : memref<18432xi32, #tpu.memory_space<hbm>> -> memref<32xi32, #tpu.memory_space<hbm>>
      %dma_wait3A_328 = tpu.memref_slice %arg3[%add3A_89] : memref<18432xi32, #tpu.memory_space<hbm>> -> memref<32xi32, #tpu.memory_space<hbm>>
      tpu.wait_dma2 semaphore(%run_scoped3A : memref<!tpu.dma_semaphore, #tpu.memory_space<semaphore_mem>>) src(%dma_wait3A_328 : memref<32xi32, #tpu.memory_space<hbm>>) dst(%arg8 : memref<32xi32, #tpu.memory_space<vmem>>)
      tpu.yield
    }) : () -> ()
    %dma_start3A_90 = arith.constant 0 : i32
    %dma_start3A_91 = arith.constant 0 : i32
    %dma_start3A_92 = tpu.memref_slice %arg2[%dma_start3A_90, %dma_start3A_91] : memref<4096x768xi32, #tpu.memory_space<hbm>> -> memref<4096x768xi32, #tpu.memory_space<hbm>>
    tpu.enqueue_indirect_dma source(%dma_start3A_92 : memref<4096x768xi32, #tpu.memory_space<hbm>>) target(%arg12 : memref<32x768xi32, #tpu.memory_space<vmem>>) offsets(%arg8 : memref<32xi32, #tpu.memory_space<vmem>>) semaphore(%arg16 : memref<!tpu.dma_semaphore, #tpu.memory_space<semaphore_mem>>)
    %dma_wait3A_93 = arith.constant 0 : i32
    %dma_wait3A_94 = arith.constant 0 : i32
    %dma_wait3A_95 = tpu.memref_slice %arg2[%dma_wait3A_93, %dma_wait3A_94] : memref<4096x768xi32, #tpu.memory_space<hbm>> -> memref<4096x768xi32, #tpu.memory_space<hbm>>
    tpu.wait_indirect_dma semaphore(%arg13 : memref<!tpu.dma_semaphore, #tpu.memory_space<semaphore_mem>>) src(%dma_wait3A_95 : memref<4096x768xi32, #tpu.memory_space<hbm>>) dst(%arg9 : memref<32x768xi32, #tpu.memory_space<vmem>>)
    %add3A_96 = arith.constant 128 : i32
    %add3A_97 = arith.addi %mul3A_2, %add3A_96 : i32
    %dma_start3A_98 = arith.constant 0 : i32
    %dma_start3A_99 = tpu.memref_slice %arg4[%add3A_97, %dma_start3A_98] : memref<18432x768xi32, #tpu.memory_space<hbm>> -> memref<32x768xi32, #tpu.memory_space<hbm>>
    %dma_start3A_100 = arith.constant 0 : i32
    %dma_start3A_101 = tpu.memref_slice %arg4[%add3A_97, %dma_start3A_100] : memref<18432x768xi32, #tpu.memory_space<hbm>> -> memref<32x768xi32, #tpu.memory_space<hbm>>
    tpu.enqueue_dma source(%arg9 : memref<32x768xi32, #tpu.memory_space<vmem>>) target(%dma_start3A_101 : memref<32x768xi32, #tpu.memory_space<hbm>>) target_semaphore(%arg17 : memref<!tpu.dma_semaphore, #tpu.memory_space<semaphore_mem>>)
    %dma_wait3A_102 = arith.constant 0 : i32
    %dma_wait3A_103 = tpu.memref_slice %arg4[%add3A_97, %dma_wait3A_102] : memref<18432x768xi32, #tpu.memory_space<hbm>> -> memref<32x768xi32, #tpu.memory_space<hbm>>
    %dma_wait3A_104 = arith.constant 0 : i32
    %dma_wait3A_105 = tpu.memref_slice %arg4[%add3A_97, %dma_wait3A_104] : memref<18432x768xi32, #tpu.memory_space<hbm>> -> memref<32x768xi32, #tpu.memory_space<hbm>>
    tpu.wait_dma2 semaphore(%arg17 : memref<!tpu.dma_semaphore, #tpu.memory_space<semaphore_mem>>) src(%arg9 : memref<32x768xi32, #tpu.memory_space<vmem>>) dst(%dma_wait3A_105 : memref<32x768xi32, #tpu.memory_space<hbm>>)
    %add3A_106 = arith.constant 256 : i32
    %add3A_107 = arith.addi %mul3A_2, %add3A_106 : i32
    "tpu.region"() ({
      %run_scoped3A = tpu.sem_alloc : memref<!tpu.dma_semaphore, #tpu.memory_space<semaphore_mem>>
      %dma_start3A_325 = tpu.memref_slice %arg3[%add3A_107] : memref<18432xi32, #tpu.memory_space<hbm>> -> memref<32xi32, #tpu.memory_space<hbm>>
      %dma_start3A_326 = tpu.memref_slice %arg3[%add3A_107] : memref<18432xi32, #tpu.memory_space<hbm>> -> memref<32xi32, #tpu.memory_space<hbm>>
      tpu.enqueue_dma source(%dma_start3A_326 : memref<32xi32, #tpu.memory_space<hbm>>) target(%arg5 : memref<32xi32, #tpu.memory_space<vmem>>) target_semaphore(%run_scoped3A : memref<!tpu.dma_semaphore, #tpu.memory_space<semaphore_mem>>)
      %dma_wait3A_327 = tpu.memref_slice %arg3[%add3A_107] : memref<18432xi32, #tpu.memory_space<hbm>> -> memref<32xi32, #tpu.memory_space<hbm>>
      %dma_wait3A_328 = tpu.memref_slice %arg3[%add3A_107] : memref<18432xi32, #tpu.memory_space<hbm>> -> memref<32xi32, #tpu.memory_space<hbm>>
      tpu.wait_dma2 semaphore(%run_scoped3A : memref<!tpu.dma_semaphore, #tpu.memory_space<semaphore_mem>>) src(%dma_wait3A_328 : memref<32xi32, #tpu.memory_space<hbm>>) dst(%arg5 : memref<32xi32, #tpu.memory_space<vmem>>)
      tpu.yield
    }) : () -> ()
    %dma_start3A_108 = arith.constant 0 : i32
    %dma_start3A_109 = arith.constant 0 : i32
    %dma_start3A_110 = tpu.memref_slice %arg2[%dma_start3A_108, %dma_start3A_109] : memref<4096x768xi32, #tpu.memory_space<hbm>> -> memref<4096x768xi32, #tpu.memory_space<hbm>>
    tpu.enqueue_indirect_dma source(%dma_start3A_110 : memref<4096x768xi32, #tpu.memory_space<hbm>>) target(%arg9 : memref<32x768xi32, #tpu.memory_space<vmem>>) offsets(%arg5 : memref<32xi32, #tpu.memory_space<vmem>>) semaphore(%arg13 : memref<!tpu.dma_semaphore, #tpu.memory_space<semaphore_mem>>)
    %dma_wait3A_111 = arith.constant 0 : i32
    %dma_wait3A_112 = arith.constant 0 : i32
    %dma_wait3A_113 = tpu.memref_slice %arg2[%dma_wait3A_111, %dma_wait3A_112] : memref<4096x768xi32, #tpu.memory_space<hbm>> -> memref<4096x768xi32, #tpu.memory_space<hbm>>
    tpu.wait_indirect_dma semaphore(%arg14 : memref<!tpu.dma_semaphore, #tpu.memory_space<semaphore_mem>>) src(%dma_wait3A_113 : memref<4096x768xi32, #tpu.memory_space<hbm>>) dst(%arg10 : memref<32x768xi32, #tpu.memory_space<vmem>>)
    %add3A_114 = arith.constant 160 : i32
    %add3A_115 = arith.addi %mul3A_2, %add3A_114 : i32
    %dma_start3A_116 = arith.constant 0 : i32
    %dma_start3A_117 = tpu.memref_slice %arg4[%add3A_115, %dma_start3A_116] : memref<18432x768xi32, #tpu.memory_space<hbm>> -> memref<32x768xi32, #tpu.memory_space<hbm>>
    %dma_start3A_118 = arith.constant 0 : i32
    %dma_start3A_119 = tpu.memref_slice %arg4[%add3A_115, %dma_start3A_118] : memref<18432x768xi32, #tpu.memory_space<hbm>> -> memref<32x768xi32, #tpu.memory_space<hbm>>
    tpu.enqueue_dma source(%arg10 : memref<32x768xi32, #tpu.memory_space<vmem>>) target(%dma_start3A_119 : memref<32x768xi32, #tpu.memory_space<hbm>>) target_semaphore(%arg18 : memref<!tpu.dma_semaphore, #tpu.memory_space<semaphore_mem>>)
    %dma_wait3A_120 = arith.constant 0 : i32
    %dma_wait3A_121 = tpu.memref_slice %arg4[%add3A_115, %dma_wait3A_120] : memref<18432x768xi32, #tpu.memory_space<hbm>> -> memref<32x768xi32, #tpu.memory_space<hbm>>
    %dma_wait3A_122 = arith.constant 0 : i32
    %dma_wait3A_123 = tpu.memref_slice %arg4[%add3A_115, %dma_wait3A_122] : memref<18432x768xi32, #tpu.memory_space<hbm>> -> memref<32x768xi32, #tpu.memory_space<hbm>>
    tpu.wait_dma2 semaphore(%arg18 : memref<!tpu.dma_semaphore, #tpu.memory_space<semaphore_mem>>) src(%arg10 : memref<32x768xi32, #tpu.memory_space<vmem>>) dst(%dma_wait3A_123 : memref<32x768xi32, #tpu.memory_space<hbm>>)
    %add3A_124 = arith.constant 288 : i32
    %add3A_125 = arith.addi %mul3A_2, %add3A_124 : i32
    "tpu.region"() ({
      %run_scoped3A = tpu.sem_alloc : memref<!tpu.dma_semaphore, #tpu.memory_space<semaphore_mem>>
      %dma_start3A_325 = tpu.memref_slice %arg3[%add3A_125] : memref<18432xi32, #tpu.memory_space<hbm>> -> memref<32xi32, #tpu.memory_space<hbm>>
      %dma_start3A_326 = tpu.memref_slice %arg3[%add3A_125] : memref<18432xi32, #tpu.memory_space<hbm>> -> memref<32xi32, #tpu.memory_space<hbm>>
      tpu.enqueue_dma source(%dma_start3A_326 : memref<32xi32, #tpu.memory_space<hbm>>) target(%arg6 : memref<32xi32, #tpu.memory_space<vmem>>) target_semaphore(%run_scoped3A : memref<!tpu.dma_semaphore, #tpu.memory_space<semaphore_mem>>)
      %dma_wait3A_327 = tpu.memref_slice %arg3[%add3A_125] : memref<18432xi32, #tpu.memory_space<hbm>> -> memref<32xi32, #tpu.memory_space<hbm>>
      %dma_wait3A_328 = tpu.memref_slice %arg3[%add3A_125] : memref<18432xi32, #tpu.memory_space<hbm>> -> memref<32xi32, #tpu.memory_space<hbm>>
      tpu.wait_dma2 semaphore(%run_scoped3A : memref<!tpu.dma_semaphore, #tpu.memory_space<semaphore_mem>>) src(%dma_wait3A_328 : memref<32xi32, #tpu.memory_space<hbm>>) dst(%arg6 : memref<32xi32, #tpu.memory_space<vmem>>)
      tpu.yield
    }) : () -> ()
    %dma_start3A_126 = arith.constant 0 : i32
    %dma_start3A_127 = arith.constant 0 : i32
    %dma_start3A_128 = tpu.memref_slice %arg2[%dma_start3A_126, %dma_start3A_127] : memref<4096x768xi32, #tpu.memory_space<hbm>> -> memref<4096x768xi32, #tpu.memory_space<hbm>>
    tpu.enqueue_indirect_dma source(%dma_start3A_128 : memref<4096x768xi32, #tpu.memory_space<hbm>>) target(%arg10 : memref<32x768xi32, #tpu.memory_space<vmem>>) offsets(%arg6 : memref<32xi32, #tpu.memory_space<vmem>>) semaphore(%arg14 : memref<!tpu.dma_semaphore, #tpu.memory_space<semaphore_mem>>)
    %dma_wait3A_129 = arith.constant 0 : i32
    %dma_wait3A_130 = arith.constant 0 : i32
    %dma_wait3A_131 = tpu.memref_slice %arg2[%dma_wait3A_129, %dma_wait3A_130] : memref<4096x768xi32, #tpu.memory_space<hbm>> -> memref<4096x768xi32, #tpu.memory_space<hbm>>
    tpu.wait_indirect_dma semaphore(%arg15 : memref<!tpu.dma_semaphore, #tpu.memory_space<semaphore_mem>>) src(%dma_wait3A_131 : memref<4096x768xi32, #tpu.memory_space<hbm>>) dst(%arg11 : memref<32x768xi32, #tpu.memory_space<vmem>>)
    %add3A_132 = arith.constant 192 : i32
    %add3A_133 = arith.addi %mul3A_2, %add3A_132 : i32
    %dma_start3A_134 = arith.constant 0 : i32
    %dma_start3A_135 = tpu.memref_slice %arg4[%add3A_133, %dma_start3A_134] : memref<18432x768xi32, #tpu.memory_space<hbm>> -> memref<32x768xi32, #tpu.memory_space<hbm>>
    %dma_start3A_136 = arith.constant 0 : i32
    %dma_start3A_137 = tpu.memref_slice %arg4[%add3A_133, %dma_start3A_136] : memref<18432x768xi32, #tpu.memory_space<hbm>> -> memref<32x768xi32, #tpu.memory_space<hbm>>
    tpu.enqueue_dma source(%arg11 : memref<32x768xi32, #tpu.memory_space<vmem>>) target(%dma_start3A_137 : memref<32x768xi32, #tpu.memory_space<hbm>>) target_semaphore(%arg19 : memref<!tpu.dma_semaphore, #tpu.memory_space<semaphore_mem>>)
    %dma_wait3A_138 = arith.constant 0 : i32
    %dma_wait3A_139 = tpu.memref_slice %arg4[%add3A_133, %dma_wait3A_138] : memref<18432x768xi32, #tpu.memory_space<hbm>> -> memref<32x768xi32, #tpu.memory_space<hbm>>
    %dma_wait3A_140 = arith.constant 0 : i32
    %dma_wait3A_141 = tpu.memref_slice %arg4[%add3A_133, %dma_wait3A_140] : memref<18432x768xi32, #tpu.memory_space<hbm>> -> memref<32x768xi32, #tpu.memory_space<hbm>>
    tpu.wait_dma2 semaphore(%arg19 : memref<!tpu.dma_semaphore, #tpu.memory_space<semaphore_mem>>) src(%arg11 : memref<32x768xi32, #tpu.memory_space<vmem>>) dst(%dma_wait3A_141 : memref<32x768xi32, #tpu.memory_space<hbm>>)
    %add3A_142 = arith.constant 320 : i32
    %add3A_143 = arith.addi %mul3A_2, %add3A_142 : i32
    "tpu.region"() ({
      %run_scoped3A = tpu.sem_alloc : memref<!tpu.dma_semaphore, #tpu.memory_space<semaphore_mem>>
      %dma_start3A_325 = tpu.memref_slice %arg3[%add3A_143] : memref<18432xi32, #tpu.memory_space<hbm>> -> memref<32xi32, #tpu.memory_space<hbm>>
      %dma_start3A_326 = tpu.memref_slice %arg3[%add3A_143] : memref<18432xi32, #tpu.memory_space<hbm>> -> memref<32xi32, #tpu.memory_space<hbm>>
      tpu.enqueue_dma source(%dma_start3A_326 : memref<32xi32, #tpu.memory_space<hbm>>) target(%arg7 : memref<32xi32, #tpu.memory_space<vmem>>) target_semaphore(%run_scoped3A : memref<!tpu.dma_semaphore, #tpu.memory_space<semaphore_mem>>)
      %dma_wait3A_327 = tpu.memref_slice %arg3[%add3A_143] : memref<18432xi32, #tpu.memory_space<hbm>> -> memref<32xi32, #tpu.memory_space<hbm>>
      %dma_wait3A_328 = tpu.memref_slice %arg3[%add3A_143] : memref<18432xi32, #tpu.memory_space<hbm>> -> memref<32xi32, #tpu.memory_space<hbm>>
      tpu.wait_dma2 semaphore(%run_scoped3A : memref<!tpu.dma_semaphore, #tpu.memory_space<semaphore_mem>>) src(%dma_wait3A_328 : memref<32xi32, #tpu.memory_space<hbm>>) dst(%arg7 : memref<32xi32, #tpu.memory_space<vmem>>)
      tpu.yield
    }) : () -> ()
    %dma_start3A_144 = arith.constant 0 : i32
    %dma_start3A_145 = arith.constant 0 : i32
    %dma_start3A_146 = tpu.memref_slice %arg2[%dma_start3A_144, %dma_start3A_145] : memref<4096x768xi32, #tpu.memory_space<hbm>> -> memref<4096x768xi32, #tpu.memory_space<hbm>>
    tpu.enqueue_indirect_dma source(%dma_start3A_146 : memref<4096x768xi32, #tpu.memory_space<hbm>>) target(%arg11 : memref<32x768xi32, #tpu.memory_space<vmem>>) offsets(%arg7 : memref<32xi32, #tpu.memory_space<vmem>>) semaphore(%arg15 : memref<!tpu.dma_semaphore, #tpu.memory_space<semaphore_mem>>)
    %dma_wait3A_147 = arith.constant 0 : i32
    %dma_wait3A_148 = arith.constant 0 : i32
    %dma_wait3A_149 = tpu.memref_slice %arg2[%dma_wait3A_147, %dma_wait3A_148] : memref<4096x768xi32, #tpu.memory_space<hbm>> -> memref<4096x768xi32, #tpu.memory_space<hbm>>
    tpu.wait_indirect_dma semaphore(%arg16 : memref<!tpu.dma_semaphore, #tpu.memory_space<semaphore_mem>>) src(%dma_wait3A_149 : memref<4096x768xi32, #tpu.memory_space<hbm>>) dst(%arg12 : memref<32x768xi32, #tpu.memory_space<vmem>>)
    %add3A_150 = arith.constant 224 : i32
    %add3A_151 = arith.addi %mul3A_2, %add3A_150 : i32
    %dma_start3A_152 = arith.constant 0 : i32
    %dma_start3A_153 = tpu.memref_slice %arg4[%add3A_151, %dma_start3A_152] : memref<18432x768xi32, #tpu.memory_space<hbm>> -> memref<32x768xi32, #tpu.memory_space<hbm>>
    %dma_start3A_154 = arith.constant 0 : i32
    %dma_start3A_155 = tpu.memref_slice %arg4[%add3A_151, %dma_start3A_154] : memref<18432x768xi32, #tpu.memory_space<hbm>> -> memref<32x768xi32, #tpu.memory_space<hbm>>
    tpu.enqueue_dma source(%arg12 : memref<32x768xi32, #tpu.memory_space<vmem>>) target(%dma_start3A_155 : memref<32x768xi32, #tpu.memory_space<hbm>>) target_semaphore(%arg20 : memref<!tpu.dma_semaphore, #tpu.memory_space<semaphore_mem>>)
    %dma_wait3A_156 = arith.constant 0 : i32
    %dma_wait3A_157 = tpu.memref_slice %arg4[%add3A_151, %dma_wait3A_156] : memref<18432x768xi32, #tpu.memory_space<hbm>> -> memref<32x768xi32, #tpu.memory_space<hbm>>
    %dma_wait3A_158 = arith.constant 0 : i32
    %dma_wait3A_159 = tpu.memref_slice %arg4[%add3A_151, %dma_wait3A_158] : memref<18432x768xi32, #tpu.memory_space<hbm>> -> memref<32x768xi32, #tpu.memory_space<hbm>>
    tpu.wait_dma2 semaphore(%arg20 : memref<!tpu.dma_semaphore, #tpu.memory_space<semaphore_mem>>) src(%arg12 : memref<32x768xi32, #tpu.memory_space<vmem>>) dst(%dma_wait3A_159 : memref<32x768xi32, #tpu.memory_space<hbm>>)
    %add3A_160 = arith.constant 352 : i32
    %add3A_161 = arith.addi %mul3A_2, %add3A_160 : i32
    "tpu.region"() ({
      %run_scoped3A = tpu.sem_alloc : memref<!tpu.dma_semaphore, #tpu.memory_space<semaphore_mem>>
      %dma_start3A_325 = tpu.memref_slice %arg3[%add3A_161] : memref<18432xi32, #tpu.memory_space<hbm>> -> memref<32xi32, #tpu.memory_space<hbm>>
      %dma_start3A_326 = tpu.memref_slice %arg3[%add3A_161] : memref<18432xi32, #tpu.memory_space<hbm>> -> memref<32xi32, #tpu.memory_space<hbm>>
      tpu.enqueue_dma source(%dma_start3A_326 : memref<32xi32, #tpu.memory_space<hbm>>) target(%arg8 : memref<32xi32, #tpu.memory_space<vmem>>) target_semaphore(%run_scoped3A : memref<!tpu.dma_semaphore, #tpu.memory_space<semaphore_mem>>)
      %dma_wait3A_327 = tpu.memref_slice %arg3[%add3A_161] : memref<18432xi32, #tpu.memory_space<hbm>> -> memref<32xi32, #tpu.memory_space<hbm>>
      %dma_wait3A_328 = tpu.memref_slice %arg3[%add3A_161] : memref<18432xi32, #tpu.memory_space<hbm>> -> memref<32xi32, #tpu.memory_space<hbm>>
      tpu.wait_dma2 semaphore(%run_scoped3A : memref<!tpu.dma_semaphore, #tpu.memory_space<semaphore_mem>>) src(%dma_wait3A_328 : memref<32xi32, #tpu.memory_space<hbm>>) dst(%arg8 : memref<32xi32, #tpu.memory_space<vmem>>)
      tpu.yield
    }) : () -> ()
    %dma_start3A_162 = arith.constant 0 : i32
    %dma_start3A_163 = arith.constant 0 : i32
    %dma_start3A_164 = tpu.memref_slice %arg2[%dma_start3A_162, %dma_start3A_163] : memref<4096x768xi32, #tpu.memory_space<hbm>> -> memref<4096x768xi32, #tpu.memory_space<hbm>>
    tpu.enqueue_indirect_dma source(%dma_start3A_164 : memref<4096x768xi32, #tpu.memory_space<hbm>>) target(%arg12 : memref<32x768xi32, #tpu.memory_space<vmem>>) offsets(%arg8 : memref<32xi32, #tpu.memory_space<vmem>>) semaphore(%arg16 : memref<!tpu.dma_semaphore, #tpu.memory_space<semaphore_mem>>)
    %dma_wait3A_165 = arith.constant 0 : i32
    %dma_wait3A_166 = arith.constant 0 : i32
    %dma_wait3A_167 = tpu.memref_slice %arg2[%dma_wait3A_165, %dma_wait3A_166] : memref<4096x768xi32, #tpu.memory_space<hbm>> -> memref<4096x768xi32, #tpu.memory_space<hbm>>
    tpu.wait_indirect_dma semaphore(%arg13 : memref<!tpu.dma_semaphore, #tpu.memory_space<semaphore_mem>>) src(%dma_wait3A_167 : memref<4096x768xi32, #tpu.memory_space<hbm>>) dst(%arg9 : memref<32x768xi32, #tpu.memory_space<vmem>>)
    %add3A_168 = arith.constant 256 : i32
    %add3A_169 = arith.addi %mul3A_2, %add3A_168 : i32
    %dma_start3A_170 = arith.constant 0 : i32
    %dma_start3A_171 = tpu.memref_slice %arg4[%add3A_169, %dma_start3A_170] : memref<18432x768xi32, #tpu.memory_space<hbm>> -> memref<32x768xi32, #tpu.memory_space<hbm>>
    %dma_start3A_172 = arith.constant 0 : i32
    %dma_start3A_173 = tpu.memref_slice %arg4[%add3A_169, %dma_start3A_172] : memref<18432x768xi32, #tpu.memory_space<hbm>> -> memref<32x768xi32, #tpu.memory_space<hbm>>
    tpu.enqueue_dma source(%arg9 : memref<32x768xi32, #tpu.memory_space<vmem>>) target(%dma_start3A_173 : memref<32x768xi32, #tpu.memory_space<hbm>>) target_semaphore(%arg17 : memref<!tpu.dma_semaphore, #tpu.memory_space<semaphore_mem>>)
    %dma_wait3A_174 = arith.constant 0 : i32
    %dma_wait3A_175 = tpu.memref_slice %arg4[%add3A_169, %dma_wait3A_174] : memref<18432x768xi32, #tpu.memory_space<hbm>> -> memref<32x768xi32, #tpu.memory_space<hbm>>
    %dma_wait3A_176 = arith.constant 0 : i32
    %dma_wait3A_177 = tpu.memref_slice %arg4[%add3A_169, %dma_wait3A_176] : memref<18432x768xi32, #tpu.memory_space<hbm>> -> memref<32x768xi32, #tpu.memory_space<hbm>>
    tpu.wait_dma2 semaphore(%arg17 : memref<!tpu.dma_semaphore, #tpu.memory_space<semaphore_mem>>) src(%arg9 : memref<32x768xi32, #tpu.memory_space<vmem>>) dst(%dma_wait3A_177 : memref<32x768xi32, #tpu.memory_space<hbm>>)
    %add3A_178 = arith.constant 384 : i32
    %add3A_179 = arith.addi %mul3A_2, %add3A_178 : i32
    "tpu.region"() ({
      %run_scoped3A = tpu.sem_alloc : memref<!tpu.dma_semaphore, #tpu.memory_space<semaphore_mem>>
      %dma_start3A_325 = tpu.memref_slice %arg3[%add3A_179] : memref<18432xi32, #tpu.memory_space<hbm>> -> memref<32xi32, #tpu.memory_space<hbm>>
      %dma_start3A_326 = tpu.memref_slice %arg3[%add3A_179] : memref<18432xi32, #tpu.memory_space<hbm>> -> memref<32xi32, #tpu.memory_space<hbm>>
      tpu.enqueue_dma source(%dma_start3A_326 : memref<32xi32, #tpu.memory_space<hbm>>) target(%arg5 : memref<32xi32, #tpu.memory_space<vmem>>) target_semaphore(%run_scoped3A : memref<!tpu.dma_semaphore, #tpu.memory_space<semaphore_mem>>)
      %dma_wait3A_327 = tpu.memref_slice %arg3[%add3A_179] : memref<18432xi32, #tpu.memory_space<hbm>> -> memref<32xi32, #tpu.memory_space<hbm>>
      %dma_wait3A_328 = tpu.memref_slice %arg3[%add3A_179] : memref<18432xi32, #tpu.memory_space<hbm>> -> memref<32xi32, #tpu.memory_space<hbm>>
      tpu.wait_dma2 semaphore(%run_scoped3A : memref<!tpu.dma_semaphore, #tpu.memory_space<semaphore_mem>>) src(%dma_wait3A_328 : memref<32xi32, #tpu.memory_space<hbm>>) dst(%arg5 : memref<32xi32, #tpu.memory_space<vmem>>)
      tpu.yield
    }) : () -> ()
    %dma_start3A_180 = arith.constant 0 : i32
    %dma_start3A_181 = arith.constant 0 : i32
    %dma_start3A_182 = tpu.memref_slice %arg2[%dma_start3A_180, %dma_start3A_181] : memref<4096x768xi32, #tpu.memory_space<hbm>> -> memref<4096x768xi32, #tpu.memory_space<hbm>>
    tpu.enqueue_indirect_dma source(%dma_start3A_182 : memref<4096x768xi32, #tpu.memory_space<hbm>>) target(%arg9 : memref<32x768xi32, #tpu.memory_space<vmem>>) offsets(%arg5 : memref<32xi32, #tpu.memory_space<vmem>>) semaphore(%arg13 : memref<!tpu.dma_semaphore, #tpu.memory_space<semaphore_mem>>)
    %dma_wait3A_183 = arith.constant 0 : i32
    %dma_wait3A_184 = arith.constant 0 : i32
    %dma_wait3A_185 = tpu.memref_slice %arg2[%dma_wait3A_183, %dma_wait3A_184] : memref<4096x768xi32, #tpu.memory_space<hbm>> -> memref<4096x768xi32, #tpu.memory_space<hbm>>
    tpu.wait_indirect_dma semaphore(%arg14 : memref<!tpu.dma_semaphore, #tpu.memory_space<semaphore_mem>>) src(%dma_wait3A_185 : memref<4096x768xi32, #tpu.memory_space<hbm>>) dst(%arg10 : memref<32x768xi32, #tpu.memory_space<vmem>>)
    %add3A_186 = arith.constant 288 : i32
    %add3A_187 = arith.addi %mul3A_2, %add3A_186 : i32
    %dma_start3A_188 = arith.constant 0 : i32
    %dma_start3A_189 = tpu.memref_slice %arg4[%add3A_187, %dma_start3A_188] : memref<18432x768xi32, #tpu.memory_space<hbm>> -> memref<32x768xi32, #tpu.memory_space<hbm>>
    %dma_start3A_190 = arith.constant 0 : i32
    %dma_start3A_191 = tpu.memref_slice %arg4[%add3A_187, %dma_start3A_190] : memref<18432x768xi32, #tpu.memory_space<hbm>> -> memref<32x768xi32, #tpu.memory_space<hbm>>
    tpu.enqueue_dma source(%arg10 : memref<32x768xi32, #tpu.memory_space<vmem>>) target(%dma_start3A_191 : memref<32x768xi32, #tpu.memory_space<hbm>>) target_semaphore(%arg18 : memref<!tpu.dma_semaphore, #tpu.memory_space<semaphore_mem>>)
    %dma_wait3A_192 = arith.constant 0 : i32
    %dma_wait3A_193 = tpu.memref_slice %arg4[%add3A_187, %dma_wait3A_192] : memref<18432x768xi32, #tpu.memory_space<hbm>> -> memref<32x768xi32, #tpu.memory_space<hbm>>
    %dma_wait3A_194 = arith.constant 0 : i32
    %dma_wait3A_195 = tpu.memref_slice %arg4[%add3A_187, %dma_wait3A_194] : memref<18432x768xi32, #tpu.memory_space<hbm>> -> memref<32x768xi32, #tpu.memory_space<hbm>>
    tpu.wait_dma2 semaphore(%arg18 : memref<!tpu.dma_semaphore, #tpu.memory_space<semaphore_mem>>) src(%arg10 : memref<32x768xi32, #tpu.memory_space<vmem>>) dst(%dma_wait3A_195 : memref<32x768xi32, #tpu.memory_space<hbm>>)
    %add3A_196 = arith.constant 416 : i32
    %add3A_197 = arith.addi %mul3A_2, %add3A_196 : i32
    "tpu.region"() ({
      %run_scoped3A = tpu.sem_alloc : memref<!tpu.dma_semaphore, #tpu.memory_space<semaphore_mem>>
      %dma_start3A_325 = tpu.memref_slice %arg3[%add3A_197] : memref<18432xi32, #tpu.memory_space<hbm>> -> memref<32xi32, #tpu.memory_space<hbm>>
      %dma_start3A_326 = tpu.memref_slice %arg3[%add3A_197] : memref<18432xi32, #tpu.memory_space<hbm>> -> memref<32xi32, #tpu.memory_space<hbm>>
      tpu.enqueue_dma source(%dma_start3A_326 : memref<32xi32, #tpu.memory_space<hbm>>) target(%arg6 : memref<32xi32, #tpu.memory_space<vmem>>) target_semaphore(%run_scoped3A : memref<!tpu.dma_semaphore, #tpu.memory_space<semaphore_mem>>)
      %dma_wait3A_327 = tpu.memref_slice %arg3[%add3A_197] : memref<18432xi32, #tpu.memory_space<hbm>> -> memref<32xi32, #tpu.memory_space<hbm>>
      %dma_wait3A_328 = tpu.memref_slice %arg3[%add3A_197] : memref<18432xi32, #tpu.memory_space<hbm>> -> memref<32xi32, #tpu.memory_space<hbm>>
      tpu.wait_dma2 semaphore(%run_scoped3A : memref<!tpu.dma_semaphore, #tpu.memory_space<semaphore_mem>>) src(%dma_wait3A_328 : memref<32xi32, #tpu.memory_space<hbm>>) dst(%arg6 : memref<32xi32, #tpu.memory_space<vmem>>)
      tpu.yield
    }) : () -> ()
    %dma_start3A_198 = arith.constant 0 : i32
    %dma_start3A_199 = arith.constant 0 : i32
    %dma_start3A_200 = tpu.memref_slice %arg2[%dma_start3A_198, %dma_start3A_199] : memref<4096x768xi32, #tpu.memory_space<hbm>> -> memref<4096x768xi32, #tpu.memory_space<hbm>>
    tpu.enqueue_indirect_dma source(%dma_start3A_200 : memref<4096x768xi32, #tpu.memory_space<hbm>>) target(%arg10 : memref<32x768xi32, #tpu.memory_space<vmem>>) offsets(%arg6 : memref<32xi32, #tpu.memory_space<vmem>>) semaphore(%arg14 : memref<!tpu.dma_semaphore, #tpu.memory_space<semaphore_mem>>)
    %dma_wait3A_201 = arith.constant 0 : i32
    %dma_wait3A_202 = arith.constant 0 : i32
    %dma_wait3A_203 = tpu.memref_slice %arg2[%dma_wait3A_201, %dma_wait3A_202] : memref<4096x768xi32, #tpu.memory_space<hbm>> -> memref<4096x768xi32, #tpu.memory_space<hbm>>
    tpu.wait_indirect_dma semaphore(%arg15 : memref<!tpu.dma_semaphore, #tpu.memory_space<semaphore_mem>>) src(%dma_wait3A_203 : memref<4096x768xi32, #tpu.memory_space<hbm>>) dst(%arg11 : memref<32x768xi32, #tpu.memory_space<vmem>>)
    %add3A_204 = arith.constant 320 : i32
    %add3A_205 = arith.addi %mul3A_2, %add3A_204 : i32
    %dma_start3A_206 = arith.constant 0 : i32
    %dma_start3A_207 = tpu.memref_slice %arg4[%add3A_205, %dma_start3A_206] : memref<18432x768xi32, #tpu.memory_space<hbm>> -> memref<32x768xi32, #tpu.memory_space<hbm>>
    %dma_start3A_208 = arith.constant 0 : i32
    %dma_start3A_209 = tpu.memref_slice %arg4[%add3A_205, %dma_start3A_208] : memref<18432x768xi32, #tpu.memory_space<hbm>> -> memref<32x768xi32, #tpu.memory_space<hbm>>
    tpu.enqueue_dma source(%arg11 : memref<32x768xi32, #tpu.memory_space<vmem>>) target(%dma_start3A_209 : memref<32x768xi32, #tpu.memory_space<hbm>>) target_semaphore(%arg19 : memref<!tpu.dma_semaphore, #tpu.memory_space<semaphore_mem>>)
    %dma_wait3A_210 = arith.constant 0 : i32
    %dma_wait3A_211 = tpu.memref_slice %arg4[%add3A_205, %dma_wait3A_210] : memref<18432x768xi32, #tpu.memory_space<hbm>> -> memref<32x768xi32, #tpu.memory_space<hbm>>
    %dma_wait3A_212 = arith.constant 0 : i32
    %dma_wait3A_213 = tpu.memref_slice %arg4[%add3A_205, %dma_wait3A_212] : memref<18432x768xi32, #tpu.memory_space<hbm>> -> memref<32x768xi32, #tpu.memory_space<hbm>>
    tpu.wait_dma2 semaphore(%arg19 : memref<!tpu.dma_semaphore, #tpu.memory_space<semaphore_mem>>) src(%arg11 : memref<32x768xi32, #tpu.memory_space<vmem>>) dst(%dma_wait3A_213 : memref<32x768xi32, #tpu.memory_space<hbm>>)
    %add3A_214 = arith.constant 448 : i32
    %add3A_215 = arith.addi %mul3A_2, %add3A_214 : i32
    "tpu.region"() ({
      %run_scoped3A = tpu.sem_alloc : memref<!tpu.dma_semaphore, #tpu.memory_space<semaphore_mem>>
      %dma_start3A_325 = tpu.memref_slice %arg3[%add3A_215] : memref<18432xi32, #tpu.memory_space<hbm>> -> memref<32xi32, #tpu.memory_space<hbm>>
      %dma_start3A_326 = tpu.memref_slice %arg3[%add3A_215] : memref<18432xi32, #tpu.memory_space<hbm>> -> memref<32xi32, #tpu.memory_space<hbm>>
      tpu.enqueue_dma source(%dma_start3A_326 : memref<32xi32, #tpu.memory_space<hbm>>) target(%arg7 : memref<32xi32, #tpu.memory_space<vmem>>) target_semaphore(%run_scoped3A : memref<!tpu.dma_semaphore, #tpu.memory_space<semaphore_mem>>)
      %dma_wait3A_327 = tpu.memref_slice %arg3[%add3A_215] : memref<18432xi32, #tpu.memory_space<hbm>> -> memref<32xi32, #tpu.memory_space<hbm>>
      %dma_wait3A_328 = tpu.memref_slice %arg3[%add3A_215] : memref<18432xi32, #tpu.memory_space<hbm>> -> memref<32xi32, #tpu.memory_space<hbm>>
      tpu.wait_dma2 semaphore(%run_scoped3A : memref<!tpu.dma_semaphore, #tpu.memory_space<semaphore_mem>>) src(%dma_wait3A_328 : memref<32xi32, #tpu.memory_space<hbm>>) dst(%arg7 : memref<32xi32, #tpu.memory_space<vmem>>)
      tpu.yield
    }) : () -> ()
    %dma_start3A_216 = arith.constant 0 : i32
    %dma_start3A_217 = arith.constant 0 : i32
    %dma_start3A_218 = tpu.memref_slice %arg2[%dma_start3A_216, %dma_start3A_217] : memref<4096x768xi32, #tpu.memory_space<hbm>> -> memref<4096x768xi32, #tpu.memory_space<hbm>>
    tpu.enqueue_indirect_dma source(%dma_start3A_218 : memref<4096x768xi32, #tpu.memory_space<hbm>>) target(%arg11 : memref<32x768xi32, #tpu.memory_space<vmem>>) offsets(%arg7 : memref<32xi32, #tpu.memory_space<vmem>>) semaphore(%arg15 : memref<!tpu.dma_semaphore, #tpu.memory_space<semaphore_mem>>)
    %dma_wait3A_219 = arith.constant 0 : i32
    %dma_wait3A_220 = arith.constant 0 : i32
    %dma_wait3A_221 = tpu.memref_slice %arg2[%dma_wait3A_219, %dma_wait3A_220] : memref<4096x768xi32, #tpu.memory_space<hbm>> -> memref<4096x768xi32, #tpu.memory_space<hbm>>
    tpu.wait_indirect_dma semaphore(%arg16 : memref<!tpu.dma_semaphore, #tpu.memory_space<semaphore_mem>>) src(%dma_wait3A_221 : memref<4096x768xi32, #tpu.memory_space<hbm>>) dst(%arg12 : memref<32x768xi32, #tpu.memory_space<vmem>>)
    %add3A_222 = arith.constant 352 : i32
    %add3A_223 = arith.addi %mul3A_2, %add3A_222 : i32
    %dma_start3A_224 = arith.constant 0 : i32
    %dma_start3A_225 = tpu.memref_slice %arg4[%add3A_223, %dma_start3A_224] : memref<18432x768xi32, #tpu.memory_space<hbm>> -> memref<32x768xi32, #tpu.memory_space<hbm>>
    %dma_start3A_226 = arith.constant 0 : i32
    %dma_start3A_227 = tpu.memref_slice %arg4[%add3A_223, %dma_start3A_226] : memref<18432x768xi32, #tpu.memory_space<hbm>> -> memref<32x768xi32, #tpu.memory_space<hbm>>
    tpu.enqueue_dma source(%arg12 : memref<32x768xi32, #tpu.memory_space<vmem>>) target(%dma_start3A_227 : memref<32x768xi32, #tpu.memory_space<hbm>>) target_semaphore(%arg20 : memref<!tpu.dma_semaphore, #tpu.memory_space<semaphore_mem>>)
    %dma_wait3A_228 = arith.constant 0 : i32
    %dma_wait3A_229 = tpu.memref_slice %arg4[%add3A_223, %dma_wait3A_228] : memref<18432x768xi32, #tpu.memory_space<hbm>> -> memref<32x768xi32, #tpu.memory_space<hbm>>
    %dma_wait3A_230 = arith.constant 0 : i32
    %dma_wait3A_231 = tpu.memref_slice %arg4[%add3A_223, %dma_wait3A_230] : memref<18432x768xi32, #tpu.memory_space<hbm>> -> memref<32x768xi32, #tpu.memory_space<hbm>>
    tpu.wait_dma2 semaphore(%arg20 : memref<!tpu.dma_semaphore, #tpu.memory_space<semaphore_mem>>) src(%arg12 : memref<32x768xi32, #tpu.memory_space<vmem>>) dst(%dma_wait3A_231 : memref<32x768xi32, #tpu.memory_space<hbm>>)
    %add3A_232 = arith.constant 480 : i32
    %add3A_233 = arith.addi %mul3A_2, %add3A_232 : i32
    "tpu.region"() ({
      %run_scoped3A = tpu.sem_alloc : memref<!tpu.dma_semaphore, #tpu.memory_space<semaphore_mem>>
      %dma_start3A_325 = tpu.memref_slice %arg3[%add3A_233] : memref<18432xi32, #tpu.memory_space<hbm>> -> memref<32xi32, #tpu.memory_space<hbm>>
      %dma_start3A_326 = tpu.memref_slice %arg3[%add3A_233] : memref<18432xi32, #tpu.memory_space<hbm>> -> memref<32xi32, #tpu.memory_space<hbm>>
      tpu.enqueue_dma source(%dma_start3A_326 : memref<32xi32, #tpu.memory_space<hbm>>) target(%arg8 : memref<32xi32, #tpu.memory_space<vmem>>) target_semaphore(%run_scoped3A : memref<!tpu.dma_semaphore, #tpu.memory_space<semaphore_mem>>)
      %dma_wait3A_327 = tpu.memref_slice %arg3[%add3A_233] : memref<18432xi32, #tpu.memory_space<hbm>> -> memref<32xi32, #tpu.memory_space<hbm>>
      %dma_wait3A_328 = tpu.memref_slice %arg3[%add3A_233] : memref<18432xi32, #tpu.memory_space<hbm>> -> memref<32xi32, #tpu.memory_space<hbm>>
      tpu.wait_dma2 semaphore(%run_scoped3A : memref<!tpu.dma_semaphore, #tpu.memory_space<semaphore_mem>>) src(%dma_wait3A_328 : memref<32xi32, #tpu.memory_space<hbm>>) dst(%arg8 : memref<32xi32, #tpu.memory_space<vmem>>)
      tpu.yield
    }) : () -> ()
    %dma_start3A_234 = arith.constant 0 : i32
    %dma_start3A_235 = arith.constant 0 : i32
    %dma_start3A_236 = tpu.memref_slice %arg2[%dma_start3A_234, %dma_start3A_235] : memref<4096x768xi32, #tpu.memory_space<hbm>> -> memref<4096x768xi32, #tpu.memory_space<hbm>>
    tpu.enqueue_indirect_dma source(%dma_start3A_236 : memref<4096x768xi32, #tpu.memory_space<hbm>>) target(%arg12 : memref<32x768xi32, #tpu.memory_space<vmem>>) offsets(%arg8 : memref<32xi32, #tpu.memory_space<vmem>>) semaphore(%arg16 : memref<!tpu.dma_semaphore, #tpu.memory_space<semaphore_mem>>)
    %dma_wait3A_237 = arith.constant 0 : i32
    %dma_wait3A_238 = arith.constant 0 : i32
    %dma_wait3A_239 = tpu.memref_slice %arg2[%dma_wait3A_237, %dma_wait3A_238] : memref<4096x768xi32, #tpu.memory_space<hbm>> -> memref<4096x768xi32, #tpu.memory_space<hbm>>
    tpu.wait_indirect_dma semaphore(%arg13 : memref<!tpu.dma_semaphore, #tpu.memory_space<semaphore_mem>>) src(%dma_wait3A_239 : memref<4096x768xi32, #tpu.memory_space<hbm>>) dst(%arg9 : memref<32x768xi32, #tpu.memory_space<vmem>>)
    %add3A_240 = arith.constant 384 : i32
    %add3A_241 = arith.addi %mul3A_2, %add3A_240 : i32
    %dma_start3A_242 = arith.constant 0 : i32
    %dma_start3A_243 = tpu.memref_slice %arg4[%add3A_241, %dma_start3A_242] : memref<18432x768xi32, #tpu.memory_space<hbm>> -> memref<32x768xi32, #tpu.memory_space<hbm>>
    %dma_start3A_244 = arith.constant 0 : i32
    %dma_start3A_245 = tpu.memref_slice %arg4[%add3A_241, %dma_start3A_244] : memref<18432x768xi32, #tpu.memory_space<hbm>> -> memref<32x768xi32, #tpu.memory_space<hbm>>
    tpu.enqueue_dma source(%arg9 : memref<32x768xi32, #tpu.memory_space<vmem>>) target(%dma_start3A_245 : memref<32x768xi32, #tpu.memory_space<hbm>>) target_semaphore(%arg17 : memref<!tpu.dma_semaphore, #tpu.memory_space<semaphore_mem>>)
    %dma_wait3A_246 = arith.constant 0 : i32
    %dma_wait3A_247 = tpu.memref_slice %arg4[%add3A_241, %dma_wait3A_246] : memref<18432x768xi32, #tpu.memory_space<hbm>> -> memref<32x768xi32, #tpu.memory_space<hbm>>
    %dma_wait3A_248 = arith.constant 0 : i32
    %dma_wait3A_249 = tpu.memref_slice %arg4[%add3A_241, %dma_wait3A_248] : memref<18432x768xi32, #tpu.memory_space<hbm>> -> memref<32x768xi32, #tpu.memory_space<hbm>>
    tpu.wait_dma2 semaphore(%arg17 : memref<!tpu.dma_semaphore, #tpu.memory_space<semaphore_mem>>) src(%arg9 : memref<32x768xi32, #tpu.memory_space<vmem>>) dst(%dma_wait3A_249 : memref<32x768xi32, #tpu.memory_space<hbm>>)
    %add3A_250 = arith.constant 512 : i32
    %add3A_251 = arith.addi %mul3A_2, %add3A_250 : i32
    "tpu.region"() ({
      %run_scoped3A = tpu.sem_alloc : memref<!tpu.dma_semaphore, #tpu.memory_space<semaphore_mem>>
      %dma_start3A_325 = tpu.memref_slice %arg3[%add3A_251] : memref<18432xi32, #tpu.memory_space<hbm>> -> memref<32xi32, #tpu.memory_space<hbm>>
      %dma_start3A_326 = tpu.memref_slice %arg3[%add3A_251] : memref<18432xi32, #tpu.memory_space<hbm>> -> memref<32xi32, #tpu.memory_space<hbm>>
      tpu.enqueue_dma source(%dma_start3A_326 : memref<32xi32, #tpu.memory_space<hbm>>) target(%arg5 : memref<32xi32, #tpu.memory_space<vmem>>) target_semaphore(%run_scoped3A : memref<!tpu.dma_semaphore, #tpu.memory_space<semaphore_mem>>)
      %dma_wait3A_327 = tpu.memref_slice %arg3[%add3A_251] : memref<18432xi32, #tpu.memory_space<hbm>> -> memref<32xi32, #tpu.memory_space<hbm>>
      %dma_wait3A_328 = tpu.memref_slice %arg3[%add3A_251] : memref<18432xi32, #tpu.memory_space<hbm>> -> memref<32xi32, #tpu.memory_space<hbm>>
      tpu.wait_dma2 semaphore(%run_scoped3A : memref<!tpu.dma_semaphore, #tpu.memory_space<semaphore_mem>>) src(%dma_wait3A_328 : memref<32xi32, #tpu.memory_space<hbm>>) dst(%arg5 : memref<32xi32, #tpu.memory_space<vmem>>)
      tpu.yield
    }) : () -> ()
    %dma_start3A_252 = arith.constant 0 : i32
    %dma_start3A_253 = arith.constant 0 : i32
    %dma_start3A_254 = tpu.memref_slice %arg2[%dma_start3A_252, %dma_start3A_253] : memref<4096x768xi32, #tpu.memory_space<hbm>> -> memref<4096x768xi32, #tpu.memory_space<hbm>>
    tpu.enqueue_indirect_dma source(%dma_start3A_254 : memref<4096x768xi32, #tpu.memory_space<hbm>>) target(%arg9 : memref<32x768xi32, #tpu.memory_space<vmem>>) offsets(%arg5 : memref<32xi32, #tpu.memory_space<vmem>>) semaphore(%arg13 : memref<!tpu.dma_semaphore, #tpu.memory_space<semaphore_mem>>)
    %dma_wait3A_255 = arith.constant 0 : i32
    %dma_wait3A_256 = arith.constant 0 : i32
    %dma_wait3A_257 = tpu.memref_slice %arg2[%dma_wait3A_255, %dma_wait3A_256] : memref<4096x768xi32, #tpu.memory_space<hbm>> -> memref<4096x768xi32, #tpu.memory_space<hbm>>
    tpu.wait_indirect_dma semaphore(%arg14 : memref<!tpu.dma_semaphore, #tpu.memory_space<semaphore_mem>>) src(%dma_wait3A_257 : memref<4096x768xi32, #tpu.memory_space<hbm>>) dst(%arg10 : memref<32x768xi32, #tpu.memory_space<vmem>>)
    %add3A_258 = arith.constant 416 : i32
    %add3A_259 = arith.addi %mul3A_2, %add3A_258 : i32
    %dma_start3A_260 = arith.constant 0 : i32
    %dma_start3A_261 = tpu.memref_slice %arg4[%add3A_259, %dma_start3A_260] : memref<18432x768xi32, #tpu.memory_space<hbm>> -> memref<32x768xi32, #tpu.memory_space<hbm>>
    %dma_start3A_262 = arith.constant 0 : i32
    %dma_start3A_263 = tpu.memref_slice %arg4[%add3A_259, %dma_start3A_262] : memref<18432x768xi32, #tpu.memory_space<hbm>> -> memref<32x768xi32, #tpu.memory_space<hbm>>
    tpu.enqueue_dma source(%arg10 : memref<32x768xi32, #tpu.memory_space<vmem>>) target(%dma_start3A_263 : memref<32x768xi32, #tpu.memory_space<hbm>>) target_semaphore(%arg18 : memref<!tpu.dma_semaphore, #tpu.memory_space<semaphore_mem>>)
    %dma_wait3A_264 = arith.constant 0 : i32
    %dma_wait3A_265 = tpu.memref_slice %arg4[%add3A_259, %dma_wait3A_264] : memref<18432x768xi32, #tpu.memory_space<hbm>> -> memref<32x768xi32, #tpu.memory_space<hbm>>
    %dma_wait3A_266 = arith.constant 0 : i32
    %dma_wait3A_267 = tpu.memref_slice %arg4[%add3A_259, %dma_wait3A_266] : memref<18432x768xi32, #tpu.memory_space<hbm>> -> memref<32x768xi32, #tpu.memory_space<hbm>>
    tpu.wait_dma2 semaphore(%arg18 : memref<!tpu.dma_semaphore, #tpu.memory_space<semaphore_mem>>) src(%arg10 : memref<32x768xi32, #tpu.memory_space<vmem>>) dst(%dma_wait3A_267 : memref<32x768xi32, #tpu.memory_space<hbm>>)
    %add3A_268 = arith.constant 544 : i32
    %add3A_269 = arith.addi %mul3A_2, %add3A_268 : i32
    "tpu.region"() ({
      %run_scoped3A = tpu.sem_alloc : memref<!tpu.dma_semaphore, #tpu.memory_space<semaphore_mem>>
      %dma_start3A_325 = tpu.memref_slice %arg3[%add3A_269] : memref<18432xi32, #tpu.memory_space<hbm>> -> memref<32xi32, #tpu.memory_space<hbm>>
      %dma_start3A_326 = tpu.memref_slice %arg3[%add3A_269] : memref<18432xi32, #tpu.memory_space<hbm>> -> memref<32xi32, #tpu.memory_space<hbm>>
      tpu.enqueue_dma source(%dma_start3A_326 : memref<32xi32, #tpu.memory_space<hbm>>) target(%arg6 : memref<32xi32, #tpu.memory_space<vmem>>) target_semaphore(%run_scoped3A : memref<!tpu.dma_semaphore, #tpu.memory_space<semaphore_mem>>)
      %dma_wait3A_327 = tpu.memref_slice %arg3[%add3A_269] : memref<18432xi32, #tpu.memory_space<hbm>> -> memref<32xi32, #tpu.memory_space<hbm>>
      %dma_wait3A_328 = tpu.memref_slice %arg3[%add3A_269] : memref<18432xi32, #tpu.memory_space<hbm>> -> memref<32xi32, #tpu.memory_space<hbm>>
      tpu.wait_dma2 semaphore(%run_scoped3A : memref<!tpu.dma_semaphore, #tpu.memory_space<semaphore_mem>>) src(%dma_wait3A_328 : memref<32xi32, #tpu.memory_space<hbm>>) dst(%arg6 : memref<32xi32, #tpu.memory_space<vmem>>)
      tpu.yield
    }) : () -> ()
    %dma_start3A_270 = arith.constant 0 : i32
    %dma_start3A_271 = arith.constant 0 : i32
    %dma_start3A_272 = tpu.memref_slice %arg2[%dma_start3A_270, %dma_start3A_271] : memref<4096x768xi32, #tpu.memory_space<hbm>> -> memref<4096x768xi32, #tpu.memory_space<hbm>>
    tpu.enqueue_indirect_dma source(%dma_start3A_272 : memref<4096x768xi32, #tpu.memory_space<hbm>>) target(%arg10 : memref<32x768xi32, #tpu.memory_space<vmem>>) offsets(%arg6 : memref<32xi32, #tpu.memory_space<vmem>>) semaphore(%arg14 : memref<!tpu.dma_semaphore, #tpu.memory_space<semaphore_mem>>)
    %dma_wait3A_273 = arith.constant 0 : i32
    %dma_wait3A_274 = arith.constant 0 : i32
    %dma_wait3A_275 = tpu.memref_slice %arg2[%dma_wait3A_273, %dma_wait3A_274] : memref<4096x768xi32, #tpu.memory_space<hbm>> -> memref<4096x768xi32, #tpu.memory_space<hbm>>
    tpu.wait_indirect_dma semaphore(%arg15 : memref<!tpu.dma_semaphore, #tpu.memory_space<semaphore_mem>>) src(%dma_wait3A_275 : memref<4096x768xi32, #tpu.memory_space<hbm>>) dst(%arg11 : memref<32x768xi32, #tpu.memory_space<vmem>>)
    %add3A_276 = arith.constant 448 : i32
    %add3A_277 = arith.addi %mul3A_2, %add3A_276 : i32
    %dma_start3A_278 = arith.constant 0 : i32
    %dma_start3A_279 = tpu.memref_slice %arg4[%add3A_277, %dma_start3A_278] : memref<18432x768xi32, #tpu.memory_space<hbm>> -> memref<32x768xi32, #tpu.memory_space<hbm>>
    %dma_start3A_280 = arith.constant 0 : i32
    %dma_start3A_281 = tpu.memref_slice %arg4[%add3A_277, %dma_start3A_280] : memref<18432x768xi32, #tpu.memory_space<hbm>> -> memref<32x768xi32, #tpu.memory_space<hbm>>
    tpu.enqueue_dma source(%arg11 : memref<32x768xi32, #tpu.memory_space<vmem>>) target(%dma_start3A_281 : memref<32x768xi32, #tpu.memory_space<hbm>>) target_semaphore(%arg19 : memref<!tpu.dma_semaphore, #tpu.memory_space<semaphore_mem>>)
    %dma_wait3A_282 = arith.constant 0 : i32
    %dma_wait3A_283 = arith.constant 0 : i32
    %dma_wait3A_284 = tpu.memref_slice %arg2[%dma_wait3A_282, %dma_wait3A_283] : memref<4096x768xi32, #tpu.memory_space<hbm>> -> memref<4096x768xi32, #tpu.memory_space<hbm>>
    tpu.wait_indirect_dma semaphore(%arg16 : memref<!tpu.dma_semaphore, #tpu.memory_space<semaphore_mem>>) src(%dma_wait3A_284 : memref<4096x768xi32, #tpu.memory_space<hbm>>) dst(%arg12 : memref<32x768xi32, #tpu.memory_space<vmem>>)
    %add3A_285 = arith.constant 480 : i32
    %add3A_286 = arith.addi %mul3A_2, %add3A_285 : i32
    %dma_start3A_287 = arith.constant 0 : i32
    %dma_start3A_288 = tpu.memref_slice %arg4[%add3A_286, %dma_start3A_287] : memref<18432x768xi32, #tpu.memory_space<hbm>> -> memref<32x768xi32, #tpu.memory_space<hbm>>
    %dma_start3A_289 = arith.constant 0 : i32
    %dma_start3A_290 = tpu.memref_slice %arg4[%add3A_286, %dma_start3A_289] : memref<18432x768xi32, #tpu.memory_space<hbm>> -> memref<32x768xi32, #tpu.memory_space<hbm>>
    tpu.enqueue_dma source(%arg12 : memref<32x768xi32, #tpu.memory_space<vmem>>) target(%dma_start3A_290 : memref<32x768xi32, #tpu.memory_space<hbm>>) target_semaphore(%arg20 : memref<!tpu.dma_semaphore, #tpu.memory_space<semaphore_mem>>)
    %dma_wait3A_291 = arith.constant 0 : i32
    %dma_wait3A_292 = arith.constant 0 : i32
    %dma_wait3A_293 = tpu.memref_slice %arg2[%dma_wait3A_291, %dma_wait3A_292] : memref<4096x768xi32, #tpu.memory_space<hbm>> -> memref<4096x768xi32, #tpu.memory_space<hbm>>
    tpu.wait_indirect_dma semaphore(%arg13 : memref<!tpu.dma_semaphore, #tpu.memory_space<semaphore_mem>>) src(%dma_wait3A_293 : memref<4096x768xi32, #tpu.memory_space<hbm>>) dst(%arg9 : memref<32x768xi32, #tpu.memory_space<vmem>>)
    %add3A_294 = arith.constant 512 : i32
    %add3A_295 = arith.addi %mul3A_2, %add3A_294 : i32
    %dma_start3A_296 = arith.constant 0 : i32
    %dma_start3A_297 = tpu.memref_slice %arg4[%add3A_295, %dma_start3A_296] : memref<18432x768xi32, #tpu.memory_space<hbm>> -> memref<32x768xi32, #tpu.memory_space<hbm>>
    %dma_start3A_298 = arith.constant 0 : i32
    %dma_start3A_299 = tpu.memref_slice %arg4[%add3A_295, %dma_start3A_298] : memref<18432x768xi32, #tpu.memory_space<hbm>> -> memref<32x768xi32, #tpu.memory_space<hbm>>
    tpu.enqueue_dma source(%arg9 : memref<32x768xi32, #tpu.memory_space<vmem>>) target(%dma_start3A_299 : memref<32x768xi32, #tpu.memory_space<hbm>>) target_semaphore(%arg17 : memref<!tpu.dma_semaphore, #tpu.memory_space<semaphore_mem>>)
    %dma_wait3A_300 = arith.constant 0 : i32
    %dma_wait3A_301 = arith.constant 0 : i32
    %dma_wait3A_302 = tpu.memref_slice %arg2[%dma_wait3A_300, %dma_wait3A_301] : memref<4096x768xi32, #tpu.memory_space<hbm>> -> memref<4096x768xi32, #tpu.memory_space<hbm>>
    tpu.wait_indirect_dma semaphore(%arg14 : memref<!tpu.dma_semaphore, #tpu.memory_space<semaphore_mem>>) src(%dma_wait3A_302 : memref<4096x768xi32, #tpu.memory_space<hbm>>) dst(%arg10 : memref<32x768xi32, #tpu.memory_space<vmem>>)
    %add3A_303 = arith.constant 544 : i32
    %add3A_304 = arith.addi %mul3A_2, %add3A_303 : i32
    %dma_start3A_305 = arith.constant 0 : i32
    %dma_start3A_306 = tpu.memref_slice %arg4[%add3A_304, %dma_start3A_305] : memref<18432x768xi32, #tpu.memory_space<hbm>> -> memref<32x768xi32, #tpu.memory_space<hbm>>
    %dma_start3A_307 = arith.constant 0 : i32
    %dma_start3A_308 = tpu.memref_slice %arg4[%add3A_304, %dma_start3A_307] : memref<18432x768xi32, #tpu.memory_space<hbm>> -> memref<32x768xi32, #tpu.memory_space<hbm>>
    tpu.enqueue_dma source(%arg10 : memref<32x768xi32, #tpu.memory_space<vmem>>) target(%dma_start3A_308 : memref<32x768xi32, #tpu.memory_space<hbm>>) target_semaphore(%arg18 : memref<!tpu.dma_semaphore, #tpu.memory_space<semaphore_mem>>)
    %dma_wait3A_309 = arith.constant 0 : i32
    %dma_wait3A_310 = tpu.memref_slice %arg4[%add3A_295, %dma_wait3A_309] : memref<18432x768xi32, #tpu.memory_space<hbm>> -> memref<32x768xi32, #tpu.memory_space<hbm>>
    %dma_wait3A_311 = arith.constant 0 : i32
    %dma_wait3A_312 = tpu.memref_slice %arg4[%add3A_295, %dma_wait3A_311] : memref<18432x768xi32, #tpu.memory_space<hbm>> -> memref<32x768xi32, #tpu.memory_space<hbm>>
    tpu.wait_dma2 semaphore(%arg17 : memref<!tpu.dma_semaphore, #tpu.memory_space<semaphore_mem>>) src(%arg9 : memref<32x768xi32, #tpu.memory_space<vmem>>) dst(%dma_wait3A_312 : memref<32x768xi32, #tpu.memory_space<hbm>>)
    %dma_wait3A_313 = arith.constant 0 : i32
    %dma_wait3A_314 = tpu.memref_slice %arg4[%add3A_304, %dma_wait3A_313] : memref<18432x768xi32, #tpu.memory_space<hbm>> -> memref<32x768xi32, #tpu.memory_space<hbm>>
    %dma_wait3A_315 = arith.constant 0 : i32
    %dma_wait3A_316 = tpu.memref_slice %arg4[%add3A_304, %dma_wait3A_315] : memref<18432x768xi32, #tpu.memory_space<hbm>> -> memref<32x768xi32, #tpu.memory_space<hbm>>
    tpu.wait_dma2 semaphore(%arg18 : memref<!tpu.dma_semaphore, #tpu.memory_space<semaphore_mem>>) src(%arg10 : memref<32x768xi32, #tpu.memory_space<vmem>>) dst(%dma_wait3A_316 : memref<32x768xi32, #tpu.memory_space<hbm>>)
    %dma_wait3A_317 = arith.constant 0 : i32
    %dma_wait3A_318 = tpu.memref_slice %arg4[%add3A_277, %dma_wait3A_317] : memref<18432x768xi32, #tpu.memory_space<hbm>> -> memref<32x768xi32, #tpu.memory_space<hbm>>
    %dma_wait3A_319 = arith.constant 0 : i32
    %dma_wait3A_320 = tpu.memref_slice %arg4[%add3A_277, %dma_wait3A_319] : memref<18432x768xi32, #tpu.memory_space<hbm>> -> memref<32x768xi32, #tpu.memory_space<hbm>>
    tpu.wait_dma2 semaphore(%arg19 : memref<!tpu.dma_semaphore, #tpu.memory_space<semaphore_mem>>) src(%arg11 : memref<32x768xi32, #tpu.memory_space<vmem>>) dst(%dma_wait3A_320 : memref<32x768xi32, #tpu.memory_space<hbm>>)
    %dma_wait3A_321 = arith.constant 0 : i32
    %dma_wait3A_322 = tpu.memref_slice %arg4[%add3A_286, %dma_wait3A_321] : memref<18432x768xi32, #tpu.memory_space<hbm>> -> memref<32x768xi32, #tpu.memory_space<hbm>>
    %dma_wait3A_323 = arith.constant 0 : i32
    %dma_wait3A_324 = tpu.memref_slice %arg4[%add3A_286, %dma_wait3A_323] : memref<18432x768xi32, #tpu.memory_space<hbm>> -> memref<32x768xi32, #tpu.memory_space<hbm>>
    tpu.wait_dma2 semaphore(%arg20 : memref<!tpu.dma_semaphore, #tpu.memory_space<semaphore_mem>>) src(%arg12 : memref<32x768xi32, #tpu.memory_space<vmem>>) dst(%dma_wait3A_324 : memref<32x768xi32, #tpu.memory_space<hbm>>)
    return
  }
}

#map = affine_map<(d0, d1) -> (0, 0)>
#map1 = affine_map<(d0, d1) -> (0)>
module attributes {stable_mosaic.version = 14 : i64} {
  func.func @gather(%arg0: i32, %arg1: i32, %arg2: memref<4096x768xi32, #tpu.memory_space<hbm>>, %arg3: memref<18432xi32, #tpu.memory_space<hbm>>, %arg4: memref<18432x768xi32, #tpu.memory_space<hbm>>, %arg5: memref<32xi32, #tpu.memory_space<vmem>>, %arg6: memref<32xi32, #tpu.memory_space<vmem>>, %arg7: memref<32xi32, #tpu.memory_space<vmem>>, %arg8: memref<32xi32, #tpu.memory_space<vmem>>, %arg9: memref<32x768xi32, #tpu.memory_space<vmem>>, %arg10: memref<32x768xi32, #tpu.memory_space<vmem>>, %arg11: memref<32x768xi32, #tpu.memory_space<vmem>>, %arg12: memref<32x768xi32, #tpu.memory_space<vmem>>, %arg13: memref<!tpu.dma_semaphore, #tpu.memory_space<semaphore_mem>>, %arg14: memref<!tpu.dma_semaphore, #tpu.memory_space<semaphore_mem>>, %arg15: memref<!tpu.dma_semaphore, #tpu.memory_space<semaphore_mem>>, %arg16: memref<!tpu.dma_semaphore, #tpu.memory_space<semaphore_mem>>, %arg17: memref<!tpu.dma_semaphore, #tpu.memory_space<semaphore_mem>>, %arg18: memref<!tpu.dma_semaphore, #tpu.memory_space<semaphore_mem>>, %arg19: memref<!tpu.dma_semaphore, #tpu.memory_space<semaphore_mem>>, %arg20: memref<!tpu.dma_semaphore, #tpu.memory_space<semaphore_mem>>) attributes {dimension_semantics = [#tpu.dimension_semantics<core_parallel>, #tpu.dimension_semantics<subcore_parallel>], iteration_bounds = array<i64: 2, 16>, scalar_prefetch = 0 : i64, scratch_operands = 16 : i64, tpu.core_type = #tpu.core_type<sc_vector_subcore>, window_params = [{transform_indices = #map}, {transform_indices = #map1}, {transform_indices = #map}]} {
    %mul3A = arith.constant 2 : i32
    %mul3A_0 = arith.muli %arg1, %mul3A : i32
    %add3A = arith.addi %mul3A_0, %arg0 : i32
    %mul3A_1 = arith.constant 576 : i32
    %mul3A_2 = arith.muli %add3A, %mul3A_1 : i32
    %add3A_3 = arith.constant 0 : i32
    %add3A_4 = arith.addi %mul3A_2, %add3A_3 : i32
    "tpu.region"() ({
      %run_scoped3A = tpu.sem_alloc : memref<!tpu.dma_semaphore, #tpu.memory_space<semaphore_mem>>
      %dma_start3A_325 = tpu.memref_slice %arg3[%add3A_4] : memref<18432xi32, #tpu.memory_space<hbm>> -> memref<32xi32, #tpu.memory_space<hbm>>
      %dma_start3A_326 = tpu.memref_slice %arg3[%add3A_4] : memref<18432xi32, #tpu.memory_space<hbm>> -> memref<32xi32, #tpu.memory_space<hbm>>
      tpu.enqueue_dma source(%dma_start3A_326 : memref<32xi32, #tpu.memory_space<hbm>>) target(%arg5 : memref<32xi32, #tpu.memory_space<vmem>>) target_semaphore(%run_scoped3A : memref<!tpu.dma_semaphore, #tpu.memory_space<semaphore_mem>>)
      %dma_wait3A_327 = tpu.memref_slice %arg3[%add3A_4] : memref<18432xi32, #tpu.memory_space<hbm>> -> memref<32xi32, #tpu.memory_space<hbm>>
      %dma_wait3A_328 = tpu.memref_slice %arg3[%add3A_4] : memref<18432xi32, #tpu.memory_space<hbm>> -> memref<32xi32, #tpu.memory_space<hbm>>
      tpu.wait_dma2 semaphore(%run_scoped3A : memref<!tpu.dma_semaphore, #tpu.memory_space<semaphore_mem>>) src(%dma_wait3A_328 : memref<32xi32, #tpu.memory_space<hbm>>) dst(%arg5 : memref<32xi32, #tpu.memory_space<vmem>>)
      tpu.yield
    }) : () -> ()
    %dma_start3A = arith.constant 0 : i32
    %dma_start3A_5 = arith.constant 0 : i32
    %dma_start3A_6 = tpu.memref_slice %arg2[%dma_start3A, %dma_start3A_5] : memref<4096x768xi32, #tpu.memory_space<hbm>> -> memref<4096x768xi32, #tpu.memory_space<hbm>>
    tpu.enqueue_indirect_dma source(%dma_start3A_6 : memref<4096x768xi32, #tpu.memory_space<hbm>>) target(%arg9 : memref<32x768xi32, #tpu.memory_space<vmem>>) offsets(%arg5 : memref<32xi32, #tpu.memory_space<vmem>>) semaphore(%arg13 : memref<!tpu.dma_semaphore, #tpu.memory_space<semaphore_mem>>)
    %add3A_7 = arith.constant 32 : i32
    %add3A_8 = arith.addi %mul3A_2, %add3A_7 : i32
    "tpu.region"() ({
      %run_scoped3A = tpu.sem_alloc : memref<!tpu.dma_semaphore, #tpu.memory_space<semaphore_mem>>
      %dma_start3A_325 = tpu.memref_slice %arg3[%add3A_8] : memref<18432xi32, #tpu.memory_space<hbm>> -> memref<32xi32, #tpu.memory_space<hbm>>
      %dma_start3A_326 = tpu.memref_slice %arg3[%add3A_8] : memref<18432xi32, #tpu.memory_space<hbm>> -> memref<32xi32, #tpu.memory_space<hbm>>
      tpu.enqueue_dma source(%dma_start3A_326 : memref<32xi32, #tpu.memory_space<hbm>>) target(%arg6 : memref<32xi32, #tpu.memory_space<vmem>>) target_semaphore(%run_scoped3A : memref<!tpu.dma_semaphore, #tpu.memory_space<semaphore_mem>>)
      %dma_wait3A_327 = tpu.memref_slice %arg3[%add3A_8] : memref<18432xi32, #tpu.memory_space<hbm>> -> memref<32xi32, #tpu.memory_space<hbm>>
      %dma_wait3A_328 = tpu.memref_slice %arg3[%add3A_8] : memref<18432xi32, #tpu.memory_space<hbm>> -> memref<32xi32, #tpu.memory_space<hbm>>
      tpu.wait_dma2 semaphore(%run_scoped3A : memref<!tpu.dma_semaphore, #tpu.memory_space<semaphore_mem>>) src(%dma_wait3A_328 : memref<32xi32, #tpu.memory_space<hbm>>) dst(%arg6 : memref<32xi32, #tpu.memory_space<vmem>>)
      tpu.yield
    }) : () -> ()
    %dma_start3A_9 = arith.constant 0 : i32
    %dma_start3A_10 = arith.constant 0 : i32
    %dma_start3A_11 = tpu.memref_slice %arg2[%dma_start3A_9, %dma_start3A_10] : memref<4096x768xi32, #tpu.memory_space<hbm>> -> memref<4096x768xi32, #tpu.memory_space<hbm>>
    tpu.enqueue_indirect_dma source(%dma_start3A_11 : memref<4096x768xi32, #tpu.memory_space<hbm>>) target(%arg10 : memref<32x768xi32, #tpu.memory_space<vmem>>) offsets(%arg6 : memref<32xi32, #tpu.memory_space<vmem>>) semaphore(%arg14 : memref<!tpu.dma_semaphore, #tpu.memory_space<semaphore_mem>>)
    %add3A_12 = arith.constant 64 : i32
    %add3A_13 = arith.addi %mul3A_2, %add3A_12 : i32
    "tpu.region"() ({
      %run_scoped3A = tpu.sem_alloc : memref<!tpu.dma_semaphore, #tpu.memory_space<semaphore_mem>>
      %dma_start3A_325 = tpu.memref_slice %arg3[%add3A_13] : memref<18432xi32, #tpu.memory_space<hbm>> -> memref<32xi32, #tpu.memory_space<hbm>>
      %dma_start3A_326 = tpu.memref_slice %arg3[%add3A_13] : memref<18432xi32, #tpu.memory_space<hbm>> -> memref<32xi32, #tpu.memory_space<hbm>>
      tpu.enqueue_dma source(%dma_start3A_326 : memref<32xi32, #tpu.memory_space<hbm>>) target(%arg7 : memref<32xi32, #tpu.memory_space<vmem>>) target_semaphore(%run_scoped3A : memref<!tpu.dma_semaphore, #tpu.memory_space<semaphore_mem>>)
      %dma_wait3A_327 = tpu.memref_slice %arg3[%add3A_13] : memref<18432xi32, #tpu.memory_space<hbm>> -> memref<32xi32, #tpu.memory_space<hbm>>
      %dma_wait3A_328 = tpu.memref_slice %arg3[%add3A_13] : memref<18432xi32, #tpu.memory_space<hbm>> -> memref<32xi32, #tpu.memory_space<hbm>>
      tpu.wait_dma2 semaphore(%run_scoped3A : memref<!tpu.dma_semaphore, #tpu.memory_space<semaphore_mem>>) src(%dma_wait3A_328 : memref<32xi32, #tpu.memory_space<hbm>>) dst(%arg7 : memref<32xi32, #tpu.memory_space<vmem>>)
      tpu.yield
    }) : () -> ()
    %dma_start3A_14 = arith.constant 0 : i32
    %dma_start3A_15 = arith.constant 0 : i32
    %dma_start3A_16 = tpu.memref_slice %arg2[%dma_start3A_14, %dma_start3A_15] : memref<4096x768xi32, #tpu.memory_space<hbm>> -> memref<4096x768xi32, #tpu.memory_space<hbm>>
    tpu.enqueue_indirect_dma source(%dma_start3A_16 : memref<4096x768xi32, #tpu.memory_space<hbm>>) target(%arg11 : memref<32x768xi32, #tpu.memory_space<vmem>>) offsets(%arg7 : memref<32xi32, #tpu.memory_space<vmem>>) semaphore(%arg15 : memref<!tpu.dma_semaphore, #tpu.memory_space<semaphore_mem>>)
    %add3A_17 = arith.constant 96 : i32
    %add3A_18 = arith.addi %mul3A_2, %add3A_17 : i32
    "tpu.region"() ({
      %run_scoped3A = tpu.sem_alloc : memref<!tpu.dma_semaphore, #tpu.memory_space<semaphore_mem>>
      %dma_start3A_325 = tpu.memref_slice %arg3[%add3A_18] : memref<18432xi32, #tpu.memory_space<hbm>> -> memref<32xi32, #tpu.memory_space<hbm>>
      %dma_start3A_326 = tpu.memref_slice %arg3[%add3A_18] : memref<18432xi32, #tpu.memory_space<hbm>> -> memref<32xi32, #tpu.memory_space<hbm>>
      tpu.enqueue_dma source(%dma_start3A_326 : memref<32xi32, #tpu.memory_space<hbm>>) target(%arg8 : memref<32xi32, #tpu.memory_space<vmem>>) target_semaphore(%run_scoped3A : memref<!tpu.dma_semaphore, #tpu.memory_space<semaphore_mem>>)
      %dma_wait3A_327 = tpu.memref_slice %arg3[%add3A_18] : memref<18432xi32, #tpu.memory_space<hbm>> -> memref<32xi32, #tpu.memory_space<hbm>>
      %dma_wait3A_328 = tpu.memref_slice %arg3[%add3A_18] : memref<18432xi32, #tpu.memory_space<hbm>> -> memref<32xi32, #tpu.memory_space<hbm>>
      tpu.wait_dma2 semaphore(%run_scoped3A : memref<!tpu.dma_semaphore, #tpu.memory_space<semaphore_mem>>) src(%dma_wait3A_328 : memref<32xi32, #tpu.memory_space<hbm>>) dst(%arg8 : memref<32xi32, #tpu.memory_space<vmem>>)
      tpu.yield
    }) : () -> ()
    %dma_start3A_19 = arith.constant 0 : i32
    %dma_start3A_20 = arith.constant 0 : i32
    %dma_start3A_21 = tpu.memref_slice %arg2[%dma_start3A_19, %dma_start3A_20] : memref<4096x768xi32, #tpu.memory_space<hbm>> -> memref<4096x768xi32, #tpu.memory_space<hbm>>
    tpu.enqueue_indirect_dma source(%dma_start3A_21 : memref<4096x768xi32, #tpu.memory_space<hbm>>) target(%arg12 : memref<32x768xi32, #tpu.memory_space<vmem>>) offsets(%arg8 : memref<32xi32, #tpu.memory_space<vmem>>) semaphore(%arg16 : memref<!tpu.dma_semaphore, #tpu.memory_space<semaphore_mem>>)
    %dma_wait3A = arith.constant 0 : i32
    %dma_wait3A_22 = arith.constant 0 : i32
    %dma_wait3A_23 = tpu.memref_slice %arg2[%dma_wait3A, %dma_wait3A_22] : memref<4096x768xi32, #tpu.memory_space<hbm>> -> memref<4096x768xi32, #tpu.memory_space<hbm>>
    tpu.wait_indirect_dma semaphore(%arg13 : memref<!tpu.dma_semaphore, #tpu.memory_space<semaphore_mem>>) src(%dma_wait3A_23 : memref<4096x768xi32, #tpu.memory_space<hbm>>) dst(%arg9 : memref<32x768xi32, #tpu.memory_space<vmem>>)
    %add3A_24 = arith.constant 0 : i32
    %add3A_25 = arith.addi %mul3A_2, %add3A_24 : i32
    %dma_start3A_26 = arith.constant 0 : i32
    %dma_start3A_27 = tpu.memref_slice %arg4[%add3A_25, %dma_start3A_26] : memref<18432x768xi32, #tpu.memory_space<hbm>> -> memref<32x768xi32, #tpu.memory_space<hbm>>
    %dma_start3A_28 = arith.constant 0 : i32
    %dma_start3A_29 = tpu.memref_slice %arg4[%add3A_25, %dma_start3A_28] : memref<18432x768xi32, #tpu.memory_space<hbm>> -> memref<32x768xi32, #tpu.memory_space<hbm>>
    tpu.enqueue_dma source(%arg9 : memref<32x768xi32, #tpu.memory_space<vmem>>) target(%dma_start3A_29 : memref<32x768xi32, #tpu.memory_space<hbm>>) target_semaphore(%arg17 : memref<!tpu.dma_semaphore, #tpu.memory_space<semaphore_mem>>)
    %dma_wait3A_30 = arith.constant 0 : i32
    %dma_wait3A_31 = tpu.memref_slice %arg4[%add3A_25, %dma_wait3A_30] : memref<18432x768xi32, #tpu.memory_space<hbm>> -> memref<32x768xi32, #tpu.memory_space<hbm>>
    %dma_wait3A_32 = arith.constant 0 : i32
    %dma_wait3A_33 = tpu.memref_slice %arg4[%add3A_25, %dma_wait3A_32] : memref<18432x768xi32, #tpu.memory_space<hbm>> -> memref<32x768xi32, #tpu.memory_space<hbm>>
    tpu.wait_dma2 semaphore(%arg17 : memref<!tpu.dma_semaphore, #tpu.memory_space<semaphore_mem>>) src(%arg9 : memref<32x768xi32, #tpu.memory_space<vmem>>) dst(%dma_wait3A_33 : memref<32x768xi32, #tpu.memory_space<hbm>>)
    %add3A_34 = arith.constant 128 : i32
    %add3A_35 = arith.addi %mul3A_2, %add3A_34 : i32
    "tpu.region"() ({
      %run_scoped3A = tpu.sem_alloc : memref<!tpu.dma_semaphore, #tpu.memory_space<semaphore_mem>>
      %dma_start3A_325 = tpu.memref_slice %arg3[%add3A_35] : memref<18432xi32, #tpu.memory_space<hbm>> -> memref<32xi32, #tpu.memory_space<hbm>>
      %dma_start3A_326 = tpu.memref_slice %arg3[%add3A_35] : memref<18432xi32, #tpu.memory_space<hbm>> -> memref<32xi32, #tpu.memory_space<hbm>>
      tpu.enqueue_dma source(%dma_start3A_326 : memref<32xi32, #tpu.memory_space<hbm>>) target(%arg5 : memref<32xi32, #tpu.memory_space<vmem>>) target_semaphore(%run_scoped3A : memref<!tpu.dma_semaphore, #tpu.memory_space<semaphore_mem>>)
      %dma_wait3A_327 = tpu.memref_slice %arg3[%add3A_35] : memref<18432xi32, #tpu.memory_space<hbm>> -> memref<32xi32, #tpu.memory_space<hbm>>
      %dma_wait3A_328 = tpu.memref_slice %arg3[%add3A_35] : memref<18432xi32, #tpu.memory_space<hbm>> -> memref<32xi32, #tpu.memory_space<hbm>>
      tpu.wait_dma2 semaphore(%run_scoped3A : memref<!tpu.dma_semaphore, #tpu.memory_space<semaphore_mem>>) src(%dma_wait3A_328 : memref<32xi32, #tpu.memory_space<hbm>>) dst(%arg5 : memref<32xi32, #tpu.memory_space<vmem>>)
      tpu.yield
    }) : () -> ()
    %dma_start3A_36 = arith.constant 0 : i32
    %dma_start3A_37 = arith.constant 0 : i32
    %dma_start3A_38 = tpu.memref_slice %arg2[%dma_start3A_36, %dma_start3A_37] : memref<4096x768xi32, #tpu.memory_space<hbm>> -> memref<4096x768xi32, #tpu.memory_space<hbm>>
    tpu.enqueue_indirect_dma source(%dma_start3A_38 : memref<4096x768xi32, #tpu.memory_space<hbm>>) target(%arg9 : memref<32x768xi32, #tpu.memory_space<vmem>>) offsets(%arg5 : memref<32xi32, #tpu.memory_space<vmem>>) semaphore(%arg13 : memref<!tpu.dma_semaphore, #tpu.memory_space<semaphore_mem>>)
    %dma_wait3A_39 = arith.constant 0 : i32
    %dma_wait3A_40 = arith.constant 0 : i32
    %dma_wait3A_41 = tpu.memref_slice %arg2[%dma_wait3A_39, %dma_wait3A_40] : memref<4096x768xi32, #tpu.memory_space<hbm>> -> memref<4096x768xi32, #tpu.memory_space<hbm>>
    tpu.wait_indirect_dma semaphore(%arg14 : memref<!tpu.dma_semaphore, #tpu.memory_space<semaphore_mem>>) src(%dma_wait3A_41 : memref<4096x768xi32, #tpu.memory_space<hbm>>) dst(%arg10 : memref<32x768xi32, #tpu.memory_space<vmem>>)
    %add3A_42 = arith.constant 32 : i32
    %add3A_43 = arith.addi %mul3A_2, %add3A_42 : i32
    %dma_start3A_44 = arith.constant 0 : i32
    %dma_start3A_45 = tpu.memref_slice %arg4[%add3A_43, %dma_start3A_44] : memref<18432x768xi32, #tpu.memory_space<hbm>> -> memref<32x768xi32, #tpu.memory_space<hbm>>
    %dma_start3A_46 = arith.constant 0 : i32
    %dma_start3A_47 = tpu.memref_slice %arg4[%add3A_43, %dma_start3A_46] : memref<18432x768xi32, #tpu.memory_space<hbm>> -> memref<32x768xi32, #tpu.memory_space<hbm>>
    tpu.enqueue_dma source(%arg10 : memref<32x768xi32, #tpu.memory_space<vmem>>) target(%dma_start3A_47 : memref<32x768xi32, #tpu.memory_space<hbm>>) target_semaphore(%arg18 : memref<!tpu.dma_semaphore, #tpu.memory_space<semaphore_mem>>)
    %dma_wait3A_48 = arith.constant 0 : i32
    %dma_wait3A_49 = tpu.memref_slice %arg4[%add3A_43, %dma_wait3A_48] : memref<18432x768xi32, #tpu.memory_space<hbm>> -> memref<32x768xi32, #tpu.memory_space<hbm>>
    %dma_wait3A_50 = arith.constant 0 : i32
    %dma_wait3A_51 = tpu.memref_slice %arg4[%add3A_43, %dma_wait3A_50] : memref<18432x768xi32, #tpu.memory_space<hbm>> -> memref<32x768xi32, #tpu.memory_space<hbm>>
    tpu.wait_dma2 semaphore(%arg18 : memref<!tpu.dma_semaphore, #tpu.memory_space<semaphore_mem>>) src(%arg10 : memref<32x768xi32, #tpu.memory_space<vmem>>) dst(%dma_wait3A_51 : memref<32x768xi32, #tpu.memory_space<hbm>>)
    %add3A_52 = arith.constant 160 : i32
    %add3A_53 = arith.addi %mul3A_2, %add3A_52 : i32
    "tpu.region"() ({
      %run_scoped3A = tpu.sem_alloc : memref<!tpu.dma_semaphore, #tpu.memory_space<semaphore_mem>>
      %dma_start3A_325 = tpu.memref_slice %arg3[%add3A_53] : memref<18432xi32, #tpu.memory_space<hbm>> -> memref<32xi32, #tpu.memory_space<hbm>>
      %dma_start3A_326 = tpu.memref_slice %arg3[%add3A_53] : memref<18432xi32, #tpu.memory_space<hbm>> -> memref<32xi32, #tpu.memory_space<hbm>>
      tpu.enqueue_dma source(%dma_start3A_326 : memref<32xi32, #tpu.memory_space<hbm>>) target(%arg6 : memref<32xi32, #tpu.memory_space<vmem>>) target_semaphore(%run_scoped3A : memref<!tpu.dma_semaphore, #tpu.memory_space<semaphore_mem>>)
      %dma_wait3A_327 = tpu.memref_slice %arg3[%add3A_53] : memref<18432xi32, #tpu.memory_space<hbm>> -> memref<32xi32, #tpu.memory_space<hbm>>
      %dma_wait3A_328 = tpu.memref_slice %arg3[%add3A_53] : memref<18432xi32, #tpu.memory_space<hbm>> -> memref<32xi32, #tpu.memory_space<hbm>>
      tpu.wait_dma2 semaphore(%run_scoped3A : memref<!tpu.dma_semaphore, #tpu.memory_space<semaphore_mem>>) src(%dma_wait3A_328 : memref<32xi32, #tpu.memory_space<hbm>>) dst(%arg6 : memref<32xi32, #tpu.memory_space<vmem>>)
      tpu.yield
    }) : () -> ()
    %dma_start3A_54 = arith.constant 0 : i32
    %dma_start3A_55 = arith.constant 0 : i32
    %dma_start3A_56 = tpu.memref_slice %arg2[%dma_start3A_54, %dma_start3A_55] : memref<4096x768xi32, #tpu.memory_space<hbm>> -> memref<4096x768xi32, #tpu.memory_space<hbm>>
    tpu.enqueue_indirect_dma source(%dma_start3A_56 : memref<4096x768xi32, #tpu.memory_space<hbm>>) target(%arg10 : memref<32x768xi32, #tpu.memory_space<vmem>>) offsets(%arg6 : memref<32xi32, #tpu.memory_space<vmem>>) semaphore(%arg14 : memref<!tpu.dma_semaphore, #tpu.memory_space<semaphore_mem>>)
    %dma_wait3A_57 = arith.constant 0 : i32
    %dma_wait3A_58 = arith.constant 0 : i32
    %dma_wait3A_59 = tpu.memref_slice %arg2[%dma_wait3A_57, %dma_wait3A_58] : memref<4096x768xi32, #tpu.memory_space<hbm>> -> memref<4096x768xi32, #tpu.memory_space<hbm>>
    tpu.wait_indirect_dma semaphore(%arg15 : memref<!tpu.dma_semaphore, #tpu.memory_space<semaphore_mem>>) src(%dma_wait3A_59 : memref<4096x768xi32, #tpu.memory_space<hbm>>) dst(%arg11 : memref<32x768xi32, #tpu.memory_space<vmem>>)
    %add3A_60 = arith.constant 64 : i32
    %add3A_61 = arith.addi %mul3A_2, %add3A_60 : i32
    %dma_start3A_62 = arith.constant 0 : i32
    %dma_start3A_63 = tpu.memref_slice %arg4[%add3A_61, %dma_start3A_62] : memref<18432x768xi32, #tpu.memory_space<hbm>> -> memref<32x768xi32, #tpu.memory_space<hbm>>
    %dma_start3A_64 = arith.constant 0 : i32
    %dma_start3A_65 = tpu.memref_slice %arg4[%add3A_61, %dma_start3A_64] : memref<18432x768xi32, #tpu.memory_space<hbm>> -> memref<32x768xi32, #tpu.memory_space<hbm>>
    tpu.enqueue_dma source(%arg11 : memref<32x768xi32, #tpu.memory_space<vmem>>) target(%dma_start3A_65 : memref<32x768xi32, #tpu.memory_space<hbm>>) target_semaphore(%arg19 : memref<!tpu.dma_semaphore, #tpu.memory_space<semaphore_mem>>)
    %dma_wait3A_66 = arith.constant 0 : i32
    %dma_wait3A_67 = tpu.memref_slice %arg4[%add3A_61, %dma_wait3A_66] : memref<18432x768xi32, #tpu.memory_space<hbm>> -> memref<32x768xi32, #tpu.memory_space<hbm>>
    %dma_wait3A_68 = arith.constant 0 : i32
    %dma_wait3A_69 = tpu.memref_slice %arg4[%add3A_61, %dma_wait3A_68] : memref<18432x768xi32, #tpu.memory_space<hbm>> -> memref<32x768xi32, #tpu.memory_space<hbm>>
    tpu.wait_dma2 semaphore(%arg19 : memref<!tpu.dma_semaphore, #tpu.memory_space<semaphore_mem>>) src(%arg11 : memref<32x768xi32, #tpu.memory_space<vmem>>) dst(%dma_wait3A_69 : memref<32x768xi32, #tpu.memory_space<hbm>>)
    %add3A_70 = arith.constant 192 : i32
    %add3A_71 = arith.addi %mul3A_2, %add3A_70 : i32
    "tpu.region"() ({
      %run_scoped3A = tpu.sem_alloc : memref<!tpu.dma_semaphore, #tpu.memory_space<semaphore_mem>>
      %dma_start3A_325 = tpu.memref_slice %arg3[%add3A_71] : memref<18432xi32, #tpu.memory_space<hbm>> -> memref<32xi32, #tpu.memory_space<hbm>>
      %dma_start3A_326 = tpu.memref_slice %arg3[%add3A_71] : memref<18432xi32, #tpu.memory_space<hbm>> -> memref<32xi32, #tpu.memory_space<hbm>>
      tpu.enqueue_dma source(%dma_start3A_326 : memref<32xi32, #tpu.memory_space<hbm>>) target(%arg7 : memref<32xi32, #tpu.memory_space<vmem>>) target_semaphore(%run_scoped3A : memref<!tpu.dma_semaphore, #tpu.memory_space<semaphore_mem>>)
      %dma_wait3A_327 = tpu.memref_slice %arg3[%add3A_71] : memref<18432xi32, #tpu.memory_space<hbm>> -> memref<32xi32, #tpu.memory_space<hbm>>
      %dma_wait3A_328 = tpu.memref_slice %arg3[%add3A_71] : memref<18432xi32, #tpu.memory_space<hbm>> -> memref<32xi32, #tpu.memory_space<hbm>>
      tpu.wait_dma2 semaphore(%run_scoped3A : memref<!tpu.dma_semaphore, #tpu.memory_space<semaphore_mem>>) src(%dma_wait3A_328 : memref<32xi32, #tpu.memory_space<hbm>>) dst(%arg7 : memref<32xi32, #tpu.memory_space<vmem>>)
      tpu.yield
    }) : () -> ()
    %dma_start3A_72 = arith.constant 0 : i32
    %dma_start3A_73 = arith.constant 0 : i32
    %dma_start3A_74 = tpu.memref_slice %arg2[%dma_start3A_72, %dma_start3A_73] : memref<4096x768xi32, #tpu.memory_space<hbm>> -> memref<4096x768xi32, #tpu.memory_space<hbm>>
    tpu.enqueue_indirect_dma source(%dma_start3A_74 : memref<4096x768xi32, #tpu.memory_space<hbm>>) target(%arg11 : memref<32x768xi32, #tpu.memory_space<vmem>>) offsets(%arg7 : memref<32xi32, #tpu.memory_space<vmem>>) semaphore(%arg15 : memref<!tpu.dma_semaphore, #tpu.memory_space<semaphore_mem>>)
    %dma_wait3A_75 = arith.constant 0 : i32
    %dma_wait3A_76 = arith.constant 0 : i32
    %dma_wait3A_77 = tpu.memref_slice %arg2[%dma_wait3A_75, %dma_wait3A_76] : memref<4096x768xi32, #tpu.memory_space<hbm>> -> memref<4096x768xi32, #tpu.memory_space<hbm>>
    tpu.wait_indirect_dma semaphore(%arg16 : memref<!tpu.dma_semaphore, #tpu.memory_space<semaphore_mem>>) src(%dma_wait3A_77 : memref<4096x768xi32, #tpu.memory_space<hbm>>) dst(%arg12 : memref<32x768xi32, #tpu.memory_space<vmem>>)
    %add3A_78 = arith.constant 96 : i32
    %add3A_79 = arith.addi %mul3A_2, %add3A_78 : i32
    %dma_start3A_80 = arith.constant 0 : i32
    %dma_start3A_81 = tpu.memref_slice %arg4[%add3A_79, %dma_start3A_80] : memref<18432x768xi32, #tpu.memory_space<hbm>> -> memref<32x768xi32, #tpu.memory_space<hbm>>
    %dma_start3A_82 = arith.constant 0 : i32
    %dma_start3A_83 = tpu.memref_slice %arg4[%add3A_79, %dma_start3A_82] : memref<18432x768xi32, #tpu.memory_space<hbm>> -> memref<32x768xi32, #tpu.memory_space<hbm>>
    tpu.enqueue_dma source(%arg12 : memref<32x768xi32, #tpu.memory_space<vmem>>) target(%dma_start3A_83 : memref<32x768xi32, #tpu.memory_space<hbm>>) target_semaphore(%arg20 : memref<!tpu.dma_semaphore, #tpu.memory_space<semaphore_mem>>)
    %dma_wait3A_84 = arith.constant 0 : i32
    %dma_wait3A_85 = tpu.memref_slice %arg4[%add3A_79, %dma_wait3A_84] : memref<18432x768xi32, #tpu.memory_space<hbm>> -> memref<32x768xi32, #tpu.memory_space<hbm>>
    %dma_wait3A_86 = arith.constant 0 : i32
    %dma_wait3A_87 = tpu.memref_slice %arg4[%add3A_79, %dma_wait3A_86] : memref<18432x768xi32, #tpu.memory_space<hbm>> -> memref<32x768xi32, #tpu.memory_space<hbm>>
    tpu.wait_dma2 semaphore(%arg20 : memref<!tpu.dma_semaphore, #tpu.memory_space<semaphore_mem>>) src(%arg12 : memref<32x768xi32, #tpu.memory_space<vmem>>) dst(%dma_wait3A_87 : memref<32x768xi32, #tpu.memory_space<hbm>>)
    %add3A_88 = arith.constant 224 : i32
    %add3A_89 = arith.addi %mul3A_2, %add3A_88 : i32
    "tpu.region"() ({
      %run_scoped3A = tpu.sem_alloc : memref<!tpu.dma_semaphore, #tpu.memory_space<semaphore_mem>>
      %dma_start3A_325 = tpu.memref_slice %arg3[%add3A_89] : memref<18432xi32, #tpu.memory_space<hbm>> -> memref<32xi32, #tpu.memory_space<hbm>>
      %dma_start3A_326 = tpu.memref_slice %arg3[%add3A_89] : memref<18432xi32, #tpu.memory_space<hbm>> -> memref<32xi32, #tpu.memory_space<hbm>>
      tpu.enqueue_dma source(%dma_start3A_326 : memref<32xi32, #tpu.memory_space<hbm>>) target(%arg8 : memref<32xi32, #tpu.memory_space<vmem>>) target_semaphore(%run_scoped3A : memref<!tpu.dma_semaphore, #tpu.memory_space<semaphore_mem>>)
      %dma_wait3A_327 = tpu.memref_slice %arg3[%add3A_89] : memref<18432xi32, #tpu.memory_space<hbm>> -> memref<32xi32, #tpu.memory_space<hbm>>
      %dma_wait3A_328 = tpu.memref_slice %arg3[%add3A_89] : memref<18432xi32, #tpu.memory_space<hbm>> -> memref<32xi32, #tpu.memory_space<hbm>>
      tpu.wait_dma2 semaphore(%run_scoped3A : memref<!tpu.dma_semaphore, #tpu.memory_space<semaphore_mem>>) src(%dma_wait3A_328 : memref<32xi32, #tpu.memory_space<hbm>>) dst(%arg8 : memref<32xi32, #tpu.memory_space<vmem>>)
      tpu.yield
    }) : () -> ()
    %dma_start3A_90 = arith.constant 0 : i32
    %dma_start3A_91 = arith.constant 0 : i32
    %dma_start3A_92 = tpu.memref_slice %arg2[%dma_start3A_90, %dma_start3A_91] : memref<4096x768xi32, #tpu.memory_space<hbm>> -> memref<4096x768xi32, #tpu.memory_space<hbm>>
    tpu.enqueue_indirect_dma source(%dma_start3A_92 : memref<4096x768xi32, #tpu.memory_space<hbm>>) target(%arg12 : memref<32x768xi32, #tpu.memory_space<vmem>>) offsets(%arg8 : memref<32xi32, #tpu.memory_space<vmem>>) semaphore(%arg16 : memref<!tpu.dma_semaphore, #tpu.memory_space<semaphore_mem>>)
    %dma_wait3A_93 = arith.constant 0 : i32
    %dma_wait3A_94 = arith.constant 0 : i32
    %dma_wait3A_95 = tpu.memref_slice %arg2[%dma_wait3A_93, %dma_wait3A_94] : memref<4096x768xi32, #tpu.memory_space<hbm>> -> memref<4096x768xi32, #tpu.memory_space<hbm>>
    tpu.wait_indirect_dma semaphore(%arg13 : memref<!tpu.dma_semaphore, #tpu.memory_space<semaphore_mem>>) src(%dma_wait3A_95 : memref<4096x768xi32, #tpu.memory_space<hbm>>) dst(%arg9 : memref<32x768xi32, #tpu.memory_space<vmem>>)
    %add3A_96 = arith.constant 128 : i32
    %add3A_97 = arith.addi %mul3A_2, %add3A_96 : i32
    %dma_start3A_98 = arith.constant 0 : i32
    %dma_start3A_99 = tpu.memref_slice %arg4[%add3A_97, %dma_start3A_98] : memref<18432x768xi32, #tpu.memory_space<hbm>> -> memref<32x768xi32, #tpu.memory_space<hbm>>
    %dma_start3A_100 = arith.constant 0 : i32
    %dma_start3A_101 = tpu.memref_slice %arg4[%add3A_97, %dma_start3A_100] : memref<18432x768xi32, #tpu.memory_space<hbm>> -> memref<32x768xi32, #tpu.memory_space<hbm>>
    tpu.enqueue_dma source(%arg9 : memref<32x768xi32, #tpu.memory_space<vmem>>) target(%dma_start3A_101 : memref<32x768xi32, #tpu.memory_space<hbm>>) target_semaphore(%arg17 : memref<!tpu.dma_semaphore, #tpu.memory_space<semaphore_mem>>)
    %dma_wait3A_102 = arith.constant 0 : i32
    %dma_wait3A_103 = tpu.memref_slice %arg4[%add3A_97, %dma_wait3A_102] : memref<18432x768xi32, #tpu.memory_space<hbm>> -> memref<32x768xi32, #tpu.memory_space<hbm>>
    %dma_wait3A_104 = arith.constant 0 : i32
    %dma_wait3A_105 = tpu.memref_slice %arg4[%add3A_97, %dma_wait3A_104] : memref<18432x768xi32, #tpu.memory_space<hbm>> -> memref<32x768xi32, #tpu.memory_space<hbm>>
    tpu.wait_dma2 semaphore(%arg17 : memref<!tpu.dma_semaphore, #tpu.memory_space<semaphore_mem>>) src(%arg9 : memref<32x768xi32, #tpu.memory_space<vmem>>) dst(%dma_wait3A_105 : memref<32x768xi32, #tpu.memory_space<hbm>>)
    %add3A_106 = arith.constant 256 : i32
    %add3A_107 = arith.addi %mul3A_2, %add3A_106 : i32
    "tpu.region"() ({
      %run_scoped3A = tpu.sem_alloc : memref<!tpu.dma_semaphore, #tpu.memory_space<semaphore_mem>>
      %dma_start3A_325 = tpu.memref_slice %arg3[%add3A_107] : memref<18432xi32, #tpu.memory_space<hbm>> -> memref<32xi32, #tpu.memory_space<hbm>>
      %dma_start3A_326 = tpu.memref_slice %arg3[%add3A_107] : memref<18432xi32, #tpu.memory_space<hbm>> -> memref<32xi32, #tpu.memory_space<hbm>>
      tpu.enqueue_dma source(%dma_start3A_326 : memref<32xi32, #tpu.memory_space<hbm>>) target(%arg5 : memref<32xi32, #tpu.memory_space<vmem>>) target_semaphore(%run_scoped3A : memref<!tpu.dma_semaphore, #tpu.memory_space<semaphore_mem>>)
      %dma_wait3A_327 = tpu.memref_slice %arg3[%add3A_107] : memref<18432xi32, #tpu.memory_space<hbm>> -> memref<32xi32, #tpu.memory_space<hbm>>
      %dma_wait3A_328 = tpu.memref_slice %arg3[%add3A_107] : memref<18432xi32, #tpu.memory_space<hbm>> -> memref<32xi32, #tpu.memory_space<hbm>>
      tpu.wait_dma2 semaphore(%run_scoped3A : memref<!tpu.dma_semaphore, #tpu.memory_space<semaphore_mem>>) src(%dma_wait3A_328 : memref<32xi32, #tpu.memory_space<hbm>>) dst(%arg5 : memref<32xi32, #tpu.memory_space<vmem>>)
      tpu.yield
    }) : () -> ()
    %dma_start3A_108 = arith.constant 0 : i32
    %dma_start3A_109 = arith.constant 0 : i32
    %dma_start3A_110 = tpu.memref_slice %arg2[%dma_start3A_108, %dma_start3A_109] : memref<4096x768xi32, #tpu.memory_space<hbm>> -> memref<4096x768xi32, #tpu.memory_space<hbm>>
    tpu.enqueue_indirect_dma source(%dma_start3A_110 : memref<4096x768xi32, #tpu.memory_space<hbm>>) target(%arg9 : memref<32x768xi32, #tpu.memory_space<vmem>>) offsets(%arg5 : memref<32xi32, #tpu.memory_space<vmem>>) semaphore(%arg13 : memref<!tpu.dma_semaphore, #tpu.memory_space<semaphore_mem>>)
    %dma_wait3A_111 = arith.constant 0 : i32
    %dma_wait3A_112 = arith.constant 0 : i32
    %dma_wait3A_113 = tpu.memref_slice %arg2[%dma_wait3A_111, %dma_wait3A_112] : memref<4096x768xi32, #tpu.memory_space<hbm>> -> memref<4096x768xi32, #tpu.memory_space<hbm>>
    tpu.wait_indirect_dma semaphore(%arg14 : memref<!tpu.dma_semaphore, #tpu.memory_space<semaphore_mem>>) src(%dma_wait3A_113 : memref<4096x768xi32, #tpu.memory_space<hbm>>) dst(%arg10 : memref<32x768xi32, #tpu.memory_space<vmem>>)
    %add3A_114 = arith.constant 160 : i32
    %add3A_115 = arith.addi %mul3A_2, %add3A_114 : i32
    %dma_start3A_116 = arith.constant 0 : i32
    %dma_start3A_117 = tpu.memref_slice %arg4[%add3A_115, %dma_start3A_116] : memref<18432x768xi32, #tpu.memory_space<hbm>> -> memref<32x768xi32, #tpu.memory_space<hbm>>
    %dma_start3A_118 = arith.constant 0 : i32
    %dma_start3A_119 = tpu.memref_slice %arg4[%add3A_115, %dma_start3A_118] : memref<18432x768xi32, #tpu.memory_space<hbm>> -> memref<32x768xi32, #tpu.memory_space<hbm>>
    tpu.enqueue_dma source(%arg10 : memref<32x768xi32, #tpu.memory_space<vmem>>) target(%dma_start3A_119 : memref<32x768xi32, #tpu.memory_space<hbm>>) target_semaphore(%arg18 : memref<!tpu.dma_semaphore, #tpu.memory_space<semaphore_mem>>)
    %dma_wait3A_120 = arith.constant 0 : i32
    %dma_wait3A_121 = tpu.memref_slice %arg4[%add3A_115, %dma_wait3A_120] : memref<18432x768xi32, #tpu.memory_space<hbm>> -> memref<32x768xi32, #tpu.memory_space<hbm>>
    %dma_wait3A_122 = arith.constant 0 : i32
    %dma_wait3A_123 = tpu.memref_slice %arg4[%add3A_115, %dma_wait3A_122] : memref<18432x768xi32, #tpu.memory_space<hbm>> -> memref<32x768xi32, #tpu.memory_space<hbm>>
    tpu.wait_dma2 semaphore(%arg18 : memref<!tpu.dma_semaphore, #tpu.memory_space<semaphore_mem>>) src(%arg10 : memref<32x768xi32, #tpu.memory_space<vmem>>) dst(%dma_wait3A_123 : memref<32x768xi32, #tpu.memory_space<hbm>>)
    %add3A_124 = arith.constant 288 : i32
    %add3A_125 = arith.addi %mul3A_2, %add3A_124 : i32
    "tpu.region"() ({
      %run_scoped3A = tpu.sem_alloc : memref<!tpu.dma_semaphore, #tpu.memory_space<semaphore_mem>>
      %dma_start3A_325 = tpu.memref_slice %arg3[%add3A_125] : memref<18432xi32, #tpu.memory_space<hbm>> -> memref<32xi32, #tpu.memory_space<hbm>>
      %dma_start3A_326 = tpu.memref_slice %arg3[%add3A_125] : memref<18432xi32, #tpu.memory_space<hbm>> -> memref<32xi32, #tpu.memory_space<hbm>>
      tpu.enqueue_dma source(%dma_start3A_326 : memref<32xi32, #tpu.memory_space<hbm>>) target(%arg6 : memref<32xi32, #tpu.memory_space<vmem>>) target_semaphore(%run_scoped3A : memref<!tpu.dma_semaphore, #tpu.memory_space<semaphore_mem>>)
      %dma_wait3A_327 = tpu.memref_slice %arg3[%add3A_125] : memref<18432xi32, #tpu.memory_space<hbm>> -> memref<32xi32, #tpu.memory_space<hbm>>
      %dma_wait3A_328 = tpu.memref_slice %arg3[%add3A_125] : memref<18432xi32, #tpu.memory_space<hbm>> -> memref<32xi32, #tpu.memory_space<hbm>>
      tpu.wait_dma2 semaphore(%run_scoped3A : memref<!tpu.dma_semaphore, #tpu.memory_space<semaphore_mem>>) src(%dma_wait3A_328 : memref<32xi32, #tpu.memory_space<hbm>>) dst(%arg6 : memref<32xi32, #tpu.memory_space<vmem>>)
      tpu.yield
    }) : () -> ()
    %dma_start3A_126 = arith.constant 0 : i32
    %dma_start3A_127 = arith.constant 0 : i32
    %dma_start3A_128 = tpu.memref_slice %arg2[%dma_start3A_126, %dma_start3A_127] : memref<4096x768xi32, #tpu.memory_space<hbm>> -> memref<4096x768xi32, #tpu.memory_space<hbm>>
    tpu.enqueue_indirect_dma source(%dma_start3A_128 : memref<4096x768xi32, #tpu.memory_space<hbm>>) target(%arg10 : memref<32x768xi32, #tpu.memory_space<vmem>>) offsets(%arg6 : memref<32xi32, #tpu.memory_space<vmem>>) semaphore(%arg14 : memref<!tpu.dma_semaphore, #tpu.memory_space<semaphore_mem>>)
    %dma_wait3A_129 = arith.constant 0 : i32
    %dma_wait3A_130 = arith.constant 0 : i32
    %dma_wait3A_131 = tpu.memref_slice %arg2[%dma_wait3A_129, %dma_wait3A_130] : memref<4096x768xi32, #tpu.memory_space<hbm>> -> memref<4096x768xi32, #tpu.memory_space<hbm>>
    tpu.wait_indirect_dma semaphore(%arg15 : memref<!tpu.dma_semaphore, #tpu.memory_space<semaphore_mem>>) src(%dma_wait3A_131 : memref<4096x768xi32, #tpu.memory_space<hbm>>) dst(%arg11 : memref<32x768xi32, #tpu.memory_space<vmem>>)
    %add3A_132 = arith.constant 192 : i32
    %add3A_133 = arith.addi %mul3A_2, %add3A_132 : i32
    %dma_start3A_134 = arith.constant 0 : i32
    %dma_start3A_135 = tpu.memref_slice %arg4[%add3A_133, %dma_start3A_134] : memref<18432x768xi32, #tpu.memory_space<hbm>> -> memref<32x768xi32, #tpu.memory_space<hbm>>
    %dma_start3A_136 = arith.constant 0 : i32
    %dma_start3A_137 = tpu.memref_slice %arg4[%add3A_133, %dma_start3A_136] : memref<18432x768xi32, #tpu.memory_space<hbm>> -> memref<32x768xi32, #tpu.memory_space<hbm>>
    tpu.enqueue_dma source(%arg11 : memref<32x768xi32, #tpu.memory_space<vmem>>) target(%dma_start3A_137 : memref<32x768xi32, #tpu.memory_space<hbm>>) target_semaphore(%arg19 : memref<!tpu.dma_semaphore, #tpu.memory_space<semaphore_mem>>)
    %dma_wait3A_138 = arith.constant 0 : i32
    %dma_wait3A_139 = tpu.memref_slice %arg4[%add3A_133, %dma_wait3A_138] : memref<18432x768xi32, #tpu.memory_space<hbm>> -> memref<32x768xi32, #tpu.memory_space<hbm>>
    %dma_wait3A_140 = arith.constant 0 : i32
    %dma_wait3A_141 = tpu.memref_slice %arg4[%add3A_133, %dma_wait3A_140] : memref<18432x768xi32, #tpu.memory_space<hbm>> -> memref<32x768xi32, #tpu.memory_space<hbm>>
    tpu.wait_dma2 semaphore(%arg19 : memref<!tpu.dma_semaphore, #tpu.memory_space<semaphore_mem>>) src(%arg11 : memref<32x768xi32, #tpu.memory_space<vmem>>) dst(%dma_wait3A_141 : memref<32x768xi32, #tpu.memory_space<hbm>>)
    %add3A_142 = arith.constant 320 : i32
    %add3A_143 = arith.addi %mul3A_2, %add3A_142 : i32
    "tpu.region"() ({
      %run_scoped3A = tpu.sem_alloc : memref<!tpu.dma_semaphore, #tpu.memory_space<semaphore_mem>>
      %dma_start3A_325 = tpu.memref_slice %arg3[%add3A_143] : memref<18432xi32, #tpu.memory_space<hbm>> -> memref<32xi32, #tpu.memory_space<hbm>>
      %dma_start3A_326 = tpu.memref_slice %arg3[%add3A_143] : memref<18432xi32, #tpu.memory_space<hbm>> -> memref<32xi32, #tpu.memory_space<hbm>>
      tpu.enqueue_dma source(%dma_start3A_326 : memref<32xi32, #tpu.memory_space<hbm>>) target(%arg7 : memref<32xi32, #tpu.memory_space<vmem>>) target_semaphore(%run_scoped3A : memref<!tpu.dma_semaphore, #tpu.memory_space<semaphore_mem>>)
      %dma_wait3A_327 = tpu.memref_slice %arg3[%add3A_143] : memref<18432xi32, #tpu.memory_space<hbm>> -> memref<32xi32, #tpu.memory_space<hbm>>
      %dma_wait3A_328 = tpu.memref_slice %arg3[%add3A_143] : memref<18432xi32, #tpu.memory_space<hbm>> -> memref<32xi32, #tpu.memory_space<hbm>>
      tpu.wait_dma2 semaphore(%run_scoped3A : memref<!tpu.dma_semaphore, #tpu.memory_space<semaphore_mem>>) src(%dma_wait3A_328 : memref<32xi32, #tpu.memory_space<hbm>>) dst(%arg7 : memref<32xi32, #tpu.memory_space<vmem>>)
      tpu.yield
    }) : () -> ()
    %dma_start3A_144 = arith.constant 0 : i32
    %dma_start3A_145 = arith.constant 0 : i32
    %dma_start3A_146 = tpu.memref_slice %arg2[%dma_start3A_144, %dma_start3A_145] : memref<4096x768xi32, #tpu.memory_space<hbm>> -> memref<4096x768xi32, #tpu.memory_space<hbm>>
    tpu.enqueue_indirect_dma source(%dma_start3A_146 : memref<4096x768xi32, #tpu.memory_space<hbm>>) target(%arg11 : memref<32x768xi32, #tpu.memory_space<vmem>>) offsets(%arg7 : memref<32xi32, #tpu.memory_space<vmem>>) semaphore(%arg15 : memref<!tpu.dma_semaphore, #tpu.memory_space<semaphore_mem>>)
    %dma_wait3A_147 = arith.constant 0 : i32
    %dma_wait3A_148 = arith.constant 0 : i32
    %dma_wait3A_149 = tpu.memref_slice %arg2[%dma_wait3A_147, %dma_wait3A_148] : memref<4096x768xi32, #tpu.memory_space<hbm>> -> memref<4096x768xi32, #tpu.memory_space<hbm>>
    tpu.wait_indirect_dma semaphore(%arg16 : memref<!tpu.dma_semaphore, #tpu.memory_space<semaphore_mem>>) src(%dma_wait3A_149 : memref<4096x768xi32, #tpu.memory_space<hbm>>) dst(%arg12 : memref<32x768xi32, #tpu.memory_space<vmem>>)
    %add3A_150 = arith.constant 224 : i32
    %add3A_151 = arith.addi %mul3A_2, %add3A_150 : i32
    %dma_start3A_152 = arith.constant 0 : i32
    %dma_start3A_153 = tpu.memref_slice %arg4[%add3A_151, %dma_start3A_152] : memref<18432x768xi32, #tpu.memory_space<hbm>> -> memref<32x768xi32, #tpu.memory_space<hbm>>
    %dma_start3A_154 = arith.constant 0 : i32
    %dma_start3A_155 = tpu.memref_slice %arg4[%add3A_151, %dma_start3A_154] : memref<18432x768xi32, #tpu.memory_space<hbm>> -> memref<32x768xi32, #tpu.memory_space<hbm>>
    tpu.enqueue_dma source(%arg12 : memref<32x768xi32, #tpu.memory_space<vmem>>) target(%dma_start3A_155 : memref<32x768xi32, #tpu.memory_space<hbm>>) target_semaphore(%arg20 : memref<!tpu.dma_semaphore, #tpu.memory_space<semaphore_mem>>)
    %dma_wait3A_156 = arith.constant 0 : i32
    %dma_wait3A_157 = tpu.memref_slice %arg4[%add3A_151, %dma_wait3A_156] : memref<18432x768xi32, #tpu.memory_space<hbm>> -> memref<32x768xi32, #tpu.memory_space<hbm>>
    %dma_wait3A_158 = arith.constant 0 : i32
    %dma_wait3A_159 = tpu.memref_slice %arg4[%add3A_151, %dma_wait3A_158] : memref<18432x768xi32, #tpu.memory_space<hbm>> -> memref<32x768xi32, #tpu.memory_space<hbm>>
    tpu.wait_dma2 semaphore(%arg20 : memref<!tpu.dma_semaphore, #tpu.memory_space<semaphore_mem>>) src(%arg12 : memref<32x768xi32, #tpu.memory_space<vmem>>) dst(%dma_wait3A_159 : memref<32x768xi32, #tpu.memory_space<hbm>>)
    %add3A_160 = arith.constant 352 : i32
    %add3A_161 = arith.addi %mul3A_2, %add3A_160 : i32
    "tpu.region"() ({
      %run_scoped3A = tpu.sem_alloc : memref<!tpu.dma_semaphore, #tpu.memory_space<semaphore_mem>>
      %dma_start3A_325 = tpu.memref_slice %arg3[%add3A_161] : memref<18432xi32, #tpu.memory_space<hbm>> -> memref<32xi32, #tpu.memory_space<hbm>>
      %dma_start3A_326 = tpu.memref_slice %arg3[%add3A_161] : memref<18432xi32, #tpu.memory_space<hbm>> -> memref<32xi32, #tpu.memory_space<hbm>>
      tpu.enqueue_dma source(%dma_start3A_326 : memref<32xi32, #tpu.memory_space<hbm>>) target(%arg8 : memref<32xi32, #tpu.memory_space<vmem>>) target_semaphore(%run_scoped3A : memref<!tpu.dma_semaphore, #tpu.memory_space<semaphore_mem>>)
      %dma_wait3A_327 = tpu.memref_slice %arg3[%add3A_161] : memref<18432xi32, #tpu.memory_space<hbm>> -> memref<32xi32, #tpu.memory_space<hbm>>
      %dma_wait3A_328 = tpu.memref_slice %arg3[%add3A_161] : memref<18432xi32, #tpu.memory_space<hbm>> -> memref<32xi32, #tpu.memory_space<hbm>>
      tpu.wait_dma2 semaphore(%run_scoped3A : memref<!tpu.dma_semaphore, #tpu.memory_space<semaphore_mem>>) src(%dma_wait3A_328 : memref<32xi32, #tpu.memory_space<hbm>>) dst(%arg8 : memref<32xi32, #tpu.memory_space<vmem>>)
      tpu.yield
    }) : () -> ()
    %dma_start3A_162 = arith.constant 0 : i32
    %dma_start3A_163 = arith.constant 0 : i32
    %dma_start3A_164 = tpu.memref_slice %arg2[%dma_start3A_162, %dma_start3A_163] : memref<4096x768xi32, #tpu.memory_space<hbm>> -> memref<4096x768xi32, #tpu.memory_space<hbm>>
    tpu.enqueue_indirect_dma source(%dma_start3A_164 : memref<4096x768xi32, #tpu.memory_space<hbm>>) target(%arg12 : memref<32x768xi32, #tpu.memory_space<vmem>>) offsets(%arg8 : memref<32xi32, #tpu.memory_space<vmem>>) semaphore(%arg16 : memref<!tpu.dma_semaphore, #tpu.memory_space<semaphore_mem>>)
    %dma_wait3A_165 = arith.constant 0 : i32
    %dma_wait3A_166 = arith.constant 0 : i32
    %dma_wait3A_167 = tpu.memref_slice %arg2[%dma_wait3A_165, %dma_wait3A_166] : memref<4096x768xi32, #tpu.memory_space<hbm>> -> memref<4096x768xi32, #tpu.memory_space<hbm>>
    tpu.wait_indirect_dma semaphore(%arg13 : memref<!tpu.dma_semaphore, #tpu.memory_space<semaphore_mem>>) src(%dma_wait3A_167 : memref<4096x768xi32, #tpu.memory_space<hbm>>) dst(%arg9 : memref<32x768xi32, #tpu.memory_space<vmem>>)
    %add3A_168 = arith.constant 256 : i32
    %add3A_169 = arith.addi %mul3A_2, %add3A_168 : i32
    %dma_start3A_170 = arith.constant 0 : i32
    %dma_start3A_171 = tpu.memref_slice %arg4[%add3A_169, %dma_start3A_170] : memref<18432x768xi32, #tpu.memory_space<hbm>> -> memref<32x768xi32, #tpu.memory_space<hbm>>
    %dma_start3A_172 = arith.constant 0 : i32
    %dma_start3A_173 = tpu.memref_slice %arg4[%add3A_169, %dma_start3A_172] : memref<18432x768xi32, #tpu.memory_space<hbm>> -> memref<32x768xi32, #tpu.memory_space<hbm>>
    tpu.enqueue_dma source(%arg9 : memref<32x768xi32, #tpu.memory_space<vmem>>) target(%dma_start3A_173 : memref<32x768xi32, #tpu.memory_space<hbm>>) target_semaphore(%arg17 : memref<!tpu.dma_semaphore, #tpu.memory_space<semaphore_mem>>)
    %dma_wait3A_174 = arith.constant 0 : i32
    %dma_wait3A_175 = tpu.memref_slice %arg4[%add3A_169, %dma_wait3A_174] : memref<18432x768xi32, #tpu.memory_space<hbm>> -> memref<32x768xi32, #tpu.memory_space<hbm>>
    %dma_wait3A_176 = arith.constant 0 : i32
    %dma_wait3A_177 = tpu.memref_slice %arg4[%add3A_169, %dma_wait3A_176] : memref<18432x768xi32, #tpu.memory_space<hbm>> -> memref<32x768xi32, #tpu.memory_space<hbm>>
    tpu.wait_dma2 semaphore(%arg17 : memref<!tpu.dma_semaphore, #tpu.memory_space<semaphore_mem>>) src(%arg9 : memref<32x768xi32, #tpu.memory_space<vmem>>) dst(%dma_wait3A_177 : memref<32x768xi32, #tpu.memory_space<hbm>>)
    %add3A_178 = arith.constant 384 : i32
    %add3A_179 = arith.addi %mul3A_2, %add3A_178 : i32
    "tpu.region"() ({
      %run_scoped3A = tpu.sem_alloc : memref<!tpu.dma_semaphore, #tpu.memory_space<semaphore_mem>>
      %dma_start3A_325 = tpu.memref_slice %arg3[%add3A_179] : memref<18432xi32, #tpu.memory_space<hbm>> -> memref<32xi32, #tpu.memory_space<hbm>>
      %dma_start3A_326 = tpu.memref_slice %arg3[%add3A_179] : memref<18432xi32, #tpu.memory_space<hbm>> -> memref<32xi32, #tpu.memory_space<hbm>>
      tpu.enqueue_dma source(%dma_start3A_326 : memref<32xi32, #tpu.memory_space<hbm>>) target(%arg5 : memref<32xi32, #tpu.memory_space<vmem>>) target_semaphore(%run_scoped3A : memref<!tpu.dma_semaphore, #tpu.memory_space<semaphore_mem>>)
      %dma_wait3A_327 = tpu.memref_slice %arg3[%add3A_179] : memref<18432xi32, #tpu.memory_space<hbm>> -> memref<32xi32, #tpu.memory_space<hbm>>
      %dma_wait3A_328 = tpu.memref_slice %arg3[%add3A_179] : memref<18432xi32, #tpu.memory_space<hbm>> -> memref<32xi32, #tpu.memory_space<hbm>>
      tpu.wait_dma2 semaphore(%run_scoped3A : memref<!tpu.dma_semaphore, #tpu.memory_space<semaphore_mem>>) src(%dma_wait3A_328 : memref<32xi32, #tpu.memory_space<hbm>>) dst(%arg5 : memref<32xi32, #tpu.memory_space<vmem>>)
      tpu.yield
    }) : () -> ()
    %dma_start3A_180 = arith.constant 0 : i32
    %dma_start3A_181 = arith.constant 0 : i32
    %dma_start3A_182 = tpu.memref_slice %arg2[%dma_start3A_180, %dma_start3A_181] : memref<4096x768xi32, #tpu.memory_space<hbm>> -> memref<4096x768xi32, #tpu.memory_space<hbm>>
    tpu.enqueue_indirect_dma source(%dma_start3A_182 : memref<4096x768xi32, #tpu.memory_space<hbm>>) target(%arg9 : memref<32x768xi32, #tpu.memory_space<vmem>>) offsets(%arg5 : memref<32xi32, #tpu.memory_space<vmem>>) semaphore(%arg13 : memref<!tpu.dma_semaphore, #tpu.memory_space<semaphore_mem>>)
    %dma_wait3A_183 = arith.constant 0 : i32
    %dma_wait3A_184 = arith.constant 0 : i32
    %dma_wait3A_185 = tpu.memref_slice %arg2[%dma_wait3A_183, %dma_wait3A_184] : memref<4096x768xi32, #tpu.memory_space<hbm>> -> memref<4096x768xi32, #tpu.memory_space<hbm>>
    tpu.wait_indirect_dma semaphore(%arg14 : memref<!tpu.dma_semaphore, #tpu.memory_space<semaphore_mem>>) src(%dma_wait3A_185 : memref<4096x768xi32, #tpu.memory_space<hbm>>) dst(%arg10 : memref<32x768xi32, #tpu.memory_space<vmem>>)
    %add3A_186 = arith.constant 288 : i32
    %add3A_187 = arith.addi %mul3A_2, %add3A_186 : i32
    %dma_start3A_188 = arith.constant 0 : i32
    %dma_start3A_189 = tpu.memref_slice %arg4[%add3A_187, %dma_start3A_188] : memref<18432x768xi32, #tpu.memory_space<hbm>> -> memref<32x768xi32, #tpu.memory_space<hbm>>
    %dma_start3A_190 = arith.constant 0 : i32
    %dma_start3A_191 = tpu.memref_slice %arg4[%add3A_187, %dma_start3A_190] : memref<18432x768xi32, #tpu.memory_space<hbm>> -> memref<32x768xi32, #tpu.memory_space<hbm>>
    tpu.enqueue_dma source(%arg10 : memref<32x768xi32, #tpu.memory_space<vmem>>) target(%dma_start3A_191 : memref<32x768xi32, #tpu.memory_space<hbm>>) target_semaphore(%arg18 : memref<!tpu.dma_semaphore, #tpu.memory_space<semaphore_mem>>)
    %dma_wait3A_192 = arith.constant 0 : i32
    %dma_wait3A_193 = tpu.memref_slice %arg4[%add3A_187, %dma_wait3A_192] : memref<18432x768xi32, #tpu.memory_space<hbm>> -> memref<32x768xi32, #tpu.memory_space<hbm>>
    %dma_wait3A_194 = arith.constant 0 : i32
    %dma_wait3A_195 = tpu.memref_slice %arg4[%add3A_187, %dma_wait3A_194] : memref<18432x768xi32, #tpu.memory_space<hbm>> -> memref<32x768xi32, #tpu.memory_space<hbm>>
    tpu.wait_dma2 semaphore(%arg18 : memref<!tpu.dma_semaphore, #tpu.memory_space<semaphore_mem>>) src(%arg10 : memref<32x768xi32, #tpu.memory_space<vmem>>) dst(%dma_wait3A_195 : memref<32x768xi32, #tpu.memory_space<hbm>>)
    %add3A_196 = arith.constant 416 : i32
    %add3A_197 = arith.addi %mul3A_2, %add3A_196 : i32
    "tpu.region"() ({
      %run_scoped3A = tpu.sem_alloc : memref<!tpu.dma_semaphore, #tpu.memory_space<semaphore_mem>>
      %dma_start3A_325 = tpu.memref_slice %arg3[%add3A_197] : memref<18432xi32, #tpu.memory_space<hbm>> -> memref<32xi32, #tpu.memory_space<hbm>>
      %dma_start3A_326 = tpu.memref_slice %arg3[%add3A_197] : memref<18432xi32, #tpu.memory_space<hbm>> -> memref<32xi32, #tpu.memory_space<hbm>>
      tpu.enqueue_dma source(%dma_start3A_326 : memref<32xi32, #tpu.memory_space<hbm>>) target(%arg6 : memref<32xi32, #tpu.memory_space<vmem>>) target_semaphore(%run_scoped3A : memref<!tpu.dma_semaphore, #tpu.memory_space<semaphore_mem>>)
      %dma_wait3A_327 = tpu.memref_slice %arg3[%add3A_197] : memref<18432xi32, #tpu.memory_space<hbm>> -> memref<32xi32, #tpu.memory_space<hbm>>
      %dma_wait3A_328 = tpu.memref_slice %arg3[%add3A_197] : memref<18432xi32, #tpu.memory_space<hbm>> -> memref<32xi32, #tpu.memory_space<hbm>>
      tpu.wait_dma2 semaphore(%run_scoped3A : memref<!tpu.dma_semaphore, #tpu.memory_space<semaphore_mem>>) src(%dma_wait3A_328 : memref<32xi32, #tpu.memory_space<hbm>>) dst(%arg6 : memref<32xi32, #tpu.memory_space<vmem>>)
      tpu.yield
    }) : () -> ()
    %dma_start3A_198 = arith.constant 0 : i32
    %dma_start3A_199 = arith.constant 0 : i32
    %dma_start3A_200 = tpu.memref_slice %arg2[%dma_start3A_198, %dma_start3A_199] : memref<4096x768xi32, #tpu.memory_space<hbm>> -> memref<4096x768xi32, #tpu.memory_space<hbm>>
    tpu.enqueue_indirect_dma source(%dma_start3A_200 : memref<4096x768xi32, #tpu.memory_space<hbm>>) target(%arg10 : memref<32x768xi32, #tpu.memory_space<vmem>>) offsets(%arg6 : memref<32xi32, #tpu.memory_space<vmem>>) semaphore(%arg14 : memref<!tpu.dma_semaphore, #tpu.memory_space<semaphore_mem>>)
    %dma_wait3A_201 = arith.constant 0 : i32
    %dma_wait3A_202 = arith.constant 0 : i32
    %dma_wait3A_203 = tpu.memref_slice %arg2[%dma_wait3A_201, %dma_wait3A_202] : memref<4096x768xi32, #tpu.memory_space<hbm>> -> memref<4096x768xi32, #tpu.memory_space<hbm>>
    tpu.wait_indirect_dma semaphore(%arg15 : memref<!tpu.dma_semaphore, #tpu.memory_space<semaphore_mem>>) src(%dma_wait3A_203 : memref<4096x768xi32, #tpu.memory_space<hbm>>) dst(%arg11 : memref<32x768xi32, #tpu.memory_space<vmem>>)
    %add3A_204 = arith.constant 320 : i32
    %add3A_205 = arith.addi %mul3A_2, %add3A_204 : i32
    %dma_start3A_206 = arith.constant 0 : i32
    %dma_start3A_207 = tpu.memref_slice %arg4[%add3A_205, %dma_start3A_206] : memref<18432x768xi32, #tpu.memory_space<hbm>> -> memref<32x768xi32, #tpu.memory_space<hbm>>
    %dma_start3A_208 = arith.constant 0 : i32
    %dma_start3A_209 = tpu.memref_slice %arg4[%add3A_205, %dma_start3A_208] : memref<18432x768xi32, #tpu.memory_space<hbm>> -> memref<32x768xi32, #tpu.memory_space<hbm>>
    tpu.enqueue_dma source(%arg11 : memref<32x768xi32, #tpu.memory_space<vmem>>) target(%dma_start3A_209 : memref<32x768xi32, #tpu.memory_space<hbm>>) target_semaphore(%arg19 : memref<!tpu.dma_semaphore, #tpu.memory_space<semaphore_mem>>)
    %dma_wait3A_210 = arith.constant 0 : i32
    %dma_wait3A_211 = tpu.memref_slice %arg4[%add3A_205, %dma_wait3A_210] : memref<18432x768xi32, #tpu.memory_space<hbm>> -> memref<32x768xi32, #tpu.memory_space<hbm>>
    %dma_wait3A_212 = arith.constant 0 : i32
    %dma_wait3A_213 = tpu.memref_slice %arg4[%add3A_205, %dma_wait3A_212] : memref<18432x768xi32, #tpu.memory_space<hbm>> -> memref<32x768xi32, #tpu.memory_space<hbm>>
    tpu.wait_dma2 semaphore(%arg19 : memref<!tpu.dma_semaphore, #tpu.memory_space<semaphore_mem>>) src(%arg11 : memref<32x768xi32, #tpu.memory_space<vmem>>) dst(%dma_wait3A_213 : memref<32x768xi32, #tpu.memory_space<hbm>>)
    %add3A_214 = arith.constant 448 : i32
    %add3A_215 = arith.addi %mul3A_2, %add3A_214 : i32
    "tpu.region"() ({
      %run_scoped3A = tpu.sem_alloc : memref<!tpu.dma_semaphore, #tpu.memory_space<semaphore_mem>>
      %dma_start3A_325 = tpu.memref_slice %arg3[%add3A_215] : memref<18432xi32, #tpu.memory_space<hbm>> -> memref<32xi32, #tpu.memory_space<hbm>>
      %dma_start3A_326 = tpu.memref_slice %arg3[%add3A_215] : memref<18432xi32, #tpu.memory_space<hbm>> -> memref<32xi32, #tpu.memory_space<hbm>>
      tpu.enqueue_dma source(%dma_start3A_326 : memref<32xi32, #tpu.memory_space<hbm>>) target(%arg7 : memref<32xi32, #tpu.memory_space<vmem>>) target_semaphore(%run_scoped3A : memref<!tpu.dma_semaphore, #tpu.memory_space<semaphore_mem>>)
      %dma_wait3A_327 = tpu.memref_slice %arg3[%add3A_215] : memref<18432xi32, #tpu.memory_space<hbm>> -> memref<32xi32, #tpu.memory_space<hbm>>
      %dma_wait3A_328 = tpu.memref_slice %arg3[%add3A_215] : memref<18432xi32, #tpu.memory_space<hbm>> -> memref<32xi32, #tpu.memory_space<hbm>>
      tpu.wait_dma2 semaphore(%run_scoped3A : memref<!tpu.dma_semaphore, #tpu.memory_space<semaphore_mem>>) src(%dma_wait3A_328 : memref<32xi32, #tpu.memory_space<hbm>>) dst(%arg7 : memref<32xi32, #tpu.memory_space<vmem>>)
      tpu.yield
    }) : () -> ()
    %dma_start3A_216 = arith.constant 0 : i32
    %dma_start3A_217 = arith.constant 0 : i32
    %dma_start3A_218 = tpu.memref_slice %arg2[%dma_start3A_216, %dma_start3A_217] : memref<4096x768xi32, #tpu.memory_space<hbm>> -> memref<4096x768xi32, #tpu.memory_space<hbm>>
    tpu.enqueue_indirect_dma source(%dma_start3A_218 : memref<4096x768xi32, #tpu.memory_space<hbm>>) target(%arg11 : memref<32x768xi32, #tpu.memory_space<vmem>>) offsets(%arg7 : memref<32xi32, #tpu.memory_space<vmem>>) semaphore(%arg15 : memref<!tpu.dma_semaphore, #tpu.memory_space<semaphore_mem>>)
    %dma_wait3A_219 = arith.constant 0 : i32
    %dma_wait3A_220 = arith.constant 0 : i32
    %dma_wait3A_221 = tpu.memref_slice %arg2[%dma_wait3A_219, %dma_wait3A_220] : memref<4096x768xi32, #tpu.memory_space<hbm>> -> memref<4096x768xi32, #tpu.memory_space<hbm>>
    tpu.wait_indirect_dma semaphore(%arg16 : memref<!tpu.dma_semaphore, #tpu.memory_space<semaphore_mem>>) src(%dma_wait3A_221 : memref<4096x768xi32, #tpu.memory_space<hbm>>) dst(%arg12 : memref<32x768xi32, #tpu.memory_space<vmem>>)
    %add3A_222 = arith.constant 352 : i32
    %add3A_223 = arith.addi %mul3A_2, %add3A_222 : i32
    %dma_start3A_224 = arith.constant 0 : i32
    %dma_start3A_225 = tpu.memref_slice %arg4[%add3A_223, %dma_start3A_224] : memref<18432x768xi32, #tpu.memory_space<hbm>> -> memref<32x768xi32, #tpu.memory_space<hbm>>
    %dma_start3A_226 = arith.constant 0 : i32
    %dma_start3A_227 = tpu.memref_slice %arg4[%add3A_223, %dma_start3A_226] : memref<18432x768xi32, #tpu.memory_space<hbm>> -> memref<32x768xi32, #tpu.memory_space<hbm>>
    tpu.enqueue_dma source(%arg12 : memref<32x768xi32, #tpu.memory_space<vmem>>) target(%dma_start3A_227 : memref<32x768xi32, #tpu.memory_space<hbm>>) target_semaphore(%arg20 : memref<!tpu.dma_semaphore, #tpu.memory_space<semaphore_mem>>)
    %dma_wait3A_228 = arith.constant 0 : i32
    %dma_wait3A_229 = tpu.memref_slice %arg4[%add3A_223, %dma_wait3A_228] : memref<18432x768xi32, #tpu.memory_space<hbm>> -> memref<32x768xi32, #tpu.memory_space<hbm>>
    %dma_wait3A_230 = arith.constant 0 : i32
    %dma_wait3A_231 = tpu.memref_slice %arg4[%add3A_223, %dma_wait3A_230] : memref<18432x768xi32, #tpu.memory_space<hbm>> -> memref<32x768xi32, #tpu.memory_space<hbm>>
    tpu.wait_dma2 semaphore(%arg20 : memref<!tpu.dma_semaphore, #tpu.memory_space<semaphore_mem>>) src(%arg12 : memref<32x768xi32, #tpu.memory_space<vmem>>) dst(%dma_wait3A_231 : memref<32x768xi32, #tpu.memory_space<hbm>>)
    %add3A_232 = arith.constant 480 : i32
    %add3A_233 = arith.addi %mul3A_2, %add3A_232 : i32
    "tpu.region"() ({
      %run_scoped3A = tpu.sem_alloc : memref<!tpu.dma_semaphore, #tpu.memory_space<semaphore_mem>>
      %dma_start3A_325 = tpu.memref_slice %arg3[%add3A_233] : memref<18432xi32, #tpu.memory_space<hbm>> -> memref<32xi32, #tpu.memory_space<hbm>>
      %dma_start3A_326 = tpu.memref_slice %arg3[%add3A_233] : memref<18432xi32, #tpu.memory_space<hbm>> -> memref<32xi32, #tpu.memory_space<hbm>>
      tpu.enqueue_dma source(%dma_start3A_326 : memref<32xi32, #tpu.memory_space<hbm>>) target(%arg8 : memref<32xi32, #tpu.memory_space<vmem>>) target_semaphore(%run_scoped3A : memref<!tpu.dma_semaphore, #tpu.memory_space<semaphore_mem>>)
      %dma_wait3A_327 = tpu.memref_slice %arg3[%add3A_233] : memref<18432xi32, #tpu.memory_space<hbm>> -> memref<32xi32, #tpu.memory_space<hbm>>
      %dma_wait3A_328 = tpu.memref_slice %arg3[%add3A_233] : memref<18432xi32, #tpu.memory_space<hbm>> -> memref<32xi32, #tpu.memory_space<hbm>>
      tpu.wait_dma2 semaphore(%run_scoped3A : memref<!tpu.dma_semaphore, #tpu.memory_space<semaphore_mem>>) src(%dma_wait3A_328 : memref<32xi32, #tpu.memory_space<hbm>>) dst(%arg8 : memref<32xi32, #tpu.memory_space<vmem>>)
      tpu.yield
    }) : () -> ()
    %dma_start3A_234 = arith.constant 0 : i32
    %dma_start3A_235 = arith.constant 0 : i32
    %dma_start3A_236 = tpu.memref_slice %arg2[%dma_start3A_234, %dma_start3A_235] : memref<4096x768xi32, #tpu.memory_space<hbm>> -> memref<4096x768xi32, #tpu.memory_space<hbm>>
    tpu.enqueue_indirect_dma source(%dma_start3A_236 : memref<4096x768xi32, #tpu.memory_space<hbm>>) target(%arg12 : memref<32x768xi32, #tpu.memory_space<vmem>>) offsets(%arg8 : memref<32xi32, #tpu.memory_space<vmem>>) semaphore(%arg16 : memref<!tpu.dma_semaphore, #tpu.memory_space<semaphore_mem>>)
    %dma_wait3A_237 = arith.constant 0 : i32
    %dma_wait3A_238 = arith.constant 0 : i32
    %dma_wait3A_239 = tpu.memref_slice %arg2[%dma_wait3A_237, %dma_wait3A_238] : memref<4096x768xi32, #tpu.memory_space<hbm>> -> memref<4096x768xi32, #tpu.memory_space<hbm>>
    tpu.wait_indirect_dma semaphore(%arg13 : memref<!tpu.dma_semaphore, #tpu.memory_space<semaphore_mem>>) src(%dma_wait3A_239 : memref<4096x768xi32, #tpu.memory_space<hbm>>) dst(%arg9 : memref<32x768xi32, #tpu.memory_space<vmem>>)
    %add3A_240 = arith.constant 384 : i32
    %add3A_241 = arith.addi %mul3A_2, %add3A_240 : i32
    %dma_start3A_242 = arith.constant 0 : i32
    %dma_start3A_243 = tpu.memref_slice %arg4[%add3A_241, %dma_start3A_242] : memref<18432x768xi32, #tpu.memory_space<hbm>> -> memref<32x768xi32, #tpu.memory_space<hbm>>
    %dma_start3A_244 = arith.constant 0 : i32
    %dma_start3A_245 = tpu.memref_slice %arg4[%add3A_241, %dma_start3A_244] : memref<18432x768xi32, #tpu.memory_space<hbm>> -> memref<32x768xi32, #tpu.memory_space<hbm>>
    tpu.enqueue_dma source(%arg9 : memref<32x768xi32, #tpu.memory_space<vmem>>) target(%dma_start3A_245 : memref<32x768xi32, #tpu.memory_space<hbm>>) target_semaphore(%arg17 : memref<!tpu.dma_semaphore, #tpu.memory_space<semaphore_mem>>)
    %dma_wait3A_246 = arith.constant 0 : i32
    %dma_wait3A_247 = tpu.memref_slice %arg4[%add3A_241, %dma_wait3A_246] : memref<18432x768xi32, #tpu.memory_space<hbm>> -> memref<32x768xi32, #tpu.memory_space<hbm>>
    %dma_wait3A_248 = arith.constant 0 : i32
    %dma_wait3A_249 = tpu.memref_slice %arg4[%add3A_241, %dma_wait3A_248] : memref<18432x768xi32, #tpu.memory_space<hbm>> -> memref<32x768xi32, #tpu.memory_space<hbm>>
    tpu.wait_dma2 semaphore(%arg17 : memref<!tpu.dma_semaphore, #tpu.memory_space<semaphore_mem>>) src(%arg9 : memref<32x768xi32, #tpu.memory_space<vmem>>) dst(%dma_wait3A_249 : memref<32x768xi32, #tpu.memory_space<hbm>>)
    %add3A_250 = arith.constant 512 : i32
    %add3A_251 = arith.addi %mul3A_2, %add3A_250 : i32
    "tpu.region"() ({
      %run_scoped3A = tpu.sem_alloc : memref<!tpu.dma_semaphore, #tpu.memory_space<semaphore_mem>>
      %dma_start3A_325 = tpu.memref_slice %arg3[%add3A_251] : memref<18432xi32, #tpu.memory_space<hbm>> -> memref<32xi32, #tpu.memory_space<hbm>>
      %dma_start3A_326 = tpu.memref_slice %arg3[%add3A_251] : memref<18432xi32, #tpu.memory_space<hbm>> -> memref<32xi32, #tpu.memory_space<hbm>>
      tpu.enqueue_dma source(%dma_start3A_326 : memref<32xi32, #tpu.memory_space<hbm>>) target(%arg5 : memref<32xi32, #tpu.memory_space<vmem>>) target_semaphore(%run_scoped3A : memref<!tpu.dma_semaphore, #tpu.memory_space<semaphore_mem>>)
      %dma_wait3A_327 = tpu.memref_slice %arg3[%add3A_251] : memref<18432xi32, #tpu.memory_space<hbm>> -> memref<32xi32, #tpu.memory_space<hbm>>
      %dma_wait3A_328 = tpu.memref_slice %arg3[%add3A_251] : memref<18432xi32, #tpu.memory_space<hbm>> -> memref<32xi32, #tpu.memory_space<hbm>>
      tpu.wait_dma2 semaphore(%run_scoped3A : memref<!tpu.dma_semaphore, #tpu.memory_space<semaphore_mem>>) src(%dma_wait3A_328 : memref<32xi32, #tpu.memory_space<hbm>>) dst(%arg5 : memref<32xi32, #tpu.memory_space<vmem>>)
      tpu.yield
    }) : () -> ()
    %dma_start3A_252 = arith.constant 0 : i32
    %dma_start3A_253 = arith.constant 0 : i32
    %dma_start3A_254 = tpu.memref_slice %arg2[%dma_start3A_252, %dma_start3A_253] : memref<4096x768xi32, #tpu.memory_space<hbm>> -> memref<4096x768xi32, #tpu.memory_space<hbm>>
    tpu.enqueue_indirect_dma source(%dma_start3A_254 : memref<4096x768xi32, #tpu.memory_space<hbm>>) target(%arg9 : memref<32x768xi32, #tpu.memory_space<vmem>>) offsets(%arg5 : memref<32xi32, #tpu.memory_space<vmem>>) semaphore(%arg13 : memref<!tpu.dma_semaphore, #tpu.memory_space<semaphore_mem>>)
    %dma_wait3A_255 = arith.constant 0 : i32
    %dma_wait3A_256 = arith.constant 0 : i32
    %dma_wait3A_257 = tpu.memref_slice %arg2[%dma_wait3A_255, %dma_wait3A_256] : memref<4096x768xi32, #tpu.memory_space<hbm>> -> memref<4096x768xi32, #tpu.memory_space<hbm>>
    tpu.wait_indirect_dma semaphore(%arg14 : memref<!tpu.dma_semaphore, #tpu.memory_space<semaphore_mem>>) src(%dma_wait3A_257 : memref<4096x768xi32, #tpu.memory_space<hbm>>) dst(%arg10 : memref<32x768xi32, #tpu.memory_space<vmem>>)
    %add3A_258 = arith.constant 416 : i32
    %add3A_259 = arith.addi %mul3A_2, %add3A_258 : i32
    %dma_start3A_260 = arith.constant 0 : i32
    %dma_start3A_261 = tpu.memref_slice %arg4[%add3A_259, %dma_start3A_260] : memref<18432x768xi32, #tpu.memory_space<hbm>> -> memref<32x768xi32, #tpu.memory_space<hbm>>
    %dma_start3A_262 = arith.constant 0 : i32
    %dma_start3A_263 = tpu.memref_slice %arg4[%add3A_259, %dma_start3A_262] : memref<18432x768xi32, #tpu.memory_space<hbm>> -> memref<32x768xi32, #tpu.memory_space<hbm>>
    tpu.enqueue_dma source(%arg10 : memref<32x768xi32, #tpu.memory_space<vmem>>) target(%dma_start3A_263 : memref<32x768xi32, #tpu.memory_space<hbm>>) target_semaphore(%arg18 : memref<!tpu.dma_semaphore, #tpu.memory_space<semaphore_mem>>)
    %dma_wait3A_264 = arith.constant 0 : i32
    %dma_wait3A_265 = tpu.memref_slice %arg4[%add3A_259, %dma_wait3A_264] : memref<18432x768xi32, #tpu.memory_space<hbm>> -> memref<32x768xi32, #tpu.memory_space<hbm>>
    %dma_wait3A_266 = arith.constant 0 : i32
    %dma_wait3A_267 = tpu.memref_slice %arg4[%add3A_259, %dma_wait3A_266] : memref<18432x768xi32, #tpu.memory_space<hbm>> -> memref<32x768xi32, #tpu.memory_space<hbm>>
    tpu.wait_dma2 semaphore(%arg18 : memref<!tpu.dma_semaphore, #tpu.memory_space<semaphore_mem>>) src(%arg10 : memref<32x768xi32, #tpu.memory_space<vmem>>) dst(%dma_wait3A_267 : memref<32x768xi32, #tpu.memory_space<hbm>>)
    %add3A_268 = arith.constant 544 : i32
    %add3A_269 = arith.addi %mul3A_2, %add3A_268 : i32
    "tpu.region"() ({
      %run_scoped3A = tpu.sem_alloc : memref<!tpu.dma_semaphore, #tpu.memory_space<semaphore_mem>>
      %dma_start3A_325 = tpu.memref_slice %arg3[%add3A_269] : memref<18432xi32, #tpu.memory_space<hbm>> -> memref<32xi32, #tpu.memory_space<hbm>>
      %dma_start3A_326 = tpu.memref_slice %arg3[%add3A_269] : memref<18432xi32, #tpu.memory_space<hbm>> -> memref<32xi32, #tpu.memory_space<hbm>>
      tpu.enqueue_dma source(%dma_start3A_326 : memref<32xi32, #tpu.memory_space<hbm>>) target(%arg6 : memref<32xi32, #tpu.memory_space<vmem>>) target_semaphore(%run_scoped3A : memref<!tpu.dma_semaphore, #tpu.memory_space<semaphore_mem>>)
      %dma_wait3A_327 = tpu.memref_slice %arg3[%add3A_269] : memref<18432xi32, #tpu.memory_space<hbm>> -> memref<32xi32, #tpu.memory_space<hbm>>
      %dma_wait3A_328 = tpu.memref_slice %arg3[%add3A_269] : memref<18432xi32, #tpu.memory_space<hbm>> -> memref<32xi32, #tpu.memory_space<hbm>>
      tpu.wait_dma2 semaphore(%run_scoped3A : memref<!tpu.dma_semaphore, #tpu.memory_space<semaphore_mem>>) src(%dma_wait3A_328 : memref<32xi32, #tpu.memory_space<hbm>>) dst(%arg6 : memref<32xi32, #tpu.memory_space<vmem>>)
      tpu.yield
    }) : () -> ()
    %dma_start3A_270 = arith.constant 0 : i32
    %dma_start3A_271 = arith.constant 0 : i32
    %dma_start3A_272 = tpu.memref_slice %arg2[%dma_start3A_270, %dma_start3A_271] : memref<4096x768xi32, #tpu.memory_space<hbm>> -> memref<4096x768xi32, #tpu.memory_space<hbm>>
    tpu.enqueue_indirect_dma source(%dma_start3A_272 : memref<4096x768xi32, #tpu.memory_space<hbm>>) target(%arg10 : memref<32x768xi32, #tpu.memory_space<vmem>>) offsets(%arg6 : memref<32xi32, #tpu.memory_space<vmem>>) semaphore(%arg14 : memref<!tpu.dma_semaphore, #tpu.memory_space<semaphore_mem>>)
    %dma_wait3A_273 = arith.constant 0 : i32
    %dma_wait3A_274 = arith.constant 0 : i32
    %dma_wait3A_275 = tpu.memref_slice %arg2[%dma_wait3A_273, %dma_wait3A_274] : memref<4096x768xi32, #tpu.memory_space<hbm>> -> memref<4096x768xi32, #tpu.memory_space<hbm>>
    tpu.wait_indirect_dma semaphore(%arg15 : memref<!tpu.dma_semaphore, #tpu.memory_space<semaphore_mem>>) src(%dma_wait3A_275 : memref<4096x768xi32, #tpu.memory_space<hbm>>) dst(%arg11 : memref<32x768xi32, #tpu.memory_space<vmem>>)
    %add3A_276 = arith.constant 448 : i32
    %add3A_277 = arith.addi %mul3A_2, %add3A_276 : i32
    %dma_start3A_278 = arith.constant 0 : i32
    %dma_start3A_279 = tpu.memref_slice %arg4[%add3A_277, %dma_start3A_278] : memref<18432x768xi32, #tpu.memory_space<hbm>> -> memref<32x768xi32, #tpu.memory_space<hbm>>
    %dma_start3A_280 = arith.constant 0 : i32
    %dma_start3A_281 = tpu.memref_slice %arg4[%add3A_277, %dma_start3A_280] : memref<18432x768xi32, #tpu.memory_space<hbm>> -> memref<32x768xi32, #tpu.memory_space<hbm>>
    tpu.enqueue_dma source(%arg11 : memref<32x768xi32, #tpu.memory_space<vmem>>) target(%dma_start3A_281 : memref<32x768xi32, #tpu.memory_space<hbm>>) target_semaphore(%arg19 : memref<!tpu.dma_semaphore, #tpu.memory_space<semaphore_mem>>)
    %dma_wait3A_282 = arith.constant 0 : i32
    %dma_wait3A_283 = arith.constant 0 : i32
    %dma_wait3A_284 = tpu.memref_slice %arg2[%dma_wait3A_282, %dma_wait3A_283] : memref<4096x768xi32, #tpu.memory_space<hbm>> -> memref<4096x768xi32, #tpu.memory_space<hbm>>
    tpu.wait_indirect_dma semaphore(%arg16 : memref<!tpu.dma_semaphore, #tpu.memory_space<semaphore_mem>>) src(%dma_wait3A_284 : memref<4096x768xi32, #tpu.memory_space<hbm>>) dst(%arg12 : memref<32x768xi32, #tpu.memory_space<vmem>>)
    %add3A_285 = arith.constant 480 : i32
    %add3A_286 = arith.addi %mul3A_2, %add3A_285 : i32
    %dma_start3A_287 = arith.constant 0 : i32
    %dma_start3A_288 = tpu.memref_slice %arg4[%add3A_286, %dma_start3A_287] : memref<18432x768xi32, #tpu.memory_space<hbm>> -> memref<32x768xi32, #tpu.memory_space<hbm>>
    %dma_start3A_289 = arith.constant 0 : i32
    %dma_start3A_290 = tpu.memref_slice %arg4[%add3A_286, %dma_start3A_289] : memref<18432x768xi32, #tpu.memory_space<hbm>> -> memref<32x768xi32, #tpu.memory_space<hbm>>
    tpu.enqueue_dma source(%arg12 : memref<32x768xi32, #tpu.memory_space<vmem>>) target(%dma_start3A_290 : memref<32x768xi32, #tpu.memory_space<hbm>>) target_semaphore(%arg20 : memref<!tpu.dma_semaphore, #tpu.memory_space<semaphore_mem>>)
    %dma_wait3A_291 = arith.constant 0 : i32
    %dma_wait3A_292 = arith.constant 0 : i32
    %dma_wait3A_293 = tpu.memref_slice %arg2[%dma_wait3A_291, %dma_wait3A_292] : memref<4096x768xi32, #tpu.memory_space<hbm>> -> memref<4096x768xi32, #tpu.memory_space<hbm>>
    tpu.wait_indirect_dma semaphore(%arg13 : memref<!tpu.dma_semaphore, #tpu.memory_space<semaphore_mem>>) src(%dma_wait3A_293 : memref<4096x768xi32, #tpu.memory_space<hbm>>) dst(%arg9 : memref<32x768xi32, #tpu.memory_space<vmem>>)
    %add3A_294 = arith.constant 512 : i32
    %add3A_295 = arith.addi %mul3A_2, %add3A_294 : i32
    %dma_start3A_296 = arith.constant 0 : i32
    %dma_start3A_297 = tpu.memref_slice %arg4[%add3A_295, %dma_start3A_296] : memref<18432x768xi32, #tpu.memory_space<hbm>> -> memref<32x768xi32, #tpu.memory_space<hbm>>
    %dma_start3A_298 = arith.constant 0 : i32
    %dma_start3A_299 = tpu.memref_slice %arg4[%add3A_295, %dma_start3A_298] : memref<18432x768xi32, #tpu.memory_space<hbm>> -> memref<32x768xi32, #tpu.memory_space<hbm>>
    tpu.enqueue_dma source(%arg9 : memref<32x768xi32, #tpu.memory_space<vmem>>) target(%dma_start3A_299 : memref<32x768xi32, #tpu.memory_space<hbm>>) target_semaphore(%arg17 : memref<!tpu.dma_semaphore, #tpu.memory_space<semaphore_mem>>)
    %dma_wait3A_300 = arith.constant 0 : i32
    %dma_wait3A_301 = arith.constant 0 : i32
    %dma_wait3A_302 = tpu.memref_slice %arg2[%dma_wait3A_300, %dma_wait3A_301] : memref<4096x768xi32, #tpu.memory_space<hbm>> -> memref<4096x768xi32, #tpu.memory_space<hbm>>
    tpu.wait_indirect_dma semaphore(%arg14 : memref<!tpu.dma_semaphore, #tpu.memory_space<semaphore_mem>>) src(%dma_wait3A_302 : memref<4096x768xi32, #tpu.memory_space<hbm>>) dst(%arg10 : memref<32x768xi32, #tpu.memory_space<vmem>>)
    %add3A_303 = arith.constant 544 : i32
    %add3A_304 = arith.addi %mul3A_2, %add3A_303 : i32
    %dma_start3A_305 = arith.constant 0 : i32
    %dma_start3A_306 = tpu.memref_slice %arg4[%add3A_304, %dma_start3A_305] : memref<18432x768xi32, #tpu.memory_space<hbm>> -> memref<32x768xi32, #tpu.memory_space<hbm>>
    %dma_start3A_307 = arith.constant 0 : i32
    %dma_start3A_308 = tpu.memref_slice %arg4[%add3A_304, %dma_start3A_307] : memref<18432x768xi32, #tpu.memory_space<hbm>> -> memref<32x768xi32, #tpu.memory_space<hbm>>
    tpu.enqueue_dma source(%arg10 : memref<32x768xi32, #tpu.memory_space<vmem>>) target(%dma_start3A_308 : memref<32x768xi32, #tpu.memory_space<hbm>>) target_semaphore(%arg18 : memref<!tpu.dma_semaphore, #tpu.memory_space<semaphore_mem>>)
    %dma_wait3A_309 = arith.constant 0 : i32
    %dma_wait3A_310 = tpu.memref_slice %arg4[%add3A_295, %dma_wait3A_309] : memref<18432x768xi32, #tpu.memory_space<hbm>> -> memref<32x768xi32, #tpu.memory_space<hbm>>
    %dma_wait3A_311 = arith.constant 0 : i32
    %dma_wait3A_312 = tpu.memref_slice %arg4[%add3A_295, %dma_wait3A_311] : memref<18432x768xi32, #tpu.memory_space<hbm>> -> memref<32x768xi32, #tpu.memory_space<hbm>>
    tpu.wait_dma2 semaphore(%arg17 : memref<!tpu.dma_semaphore, #tpu.memory_space<semaphore_mem>>) src(%arg9 : memref<32x768xi32, #tpu.memory_space<vmem>>) dst(%dma_wait3A_312 : memref<32x768xi32, #tpu.memory_space<hbm>>)
    %dma_wait3A_313 = arith.constant 0 : i32
    %dma_wait3A_314 = tpu.memref_slice %arg4[%add3A_304, %dma_wait3A_313] : memref<18432x768xi32, #tpu.memory_space<hbm>> -> memref<32x768xi32, #tpu.memory_space<hbm>>
    %dma_wait3A_315 = arith.constant 0 : i32
    %dma_wait3A_316 = tpu.memref_slice %arg4[%add3A_304, %dma_wait3A_315] : memref<18432x768xi32, #tpu.memory_space<hbm>> -> memref<32x768xi32, #tpu.memory_space<hbm>>
    tpu.wait_dma2 semaphore(%arg18 : memref<!tpu.dma_semaphore, #tpu.memory_space<semaphore_mem>>) src(%arg10 : memref<32x768xi32, #tpu.memory_space<vmem>>) dst(%dma_wait3A_316 : memref<32x768xi32, #tpu.memory_space<hbm>>)
    %dma_wait3A_317 = arith.constant 0 : i32
    %dma_wait3A_318 = tpu.memref_slice %arg4[%add3A_277, %dma_wait3A_317] : memref<18432x768xi32, #tpu.memory_space<hbm>> -> memref<32x768xi32, #tpu.memory_space<hbm>>
    %dma_wait3A_319 = arith.constant 0 : i32
    %dma_wait3A_320 = tpu.memref_slice %arg4[%add3A_277, %dma_wait3A_319] : memref<18432x768xi32, #tpu.memory_space<hbm>> -> memref<32x768xi32, #tpu.memory_space<hbm>>
    tpu.wait_dma2 semaphore(%arg19 : memref<!tpu.dma_semaphore, #tpu.memory_space<semaphore_mem>>) src(%arg11 : memref<32x768xi32, #tpu.memory_space<vmem>>) dst(%dma_wait3A_320 : memref<32x768xi32, #tpu.memory_space<hbm>>)
    %dma_wait3A_321 = arith.constant 0 : i32
    %dma_wait3A_322 = tpu.memref_slice %arg4[%add3A_286, %dma_wait3A_321] : memref<18432x768xi32, #tpu.memory_space<hbm>> -> memref<32x768xi32, #tpu.memory_space<hbm>>
    %dma_wait3A_323 = arith.constant 0 : i32
    %dma_wait3A_324 = tpu.memref_slice %arg4[%add3A_286, %dma_wait3A_323] : memref<18432x768xi32, #tpu.memory_space<hbm>> -> memref<32x768xi32, #tpu.memory_space<hbm>>
    tpu.wait_dma2 semaphore(%arg20 : memref<!tpu.dma_semaphore, #tpu.memory_space<semaphore_mem>>) src(%arg12 : memref<32x768xi32, #tpu.memory_space<vmem>>) dst(%dma_wait3A_324 : memref<32x768xi32, #tpu.memory_space<hbm>>)
    return
  }
}

module attributes {stable_mosaic.version = 14 : i64} {
  func.func @_prep_kernel(%arg0: memref<4096x384xf32, #tpu.memory_space<vmem>>, %arg1: memref<288x128xf32, #tpu.memory_space<vmem>>, %arg2: memref<288x128xf32, #tpu.memory_space<vmem>>, %arg3: memref<288x128xf32, #tpu.memory_space<vmem>>, %arg4: memref<288x128xf32, #tpu.memory_space<vmem>>, %arg5: memref<288x128xi32, #tpu.memory_space<vmem>>, %arg6: memref<4096x768xi32, #tpu.memory_space<vmem>>, %arg7: memref<288x128xi32, #tpu.memory_space<vmem>>, %arg8: memref<288x128xf32, #tpu.memory_space<vmem>>, %arg9: memref<288x128xf32, #tpu.memory_space<vmem>>, %arg10: memref<288x128xf32, #tpu.memory_space<vmem>>, %arg11: memref<288x128xf32, #tpu.memory_space<vmem>>) attributes {dimension_semantics = [], scalar_prefetch = 0 : i64, scratch_operands = 0 : i64, tpu.core_type = #tpu.core_type<tc>} {
    %get3A = arith.constant 0 : index
    %get3A_0 = arith.constant 0 : index
    %get3A_1 = vector.load %arg0[%get3A, %get3A_0] : memref<4096x384xf32, #tpu.memory_space<vmem>>, vector<4096x384xf32>
    %convert_element_type3A = arith.truncf %get3A_1 : vector<4096x384xf32> to vector<4096x384xbf16>
    %slice3A = vector.extract_strided_slice %convert_element_type3A {offsets = [0, 0], sizes = [4096, 192], strides = [1, 1]} : vector<4096x384xbf16> to vector<4096x192xbf16>
    %bitcast_convert_type3A = tpu.bitcast %slice3A : vector<4096x192xbf16> -> vector<4096x192xi16>
    %convert_element_type3A_2 = arith.extui %bitcast_convert_type3A : vector<4096x192xi16> to vector<4096x192xi32>
    %slice3A_3 = vector.extract_strided_slice %convert_element_type3A {offsets = [0, 192], sizes = [4096, 192], strides = [1, 1]} : vector<4096x384xbf16> to vector<4096x192xbf16>
    %bitcast_convert_type3A_4 = tpu.bitcast %slice3A_3 : vector<4096x192xbf16> -> vector<4096x192xi16>
    %convert_element_type3A_5 = arith.extui %bitcast_convert_type3A_4 : vector<4096x192xi16> to vector<4096x192xi32>
    %shift_left3A = arith.constant 16 : i32
    %shift_left3A_6 = vector.broadcast %shift_left3A : i32 to vector<4096x192xi32>
    %shift_left3A_7 = arith.shli %convert_element_type3A_5, %shift_left3A_6 : vector<4096x192xi32>
    %or3A = arith.ori %shift_left3A_7, %convert_element_type3A_2 : vector<4096x192xi32>
    %bitcast_convert_type3A_8 = tpu.bitcast %or3A : vector<4096x192xi32> -> vector<4096x192xi32>
    %broadcast_in_dim3A = arith.constant 0 : i32
    %broadcast_in_dim3A_9 = vector.broadcast %broadcast_in_dim3A : i32 to vector<33x192xi32>
    %swap3A = arith.constant 0 : index
    %swap3A_10 = arith.constant 0 : index
    %swap3A_11 = vector.load %arg6[%swap3A, %swap3A_10] : memref<4096x768xi32, #tpu.memory_space<vmem>>, vector<4096x192xi32>
    tpu.vector_store %arg6[%swap3A, %swap3A_10], %bitcast_convert_type3A_8 {strides = array<i32>} : memref<4096x768xi32, #tpu.memory_space<vmem>>, vector<4096x192xi32>,
    %slice3A_12 = vector.extract_strided_slice %bitcast_convert_type3A_8 {offsets = [1, 0], sizes = [4095, 192], strides = [1, 1]} : vector<4096x192xi32> to vector<4095x192xi32>
    %swap3A_13 = arith.constant 0 : index
    %swap3A_14 = arith.constant 192 : index
    %swap3A_15 = vector.load %arg6[%swap3A_13, %swap3A_14] : memref<4096x768xi32, #tpu.memory_space<vmem>>, vector<4095x192xi32>
    tpu.vector_store %arg6[%swap3A_13, %swap3A_14], %slice3A_12 {strides = array<i32>} : memref<4096x768xi32, #tpu.memory_space<vmem>>, vector<4095x192xi32>,
    %slice3A_16 = vector.extract_strided_slice %broadcast_in_dim3A_9 {offsets = [0, 0], sizes = [1, 192], strides = [1, 1]} : vector<33x192xi32> to vector<1x192xi32>
    %swap3A_17 = arith.constant 4095 : index
    %swap3A_18 = arith.constant 192 : index
    %swap3A_19 = vector.load %arg6[%swap3A_17, %swap3A_18] : memref<4096x768xi32, #tpu.memory_space<vmem>>, vector<1x192xi32>
    tpu.vector_store %arg6[%swap3A_17, %swap3A_18], %slice3A_16 {strides = array<i32>} : memref<4096x768xi32, #tpu.memory_space<vmem>>, vector<1x192xi32>,
    %slice3A_20 = vector.extract_strided_slice %bitcast_convert_type3A_8 {offsets = [32, 0], sizes = [4064, 192], strides = [1, 1]} : vector<4096x192xi32> to vector<4064x192xi32>
    %swap3A_21 = arith.constant 0 : index
    %swap3A_22 = arith.constant 384 : index
    %swap3A_23 = vector.load %arg6[%swap3A_21, %swap3A_22] : memref<4096x768xi32, #tpu.memory_space<vmem>>, vector<4064x192xi32>
    tpu.vector_store %arg6[%swap3A_21, %swap3A_22], %slice3A_20 {strides = array<i32>} : memref<4096x768xi32, #tpu.memory_space<vmem>>, vector<4064x192xi32>,
    %slice3A_24 = vector.extract_strided_slice %broadcast_in_dim3A_9 {offsets = [0, 0], sizes = [32, 192], strides = [1, 1]} : vector<33x192xi32> to vector<32x192xi32>
    %swap3A_25 = arith.constant 4064 : index
    %swap3A_26 = arith.constant 384 : index
    %swap3A_27 = vector.load %arg6[%swap3A_25, %swap3A_26] : memref<4096x768xi32, #tpu.memory_space<vmem>>, vector<32x192xi32>
    tpu.vector_store %arg6[%swap3A_25, %swap3A_26], %slice3A_24 {strides = array<i32>} : memref<4096x768xi32, #tpu.memory_space<vmem>>, vector<32x192xi32>,
    %slice3A_28 = vector.extract_strided_slice %bitcast_convert_type3A_8 {offsets = [33, 0], sizes = [4063, 192], strides = [1, 1]} : vector<4096x192xi32> to vector<4063x192xi32>
    %swap3A_29 = arith.constant 0 : index
    %swap3A_30 = arith.constant 576 : index
    %swap3A_31 = vector.load %arg6[%swap3A_29, %swap3A_30] : memref<4096x768xi32, #tpu.memory_space<vmem>>, vector<4063x192xi32>
    tpu.vector_store %arg6[%swap3A_29, %swap3A_30], %slice3A_28 {strides = array<i32>} : memref<4096x768xi32, #tpu.memory_space<vmem>>, vector<4063x192xi32>,
    %swap3A_32 = arith.constant 4063 : index
    %swap3A_33 = arith.constant 576 : index
    %swap3A_34 = vector.load %arg6[%swap3A_32, %swap3A_33] : memref<4096x768xi32, #tpu.memory_space<vmem>>, vector<33x192xi32>
    tpu.vector_store %arg6[%swap3A_32, %swap3A_33], %broadcast_in_dim3A_9 {strides = array<i32>} : memref<4096x768xi32, #tpu.memory_space<vmem>>, vector<33x192xi32>,
    %get3A_35 = arith.constant 0 : index
    %get3A_36 = arith.constant 0 : index
    %get3A_37 = vector.load %arg3[%get3A_35, %get3A_36] : memref<288x128xf32, #tpu.memory_space<vmem>>, vector<288x128xf32>
    %get3A_38 = arith.constant 0 : index
    %get3A_39 = arith.constant 0 : index
    %get3A_40 = vector.load %arg1[%get3A_38, %get3A_39] : memref<288x128xf32, #tpu.memory_space<vmem>>, vector<288x128xf32>
    %add3A = arith.addf %get3A_37, %get3A_40 : vector<288x128xf32>
    %jit3A = arith.constant 0.000000e+00 : f32
    %jit3A_41 = arith.constant 3.100000e+01 : f32
    %max3A = vector.broadcast %jit3A : f32 to vector<288x128xf32>
    %max3A_42 = arith.maximumf %max3A, %add3A : vector<288x128xf32>
    %min3A = vector.broadcast %jit3A_41 : f32 to vector<288x128xf32>
    %min3A_43 = arith.minimumf %min3A, %max3A_42 : vector<288x128xf32>
    %get3A_44 = arith.constant 0 : index
    %get3A_45 = arith.constant 0 : index
    %get3A_46 = vector.load %arg4[%get3A_44, %get3A_45] : memref<288x128xf32, #tpu.memory_space<vmem>>, vector<288x128xf32>
    %get3A_47 = arith.constant 0 : index
    %get3A_48 = arith.constant 0 : index
    %get3A_49 = vector.load %arg2[%get3A_47, %get3A_48] : memref<288x128xf32, #tpu.memory_space<vmem>>, vector<288x128xf32>
    %add3A_50 = arith.addf %get3A_46, %get3A_49 : vector<288x128xf32>
    %jit3A_51 = arith.constant 0.000000e+00 : f32
    %jit3A_52 = arith.constant 3.100000e+01 : f32
    %max3A_53 = vector.broadcast %jit3A_51 : f32 to vector<288x128xf32>
    %max3A_54 = arith.maximumf %max3A_53, %add3A_50 : vector<288x128xf32>
    %min3A_55 = vector.broadcast %jit3A_52 : f32 to vector<288x128xf32>
    %min3A_56 = arith.minimumf %min3A_55, %max3A_54 : vector<288x128xf32>
    %floor3A = math.floor %min3A_43 : vector<288x128xf32>
    %floor3A_57 = math.floor %min3A_56 : vector<288x128xf32>
    %sub3A = arith.subf %min3A_43, %floor3A : vector<288x128xf32>
    %sub3A_58 = arith.subf %min3A_56, %floor3A_57 : vector<288x128xf32>
    %convert_element_type3A_59 = arith.fptosi %floor3A : vector<288x128xf32> to vector<288x128xi32>
    %convert_element_type3A_60 = arith.fptosi %floor3A_57 : vector<288x128xf32> to vector<288x128xi32>
    %get3A_61 = arith.constant 0 : index
    %get3A_62 = arith.constant 0 : index
    %get3A_63 = vector.load %arg5[%get3A_61, %get3A_62] : memref<288x128xi32, #tpu.memory_space<vmem>>, vector<288x128xi32>
    %mul3A = arith.constant 32 : i32
    %mul3A_64 = vector.broadcast %mul3A : i32 to vector<288x128xi32>
    %mul3A_65 = arith.muli %convert_element_type3A_59, %mul3A_64 : vector<288x128xi32>
    %add3A_66 = arith.addi %get3A_63, %mul3A_65 : vector<288x128xi32>
    %add3A_67 = arith.addi %add3A_66, %convert_element_type3A_60 : vector<288x128xi32>
    %swap3A_68 = arith.constant 0 : index
    %swap3A_69 = arith.constant 0 : index
    %swap3A_70 = vector.load %arg7[%swap3A_68, %swap3A_69] : memref<288x128xi32, #tpu.memory_space<vmem>>, vector<288x128xi32>
    tpu.vector_store %arg7[%swap3A_68, %swap3A_69], %add3A_67 {strides = array<i32>} : memref<288x128xi32, #tpu.memory_space<vmem>>, vector<288x128xi32>,
    %sub3A_71 = arith.constant 1.000000e+00 : f32
    %sub3A_72 = vector.broadcast %sub3A_71 : f32 to vector<288x128xf32>
    %sub3A_73 = arith.subf %sub3A_72, %sub3A : vector<288x128xf32>
    %sub3A_74 = arith.constant 1.000000e+00 : f32
    %sub3A_75 = vector.broadcast %sub3A_74 : f32 to vector<288x128xf32>
    %sub3A_76 = arith.subf %sub3A_75, %sub3A_58 : vector<288x128xf32>
    %mul3A_77 = arith.mulf %sub3A_73, %sub3A_76 : vector<288x128xf32>
    %swap3A_78 = arith.constant 0 : index
    %swap3A_79 = arith.constant 0 : index
    %swap3A_80 = vector.load %arg8[%swap3A_78, %swap3A_79] : memref<288x128xf32, #tpu.memory_space<vmem>>, vector<288x128xf32>
    tpu.vector_store %arg8[%swap3A_78, %swap3A_79], %mul3A_77 {strides = array<i32>} : memref<288x128xf32, #tpu.memory_space<vmem>>, vector<288x128xf32>,
    %mul3A_81 = arith.mulf %sub3A_73, %sub3A_58 : vector<288x128xf32>
    %swap3A_82 = arith.constant 0 : index
    %swap3A_83 = arith.constant 0 : index
    %swap3A_84 = vector.load %arg9[%swap3A_82, %swap3A_83] : memref<288x128xf32, #tpu.memory_space<vmem>>, vector<288x128xf32>
    tpu.vector_store %arg9[%swap3A_82, %swap3A_83], %mul3A_81 {strides = array<i32>} : memref<288x128xf32, #tpu.memory_space<vmem>>, vector<288x128xf32>,
    %mul3A_85 = arith.mulf %sub3A, %sub3A_76 : vector<288x128xf32>
    %swap3A_86 = arith.constant 0 : index
    %swap3A_87 = arith.constant 0 : index
    %swap3A_88 = vector.load %arg10[%swap3A_86, %swap3A_87] : memref<288x128xf32, #tpu.memory_space<vmem>>, vector<288x128xf32>
    tpu.vector_store %arg10[%swap3A_86, %swap3A_87], %mul3A_85 {strides = array<i32>} : memref<288x128xf32, #tpu.memory_space<vmem>>, vector<288x128xf32>,
    %mul3A_89 = arith.mulf %sub3A, %sub3A_58 : vector<288x128xf32>
    %swap3A_90 = arith.constant 0 : index
    %swap3A_91 = arith.constant 0 : index
    %swap3A_92 = vector.load %arg11[%swap3A_90, %swap3A_91] : memref<288x128xf32, #tpu.memory_space<vmem>>, vector<288x128xf32>
    tpu.vector_store %arg11[%swap3A_90, %swap3A_91], %mul3A_89 {strides = array<i32>} : memref<288x128xf32, #tpu.memory_space<vmem>>, vector<288x128xf32>,
    return
  }
}

module attributes {stable_mosaic.version = 14 : i64} {
  func.func @_blend_matmul_kernel(%arg0: i32, %arg1: memref<9x256x768xi32, #tpu.memory_space<vmem>>, %arg2: memref<9x512x4xbf16, #tpu.memory_space<vmem>>, %arg3: memref<9x192x384xbf16, #tpu.memory_space<vmem>>, %arg4: memref<9x192x384xbf16, #tpu.memory_space<vmem>>, %arg5: memref<1x384xf32, #tpu.memory_space<vmem>>, %arg6: memref<512x384xf32, #tpu.memory_space<vmem>>) attributes {dimension_semantics = [#tpu.dimension_semantics<arbitrary>], iteration_bounds = array<i64: 8>, scalar_prefetch = 0 : i64, scratch_operands = 0 : i64, tpu.core_type = #tpu.core_type<tc>, window_params = [{transform_indices = @transform_0, window_bounds = array<i64: 9, 256, 768>}, {transform_indices = @transform_1, window_bounds = array<i64: 9, 512, 4>}, {pipeline_mode = #tpu.pipeline_mode<synchronous>, transform_indices = @transform_2, window_bounds = array<i64: 9, 192, 384>}, {pipeline_mode = #tpu.pipeline_mode<synchronous>, transform_indices = @transform_3, window_bounds = array<i64: 9, 192, 384>}, {pipeline_mode = #tpu.pipeline_mode<synchronous>, transform_indices = @transform_4, window_bounds = array<i64: 1, 384>}, {transform_indices = @transform_5, window_bounds = array<i64: 512, 384>}]} {
    %get3A = arith.constant 0 : index
    %get3A_0 = arith.constant 0 : index
    %get3A_1 = arith.constant 0 : index
    %get3A_2 = vector.load %arg1[%get3A, %get3A_0, %get3A_1] : memref<9x256x768xi32, #tpu.memory_space<vmem>>, vector<1x256x768xi32>
    %get3A_3 = vector.shape_cast %get3A_2 : vector<1x256x768xi32> to vector<256x768xi32>
    %bitcast3A = tpu.bitcast %get3A_3 : vector<256x768xi32> -> vector<512x768xbf16>
    %slice3A = vector.extract_strided_slice %bitcast3A {offsets = [0, 0], sizes = [512, 192], strides = [1, 1]} : vector<512x768xbf16> to vector<512x192xbf16>
    %get3A_4 = arith.constant 0 : index
    %get3A_5 = arith.constant 0 : index
    %get3A_6 = arith.constant 0 : index
    %get3A_7 = vector.load %arg2[%get3A_4, %get3A_5, %get3A_6] : memref<9x512x4xbf16, #tpu.memory_space<vmem>>, vector<1x512x1xbf16>
    %get3A_8 = vector.shape_cast %get3A_7 : vector<1x512x1xbf16> to vector<512x1xbf16>
    %mul3A = vector.broadcast %get3A_8 : vector<512x1xbf16> to vector<512x192xbf16>
    %mul3A_9 = arith.mulf %slice3A, %mul3A : vector<512x192xbf16>
    %slice3A_10 = vector.extract_strided_slice %bitcast3A {offsets = [0, 192], sizes = [512, 192], strides = [1, 1]} : vector<512x768xbf16> to vector<512x192xbf16>
    %get3A_11 = arith.constant 0 : index
    %get3A_12 = arith.constant 0 : index
    %get3A_13 = arith.constant 1 : index
    %get3A_14 = vector.load %arg2[%get3A_11, %get3A_12, %get3A_13] : memref<9x512x4xbf16, #tpu.memory_space<vmem>>, vector<1x512x1xbf16>
    %get3A_15 = vector.shape_cast %get3A_14 : vector<1x512x1xbf16> to vector<512x1xbf16>
    %mul3A_16 = vector.broadcast %get3A_15 : vector<512x1xbf16> to vector<512x192xbf16>
    %mul3A_17 = arith.mulf %slice3A_10, %mul3A_16 : vector<512x192xbf16>
    %add3A = arith.addf %mul3A_9, %mul3A_17 : vector<512x192xbf16>
    %slice3A_18 = vector.extract_strided_slice %bitcast3A {offsets = [0, 384], sizes = [512, 192], strides = [1, 1]} : vector<512x768xbf16> to vector<512x192xbf16>
    %get3A_19 = arith.constant 0 : index
    %get3A_20 = arith.constant 0 : index
    %get3A_21 = arith.constant 2 : index
    %get3A_22 = vector.load %arg2[%get3A_19, %get3A_20, %get3A_21] : memref<9x512x4xbf16, #tpu.memory_space<vmem>>, vector<1x512x1xbf16>
    %get3A_23 = vector.shape_cast %get3A_22 : vector<1x512x1xbf16> to vector<512x1xbf16>
    %mul3A_24 = vector.broadcast %get3A_23 : vector<512x1xbf16> to vector<512x192xbf16>
    %mul3A_25 = arith.mulf %slice3A_18, %mul3A_24 : vector<512x192xbf16>
    %add3A_26 = arith.addf %add3A, %mul3A_25 : vector<512x192xbf16>
    %slice3A_27 = vector.extract_strided_slice %bitcast3A {offsets = [0, 576], sizes = [512, 192], strides = [1, 1]} : vector<512x768xbf16> to vector<512x192xbf16>
    %get3A_28 = arith.constant 0 : index
    %get3A_29 = arith.constant 0 : index
    %get3A_30 = arith.constant 3 : index
    %get3A_31 = vector.load %arg2[%get3A_28, %get3A_29, %get3A_30] : memref<9x512x4xbf16, #tpu.memory_space<vmem>>, vector<1x512x1xbf16>
    %get3A_32 = vector.shape_cast %get3A_31 : vector<1x512x1xbf16> to vector<512x1xbf16>
    %mul3A_33 = vector.broadcast %get3A_32 : vector<512x1xbf16> to vector<512x192xbf16>
    %mul3A_34 = arith.mulf %slice3A_27, %mul3A_33 : vector<512x192xbf16>
    %add3A_35 = arith.addf %add3A_26, %mul3A_34 : vector<512x192xbf16>
    %get3A_36 = arith.constant 0 : index
    %get3A_37 = arith.constant 0 : index
    %get3A_38 = arith.constant 0 : index
    %get3A_39 = vector.load %arg3[%get3A_36, %get3A_37, %get3A_38] : memref<9x192x384xbf16, #tpu.memory_space<vmem>>, vector<1x192x384xbf16>
    %get3A_40 = vector.shape_cast %get3A_39 : vector<1x192x384xbf16> to vector<192x384xbf16>
    %dot_general3A = arith.constant dense<0.000000e+00> : vector<512x384xf32>
    %dot_general3A_41 = tpu.matmul %add3A_35, %get3A_40, %dot_general3A {dimension_numbers = #tpu.dot_dimension_numbers<[1], [0], [0], [1], [0, 0, 1, 1], [], []>, transpose_lhs_hint = false} : vector<512x192xbf16>, vector<192x384xbf16>, vector<512x384xf32> -> vector<512x384xf32>
    %get3A_42 = arith.constant 0 : index
    %get3A_43 = arith.constant 0 : index
    %get3A_44 = arith.constant 0 : index
    %get3A_45 = vector.load %arg4[%get3A_42, %get3A_43, %get3A_44] : memref<9x192x384xbf16, #tpu.memory_space<vmem>>, vector<1x192x384xbf16>
    %get3A_46 = vector.shape_cast %get3A_45 : vector<1x192x384xbf16> to vector<192x384xbf16>
    %dot_general3A_47 = arith.constant dense<0.000000e+00> : vector<512x384xf32>
    %dot_general3A_48 = tpu.matmul %add3A_35, %get3A_46, %dot_general3A_47 {dimension_numbers = #tpu.dot_dimension_numbers<[1], [0], [0], [1], [0, 0, 1, 1], [], []>, transpose_lhs_hint = false} : vector<512x192xbf16>, vector<192x384xbf16>, vector<512x384xf32> -> vector<512x384xf32>
    %get3A_49 = arith.constant 1 : index
    %get3A_50 = arith.constant 0 : index
    %get3A_51 = arith.constant 0 : index
    %get3A_52 = vector.load %arg1[%get3A_49, %get3A_50, %get3A_51] : memref<9x256x768xi32, #tpu.memory_space<vmem>>, vector<1x256x768xi32>
    %get3A_53 = vector.shape_cast %get3A_52 : vector<1x256x768xi32> to vector<256x768xi32>
    %bitcast3A_54 = tpu.bitcast %get3A_53 : vector<256x768xi32> -> vector<512x768xbf16>
    %slice3A_55 = vector.extract_strided_slice %bitcast3A_54 {offsets = [0, 0], sizes = [512, 192], strides = [1, 1]} : vector<512x768xbf16> to vector<512x192xbf16>
    %get3A_56 = arith.constant 1 : index
    %get3A_57 = arith.constant 0 : index
    %get3A_58 = arith.constant 0 : index
    %get3A_59 = vector.load %arg2[%get3A_56, %get3A_57, %get3A_58] : memref<9x512x4xbf16, #tpu.memory_space<vmem>>, vector<1x512x1xbf16>
    %get3A_60 = vector.shape_cast %get3A_59 : vector<1x512x1xbf16> to vector<512x1xbf16>
    %mul3A_61 = vector.broadcast %get3A_60 : vector<512x1xbf16> to vector<512x192xbf16>
    %mul3A_62 = arith.mulf %slice3A_55, %mul3A_61 : vector<512x192xbf16>
    %slice3A_63 = vector.extract_strided_slice %bitcast3A_54 {offsets = [0, 192], sizes = [512, 192], strides = [1, 1]} : vector<512x768xbf16> to vector<512x192xbf16>
    %get3A_64 = arith.constant 1 : index
    %get3A_65 = arith.constant 0 : index
    %get3A_66 = arith.constant 1 : index
    %get3A_67 = vector.load %arg2[%get3A_64, %get3A_65, %get3A_66] : memref<9x512x4xbf16, #tpu.memory_space<vmem>>, vector<1x512x1xbf16>
    %get3A_68 = vector.shape_cast %get3A_67 : vector<1x512x1xbf16> to vector<512x1xbf16>
    %mul3A_69 = vector.broadcast %get3A_68 : vector<512x1xbf16> to vector<512x192xbf16>
    %mul3A_70 = arith.mulf %slice3A_63, %mul3A_69 : vector<512x192xbf16>
    %add3A_71 = arith.addf %mul3A_62, %mul3A_70 : vector<512x192xbf16>
    %slice3A_72 = vector.extract_strided_slice %bitcast3A_54 {offsets = [0, 384], sizes = [512, 192], strides = [1, 1]} : vector<512x768xbf16> to vector<512x192xbf16>
    %get3A_73 = arith.constant 1 : index
    %get3A_74 = arith.constant 0 : index
    %get3A_75 = arith.constant 2 : index
    %get3A_76 = vector.load %arg2[%get3A_73, %get3A_74, %get3A_75] : memref<9x512x4xbf16, #tpu.memory_space<vmem>>, vector<1x512x1xbf16>
    %get3A_77 = vector.shape_cast %get3A_76 : vector<1x512x1xbf16> to vector<512x1xbf16>
    %mul3A_78 = vector.broadcast %get3A_77 : vector<512x1xbf16> to vector<512x192xbf16>
    %mul3A_79 = arith.mulf %slice3A_72, %mul3A_78 : vector<512x192xbf16>
    %add3A_80 = arith.addf %add3A_71, %mul3A_79 : vector<512x192xbf16>
    %slice3A_81 = vector.extract_strided_slice %bitcast3A_54 {offsets = [0, 576], sizes = [512, 192], strides = [1, 1]} : vector<512x768xbf16> to vector<512x192xbf16>
    %get3A_82 = arith.constant 1 : index
    %get3A_83 = arith.constant 0 : index
    %get3A_84 = arith.constant 3 : index
    %get3A_85 = vector.load %arg2[%get3A_82, %get3A_83, %get3A_84] : memref<9x512x4xbf16, #tpu.memory_space<vmem>>, vector<1x512x1xbf16>
    %get3A_86 = vector.shape_cast %get3A_85 : vector<1x512x1xbf16> to vector<512x1xbf16>
    %mul3A_87 = vector.broadcast %get3A_86 : vector<512x1xbf16> to vector<512x192xbf16>
    %mul3A_88 = arith.mulf %slice3A_81, %mul3A_87 : vector<512x192xbf16>
    %add3A_89 = arith.addf %add3A_80, %mul3A_88 : vector<512x192xbf16>
    %get3A_90 = arith.constant 1 : index
    %get3A_91 = arith.constant 0 : index
    %get3A_92 = arith.constant 0 : index
    %get3A_93 = vector.load %arg3[%get3A_90, %get3A_91, %get3A_92] : memref<9x192x384xbf16, #tpu.memory_space<vmem>>, vector<1x192x384xbf16>
    %get3A_94 = vector.shape_cast %get3A_93 : vector<1x192x384xbf16> to vector<192x384xbf16>
    %dot_general3A_95 = arith.constant dense<0.000000e+00> : vector<512x384xf32>
    %dot_general3A_96 = tpu.matmul %add3A_89, %get3A_94, %dot_general3A_95 {dimension_numbers = #tpu.dot_dimension_numbers<[1], [0], [0], [1], [0, 0, 1, 1], [], []>, transpose_lhs_hint = false} : vector<512x192xbf16>, vector<192x384xbf16>, vector<512x384xf32> -> vector<512x384xf32>
    %get3A_97 = arith.constant 1 : index
    %get3A_98 = arith.constant 0 : index
    %get3A_99 = arith.constant 0 : index
    %get3A_100 = vector.load %arg4[%get3A_97, %get3A_98, %get3A_99] : memref<9x192x384xbf16, #tpu.memory_space<vmem>>, vector<1x192x384xbf16>
    %get3A_101 = vector.shape_cast %get3A_100 : vector<1x192x384xbf16> to vector<192x384xbf16>
    %dot_general3A_102 = arith.constant dense<0.000000e+00> : vector<512x384xf32>
    %dot_general3A_103 = tpu.matmul %add3A_89, %get3A_101, %dot_general3A_102 {dimension_numbers = #tpu.dot_dimension_numbers<[1], [0], [0], [1], [0, 0, 1, 1], [], []>, transpose_lhs_hint = false} : vector<512x192xbf16>, vector<192x384xbf16>, vector<512x384xf32> -> vector<512x384xf32>
    %add3A_104 = arith.addf %dot_general3A_41, %dot_general3A_96 : vector<512x384xf32>
    %add3A_105 = arith.addf %dot_general3A_48, %dot_general3A_103 : vector<512x384xf32>
    %get3A_106 = arith.constant 2 : index
    %get3A_107 = arith.constant 0 : index
    %get3A_108 = arith.constant 0 : index
    %get3A_109 = vector.load %arg1[%get3A_106, %get3A_107, %get3A_108] : memref<9x256x768xi32, #tpu.memory_space<vmem>>, vector<1x256x768xi32>
    %get3A_110 = vector.shape_cast %get3A_109 : vector<1x256x768xi32> to vector<256x768xi32>
    %bitcast3A_111 = tpu.bitcast %get3A_110 : vector<256x768xi32> -> vector<512x768xbf16>
    %slice3A_112 = vector.extract_strided_slice %bitcast3A_111 {offsets = [0, 0], sizes = [512, 192], strides = [1, 1]} : vector<512x768xbf16> to vector<512x192xbf16>
    %get3A_113 = arith.constant 2 : index
    %get3A_114 = arith.constant 0 : index
    %get3A_115 = arith.constant 0 : index
    %get3A_116 = vector.load %arg2[%get3A_113, %get3A_114, %get3A_115] : memref<9x512x4xbf16, #tpu.memory_space<vmem>>, vector<1x512x1xbf16>
    %get3A_117 = vector.shape_cast %get3A_116 : vector<1x512x1xbf16> to vector<512x1xbf16>
    %mul3A_118 = vector.broadcast %get3A_117 : vector<512x1xbf16> to vector<512x192xbf16>
    %mul3A_119 = arith.mulf %slice3A_112, %mul3A_118 : vector<512x192xbf16>
    %slice3A_120 = vector.extract_strided_slice %bitcast3A_111 {offsets = [0, 192], sizes = [512, 192], strides = [1, 1]} : vector<512x768xbf16> to vector<512x192xbf16>
    %get3A_121 = arith.constant 2 : index
    %get3A_122 = arith.constant 0 : index
    %get3A_123 = arith.constant 1 : index
    %get3A_124 = vector.load %arg2[%get3A_121, %get3A_122, %get3A_123] : memref<9x512x4xbf16, #tpu.memory_space<vmem>>, vector<1x512x1xbf16>
    %get3A_125 = vector.shape_cast %get3A_124 : vector<1x512x1xbf16> to vector<512x1xbf16>
    %mul3A_126 = vector.broadcast %get3A_125 : vector<512x1xbf16> to vector<512x192xbf16>
    %mul3A_127 = arith.mulf %slice3A_120, %mul3A_126 : vector<512x192xbf16>
    %add3A_128 = arith.addf %mul3A_119, %mul3A_127 : vector<512x192xbf16>
    %slice3A_129 = vector.extract_strided_slice %bitcast3A_111 {offsets = [0, 384], sizes = [512, 192], strides = [1, 1]} : vector<512x768xbf16> to vector<512x192xbf16>
    %get3A_130 = arith.constant 2 : index
    %get3A_131 = arith.constant 0 : index
    %get3A_132 = arith.constant 2 : index
    %get3A_133 = vector.load %arg2[%get3A_130, %get3A_131, %get3A_132] : memref<9x512x4xbf16, #tpu.memory_space<vmem>>, vector<1x512x1xbf16>
    %get3A_134 = vector.shape_cast %get3A_133 : vector<1x512x1xbf16> to vector<512x1xbf16>
    %mul3A_135 = vector.broadcast %get3A_134 : vector<512x1xbf16> to vector<512x192xbf16>
    %mul3A_136 = arith.mulf %slice3A_129, %mul3A_135 : vector<512x192xbf16>
    %add3A_137 = arith.addf %add3A_128, %mul3A_136 : vector<512x192xbf16>
    %slice3A_138 = vector.extract_strided_slice %bitcast3A_111 {offsets = [0, 576], sizes = [512, 192], strides = [1, 1]} : vector<512x768xbf16> to vector<512x192xbf16>
    %get3A_139 = arith.constant 2 : index
    %get3A_140 = arith.constant 0 : index
    %get3A_141 = arith.constant 3 : index
    %get3A_142 = vector.load %arg2[%get3A_139, %get3A_140, %get3A_141] : memref<9x512x4xbf16, #tpu.memory_space<vmem>>, vector<1x512x1xbf16>
    %get3A_143 = vector.shape_cast %get3A_142 : vector<1x512x1xbf16> to vector<512x1xbf16>
    %mul3A_144 = vector.broadcast %get3A_143 : vector<512x1xbf16> to vector<512x192xbf16>
    %mul3A_145 = arith.mulf %slice3A_138, %mul3A_144 : vector<512x192xbf16>
    %add3A_146 = arith.addf %add3A_137, %mul3A_145 : vector<512x192xbf16>
    %get3A_147 = arith.constant 2 : index
    %get3A_148 = arith.constant 0 : index
    %get3A_149 = arith.constant 0 : index
    %get3A_150 = vector.load %arg3[%get3A_147, %get3A_148, %get3A_149] : memref<9x192x384xbf16, #tpu.memory_space<vmem>>, vector<1x192x384xbf16>
    %get3A_151 = vector.shape_cast %get3A_150 : vector<1x192x384xbf16> to vector<192x384xbf16>
    %dot_general3A_152 = arith.constant dense<0.000000e+00> : vector<512x384xf32>
    %dot_general3A_153 = tpu.matmul %add3A_146, %get3A_151, %dot_general3A_152 {dimension_numbers = #tpu.dot_dimension_numbers<[1], [0], [0], [1], [0, 0, 1, 1], [], []>, transpose_lhs_hint = false} : vector<512x192xbf16>, vector<192x384xbf16>, vector<512x384xf32> -> vector<512x384xf32>
    %get3A_154 = arith.constant 2 : index
    %get3A_155 = arith.constant 0 : index
    %get3A_156 = arith.constant 0 : index
    %get3A_157 = vector.load %arg4[%get3A_154, %get3A_155, %get3A_156] : memref<9x192x384xbf16, #tpu.memory_space<vmem>>, vector<1x192x384xbf16>
    %get3A_158 = vector.shape_cast %get3A_157 : vector<1x192x384xbf16> to vector<192x384xbf16>
    %dot_general3A_159 = arith.constant dense<0.000000e+00> : vector<512x384xf32>
    %dot_general3A_160 = tpu.matmul %add3A_146, %get3A_158, %dot_general3A_159 {dimension_numbers = #tpu.dot_dimension_numbers<[1], [0], [0], [1], [0, 0, 1, 1], [], []>, transpose_lhs_hint = false} : vector<512x192xbf16>, vector<192x384xbf16>, vector<512x384xf32> -> vector<512x384xf32>
    %add3A_161 = arith.addf %add3A_104, %dot_general3A_153 : vector<512x384xf32>
    %add3A_162 = arith.addf %add3A_105, %dot_general3A_160 : vector<512x384xf32>
    %get3A_163 = arith.constant 3 : index
    %get3A_164 = arith.constant 0 : index
    %get3A_165 = arith.constant 0 : index
    %get3A_166 = vector.load %arg1[%get3A_163, %get3A_164, %get3A_165] : memref<9x256x768xi32, #tpu.memory_space<vmem>>, vector<1x256x768xi32>
    %get3A_167 = vector.shape_cast %get3A_166 : vector<1x256x768xi32> to vector<256x768xi32>
    %bitcast3A_168 = tpu.bitcast %get3A_167 : vector<256x768xi32> -> vector<512x768xbf16>
    %slice3A_169 = vector.extract_strided_slice %bitcast3A_168 {offsets = [0, 0], sizes = [512, 192], strides = [1, 1]} : vector<512x768xbf16> to vector<512x192xbf16>
    %get3A_170 = arith.constant 3 : index
    %get3A_171 = arith.constant 0 : index
    %get3A_172 = arith.constant 0 : index
    %get3A_173 = vector.load %arg2[%get3A_170, %get3A_171, %get3A_172] : memref<9x512x4xbf16, #tpu.memory_space<vmem>>, vector<1x512x1xbf16>
    %get3A_174 = vector.shape_cast %get3A_173 : vector<1x512x1xbf16> to vector<512x1xbf16>
    %mul3A_175 = vector.broadcast %get3A_174 : vector<512x1xbf16> to vector<512x192xbf16>
    %mul3A_176 = arith.mulf %slice3A_169, %mul3A_175 : vector<512x192xbf16>
    %slice3A_177 = vector.extract_strided_slice %bitcast3A_168 {offsets = [0, 192], sizes = [512, 192], strides = [1, 1]} : vector<512x768xbf16> to vector<512x192xbf16>
    %get3A_178 = arith.constant 3 : index
    %get3A_179 = arith.constant 0 : index
    %get3A_180 = arith.constant 1 : index
    %get3A_181 = vector.load %arg2[%get3A_178, %get3A_179, %get3A_180] : memref<9x512x4xbf16, #tpu.memory_space<vmem>>, vector<1x512x1xbf16>
    %get3A_182 = vector.shape_cast %get3A_181 : vector<1x512x1xbf16> to vector<512x1xbf16>
    %mul3A_183 = vector.broadcast %get3A_182 : vector<512x1xbf16> to vector<512x192xbf16>
    %mul3A_184 = arith.mulf %slice3A_177, %mul3A_183 : vector<512x192xbf16>
    %add3A_185 = arith.addf %mul3A_176, %mul3A_184 : vector<512x192xbf16>
    %slice3A_186 = vector.extract_strided_slice %bitcast3A_168 {offsets = [0, 384], sizes = [512, 192], strides = [1, 1]} : vector<512x768xbf16> to vector<512x192xbf16>
    %get3A_187 = arith.constant 3 : index
    %get3A_188 = arith.constant 0 : index
    %get3A_189 = arith.constant 2 : index
    %get3A_190 = vector.load %arg2[%get3A_187, %get3A_188, %get3A_189] : memref<9x512x4xbf16, #tpu.memory_space<vmem>>, vector<1x512x1xbf16>
    %get3A_191 = vector.shape_cast %get3A_190 : vector<1x512x1xbf16> to vector<512x1xbf16>
    %mul3A_192 = vector.broadcast %get3A_191 : vector<512x1xbf16> to vector<512x192xbf16>
    %mul3A_193 = arith.mulf %slice3A_186, %mul3A_192 : vector<512x192xbf16>
    %add3A_194 = arith.addf %add3A_185, %mul3A_193 : vector<512x192xbf16>
    %slice3A_195 = vector.extract_strided_slice %bitcast3A_168 {offsets = [0, 576], sizes = [512, 192], strides = [1, 1]} : vector<512x768xbf16> to vector<512x192xbf16>
    %get3A_196 = arith.constant 3 : index
    %get3A_197 = arith.constant 0 : index
    %get3A_198 = arith.constant 3 : index
    %get3A_199 = vector.load %arg2[%get3A_196, %get3A_197, %get3A_198] : memref<9x512x4xbf16, #tpu.memory_space<vmem>>, vector<1x512x1xbf16>
    %get3A_200 = vector.shape_cast %get3A_199 : vector<1x512x1xbf16> to vector<512x1xbf16>
    %mul3A_201 = vector.broadcast %get3A_200 : vector<512x1xbf16> to vector<512x192xbf16>
    %mul3A_202 = arith.mulf %slice3A_195, %mul3A_201 : vector<512x192xbf16>
    %add3A_203 = arith.addf %add3A_194, %mul3A_202 : vector<512x192xbf16>
    %get3A_204 = arith.constant 3 : index
    %get3A_205 = arith.constant 0 : index
    %get3A_206 = arith.constant 0 : index
    %get3A_207 = vector.load %arg3[%get3A_204, %get3A_205, %get3A_206] : memref<9x192x384xbf16, #tpu.memory_space<vmem>>, vector<1x192x384xbf16>
    %get3A_208 = vector.shape_cast %get3A_207 : vector<1x192x384xbf16> to vector<192x384xbf16>
    %dot_general3A_209 = arith.constant dense<0.000000e+00> : vector<512x384xf32>
    %dot_general3A_210 = tpu.matmul %add3A_203, %get3A_208, %dot_general3A_209 {dimension_numbers = #tpu.dot_dimension_numbers<[1], [0], [0], [1], [0, 0, 1, 1], [], []>, transpose_lhs_hint = false} : vector<512x192xbf16>, vector<192x384xbf16>, vector<512x384xf32> -> vector<512x384xf32>
    %get3A_211 = arith.constant 3 : index
    %get3A_212 = arith.constant 0 : index
    %get3A_213 = arith.constant 0 : index
    %get3A_214 = vector.load %arg4[%get3A_211, %get3A_212, %get3A_213] : memref<9x192x384xbf16, #tpu.memory_space<vmem>>, vector<1x192x384xbf16>
    %get3A_215 = vector.shape_cast %get3A_214 : vector<1x192x384xbf16> to vector<192x384xbf16>
    %dot_general3A_216 = arith.constant dense<0.000000e+00> : vector<512x384xf32>
    %dot_general3A_217 = tpu.matmul %add3A_203, %get3A_215, %dot_general3A_216 {dimension_numbers = #tpu.dot_dimension_numbers<[1], [0], [0], [1], [0, 0, 1, 1], [], []>, transpose_lhs_hint = false} : vector<512x192xbf16>, vector<192x384xbf16>, vector<512x384xf32> -> vector<512x384xf32>
    %add3A_218 = arith.addf %add3A_161, %dot_general3A_210 : vector<512x384xf32>
    %add3A_219 = arith.addf %add3A_162, %dot_general3A_217 : vector<512x384xf32>
    %get3A_220 = arith.constant 4 : index
    %get3A_221 = arith.constant 0 : index
    %get3A_222 = arith.constant 0 : index
    %get3A_223 = vector.load %arg1[%get3A_220, %get3A_221, %get3A_222] : memref<9x256x768xi32, #tpu.memory_space<vmem>>, vector<1x256x768xi32>
    %get3A_224 = vector.shape_cast %get3A_223 : vector<1x256x768xi32> to vector<256x768xi32>
    %bitcast3A_225 = tpu.bitcast %get3A_224 : vector<256x768xi32> -> vector<512x768xbf16>
    %slice3A_226 = vector.extract_strided_slice %bitcast3A_225 {offsets = [0, 0], sizes = [512, 192], strides = [1, 1]} : vector<512x768xbf16> to vector<512x192xbf16>
    %get3A_227 = arith.constant 4 : index
    %get3A_228 = arith.constant 0 : index
    %get3A_229 = arith.constant 0 : index
    %get3A_230 = vector.load %arg2[%get3A_227, %get3A_228, %get3A_229] : memref<9x512x4xbf16, #tpu.memory_space<vmem>>, vector<1x512x1xbf16>
    %get3A_231 = vector.shape_cast %get3A_230 : vector<1x512x1xbf16> to vector<512x1xbf16>
    %mul3A_232 = vector.broadcast %get3A_231 : vector<512x1xbf16> to vector<512x192xbf16>
    %mul3A_233 = arith.mulf %slice3A_226, %mul3A_232 : vector<512x192xbf16>
    %slice3A_234 = vector.extract_strided_slice %bitcast3A_225 {offsets = [0, 192], sizes = [512, 192], strides = [1, 1]} : vector<512x768xbf16> to vector<512x192xbf16>
    %get3A_235 = arith.constant 4 : index
    %get3A_236 = arith.constant 0 : index
    %get3A_237 = arith.constant 1 : index
    %get3A_238 = vector.load %arg2[%get3A_235, %get3A_236, %get3A_237] : memref<9x512x4xbf16, #tpu.memory_space<vmem>>, vector<1x512x1xbf16>
    %get3A_239 = vector.shape_cast %get3A_238 : vector<1x512x1xbf16> to vector<512x1xbf16>
    %mul3A_240 = vector.broadcast %get3A_239 : vector<512x1xbf16> to vector<512x192xbf16>
    %mul3A_241 = arith.mulf %slice3A_234, %mul3A_240 : vector<512x192xbf16>
    %add3A_242 = arith.addf %mul3A_233, %mul3A_241 : vector<512x192xbf16>
    %slice3A_243 = vector.extract_strided_slice %bitcast3A_225 {offsets = [0, 384], sizes = [512, 192], strides = [1, 1]} : vector<512x768xbf16> to vector<512x192xbf16>
    %get3A_244 = arith.constant 4 : index
    %get3A_245 = arith.constant 0 : index
    %get3A_246 = arith.constant 2 : index
    %get3A_247 = vector.load %arg2[%get3A_244, %get3A_245, %get3A_246] : memref<9x512x4xbf16, #tpu.memory_space<vmem>>, vector<1x512x1xbf16>
    %get3A_248 = vector.shape_cast %get3A_247 : vector<1x512x1xbf16> to vector<512x1xbf16>
    %mul3A_249 = vector.broadcast %get3A_248 : vector<512x1xbf16> to vector<512x192xbf16>
    %mul3A_250 = arith.mulf %slice3A_243, %mul3A_249 : vector<512x192xbf16>
    %add3A_251 = arith.addf %add3A_242, %mul3A_250 : vector<512x192xbf16>
    %slice3A_252 = vector.extract_strided_slice %bitcast3A_225 {offsets = [0, 576], sizes = [512, 192], strides = [1, 1]} : vector<512x768xbf16> to vector<512x192xbf16>
    %get3A_253 = arith.constant 4 : index
    %get3A_254 = arith.constant 0 : index
    %get3A_255 = arith.constant 3 : index
    %get3A_256 = vector.load %arg2[%get3A_253, %get3A_254, %get3A_255] : memref<9x512x4xbf16, #tpu.memory_space<vmem>>, vector<1x512x1xbf16>
    %get3A_257 = vector.shape_cast %get3A_256 : vector<1x512x1xbf16> to vector<512x1xbf16>
    %mul3A_258 = vector.broadcast %get3A_257 : vector<512x1xbf16> to vector<512x192xbf16>
    %mul3A_259 = arith.mulf %slice3A_252, %mul3A_258 : vector<512x192xbf16>
    %add3A_260 = arith.addf %add3A_251, %mul3A_259 : vector<512x192xbf16>
    %get3A_261 = arith.constant 4 : index
    %get3A_262 = arith.constant 0 : index
    %get3A_263 = arith.constant 0 : index
    %get3A_264 = vector.load %arg3[%get3A_261, %get3A_262, %get3A_263] : memref<9x192x384xbf16, #tpu.memory_space<vmem>>, vector<1x192x384xbf16>
    %get3A_265 = vector.shape_cast %get3A_264 : vector<1x192x384xbf16> to vector<192x384xbf16>
    %dot_general3A_266 = arith.constant dense<0.000000e+00> : vector<512x384xf32>
    %dot_general3A_267 = tpu.matmul %add3A_260, %get3A_265, %dot_general3A_266 {dimension_numbers = #tpu.dot_dimension_numbers<[1], [0], [0], [1], [0, 0, 1, 1], [], []>, transpose_lhs_hint = false} : vector<512x192xbf16>, vector<192x384xbf16>, vector<512x384xf32> -> vector<512x384xf32>
    %get3A_268 = arith.constant 4 : index
    %get3A_269 = arith.constant 0 : index
    %get3A_270 = arith.constant 0 : index
    %get3A_271 = vector.load %arg4[%get3A_268, %get3A_269, %get3A_270] : memref<9x192x384xbf16, #tpu.memory_space<vmem>>, vector<1x192x384xbf16>
    %get3A_272 = vector.shape_cast %get3A_271 : vector<1x192x384xbf16> to vector<192x384xbf16>
    %dot_general3A_273 = arith.constant dense<0.000000e+00> : vector<512x384xf32>
    %dot_general3A_274 = tpu.matmul %add3A_260, %get3A_272, %dot_general3A_273 {dimension_numbers = #tpu.dot_dimension_numbers<[1], [0], [0], [1], [0, 0, 1, 1], [], []>, transpose_lhs_hint = false} : vector<512x192xbf16>, vector<192x384xbf16>, vector<512x384xf32> -> vector<512x384xf32>
    %add3A_275 = arith.addf %add3A_218, %dot_general3A_267 : vector<512x384xf32>
    %add3A_276 = arith.addf %add3A_219, %dot_general3A_274 : vector<512x384xf32>
    %get3A_277 = arith.constant 5 : index
    %get3A_278 = arith.constant 0 : index
    %get3A_279 = arith.constant 0 : index
    %get3A_280 = vector.load %arg1[%get3A_277, %get3A_278, %get3A_279] : memref<9x256x768xi32, #tpu.memory_space<vmem>>, vector<1x256x768xi32>
    %get3A_281 = vector.shape_cast %get3A_280 : vector<1x256x768xi32> to vector<256x768xi32>
    %bitcast3A_282 = tpu.bitcast %get3A_281 : vector<256x768xi32> -> vector<512x768xbf16>
    %slice3A_283 = vector.extract_strided_slice %bitcast3A_282 {offsets = [0, 0], sizes = [512, 192], strides = [1, 1]} : vector<512x768xbf16> to vector<512x192xbf16>
    %get3A_284 = arith.constant 5 : index
    %get3A_285 = arith.constant 0 : index
    %get3A_286 = arith.constant 0 : index
    %get3A_287 = vector.load %arg2[%get3A_284, %get3A_285, %get3A_286] : memref<9x512x4xbf16, #tpu.memory_space<vmem>>, vector<1x512x1xbf16>
    %get3A_288 = vector.shape_cast %get3A_287 : vector<1x512x1xbf16> to vector<512x1xbf16>
    %mul3A_289 = vector.broadcast %get3A_288 : vector<512x1xbf16> to vector<512x192xbf16>
    %mul3A_290 = arith.mulf %slice3A_283, %mul3A_289 : vector<512x192xbf16>
    %slice3A_291 = vector.extract_strided_slice %bitcast3A_282 {offsets = [0, 192], sizes = [512, 192], strides = [1, 1]} : vector<512x768xbf16> to vector<512x192xbf16>
    %get3A_292 = arith.constant 5 : index
    %get3A_293 = arith.constant 0 : index
    %get3A_294 = arith.constant 1 : index
    %get3A_295 = vector.load %arg2[%get3A_292, %get3A_293, %get3A_294] : memref<9x512x4xbf16, #tpu.memory_space<vmem>>, vector<1x512x1xbf16>
    %get3A_296 = vector.shape_cast %get3A_295 : vector<1x512x1xbf16> to vector<512x1xbf16>
    %mul3A_297 = vector.broadcast %get3A_296 : vector<512x1xbf16> to vector<512x192xbf16>
    %mul3A_298 = arith.mulf %slice3A_291, %mul3A_297 : vector<512x192xbf16>
    %add3A_299 = arith.addf %mul3A_290, %mul3A_298 : vector<512x192xbf16>
    %slice3A_300 = vector.extract_strided_slice %bitcast3A_282 {offsets = [0, 384], sizes = [512, 192], strides = [1, 1]} : vector<512x768xbf16> to vector<512x192xbf16>
    %get3A_301 = arith.constant 5 : index
    %get3A_302 = arith.constant 0 : index
    %get3A_303 = arith.constant 2 : index
    %get3A_304 = vector.load %arg2[%get3A_301, %get3A_302, %get3A_303] : memref<9x512x4xbf16, #tpu.memory_space<vmem>>, vector<1x512x1xbf16>
    %get3A_305 = vector.shape_cast %get3A_304 : vector<1x512x1xbf16> to vector<512x1xbf16>
    %mul3A_306 = vector.broadcast %get3A_305 : vector<512x1xbf16> to vector<512x192xbf16>
    %mul3A_307 = arith.mulf %slice3A_300, %mul3A_306 : vector<512x192xbf16>
    %add3A_308 = arith.addf %add3A_299, %mul3A_307 : vector<512x192xbf16>
    %slice3A_309 = vector.extract_strided_slice %bitcast3A_282 {offsets = [0, 576], sizes = [512, 192], strides = [1, 1]} : vector<512x768xbf16> to vector<512x192xbf16>
    %get3A_310 = arith.constant 5 : index
    %get3A_311 = arith.constant 0 : index
    %get3A_312 = arith.constant 3 : index
    %get3A_313 = vector.load %arg2[%get3A_310, %get3A_311, %get3A_312] : memref<9x512x4xbf16, #tpu.memory_space<vmem>>, vector<1x512x1xbf16>
    %get3A_314 = vector.shape_cast %get3A_313 : vector<1x512x1xbf16> to vector<512x1xbf16>
    %mul3A_315 = vector.broadcast %get3A_314 : vector<512x1xbf16> to vector<512x192xbf16>
    %mul3A_316 = arith.mulf %slice3A_309, %mul3A_315 : vector<512x192xbf16>
    %add3A_317 = arith.addf %add3A_308, %mul3A_316 : vector<512x192xbf16>
    %get3A_318 = arith.constant 5 : index
    %get3A_319 = arith.constant 0 : index
    %get3A_320 = arith.constant 0 : index
    %get3A_321 = vector.load %arg3[%get3A_318, %get3A_319, %get3A_320] : memref<9x192x384xbf16, #tpu.memory_space<vmem>>, vector<1x192x384xbf16>
    %get3A_322 = vector.shape_cast %get3A_321 : vector<1x192x384xbf16> to vector<192x384xbf16>
    %dot_general3A_323 = arith.constant dense<0.000000e+00> : vector<512x384xf32>
    %dot_general3A_324 = tpu.matmul %add3A_317, %get3A_322, %dot_general3A_323 {dimension_numbers = #tpu.dot_dimension_numbers<[1], [0], [0], [1], [0, 0, 1, 1], [], []>, transpose_lhs_hint = false} : vector<512x192xbf16>, vector<192x384xbf16>, vector<512x384xf32> -> vector<512x384xf32>
    %get3A_325 = arith.constant 5 : index
    %get3A_326 = arith.constant 0 : index
    %get3A_327 = arith.constant 0 : index
    %get3A_328 = vector.load %arg4[%get3A_325, %get3A_326, %get3A_327] : memref<9x192x384xbf16, #tpu.memory_space<vmem>>, vector<1x192x384xbf16>
    %get3A_329 = vector.shape_cast %get3A_328 : vector<1x192x384xbf16> to vector<192x384xbf16>
    %dot_general3A_330 = arith.constant dense<0.000000e+00> : vector<512x384xf32>
    %dot_general3A_331 = tpu.matmul %add3A_317, %get3A_329, %dot_general3A_330 {dimension_numbers = #tpu.dot_dimension_numbers<[1], [0], [0], [1], [0, 0, 1, 1], [], []>, transpose_lhs_hint = false} : vector<512x192xbf16>, vector<192x384xbf16>, vector<512x384xf32> -> vector<512x384xf32>
    %add3A_332 = arith.addf %add3A_275, %dot_general3A_324 : vector<512x384xf32>
    %add3A_333 = arith.addf %add3A_276, %dot_general3A_331 : vector<512x384xf32>
    %get3A_334 = arith.constant 6 : index
    %get3A_335 = arith.constant 0 : index
    %get3A_336 = arith.constant 0 : index
    %get3A_337 = vector.load %arg1[%get3A_334, %get3A_335, %get3A_336] : memref<9x256x768xi32, #tpu.memory_space<vmem>>, vector<1x256x768xi32>
    %get3A_338 = vector.shape_cast %get3A_337 : vector<1x256x768xi32> to vector<256x768xi32>
    %bitcast3A_339 = tpu.bitcast %get3A_338 : vector<256x768xi32> -> vector<512x768xbf16>
    %slice3A_340 = vector.extract_strided_slice %bitcast3A_339 {offsets = [0, 0], sizes = [512, 192], strides = [1, 1]} : vector<512x768xbf16> to vector<512x192xbf16>
    %get3A_341 = arith.constant 6 : index
    %get3A_342 = arith.constant 0 : index
    %get3A_343 = arith.constant 0 : index
    %get3A_344 = vector.load %arg2[%get3A_341, %get3A_342, %get3A_343] : memref<9x512x4xbf16, #tpu.memory_space<vmem>>, vector<1x512x1xbf16>
    %get3A_345 = vector.shape_cast %get3A_344 : vector<1x512x1xbf16> to vector<512x1xbf16>
    %mul3A_346 = vector.broadcast %get3A_345 : vector<512x1xbf16> to vector<512x192xbf16>
    %mul3A_347 = arith.mulf %slice3A_340, %mul3A_346 : vector<512x192xbf16>
    %slice3A_348 = vector.extract_strided_slice %bitcast3A_339 {offsets = [0, 192], sizes = [512, 192], strides = [1, 1]} : vector<512x768xbf16> to vector<512x192xbf16>
    %get3A_349 = arith.constant 6 : index
    %get3A_350 = arith.constant 0 : index
    %get3A_351 = arith.constant 1 : index
    %get3A_352 = vector.load %arg2[%get3A_349, %get3A_350, %get3A_351] : memref<9x512x4xbf16, #tpu.memory_space<vmem>>, vector<1x512x1xbf16>
    %get3A_353 = vector.shape_cast %get3A_352 : vector<1x512x1xbf16> to vector<512x1xbf16>
    %mul3A_354 = vector.broadcast %get3A_353 : vector<512x1xbf16> to vector<512x192xbf16>
    %mul3A_355 = arith.mulf %slice3A_348, %mul3A_354 : vector<512x192xbf16>
    %add3A_356 = arith.addf %mul3A_347, %mul3A_355 : vector<512x192xbf16>
    %slice3A_357 = vector.extract_strided_slice %bitcast3A_339 {offsets = [0, 384], sizes = [512, 192], strides = [1, 1]} : vector<512x768xbf16> to vector<512x192xbf16>
    %get3A_358 = arith.constant 6 : index
    %get3A_359 = arith.constant 0 : index
    %get3A_360 = arith.constant 2 : index
    %get3A_361 = vector.load %arg2[%get3A_358, %get3A_359, %get3A_360] : memref<9x512x4xbf16, #tpu.memory_space<vmem>>, vector<1x512x1xbf16>
    %get3A_362 = vector.shape_cast %get3A_361 : vector<1x512x1xbf16> to vector<512x1xbf16>
    %mul3A_363 = vector.broadcast %get3A_362 : vector<512x1xbf16> to vector<512x192xbf16>
    %mul3A_364 = arith.mulf %slice3A_357, %mul3A_363 : vector<512x192xbf16>
    %add3A_365 = arith.addf %add3A_356, %mul3A_364 : vector<512x192xbf16>
    %slice3A_366 = vector.extract_strided_slice %bitcast3A_339 {offsets = [0, 576], sizes = [512, 192], strides = [1, 1]} : vector<512x768xbf16> to vector<512x192xbf16>
    %get3A_367 = arith.constant 6 : index
    %get3A_368 = arith.constant 0 : index
    %get3A_369 = arith.constant 3 : index
    %get3A_370 = vector.load %arg2[%get3A_367, %get3A_368, %get3A_369] : memref<9x512x4xbf16, #tpu.memory_space<vmem>>, vector<1x512x1xbf16>
    %get3A_371 = vector.shape_cast %get3A_370 : vector<1x512x1xbf16> to vector<512x1xbf16>
    %mul3A_372 = vector.broadcast %get3A_371 : vector<512x1xbf16> to vector<512x192xbf16>
    %mul3A_373 = arith.mulf %slice3A_366, %mul3A_372 : vector<512x192xbf16>
    %add3A_374 = arith.addf %add3A_365, %mul3A_373 : vector<512x192xbf16>
    %get3A_375 = arith.constant 6 : index
    %get3A_376 = arith.constant 0 : index
    %get3A_377 = arith.constant 0 : index
    %get3A_378 = vector.load %arg3[%get3A_375, %get3A_376, %get3A_377] : memref<9x192x384xbf16, #tpu.memory_space<vmem>>, vector<1x192x384xbf16>
    %get3A_379 = vector.shape_cast %get3A_378 : vector<1x192x384xbf16> to vector<192x384xbf16>
    %dot_general3A_380 = arith.constant dense<0.000000e+00> : vector<512x384xf32>
    %dot_general3A_381 = tpu.matmul %add3A_374, %get3A_379, %dot_general3A_380 {dimension_numbers = #tpu.dot_dimension_numbers<[1], [0], [0], [1], [0, 0, 1, 1], [], []>, transpose_lhs_hint = false} : vector<512x192xbf16>, vector<192x384xbf16>, vector<512x384xf32> -> vector<512x384xf32>
    %get3A_382 = arith.constant 6 : index
    %get3A_383 = arith.constant 0 : index
    %get3A_384 = arith.constant 0 : index
    %get3A_385 = vector.load %arg4[%get3A_382, %get3A_383, %get3A_384] : memref<9x192x384xbf16, #tpu.memory_space<vmem>>, vector<1x192x384xbf16>
    %get3A_386 = vector.shape_cast %get3A_385 : vector<1x192x384xbf16> to vector<192x384xbf16>
    %dot_general3A_387 = arith.constant dense<0.000000e+00> : vector<512x384xf32>
    %dot_general3A_388 = tpu.matmul %add3A_374, %get3A_386, %dot_general3A_387 {dimension_numbers = #tpu.dot_dimension_numbers<[1], [0], [0], [1], [0, 0, 1, 1], [], []>, transpose_lhs_hint = false} : vector<512x192xbf16>, vector<192x384xbf16>, vector<512x384xf32> -> vector<512x384xf32>
    %add3A_389 = arith.addf %add3A_332, %dot_general3A_381 : vector<512x384xf32>
    %add3A_390 = arith.addf %add3A_333, %dot_general3A_388 : vector<512x384xf32>
    %get3A_391 = arith.constant 7 : index
    %get3A_392 = arith.constant 0 : index
    %get3A_393 = arith.constant 0 : index
    %get3A_394 = vector.load %arg1[%get3A_391, %get3A_392, %get3A_393] : memref<9x256x768xi32, #tpu.memory_space<vmem>>, vector<1x256x768xi32>
    %get3A_395 = vector.shape_cast %get3A_394 : vector<1x256x768xi32> to vector<256x768xi32>
    %bitcast3A_396 = tpu.bitcast %get3A_395 : vector<256x768xi32> -> vector<512x768xbf16>
    %slice3A_397 = vector.extract_strided_slice %bitcast3A_396 {offsets = [0, 0], sizes = [512, 192], strides = [1, 1]} : vector<512x768xbf16> to vector<512x192xbf16>
    %get3A_398 = arith.constant 7 : index
    %get3A_399 = arith.constant 0 : index
    %get3A_400 = arith.constant 0 : index
    %get3A_401 = vector.load %arg2[%get3A_398, %get3A_399, %get3A_400] : memref<9x512x4xbf16, #tpu.memory_space<vmem>>, vector<1x512x1xbf16>
    %get3A_402 = vector.shape_cast %get3A_401 : vector<1x512x1xbf16> to vector<512x1xbf16>
    %mul3A_403 = vector.broadcast %get3A_402 : vector<512x1xbf16> to vector<512x192xbf16>
    %mul3A_404 = arith.mulf %slice3A_397, %mul3A_403 : vector<512x192xbf16>
    %slice3A_405 = vector.extract_strided_slice %bitcast3A_396 {offsets = [0, 192], sizes = [512, 192], strides = [1, 1]} : vector<512x768xbf16> to vector<512x192xbf16>
    %get3A_406 = arith.constant 7 : index
    %get3A_407 = arith.constant 0 : index
    %get3A_408 = arith.constant 1 : index
    %get3A_409 = vector.load %arg2[%get3A_406, %get3A_407, %get3A_408] : memref<9x512x4xbf16, #tpu.memory_space<vmem>>, vector<1x512x1xbf16>
    %get3A_410 = vector.shape_cast %get3A_409 : vector<1x512x1xbf16> to vector<512x1xbf16>
    %mul3A_411 = vector.broadcast %get3A_410 : vector<512x1xbf16> to vector<512x192xbf16>
    %mul3A_412 = arith.mulf %slice3A_405, %mul3A_411 : vector<512x192xbf16>
    %add3A_413 = arith.addf %mul3A_404, %mul3A_412 : vector<512x192xbf16>
    %slice3A_414 = vector.extract_strided_slice %bitcast3A_396 {offsets = [0, 384], sizes = [512, 192], strides = [1, 1]} : vector<512x768xbf16> to vector<512x192xbf16>
    %get3A_415 = arith.constant 7 : index
    %get3A_416 = arith.constant 0 : index
    %get3A_417 = arith.constant 2 : index
    %get3A_418 = vector.load %arg2[%get3A_415, %get3A_416, %get3A_417] : memref<9x512x4xbf16, #tpu.memory_space<vmem>>, vector<1x512x1xbf16>
    %get3A_419 = vector.shape_cast %get3A_418 : vector<1x512x1xbf16> to vector<512x1xbf16>
    %mul3A_420 = vector.broadcast %get3A_419 : vector<512x1xbf16> to vector<512x192xbf16>
    %mul3A_421 = arith.mulf %slice3A_414, %mul3A_420 : vector<512x192xbf16>
    %add3A_422 = arith.addf %add3A_413, %mul3A_421 : vector<512x192xbf16>
    %slice3A_423 = vector.extract_strided_slice %bitcast3A_396 {offsets = [0, 576], sizes = [512, 192], strides = [1, 1]} : vector<512x768xbf16> to vector<512x192xbf16>
    %get3A_424 = arith.constant 7 : index
    %get3A_425 = arith.constant 0 : index
    %get3A_426 = arith.constant 3 : index
    %get3A_427 = vector.load %arg2[%get3A_424, %get3A_425, %get3A_426] : memref<9x512x4xbf16, #tpu.memory_space<vmem>>, vector<1x512x1xbf16>
    %get3A_428 = vector.shape_cast %get3A_427 : vector<1x512x1xbf16> to vector<512x1xbf16>
    %mul3A_429 = vector.broadcast %get3A_428 : vector<512x1xbf16> to vector<512x192xbf16>
    %mul3A_430 = arith.mulf %slice3A_423, %mul3A_429 : vector<512x192xbf16>
    %add3A_431 = arith.addf %add3A_422, %mul3A_430 : vector<512x192xbf16>
    %get3A_432 = arith.constant 7 : index
    %get3A_433 = arith.constant 0 : index
    %get3A_434 = arith.constant 0 : index
    %get3A_435 = vector.load %arg3[%get3A_432, %get3A_433, %get3A_434] : memref<9x192x384xbf16, #tpu.memory_space<vmem>>, vector<1x192x384xbf16>
    %get3A_436 = vector.shape_cast %get3A_435 : vector<1x192x384xbf16> to vector<192x384xbf16>
    %dot_general3A_437 = arith.constant dense<0.000000e+00> : vector<512x384xf32>
    %dot_general3A_438 = tpu.matmul %add3A_431, %get3A_436, %dot_general3A_437 {dimension_numbers = #tpu.dot_dimension_numbers<[1], [0], [0], [1], [0, 0, 1, 1], [], []>, transpose_lhs_hint = false} : vector<512x192xbf16>, vector<192x384xbf16>, vector<512x384xf32> -> vector<512x384xf32>
    %get3A_439 = arith.constant 7 : index
    %get3A_440 = arith.constant 0 : index
    %get3A_441 = arith.constant 0 : index
    %get3A_442 = vector.load %arg4[%get3A_439, %get3A_440, %get3A_441] : memref<9x192x384xbf16, #tpu.memory_space<vmem>>, vector<1x192x384xbf16>
    %get3A_443 = vector.shape_cast %get3A_442 : vector<1x192x384xbf16> to vector<192x384xbf16>
    %dot_general3A_444 = arith.constant dense<0.000000e+00> : vector<512x384xf32>
    %dot_general3A_445 = tpu.matmul %add3A_431, %get3A_443, %dot_general3A_444 {dimension_numbers = #tpu.dot_dimension_numbers<[1], [0], [0], [1], [0, 0, 1, 1], [], []>, transpose_lhs_hint = false} : vector<512x192xbf16>, vector<192x384xbf16>, vector<512x384xf32> -> vector<512x384xf32>
    %add3A_446 = arith.addf %add3A_389, %dot_general3A_438 : vector<512x384xf32>
    %add3A_447 = arith.addf %add3A_390, %dot_general3A_445 : vector<512x384xf32>
    %get3A_448 = arith.constant 8 : index
    %get3A_449 = arith.constant 0 : index
    %get3A_450 = arith.constant 0 : index
    %get3A_451 = vector.load %arg1[%get3A_448, %get3A_449, %get3A_450] : memref<9x256x768xi32, #tpu.memory_space<vmem>>, vector<1x256x768xi32>
    %get3A_452 = vector.shape_cast %get3A_451 : vector<1x256x768xi32> to vector<256x768xi32>
    %bitcast3A_453 = tpu.bitcast %get3A_452 : vector<256x768xi32> -> vector<512x768xbf16>
    %slice3A_454 = vector.extract_strided_slice %bitcast3A_453 {offsets = [0, 0], sizes = [512, 192], strides = [1, 1]} : vector<512x768xbf16> to vector<512x192xbf16>
    %get3A_455 = arith.constant 8 : index
    %get3A_456 = arith.constant 0 : index
    %get3A_457 = arith.constant 0 : index
    %get3A_458 = vector.load %arg2[%get3A_455, %get3A_456, %get3A_457] : memref<9x512x4xbf16, #tpu.memory_space<vmem>>, vector<1x512x1xbf16>
    %get3A_459 = vector.shape_cast %get3A_458 : vector<1x512x1xbf16> to vector<512x1xbf16>
    %mul3A_460 = vector.broadcast %get3A_459 : vector<512x1xbf16> to vector<512x192xbf16>
    %mul3A_461 = arith.mulf %slice3A_454, %mul3A_460 : vector<512x192xbf16>
    %slice3A_462 = vector.extract_strided_slice %bitcast3A_453 {offsets = [0, 192], sizes = [512, 192], strides = [1, 1]} : vector<512x768xbf16> to vector<512x192xbf16>
    %get3A_463 = arith.constant 8 : index
    %get3A_464 = arith.constant 0 : index
    %get3A_465 = arith.constant 1 : index
    %get3A_466 = vector.load %arg2[%get3A_463, %get3A_464, %get3A_465] : memref<9x512x4xbf16, #tpu.memory_space<vmem>>, vector<1x512x1xbf16>
    %get3A_467 = vector.shape_cast %get3A_466 : vector<1x512x1xbf16> to vector<512x1xbf16>
    %mul3A_468 = vector.broadcast %get3A_467 : vector<512x1xbf16> to vector<512x192xbf16>
    %mul3A_469 = arith.mulf %slice3A_462, %mul3A_468 : vector<512x192xbf16>
    %add3A_470 = arith.addf %mul3A_461, %mul3A_469 : vector<512x192xbf16>
    %slice3A_471 = vector.extract_strided_slice %bitcast3A_453 {offsets = [0, 384], sizes = [512, 192], strides = [1, 1]} : vector<512x768xbf16> to vector<512x192xbf16>
    %get3A_472 = arith.constant 8 : index
    %get3A_473 = arith.constant 0 : index
    %get3A_474 = arith.constant 2 : index
    %get3A_475 = vector.load %arg2[%get3A_472, %get3A_473, %get3A_474] : memref<9x512x4xbf16, #tpu.memory_space<vmem>>, vector<1x512x1xbf16>
    %get3A_476 = vector.shape_cast %get3A_475 : vector<1x512x1xbf16> to vector<512x1xbf16>
    %mul3A_477 = vector.broadcast %get3A_476 : vector<512x1xbf16> to vector<512x192xbf16>
    %mul3A_478 = arith.mulf %slice3A_471, %mul3A_477 : vector<512x192xbf16>
    %add3A_479 = arith.addf %add3A_470, %mul3A_478 : vector<512x192xbf16>
    %slice3A_480 = vector.extract_strided_slice %bitcast3A_453 {offsets = [0, 576], sizes = [512, 192], strides = [1, 1]} : vector<512x768xbf16> to vector<512x192xbf16>
    %get3A_481 = arith.constant 8 : index
    %get3A_482 = arith.constant 0 : index
    %get3A_483 = arith.constant 3 : index
    %get3A_484 = vector.load %arg2[%get3A_481, %get3A_482, %get3A_483] : memref<9x512x4xbf16, #tpu.memory_space<vmem>>, vector<1x512x1xbf16>
    %get3A_485 = vector.shape_cast %get3A_484 : vector<1x512x1xbf16> to vector<512x1xbf16>
    %mul3A_486 = vector.broadcast %get3A_485 : vector<512x1xbf16> to vector<512x192xbf16>
    %mul3A_487 = arith.mulf %slice3A_480, %mul3A_486 : vector<512x192xbf16>
    %add3A_488 = arith.addf %add3A_479, %mul3A_487 : vector<512x192xbf16>
    %get3A_489 = arith.constant 8 : index
    %get3A_490 = arith.constant 0 : index
    %get3A_491 = arith.constant 0 : index
    %get3A_492 = vector.load %arg3[%get3A_489, %get3A_490, %get3A_491] : memref<9x192x384xbf16, #tpu.memory_space<vmem>>, vector<1x192x384xbf16>
    %get3A_493 = vector.shape_cast %get3A_492 : vector<1x192x384xbf16> to vector<192x384xbf16>
    %dot_general3A_494 = arith.constant dense<0.000000e+00> : vector<512x384xf32>
    %dot_general3A_495 = tpu.matmul %add3A_488, %get3A_493, %dot_general3A_494 {dimension_numbers = #tpu.dot_dimension_numbers<[1], [0], [0], [1], [0, 0, 1, 1], [], []>, transpose_lhs_hint = false} : vector<512x192xbf16>, vector<192x384xbf16>, vector<512x384xf32> -> vector<512x384xf32>
    %get3A_496 = arith.constant 8 : index
    %get3A_497 = arith.constant 0 : index
    %get3A_498 = arith.constant 0 : index
    %get3A_499 = vector.load %arg4[%get3A_496, %get3A_497, %get3A_498] : memref<9x192x384xbf16, #tpu.memory_space<vmem>>, vector<1x192x384xbf16>
    %get3A_500 = vector.shape_cast %get3A_499 : vector<1x192x384xbf16> to vector<192x384xbf16>
    %dot_general3A_501 = arith.constant dense<0.000000e+00> : vector<512x384xf32>
    %dot_general3A_502 = tpu.matmul %add3A_488, %get3A_500, %dot_general3A_501 {dimension_numbers = #tpu.dot_dimension_numbers<[1], [0], [0], [1], [0, 0, 1, 1], [], []>, transpose_lhs_hint = false} : vector<512x192xbf16>, vector<192x384xbf16>, vector<512x384xf32> -> vector<512x384xf32>
    %add3A_503 = arith.addf %add3A_446, %dot_general3A_495 : vector<512x384xf32>
    %add3A_504 = arith.addf %add3A_447, %dot_general3A_502 : vector<512x384xf32>
    %roll3A = arith.constant 511 : i32
    %roll3A_505 = tpu.dynamic_rotate %add3A_504 by %roll3A dim 0 : vector<512x384xf32>, i32 -> vector<512x384xf32>
    %add3A_506 = arith.addf %add3A_503, %roll3A_505 : vector<512x384xf32>
    %get3A_507 = arith.constant 0 : index
    %get3A_508 = arith.constant 0 : index
    %get3A_509 = vector.load %arg5[%get3A_507, %get3A_508] : memref<1x384xf32, #tpu.memory_space<vmem>>, vector<1x384xf32>
    %add3A_510 = vector.broadcast %get3A_509 : vector<1x384xf32> to vector<512x384xf32>
    %add3A_511 = arith.addf %add3A_506, %add3A_510 : vector<512x384xf32>
    %swap3A = arith.constant 0 : index
    %swap3A_512 = arith.constant 0 : index
    %swap3A_513 = vector.load %arg6[%swap3A, %swap3A_512] : memref<512x384xf32, #tpu.memory_space<vmem>>, vector<512x384xf32>
    tpu.vector_store %arg6[%swap3A, %swap3A_512], %add3A_511 {strides = array<i32>} : memref<512x384xf32, #tpu.memory_space<vmem>>, vector<512x384xf32>,
    return
  }
  func.func @transform_0(%arg0: i32) -> (i32, i32, i32) {
    %c0_i32 = arith.constant 0 : i32
    %c0_i32_0 = arith.constant 0 : i32
    %c0_i32_1 = arith.constant 0 : i32
    return %c0_i32, %arg0, %c0_i32_0 : i32, i32, i32
  }
  func.func @transform_1(%arg0: i32) -> (i32, i32, i32) {
    %c0_i32 = arith.constant 0 : i32
    %c0_i32_0 = arith.constant 0 : i32
    %c0_i32_1 = arith.constant 0 : i32
    return %c0_i32, %arg0, %c0_i32_0 : i32, i32, i32
  }
  func.func @transform_2(%arg0: i32) -> (i32, i32, i32) {
    %c0_i32 = arith.constant 0 : i32
    %c0_i32_0 = arith.constant 0 : i32
    %c0_i32_1 = arith.constant 0 : i32
    %c0_i32_2 = arith.constant 0 : i32
    return %c0_i32, %c0_i32_0, %c0_i32_1 : i32, i32, i32
  }
  func.func @transform_3(%arg0: i32) -> (i32, i32, i32) {
    %c0_i32 = arith.constant 0 : i32
    %c0_i32_0 = arith.constant 0 : i32
    %c0_i32_1 = arith.constant 0 : i32
    %c0_i32_2 = arith.constant 0 : i32
    return %c0_i32, %c0_i32_0, %c0_i32_1 : i32, i32, i32
  }
  func.func @transform_4(%arg0: i32) -> (i32, i32) {
    %c0_i32 = arith.constant 0 : i32
    %c0_i32_0 = arith.constant 0 : i32
    %c0_i32_1 = arith.constant 0 : i32
    return %c0_i32, %c0_i32_0 : i32, i32
  }
  func.func @transform_5(%arg0: i32) -> (i32, i32) {
    %c0_i32 = arith.constant 0 : i32
    %c0_i32_0 = arith.constant 0 : i32
    return %arg0, %c0_i32 : i32, i32
  }
}

</mosaic_0001>

<sc_bundles>
// kernel: kernel.10.cloned.1.call-start
scs
__scs_entry_jumppad:
0x0: {  	(pc) =	sbr.rel $0x88, $3  }
0x1: {  	(tag) =	ssettag $0x0;
	lr =	simm.s32 $0x1  }
0x2: {  	[smem:$0x3F9D] =	sst lr;
	_ =	strace $0xD0000000  }
0x3: {  	_ = 	snop  }
0x4: {  	_ = 	snop  }
0x5: {  	_ = 	snop  }
0x6: {  	_ = 	snop  }
0x7: {  	_ = 	snop  }
__scs_overlays_trampoline_lowered:
0x8: {  	[smem:$0x3FAC] =	sst s0  }
0x9: {  	[smem:$0x3FAD] =	sst s1  }
0xa: {  	[smem:$0x3FAE] =	sst s2  }
0xb: {  	[smem:$0x3FAF] =	sst s3  }
0xc: {  	[smem:$0x3FB0] =	sst s4  }
0xd: {  	[smem:$0x3FB1] =	sst s5  }
0xe: {  	[smem:$0x3FB2] =	sst s6  }
0xf: {  	[smem:$0x3FB3] =	sst s7  }
0x10: {  	[smem:$0x3FB4] =	sst s8  }
0x11: {  	[smem:$0x3FB5] =	sst s9;
	s0 =	simm.s32 @!p0 $0x0  }
0x12: {  	s1 =	sld [smem:$0x3F9B];
	s0 =	simm.s32 @p0 $0x1  }
0x13: {  	[smem:$0x3FB6] =	sst s0;
	s0 =	simm.s32 @!p1 $0x0  }
0x14: {  	s2 =	sld [smem:$0x3F9A];
	s0 =	simm.s32 @p1 $0x1  }
0x15: {  	[smem:$0x3FB7] =	sst s0;
	s0 =	simm.s32 @!p2 $0x0  }
0x16: {  	s3 =	sld [smem:$0x3FDB];
	s0 =	simm.s32 @p2 $0x1  }
0x17: {  	s4 =	simm.s32 $0x1BF5;
	[smem:$0x3FB9] =	sst s0  }
0x18: {  	s0 =	sld [smem:$0x3F9C];
	_ =	swait.ge [sflag:s4], $0x0  }
0x19: {  	s7 =	sld [smem:$0x3F9D]  }
0x1a: {  	s8 =	sadd.s32 $0xFFFFE003, lr  }
0x1b: {  	s9 =	sadd.s32 $0xFFFFFEF7, lr;
	s5 =	simm.s32 $0xFFFFFFFF;
	p2 =	slt.u32 s8, $0xFFFFF086  }
0x1c: {  	p1 =	slt.u32 s9, $0xF7A;
	s5 =	simm.s32 @!p2 $0x0  }
0x1d: {  	s5 =	simm.s32 @p1 $0x1;
	p0 =	seq.s32 s7, s2  }
0x1e: {  	s7 =	smul.u32 @!p0 $0xF7A, s2;
	p2 =	seq.s32 @!p0 s5, $0x0  }
0x1f: {  	s9 =	smul.u32 $0xF7A, s1;
	s8 =	simm.s32 @!p0 $0x1BF5;
	p2 =	por !p2, p0  }
0x20: {  	[sflag:s8] =	ssyncset.s32 @!p0 $0xFFFFF086;
	s6 =	sadd.s32 @!p0 s3, s7;
	s7 =	simm.s32 @!p0 $0x108  }
0x21: {  	s3 =	sadd.s32 s3, s9;
	s6 =	sadd.s32 @!p0 $0x88, s6;
	s7 =	simm.s32 @p2 $0x1082  }
0x22: {  	[simem:s7], [sflag:s8] =	dma.local @!p0 [hbm:s6], $0xF7A  }
0x23: {  	s9 =	sor.u32 $0xD0000000, s2;
	s6 =	simm.s32 $0x108;
	_ =	swait.ge @!p0 [sflag:s8], $0x0  }
0x24: {  	s3 =	sadd.s32 $0x88, s3;
	s6 =	simm.s32 @!p1 $0x1082;
	[sflag:s4] =	ssyncset.s32 $0xFFFFF086  }
0x25: {  	[simem:s6], [sflag:s4] =	dma.local [hbm:s3], $0xF7A  }
0x26: {  	[smem:$0x3F9D] =	sst s1;
	(tag) =	ssettag s2;
	_ =	strace s9  }
0x27: {  	s1 =	sld [smem:$0x3FAD]  }
0x28: {  	s2 =	sld [smem:$0x3FAE]  }
0x29: {  	s4 =	sld [smem:$0x3FB0]  }
0x2a: {  	p0 =	seq.s32 s5, $0x0;
	s5 =	sld [smem:$0x3FB1]  }
0x2b: {  	s6 =	sld [smem:$0x3FB2]  }
0x2c: {  	s7 =	sld [smem:$0x3FB3]  }
0x2d: {  	s3 =	simm.s32 $0x108;
	s8 =	sld [smem:$0x3FB4]  }
0x2e: {  	s3 =	simm.s32 @!p0 $0x1082;
	s9 =	sld [smem:$0x3FB5]  }
0x2f: {  	lr =	sadd.s32 s0, s3;
	s0 =	sld [smem:$0x3FAC]  }
0x30: {  	s3 =	sld [smem:$0x3FAF]  }
0x31: {  	[smem:$0x3FB8] =	sst s10  }
0x32: {  	s10 =	sld [smem:$0x3FB6];
	_ =	sdelay $0x3  }
0x33: {  	p0 =	seq.s32 s10, $0x1;
	s10 =	sld [smem:$0x3FB8];
	_ =	sdelay $0x3  }
0x34: {  	[smem:$0x3FB8] =	sst s10  }
0x35: {  	s10 =	sld [smem:$0x3FB7];
	_ =	sdelay $0x3  }
0x36: {  	p1 =	seq.s32 s10, $0x1;
	s10 =	sld [smem:$0x3FB8];
	_ =	sdelay $0x3  }
0x37: {  	[smem:$0x3FB8] =	sst s10  }
0x38: {  	s10 =	sld [smem:$0x3FB9]  }
0x39: {  	_ = 	snop;
	(pc) =	sbr.ind lr, $3  }
0x3a: {  	_ = 	snop  }
0x3b: {  	_ = 	snop  }
0x3c: {  	p2 =	seq.s32 s10, $0x1;
	s10 =	sld [smem:$0x3FB8]  }
0x3d: {  	_ =	shalt  }
0x3e: {  	_ =	shalt  }
0x3f: {  	_ =	shalt  }
0x40: {  	_ =	shalt  }
0x41: {  	_ =	shalt  }
0x42: {  	_ =	shalt  }
0x43: {  	_ =	shalt  }
0x44: {  	_ =	shalt  }
0x45: {  	_ =	shalt  }
0x46: {  	_ =	shalt  }
0x47: {  	_ =	shalt  }
0x48: {  	_ =	shalt  }
0x49: {  	_ =	shalt  }
0x4a: {  	_ =	shalt  }
0x4b: {  	_ =	shalt  }
0x4c: {  	_ =	shalt  }
0x4d: {  	_ =	shalt  }
0x4e: {  	_ =	shalt  }
0x4f: {  	_ =	shalt  }
0x50: {  	_ =	shalt  }
0x51: {  	_ =	shalt  }
0x52: {  	_ =	shalt  }
0x53: {  	_ =	shalt  }
0x54: {  	_ =	shalt  }
0x55: {  	_ =	shalt  }
0x56: {  	_ =	shalt  }
0x57: {  	_ =	shalt  }
0x58: {  	_ =	shalt  }
0x59: {  	_ =	shalt  }
0x5a: {  	_ =	shalt  }
0x5b: {  	_ =	shalt  }
0x5c: {  	_ =	shalt  }
0x5d: {  	_ =	shalt  }
0x5e: {  	_ =	shalt  }
0x5f: {  	_ =	shalt  }
0x60: {  	_ =	shalt  }
0x61: {  	_ =	shalt  }
0x62: {  	_ =	shalt  }
0x63: {  	_ =	shalt  }
0x64: {  	_ =	shalt  }
0x65: {  	_ =	shalt  }
0x66: {  	_ =	shalt  }
0x67: {  	_ =	shalt  }
0x68: {  	_ =	shalt  }
0x69: {  	_ =	shalt  }
0x6a: {  	_ =	shalt  }
0x6b: {  	_ =	shalt  }
0x6c: {  	_ =	shalt  }
0x6d: {  	_ =	shalt  }
0x6e: {  	_ =	shalt  }
0x6f: {  	_ =	shalt  }
0x70: {  	_ =	shalt  }
0x71: {  	_ =	shalt  }
0x72: {  	_ =	shalt  }
0x73: {  	_ =	shalt  }
0x74: {  	_ =	shalt  }
0x75: {  	_ =	shalt  }
0x76: {  	_ =	shalt  }
0x77: {  	_ =	shalt  }
0x78: {  	_ =	shalt  }
0x79: {  	_ =	shalt  }
0x7a: {  	_ =	shalt  }
0x7b: {  	_ =	shalt  }
0x7c: {  	_ =	shalt  }
0x7d: {  	_ =	shalt  }
0x7e: {  	_ =	shalt  }
0x7f: {  	_ =	shalt  }
0x80: {  	_ =	shalt  }
0x81: {  	_ =	shalt  }
0x82: {  	_ =	shalt  }
0x83: {  	_ =	shalt  }
0x84: {  	_ =	shalt  }
0x85: {  	_ =	shalt  }
0x86: {  	_ =	shalt  }
0x87: {  	_ =	shalt  }
.Lfunc_end0:
.L_simem_size_0:
called_computation.1_lowered:
.L_overlay_start_0:
0x88: {  	s2 =	sld [smem:$0x3FD9]  }
0x89: {  	s3 =	sld [smem:$0x3FFE];
	_ =	sdelay $0x1  }
0x8a: {  	s1 =	srdreg.scid  }
0x8b: {  	s0 =	sand.u32 $0x1, s1  }
0x8c: {  	s16 =	sshll.u32 s0, $0xA;
	s2 =	sadd.s32 s3, s2  }
0x8d: {  	s2 =	sadd.s32 s2, s16  }
0x8e: {  	[smem:$0x3FC4] =	sst s2  }
0x8f: {  	_ = 	snop  }
0x90: {  	(tm) =	ssettm $0x1  }
0x91: {  	s17 =	sld [smem:$0x3FFB];
	_ =	sdelay $0x3  }
0x92: {  	_ =	strace s17  }
0x93: {  	s2 =	sld [smem:$0x3FFC];
	_ =	sdelay $0x3  }
0x94: {  	_ =	strace s2  }
0x95: {  	s2 =	sld [smem:$0x3FFD];
	_ =	sdelay $0x3  }
0x96: {  	_ =	strace s2  }
0x97: {  	_ =	strace $0x8FFFFFFF  }
0x98: {  	s18 =	sld [smem:$0x3FDB];
	_ =	sdelay $0x1  }
0x99: {  	s19 =	simm.s32 $_scs_section_size  }
0x9a: {  	s4 =	simm.s32 $_size__tile_overlayer_lowered;
	s5 =	simm.s32 $_tile_overlayer_lowered  }
0x9b: {  	s22 =	simm.s32 $0x1BFF;
	s21 =	sshll.u32 s5, $0x1;
	s2 =	sadd.s32 s19, s18  }
0x9c: {  	s6 =	simm.s32 $0x0;
	s20 =	sshll.u32 s4, $0x1;
	s4 =	sadd.s32 s21, s2  }
0x9d: {  	[timem:s6], [sflag:s22] =	dma.local [hbm:s4], s20  }
0x9e: {  	_ =	swait.ge [sflag:s22], s20  }
0x9f: {  	s3 =	ssub.s32 $0x0, s20;
	[sflag:s22] =	ssyncset.done $0x0  }
0xa0: {  	[sflag:s22] =	ssyncadd.s32 s3;
	_ =	sdelay $0x1  }
0xa1: {  	s23 =	simm.s32 $0x1B8B  }
0xa2: {  	_ =	swait.ge [sflag:s23], $0x1  }
0xa3: {  	[sflag:s23] =	ssyncset.done $0x0  }
0xa4: {  	s25 =	simm.s32 $0x1B8E;
	s24 =	sld [smem:$0x3FFE];
	[sflag:s23] =	ssyncadd.s32 $0xFFFFFFFF  }
0xa5: {  	s26 =	simm.s32 $execute0_lowered;
	[smem:$0x3FD2] =	sst s25  }
0xa6: {  	s4 =	sshll.u32 s26, $0x1;
	_ =	strace $0x80000046;
	[dreg:$0x1] =	wrdreg $0xFFFFFFFF  }
0xa7: {  	s28 =	simm.s32 $_size_execute0_lowered;
	s2 =	sadd.s32 s2, s4;
	[dreg:$0x0] =	wrdreg $0x0  }
0xa8: {  	s4 =	sshll.u32 s28, $0x1;
	[dreg:$0x2] =	wrdreg s2  }
0xa9: {  	[dreg:$0x3] =	wrdreg s4  }
0xaa: {  	[dreg:$0x4] =	wrdreg $0xC0  }
0xab: {  	_ =	task [dreg:s6], $0x5FFFF  }
0xac: {  	[dreg:$0x1] =	wrdreg $0xFFFFFFFF  }
0xad: {  	[dreg:$0x0] =	wrdreg $0x60  }
0xae: {  	[dreg:$0x2] =	wrdreg s24  }
0xaf: {  	[dreg:$0x3] =	wrdreg $0xA  }
0xb0: {  	_ =	task.clear_ibuf [dreg:s6], $0x4FFFF;
	_ =	strace $0x90000046  }
0xb1: {  	s29 =	simm.s32 $0xA;
	_ =	strace $0x80000048  }
0xb2: {  	_ =	swait.ge [sflag:s29], $0x1  }
0xb3: {  	[sflag:s29] =	ssyncadd.s32 $0xFFFFFFFF  }
0xb4: {  	_ =	strace $0x90000048  }
0xb5: {  	_ =	sfence  }
0xb6: {  	s30 =	sld [smem:$0x0];
	_ =	sdelay $0x2  }
0xb7: {  	s31 =	sshll.u32 s1, $0xD;
	s1 =	sshrl.u32 s1, $0x2  }
0xb8: {  	s3 =	sand.u32 $0x4000, s31;
	s1 =	sadd.s32 s1, s30  }
0xb9: {  	s0 =	sor.u32 s3, s0;
	s1 =	sshll.u32 s1, $0x11  }
0xba: {  	s0 =	sor.u32 s1, s0  }
0xbb: {  	s0 =	sadd.s32 $0x8F2B, s0  }
0xbc: {  	[sflag:s0] =	ssyncadd.remote.s32 $0x1  }
0xbd: {  	_ =	sfence.sel $0xFFFF  }
0xbe: {  	[dreg:$0x0] =	wrdreg $0xFFFFFFFF;
	(pc) =	sbr.abs _section_cstart, $3  }
0xbf: {  	[dreg:$0x1] =	wrdreg $0xFFFFFFFF  }
0xc0: {  	_ =	task.clear_ibuf [dreg:s6], $0x2FFFF;
	_ =	strace $0x9FFFFFFF  }
0xc1: {  	(tm) =	ssettm $0x7FFFFFFF  }
tec
execute0_lowered:
.L_overlay_start_1:
0x0: {  	(tag) =	ssettag $0x1  }
0x1: {  	s0 =	srdreg.scid;
	s2 =	stileid.u32  }
0x2: {  	s1 =	sand.u32 $0x1, s0;
	s21 =	sshll.u32 s2, $0x1  }
0x3: {  	s0 =	sor.u32 s1, s21  }
0x4: {  	s3 =	smul.u32 $0x240, s0  }
0x5: {  	s0 =	rddreg [dreg:$0x0]  }
0x6: {  	s2 =	simm.s32 $0x0;
	s4 =	sadd.s32 $0x66E00, s0;
	s3 =	sshrl.u32 s3, $0x3  }
0x7: {  	[smem:$0x7FF] =	sst s2;
	s5 =	sor.u32 $0x4, s3;
	s7 =	sadd.s32 s4, s3  }
0x8: {  	_ =	strace $0x80000047;
	s4 =	sadd.s32 s4, s5;
	[smem:$0x7F8] =	sst s7  }
0x9: {  	s22 =	sadd.s32 $0x8, s7;
	[dreg:$0x2] =	wrdreg s4  }
0xa: {  	s23 =	sadd.s32 $0xC, s7;
	[dreg:$0x3] =	wrdreg s22  }
0xb: {  	s24 =	sadd.s32 $0x10, s7;
	[dreg:$0x4] =	wrdreg s23  }
0xc: {  	s26 =	sadd.s32 $0x14, s7;
	[dreg:$0x5] =	wrdreg s24  }
0xd: {  	s29 =	sadd.s32 $0x18, s7;
	[dreg:$0x7] =	wrdreg s26  }
0xe: {  	s31 =	sadd.s32 $0x1C, s7;
	[dreg:$0x9] =	wrdreg s29  }
0xf: {  	s9 =	sadd.s32 $0x24, s7;
	[dreg:$0xb] =	wrdreg s31  }
0x10: {  	s11 =	sadd.s32 $0x28, s7;
	[dreg:$0xf] =	wrdreg s9  }
0x11: {  	s13 =	sadd.s32 $0x2C, s7;
	[dreg:$0x11] =	wrdreg s11  }
0x12: {  	s15 =	sadd.s32 $0x30, s7;
	[dreg:$0x13] =	wrdreg s13  }
0x13: {  	s17 =	sadd.s32 $0x34, s7;
	[dreg:$0x15] =	wrdreg s15  }
0x14: {  	s6 =	sadd.s32 $0x67800, s0;
	s19 =	sadd.s32 $0x38, s7;
	[dreg:$0x17] =	wrdreg s17  }
0x15: {  	s3 =	smul.u32 $0x300, s3;
	s21 =	sadd.s32 $0x3C, s7;
	[dreg:$0x19] =	wrdreg s19  }
0x16: {  	s5 =	smul.u32 $0x300, s5;
	[dreg:$0x1b] =	wrdreg s21;
	s23 =	sadd.s32 $0x40, s7  }
0x17: {  	s8 =	sadd.s32 s6, s3;
	[dreg:$0x1d] =	wrdreg s23  }
0x18: {  	s25 =	sadd.s32 s6, s5;
	[smem:$0x7FC] =	sst s8  }
0x19: {  	s28 =	sadd.s32 $0x1800, s8;
	[dreg:$0x6] =	wrdreg s25  }
0x1a: {  	s30 =	sadd.s32 $0x2400, s8;
	[dreg:$0x8] =	wrdreg s28  }
0x1b: {  	s4 =	sadd.s32 $0x3000, s8;
	[dreg:$0xa] =	wrdreg s30  }
0x1c: {  	s5 =	sadd.s32 $0x20, s7;
	[dreg:$0xc] =	wrdreg s4  }
0x1d: {  	s6 =	sadd.s32 $0x3C00, s8;
	[dreg:$0xd] =	wrdreg s5  }
0x1e: {  	s10 =	sadd.s32 $0x4800, s8;
	[dreg:$0xe] =	wrdreg s6  }
0x1f: {  	s12 =	sadd.s32 $0x5400, s8;
	[dreg:$0x10] =	wrdreg s10  }
0x20: {  	s1 =	ssub.s32 $0x2, s1;
	s14 =	sadd.s32 $0x6000, s8;
	[dreg:$0x12] =	wrdreg s12  }
0x21: {  	s9 =	simm.s32 $0x9;
	s16 =	sadd.s32 $0x6C00, s8;
	[dreg:$0x14] =	wrdreg s14  }
0x22: {  	s13 =	simm.s32 $0x1;
	s18 =	sadd.s32 $0x7800, s8;
	[dreg:$0x16] =	wrdreg s16  }
0x23: {  	s15 =	simm.s32 $0x2;
	s20 =	sadd.s32 $0x8400, s8;
	[dreg:$0x18] =	wrdreg s18  }
0x24: {  	s19 =	simm.s32 $0x7;
	s22 =	sadd.s32 $0x9000, s8;
	[dreg:$0x1a] =	wrdreg s20  }
0x25: {  	s24 =	sadd.s32 $0x9C00, s8;
	s26 =	sadd.s32 $0xA800, s8;
	[dreg:$0x1c] =	wrdreg s22  }
0x26: {  	s29 =	sadd.s32 $0xB400, s8;
	s31 =	sadd.s32 $0xCC00, s8;
	[dreg:$0x1e] =	wrdreg s24  }
0x27: {  	s5 =	sadd.s32 $0x3800, s0;
	s25 =	sadd.s32 $0x44, s7;
	[smem:$0x7F9] =	sst s26  }
0x28: {  	s28 =	sshrl.u32 s1, $0x1;
	[smem:$0x7FA] =	sst s29;
	s30 =	sadd.s32 $0xC000, s8  }
0x29: {  	v2 =	vlaneseq.u32;
	s6 =	sadd.s32 $0x3900, s0;
	s7 =	sadd.s32 $0x3A00, s0;
	[smem:$0x7FD] =	sst s31  }
0x2a: {  	vm0 =	vmmov $0xffff;
	v1 =	vshrl.u32 v2, $0x3;
	s14 =	simm.s32 $0x5;
	[dreg:$0x1f] =	wrdreg s25;
	s1 =	ssub.s32 s1, s28  }
0x2b: {  	v0 =	vand.u32 $0x7, v2;
	v2 =	vor.u32 $0x8, v2;
	v1 =	vmul.u32 $0x8, v1;
	s16 =	simm.s32 $0x6;
	[smem:$0x7FB] =	sst s30;
	s8 =	smax.u32 s1, $0x1  }
.LBB2_1:
0x2c: {  	s21 =	sld [smem:$0x7F8];
	_ =	sdelay $0x2  }
0x2d: {  	[tilespmem:s2], [sflag:$0x9] =	stream.linear.gather [hbm4b:s21+s2], $0x20, $0x38;
	[tilespmem:$0x18200] =	vst v63  }
0x2e: {  	_ =	swait.ge [sflag:s9], $0x20  }
0x2f: {  	[sflag:s9] =	ssyncset.done $0x0  }
0x30: {  	[sflag:s9] =	ssyncadd.s32 $0xFFFFFFE0  }
0x31: {  	v3 =	vld [tilespmem:$0x0];
	_ =	sdelay $0x4  }
0x32: {  	v4 =	vshrl.u32 v3, $0x3  }
0x33: {  	v4 =	vmul.u32 $0x30, v4  }
0x34: {  	v3 =	vand.u32 $0x7, v3  }
0x35: {  	v3 =	vor.u32 v3, v4  }
0x36: {  	v4 =	vperm.xlane v3, v0;
	_ =	sdelay $0x1  }
0x37: {  	v4 =	vadd.s32 v1, v4;
	_ =	sdelay $0x3  }
0x38: {  	s0 =	simm.s32 $0x200;
	v3 =	vperm.xlane v3, v2  }
0x39: {  	[tilespmem:s0], [sflag:$0x1] =	stream.indirect_vreg.gather [hbm4b:s5+s2], $0x80, v4, vm0, $0xb8;
	[tilespmem:$0x18200] =	vst v63  }
0x3a: {  	s25 =	simm.s32 $0xA00;
	v3 =	vadd.s32 v1, v3  }
0x3b: {  	[tilespmem:s25], [sflag:$0x1] =	stream.indirect_vreg.gather [hbm4b:s6+s2], $0x80, v4, vm0, $0xb8;
	[tilespmem:$0x18200] =	vst v63  }
0x3c: {  	s26 =	simm.s32 $0x1200  }
0x3d: {  	[tilespmem:s26], [sflag:$0x1] =	stream.indirect_vreg.gather [hbm4b:s7+s2], $0x80, v4, vm0, $0xb8;
	[tilespmem:$0x18200] =	vst v63  }
0x3e: {  	s28 =	simm.s32 $0x1A00  }
0x3f: {  	[tilespmem:s28], [sflag:$0x1] =	stream.indirect_vreg.gather [hbm4b:s5+s2], $0x80, v3, vm0, $0xb8;
	[tilespmem:$0x18200] =	vst v63  }
0x40: {  	s29 =	simm.s32 $0x2200  }
0x41: {  	[tilespmem:s29], [sflag:$0x1] =	stream.indirect_vreg.gather [hbm4b:s6+s2], $0x80, v3, vm0, $0xb8;
	[tilespmem:$0x18200] =	vst v63  }
0x42: {  	s30 =	simm.s32 $0x2A00  }
0x43: {  	[tilespmem:s30], [sflag:$0x1] =	stream.indirect_vreg.gather [hbm4b:s7+s2], $0x80, v3, vm0, $0xb8;
	[tilespmem:$0x18200] =	vst v63  }
0x44: {  	v3 =	vld [tilespmem:$0x10];
	_ =	sdelay $0x4  }
0x45: {  	v29 =	vshrl.u32 v3, $0x3  }
0x46: {  	v4 =	vmul.u32 $0x30, v29  }
0x47: {  	v3 =	vand.u32 $0x7, v3  }
0x48: {  	v3 =	vor.u32 v3, v4  }
0x49: {  	v4 =	vperm.xlane v3, v0;
	_ =	sdelay $0x1  }
0x4a: {  	v4 =	vadd.s32 v1, v4;
	_ =	sdelay $0x3  }
0x4b: {  	s31 =	simm.s32 $0x3200;
	v3 =	vperm.xlane v3, v2  }
0x4c: {  	[tilespmem:s31], [sflag:$0x1] =	stream.indirect_vreg.gather [hbm4b:s5+s2], $0x80, v4, vm0, $0xb8;
	[tilespmem:$0x18200] =	vst v63  }
0x4d: {  	s1 =	simm.s32 $0x3A00;
	v3 =	vadd.s32 v1, v3  }
0x4e: {  	[tilespmem:s1], [sflag:$0x1] =	stream.indirect_vreg.gather [hbm4b:s6+s2], $0x80, v4, vm0, $0xb8;
	[tilespmem:$0x18200] =	vst v63  }
0x4f: {  	s10 =	simm.s32 $0x4200  }
0x50: {  	[tilespmem:s10], [sflag:$0x1] =	stream.indirect_vreg.gather [hbm4b:s7+s2], $0x80, v4, vm0, $0xb8;
	[tilespmem:$0x18200] =	vst v63  }
0x51: {  	s11 =	simm.s32 $0x4A00  }
0x52: {  	[tilespmem:s11], [sflag:$0x1] =	stream.indirect_vreg.gather [hbm4b:s5+s2], $0x80, v3, vm0, $0xb8;
	[tilespmem:$0x18200] =	vst v63  }
0x53: {  	s12 =	simm.s32 $0x5200  }
0x54: {  	[tilespmem:s12], [sflag:$0x1] =	stream.indirect_vreg.gather [hbm4b:s6+s2], $0x80, v3, vm0, $0xb8;
	[tilespmem:$0x18200] =	vst v63  }
0x55: {  	s18 =	simm.s32 $0x5A00  }
0x56: {  	[tilespmem:s18], [sflag:$0x1] =	stream.indirect_vreg.gather [hbm4b:s7+s2], $0x80, v3, vm0, $0xb8;
	[tilespmem:$0x18200] =	vst v63  }
0x57: {  	s20 =	simm.s32 $0x80;
	s17 =	rddreg [dreg:$0x2]  }
0x58: {  	[tilespmem:s20], [sflag:$0x9] =	stream.linear.gather [hbm4b:s17+s2], $0x20, $0x38;
	[tilespmem:$0x18200] =	vst v63  }
0x59: {  	_ =	swait.ge [sflag:s9], $0x20  }
0x5a: {  	[sflag:s9] =	ssyncset.done $0x0  }
0x5b: {  	[sflag:s9] =	ssyncadd.s32 $0xFFFFFFE0  }
0x5c: {  	v3 =	vld [tilespmem:$0x80];
	_ =	sdelay $0x4  }
0x5d: {  	v30 =	vshrl.u32 v3, $0x3  }
0x5e: {  	v4 =	vmul.u32 $0x30, v30  }
0x5f: {  	v3 =	vand.u32 $0x7, v3  }
0x60: {  	v3 =	vor.u32 v3, v4  }
0x61: {  	v4 =	vperm.xlane v3, v0;
	_ =	sdelay $0x1  }
0x62: {  	v4 =	vadd.s32 v1, v4;
	_ =	sdelay $0x3  }
0x63: {  	s21 =	simm.s32 $0x6200;
	v3 =	vperm.xlane v3, v2  }
0x64: {  	[tilespmem:s21], [sflag:$0x2] =	stream.indirect_vreg.gather [hbm4b:s5+s2], $0x80, v4, vm0, $0xb8;
	[tilespmem:$0x18200] =	vst v63  }
0x65: {  	s23 =	simm.s32 $0x6A00;
	v3 =	vadd.s32 v1, v3  }
0x66: {  	[tilespmem:s23], [sflag:$0x2] =	stream.indirect_vreg.gather [hbm4b:s6+s2], $0x80, v4, vm0, $0xb8;
	[tilespmem:$0x18200] =	vst v63  }
0x67: {  	s24 =	simm.s32 $0x7200  }
0x68: {  	[tilespmem:s24], [sflag:$0x2] =	stream.indirect_vreg.gather [hbm4b:s7+s2], $0x80, v4, vm0, $0xb8;
	[tilespmem:$0x18200] =	vst v63  }
0x69: {  	s30 =	simm.s32 $0x7A00  }
0x6a: {  	[tilespmem:s30], [sflag:$0x2] =	stream.indirect_vreg.gather [hbm4b:s5+s2], $0x80, v3, vm0, $0xb8;
	[tilespmem:$0x18200] =	vst v63  }
0x6b: {  	s10 =	simm.s32 $0x8200  }
0x6c: {  	[tilespmem:s10], [sflag:$0x2] =	stream.indirect_vreg.gather [hbm4b:s6+s2], $0x80, v3, vm0, $0xb8;
	[tilespmem:$0x18200] =	vst v63  }
0x6d: {  	s11 =	simm.s32 $0x8A00  }
0x6e: {  	[tilespmem:s11], [sflag:$0x2] =	stream.indirect_vreg.gather [hbm4b:s7+s2], $0x80, v3, vm0, $0xb8;
	[tilespmem:$0x18200] =	vst v63  }
0x6f: {  	v3 =	vld [tilespmem:$0x90];
	_ =	sdelay $0x4  }
0x70: {  	v31 =	vshrl.u32 v3, $0x3  }
0x71: {  	v4 =	vmul.u32 $0x30, v31  }
0x72: {  	v3 =	vand.u32 $0x7, v3  }
0x73: {  	v3 =	vor.u32 v3, v4  }
0x74: {  	v4 =	vperm.xlane v3, v0;
	_ =	sdelay $0x1  }
0x75: {  	v4 =	vadd.s32 v1, v4;
	_ =	sdelay $0x3  }
0x76: {  	s17 =	simm.s32 $0x9200;
	v3 =	vperm.xlane v3, v2  }
0x77: {  	[tilespmem:s17], [sflag:$0x2] =	stream.indirect_vreg.gather [hbm4b:s5+s2], $0x80, v4, vm0, $0xb8;
	[tilespmem:$0x18200] =	vst v63  }
0x78: {  	s18 =	simm.s32 $0x9A00;
	v3 =	vadd.s32 v1, v3  }
0x79: {  	[tilespmem:s18], [sflag:$0x2] =	stream.indirect_vreg.gather [hbm4b:s6+s2], $0x80, v4, vm0, $0xb8;
	[tilespmem:$0x18200] =	vst v63  }
0x7a: {  	s20 =	simm.s32 $0xA200  }
0x7b: {  	[tilespmem:s20], [sflag:$0x2] =	stream.indirect_vreg.gather [hbm4b:s7+s2], $0x80, v4, vm0, $0xb8;
	[tilespmem:$0x18200] =	vst v63  }
0x7c: {  	s21 =	simm.s32 $0xAA00  }
0x7d: {  	[tilespmem:s21], [sflag:$0x2] =	stream.indirect_vreg.gather [hbm4b:s5+s2], $0x80, v3, vm0, $0xb8;
	[tilespmem:$0x18200] =	vst v63  }
0x7e: {  	s23 =	simm.s32 $0xB200  }
0x7f: {  	[tilespmem:s23], [sflag:$0x2] =	stream.indirect_vreg.gather [hbm4b:s6+s2], $0x80, v3, vm0, $0xb8;
	[tilespmem:$0x18200] =	vst v63  }
0x80: {  	s10 =	simm.s32 $0xBA00  }
0x81: {  	[tilespmem:s10], [sflag:$0x2] =	stream.indirect_vreg.gather [hbm4b:s7+s2], $0x80, v3, vm0, $0xb8;
	[tilespmem:$0x18200] =	vst v63  }
0x82: {  	s30 =	rddreg [dreg:$0x3];
	s17 =	simm.s32 $0x100  }
0x83: {  	[tilespmem:s17], [sflag:$0x9] =	stream.linear.gather [hbm4b:s30+s2], $0x20, $0x38;
	[tilespmem:$0x18200] =	vst v63  }
0x84: {  	_ =	swait.ge [sflag:s9], $0x20  }
0x85: {  	[sflag:s9] =	ssyncset.done $0x0  }
0x86: {  	[sflag:s9] =	ssyncadd.s32 $0xFFFFFFE0  }
0x87: {  	v3 =	vld [tilespmem:$0x100];
	_ =	sdelay $0x4  }
0x88: {  	v32 =	vshrl.u32 v3, $0x3  }
0x89: {  	v4 =	vmul.u32 $0x30, v32  }
0x8a: {  	v3 =	vand.u32 $0x7, v3  }
0x8b: {  	v3 =	vor.u32 v3, v4  }
0x8c: {  	v4 =	vperm.xlane v3, v0;
	_ =	sdelay $0x1  }
0x8d: {  	v4 =	vadd.s32 v1, v4;
	_ =	sdelay $0x3  }
0x8e: {  	s20 =	simm.s32 $0xC200;
	v3 =	vperm.xlane v3, v2  }
0x8f: {  	[tilespmem:s20], [sflag:$0x3] =	stream.indirect_vreg.gather [hbm4b:s5+s2], $0x80, v4, vm0, $0xb8;
	[tilespmem:$0x18200] =	vst v63  }
0x90: {  	s21 =	simm.s32 $0xCA00;
	v3 =	vadd.s32 v1, v3  }
0x91: {  	[tilespmem:s21], [sflag:$0x3] =	stream.indirect_vreg.gather [hbm4b:s6+s2], $0x80, v4, vm0, $0xb8;
	[tilespmem:$0x18200] =	vst v63  }
0x92: {  	s23 =	simm.s32 $0xD200  }
0x93: {  	[tilespmem:s23], [sflag:$0x3] =	stream.indirect_vreg.gather [hbm4b:s7+s2], $0x80, v4, vm0, $0xb8;
	[tilespmem:$0x18200] =	vst v63  }
0x94: {  	s30 =	simm.s32 $0xDA00  }
0x95: {  	[tilespmem:s30], [sflag:$0x3] =	stream.indirect_vreg.gather [hbm4b:s5+s2], $0x80, v3, vm0, $0xb8;
	[tilespmem:$0x18200] =	vst v63  }
0x96: {  	s21 =	simm.s32 $0xE200  }
0x97: {  	[tilespmem:s21], [sflag:$0x3] =	stream.indirect_vreg.gather [hbm4b:s6+s2], $0x80, v3, vm0, $0xb8;
	[tilespmem:$0x18200] =	vst v63  }
0x98: {  	s23 =	simm.s32 $0xEA00  }
0x99: {  	[tilespmem:s23], [sflag:$0x3] =	stream.indirect_vreg.gather [hbm4b:s7+s2], $0x80, v3, vm0, $0xb8;
	[tilespmem:$0x18200] =	vst v63  }
0x9a: {  	v3 =	vld [tilespmem:$0x110];
	_ =	sdelay $0x4  }
0x9b: {  	v33 =	vshrl.u32 v3, $0x3  }
0x9c: {  	v4 =	vmul.u32 $0x30, v33  }
0x9d: {  	v3 =	vand.u32 $0x7, v3  }
0x9e: {  	v3 =	vor.u32 v3, v4  }
0x9f: {  	v4 =	vperm.xlane v3, v0;
	_ =	sdelay $0x1  }
0xa0: {  	v4 =	vadd.s32 v1, v4;
	_ =	sdelay $0x3  }
0xa1: {  	s21 =	simm.s32 $0xF200;
	v3 =	vperm.xlane v3, v2  }
0xa2: {  	[tilespmem:s21], [sflag:$0x3] =	stream.indirect_vreg.gather [hbm4b:s5+s2], $0x80, v4, vm0, $0xb8;
	[tilespmem:$0x18200] =	vst v63  }
0xa3: {  	s23 =	simm.s32 $0xFA00;
	v3 =	vadd.s32 v1, v3  }
0xa4: {  	[tilespmem:s23], [sflag:$0x3] =	stream.indirect_vreg.gather [hbm4b:s6+s2], $0x80, v4, vm0, $0xb8;
	[tilespmem:$0x18200] =	vst v63  }
0xa5: {  	s21 =	simm.s32 $0x10200  }
0xa6: {  	[tilespmem:s21], [sflag:$0x3] =	stream.indirect_vreg.gather [hbm4b:s7+s2], $0x80, v4, vm0, $0xb8;
	[tilespmem:$0x18200] =	vst v63  }
0xa7: {  	s23 =	simm.s32 $0x10A00  }
0xa8: {  	[tilespmem:s23], [sflag:$0x3] =	stream.indirect_vreg.gather [hbm4b:s5+s2], $0x80, v3, vm0, $0xb8;
	[tilespmem:$0x18200] =	vst v63  }
0xa9: {  	s21 =	simm.s32 $0x11200  }
0xaa: {  	[tilespmem:s21], [sflag:$0x3] =	stream.indirect_vreg.gather [hbm4b:s6+s2], $0x80, v3, vm0, $0xb8;
	[tilespmem:$0x18200] =	vst v63  }
0xab: {  	s23 =	simm.s32 $0x11A00  }
0xac: {  	[tilespmem:s23], [sflag:$0x3] =	stream.indirect_vreg.gather [hbm4b:s7+s2], $0x80, v3, vm0, $0xb8;
	[tilespmem:$0x18200] =	vst v63  }
0xad: {  	s21 =	rddreg [dreg:$0x4];
	s23 =	simm.s32 $0x180  }
0xae: {  	[tilespmem:s23], [sflag:$0x9] =	stream.linear.gather [hbm4b:s21+s2], $0x20, $0x38;
	[tilespmem:$0x18200] =	vst v63  }
0xaf: {  	_ =	swait.ge [sflag:s9], $0x20  }
0xb0: {  	[sflag:s9] =	ssyncset.done $0x0  }
0xb1: {  	[sflag:s9] =	ssyncadd.s32 $0xFFFFFFE0  }
0xb2: {  	v3 =	vld [tilespmem:$0x180];
	_ =	sdelay $0x4  }
0xb3: {  	v34 =	vshrl.u32 v3, $0x3  }
0xb4: {  	v4 =	vmul.u32 $0x30, v34  }
0xb5: {  	v3 =	vand.u32 $0x7, v3  }
0xb6: {  	v3 =	vor.u32 v3, v4  }
0xb7: {  	v4 =	vperm.xlane v3, v0;
	_ =	sdelay $0x1  }
0xb8: {  	v4 =	vadd.s32 v1, v4;
	_ =	sdelay $0x3  }
0xb9: {  	s21 =	simm.s32 $0x12200;
	v3 =	vperm.xlane v3, v2  }
0xba: {  	[tilespmem:s21], [sflag:$0x4] =	stream.indirect_vreg.gather [hbm4b:s5+s2], $0x80, v4, vm0, $0xb8;
	[tilespmem:$0x18200] =	vst v63  }
0xbb: {  	v3 =	vadd.s32 v1, v3;
	s21 =	simm.s32 $0x12A00  }
0xbc: {  	[tilespmem:s21], [sflag:$0x4] =	stream.indirect_vreg.gather [hbm4b:s6+s2], $0x80, v4, vm0, $0xb8;
	[tilespmem:$0x18200] =	vst v63  }
0xbd: {  	s21 =	simm.s32 $0x13200  }
0xbe: {  	[tilespmem:s21], [sflag:$0x4] =	stream.indirect_vreg.gather [hbm4b:s7+s2], $0x80, v4, vm0, $0xb8;
	[tilespmem:$0x18200] =	vst v63  }
0xbf: {  	s21 =	simm.s32 $0x13A00  }
0xc0: {  	[tilespmem:s21], [sflag:$0x4] =	stream.indirect_vreg.gather [hbm4b:s5+s2], $0x80, v3, vm0, $0xb8;
	[tilespmem:$0x18200] =	vst v63  }
0xc1: {  	s21 =	simm.s32 $0x14200  }
0xc2: {  	[tilespmem:s21], [sflag:$0x4] =	stream.indirect_vreg.gather [hbm4b:s6+s2], $0x80, v3, vm0, $0xb8;
	[tilespmem:$0x18200] =	vst v63  }
0xc3: {  	s21 =	simm.s32 $0x14A00  }
0xc4: {  	[tilespmem:s21], [sflag:$0x4] =	stream.indirect_vreg.gather [hbm4b:s7+s2], $0x80, v3, vm0, $0xb8;
	[tilespmem:$0x18200] =	vst v63  }
0xc5: {  	v3 =	vld [tilespmem:$0x190];
	_ =	sdelay $0x4  }
0xc6: {  	v35 =	vshrl.u32 v3, $0x3  }
0xc7: {  	v4 =	vmul.u32 $0x30, v35  }
0xc8: {  	v3 =	vand.u32 $0x7, v3  }
0xc9: {  	v3 =	vor.u32 v3, v4  }
0xca: {  	v4 =	vperm.xlane v3, v0;
	_ =	sdelay $0x1  }
0xcb: {  	v4 =	vadd.s32 v1, v4;
	_ =	sdelay $0x3  }
0xcc: {  	s21 =	simm.s32 $0x15200;
	v3 =	vperm.xlane v3, v2  }
0xcd: {  	[tilespmem:s21], [sflag:$0x4] =	stream.indirect_vreg.gather [hbm4b:s5+s2], $0x80, v4, vm0, $0xb8;
	[tilespmem:$0x18200] =	vst v63  }
0xce: {  	v3 =	vadd.s32 v1, v3;
	s21 =	simm.s32 $0x15A00  }
0xcf: {  	[tilespmem:s21], [sflag:$0x4] =	stream.indirect_vreg.gather [hbm4b:s6+s2], $0x80, v4, vm0, $0xb8;
	[tilespmem:$0x18200] =	vst v63  }
0xd0: {  	s21 =	simm.s32 $0x16200  }
0xd1: {  	[tilespmem:s21], [sflag:$0x4] =	stream.indirect_vreg.gather [hbm4b:s7+s2], $0x80, v4, vm0, $0xb8;
	[tilespmem:$0x18200] =	vst v63  }
0xd2: {  	s21 =	simm.s32 $0x16A00  }
0xd3: {  	[tilespmem:s21], [sflag:$0x4] =	stream.indirect_vreg.gather [hbm4b:s5+s2], $0x80, v3, vm0, $0xb8;
	[tilespmem:$0x18200] =	vst v63  }
0xd4: {  	s21 =	simm.s32 $0x17200  }
0xd5: {  	[tilespmem:s21], [sflag:$0x4] =	stream.indirect_vreg.gather [hbm4b:s6+s2], $0x80, v3, vm0, $0xb8;
	[tilespmem:$0x18200] =	vst v63  }
0xd6: {  	s21 =	simm.s32 $0x17A00  }
0xd7: {  	[tilespmem:s21], [sflag:$0x4] =	stream.indirect_vreg.gather [hbm4b:s7+s2], $0x80, v3, vm0, $0xb8;
	[tilespmem:$0x18200] =	vst v63  }
0xd8: {  	_ =	swait.ge [sflag:s13], $0x6000  }
0xd9: {  	s21 =	sld [smem:$0x7FC]  }
0xda: {  	[sflag:s13] =	ssyncset.done $0x0  }
0xdb: {  	s0 =	simm.s32 $0x200;
	[sflag:s13] =	ssyncadd.s32 $0xFFFFA000  }
0xdc: {  	[hbm4b:s21+s2] =	stream.linear.scatter [tilespmem:s0], [sflag:$0x5], $0x6000, $0x38;
	[tilespmem:$0x18200] =	vst v63  }
0xdd: {  	_ =	swait.ge [sflag:s14], $0x6000  }
0xde: {  	[sflag:s14] =	ssyncset.done $0x0  }
0xdf: {  	s21 =	rddreg [dreg:$0x5];
	[sflag:s14] =	ssyncadd.s32 $0xFFFFA000  }
0xe0: {  	[tilespmem:s2], [sflag:$0x9] =	stream.linear.gather [hbm4b:s21+s2], $0x20, $0x38;
	[tilespmem:$0x18200] =	vst v63  }
0xe1: {  	_ =	swait.ge [sflag:s9], $0x20  }
0xe2: {  	[sflag:s9] =	ssyncset.done $0x0  }
0xe3: {  	[sflag:s9] =	ssyncadd.s32 $0xFFFFFFE0  }
0xe4: {  	v3 =	vld [tilespmem:$0x0];
	_ =	sdelay $0x4  }
0xe5: {  	v36 =	vshrl.u32 v3, $0x3  }
0xe6: {  	v4 =	vmul.u32 $0x30, v36  }
0xe7: {  	v3 =	vand.u32 $0x7, v3  }
0xe8: {  	v3 =	vor.u32 v3, v4  }
0xe9: {  	v4 =	vperm.xlane v3, v0;
	_ =	sdelay $0x1  }
0xea: {  	v4 =	vadd.s32 v1, v4;
	_ =	sdelay $0x3  }
0xeb: {  	v3 =	vperm.xlane v3, v2  }
0xec: {  	[tilespmem:s0], [sflag:$0x1] =	stream.indirect_vreg.gather [hbm4b:s5+s2], $0x80, v4, vm0, $0xb8;
	[tilespmem:$0x18200] =	vst v63  }
0xed: {  	s3 =	simm.s32 $0xA00;
	v3 =	vadd.s32 v1, v3  }
0xee: {  	[tilespmem:s3], [sflag:$0x1] =	stream.indirect_vreg.gather [hbm4b:s6+s2], $0x80, v4, vm0, $0xb8;
	[tilespmem:$0x18200] =	vst v63  }
0xef: {  	s4 =	simm.s32 $0x1200  }
0xf0: {  	[tilespmem:s4], [sflag:$0x1] =	stream.indirect_vreg.gather [hbm4b:s7+s2], $0x80, v4, vm0, $0xb8;
	[tilespmem:$0x18200] =	vst v63  }
0xf1: {  	s25 =	simm.s32 $0x1A00  }
0xf2: {  	[tilespmem:s25], [sflag:$0x1] =	stream.indirect_vreg.gather [hbm4b:s5+s2], $0x80, v3, vm0, $0xb8;
	[tilespmem:$0x18200] =	vst v63  }
0xf3: {  	s26 =	simm.s32 $0x2200  }
0xf4: {  	[tilespmem:s26], [sflag:$0x1] =	stream.indirect_vreg.gather [hbm4b:s6+s2], $0x80, v3, vm0, $0xb8;
	[tilespmem:$0x18200] =	vst v63  }
0xf5: {  	s22 =	simm.s32 $0x2A00  }
0xf6: {  	[tilespmem:s22], [sflag:$0x1] =	stream.indirect_vreg.gather [hbm4b:s7+s2], $0x80, v3, vm0, $0xb8;
	[tilespmem:$0x18200] =	vst v63  }
0xf7: {  	v3 =	vld [tilespmem:$0x10];
	_ =	sdelay $0x4  }
0xf8: {  	v37 =	vshrl.u32 v3, $0x3  }
0xf9: {  	v4 =	vmul.u32 $0x30, v37  }
0xfa: {  	v3 =	vand.u32 $0x7, v3  }
0xfb: {  	v3 =	vor.u32 v3, v4  }
0xfc: {  	v4 =	vperm.xlane v3, v0;
	_ =	sdelay $0x1  }
0xfd: {  	v4 =	vadd.s32 v1, v4;
	_ =	sdelay $0x3  }
0xfe: {  	s22 =	simm.s32 $0x3200;
	v3 =	vperm.xlane v3, v2  }
0xff: {  	[tilespmem:s22], [sflag:$0x1] =	stream.indirect_vreg.gather [hbm4b:s5+s2], $0x80, v4, vm0, $0xb8;
	[tilespmem:$0x18200] =	vst v63  }
0x100: {  	s29 =	simm.s32 $0x3A00;
	v3 =	vadd.s32 v1, v3  }
0x101: {  	[tilespmem:s29], [sflag:$0x1] =	stream.indirect_vreg.gather [hbm4b:s6+s2], $0x80, v4, vm0, $0xb8;
	[tilespmem:$0x18200] =	vst v63  }
0x102: {  	s28 =	simm.s32 $0x4200  }
0x103: {  	[tilespmem:s28], [sflag:$0x1] =	stream.indirect_vreg.gather [hbm4b:s7+s2], $0x80, v4, vm0, $0xb8;
	[tilespmem:$0x18200] =	vst v63  }
0x104: {  	s31 =	simm.s32 $0x4A00  }
0x105: {  	[tilespmem:s31], [sflag:$0x1] =	stream.indirect_vreg.gather [hbm4b:s5+s2], $0x80, v3, vm0, $0xb8;
	[tilespmem:$0x18200] =	vst v63  }
0x106: {  	s31 =	simm.s32 $0x5200  }
0x107: {  	[tilespmem:s31], [sflag:$0x1] =	stream.indirect_vreg.gather [hbm4b:s6+s2], $0x80, v3, vm0, $0xb8;
	[tilespmem:$0x18200] =	vst v63  }
0x108: {  	s29 =	simm.s32 $0x5A00  }
0x109: {  	[tilespmem:s29], [sflag:$0x1] =	stream.indirect_vreg.gather [hbm4b:s7+s2], $0x80, v3, vm0, $0xb8;
	[tilespmem:$0x18200] =	vst v63  }
0x10a: {  	_ =	swait.ge [sflag:s15], $0x6000  }
0x10b: {  	[sflag:s15] =	ssyncset.done $0x0  }
0x10c: {  	s12 =	simm.s32 $0x6200;
	s3 =	rddreg [dreg:$0x6];
	[sflag:s15] =	ssyncadd.s32 $0xFFFFA000  }
0x10d: {  	[hbm4b:s3+s2] =	stream.linear.scatter [tilespmem:s12], [sflag:$0x6], $0x6000, $0x38;
	[tilespmem:$0x18200] =	vst v63  }
0x10e: {  	_ =	swait.ge [sflag:s16], $0x6000  }
0x10f: {  	[sflag:s16] =	ssyncset.done $0x0  }
0x110: {  	s1 =	simm.s32 $0x80;
	s4 =	rddreg [dreg:$0x7];
	[sflag:s16] =	ssyncadd.s32 $0xFFFFA000  }
0x111: {  	[tilespmem:s1], [sflag:$0x9] =	stream.linear.gather [hbm4b:s4+s2], $0x20, $0x38;
	[tilespmem:$0x18200] =	vst v63  }
0x112: {  	_ =	swait.ge [sflag:s9], $0x20  }
0x113: {  	[sflag:s9] =	ssyncset.done $0x0  }
0x114: {  	[sflag:s9] =	ssyncadd.s32 $0xFFFFFFE0  }
0x115: {  	v3 =	vld [tilespmem:$0x80];
	_ =	sdelay $0x4  }
0x116: {  	v38 =	vshrl.u32 v3, $0x3  }
0x117: {  	v4 =	vmul.u32 $0x30, v38  }
0x118: {  	v3 =	vand.u32 $0x7, v3  }
0x119: {  	v3 =	vor.u32 v3, v4  }
0x11a: {  	v4 =	vperm.xlane v3, v0;
	_ =	sdelay $0x1  }
0x11b: {  	v4 =	vadd.s32 v1, v4;
	_ =	sdelay $0x3  }
0x11c: {  	v3 =	vperm.xlane v3, v2  }
0x11d: {  	[tilespmem:s12], [sflag:$0x2] =	stream.indirect_vreg.gather [hbm4b:s5+s2], $0x80, v4, vm0, $0xb8;
	[tilespmem:$0x18200] =	vst v63  }
0x11e: {  	s25 =	simm.s32 $0x6A00;
	v3 =	vadd.s32 v1, v3  }
0x11f: {  	[tilespmem:s25], [sflag:$0x2] =	stream.indirect_vreg.gather [hbm4b:s6+s2], $0x80, v4, vm0, $0xb8;
	[tilespmem:$0x18200] =	vst v63  }
0x120: {  	s26 =	simm.s32 $0x7200  }
0x121: {  	[tilespmem:s26], [sflag:$0x2] =	stream.indirect_vreg.gather [hbm4b:s7+s2], $0x80, v4, vm0, $0xb8;
	[tilespmem:$0x18200] =	vst v63  }
0x122: {  	s28 =	simm.s32 $0x7A00  }
0x123: {  	[tilespmem:s28], [sflag:$0x2] =	stream.indirect_vreg.gather [hbm4b:s5+s2], $0x80, v3, vm0, $0xb8;
	[tilespmem:$0x18200] =	vst v63  }
0x124: {  	s4 =	simm.s32 $0x8200  }
0x125: {  	[tilespmem:s4], [sflag:$0x2] =	stream.indirect_vreg.gather [hbm4b:s6+s2], $0x80, v3, vm0, $0xb8;
	[tilespmem:$0x18200] =	vst v63  }
0x126: {  	s11 =	simm.s32 $0x8A00  }
0x127: {  	[tilespmem:s11], [sflag:$0x2] =	stream.indirect_vreg.gather [hbm4b:s7+s2], $0x80, v3, vm0, $0xb8;
	[tilespmem:$0x18200] =	vst v63  }
0x128: {  	v3 =	vld [tilespmem:$0x90];
	_ =	sdelay $0x4  }
0x129: {  	v39 =	vshrl.u32 v3, $0x3  }
0x12a: {  	v4 =	vmul.u32 $0x30, v39  }
0x12b: {  	v3 =	vand.u32 $0x7, v3  }
0x12c: {  	v3 =	vor.u32 v3, v4  }
0x12d: {  	v4 =	vperm.xlane v3, v0;
	_ =	sdelay $0x1  }
0x12e: {  	v4 =	vadd.s32 v1, v4;
	_ =	sdelay $0x3  }
0x12f: {  	s24 =	simm.s32 $0x9200;
	v3 =	vperm.xlane v3, v2  }
0x130: {  	[tilespmem:s24], [sflag:$0x2] =	stream.indirect_vreg.gather [hbm4b:s5+s2], $0x80, v4, vm0, $0xb8;
	[tilespmem:$0x18200] =	vst v63  }
0x131: {  	s11 =	simm.s32 $0x9A00;
	v3 =	vadd.s32 v1, v3  }
0x132: {  	[tilespmem:s11], [sflag:$0x2] =	stream.indirect_vreg.gather [hbm4b:s6+s2], $0x80, v4, vm0, $0xb8;
	[tilespmem:$0x18200] =	vst v63  }
0x133: {  	s24 =	simm.s32 $0xA200  }
0x134: {  	[tilespmem:s24], [sflag:$0x2] =	stream.indirect_vreg.gather [hbm4b:s7+s2], $0x80, v4, vm0, $0xb8;
	[tilespmem:$0x18200] =	vst v63  }
0x135: {  	s25 =	simm.s32 $0xAA00  }
0x136: {  	[tilespmem:s25], [sflag:$0x2] =	stream.indirect_vreg.gather [hbm4b:s5+s2], $0x80, v3, vm0, $0xb8;
	[tilespmem:$0x18200] =	vst v63  }
0x137: {  	s26 =	simm.s32 $0xB200  }
0x138: {  	[tilespmem:s26], [sflag:$0x2] =	stream.indirect_vreg.gather [hbm4b:s6+s2], $0x80, v3, vm0, $0xb8;
	[tilespmem:$0x18200] =	vst v63  }
0x139: {  	s18 =	simm.s32 $0xBA00  }
0x13a: {  	[tilespmem:s18], [sflag:$0x2] =	stream.indirect_vreg.gather [hbm4b:s7+s2], $0x80, v3, vm0, $0xb8;
	[tilespmem:$0x18200] =	vst v63  }
0x13b: {  	s18 =	simm.s32 $0x3  }
0x13c: {  	_ =	swait.ge [sflag:s18], $0x6000  }
0x13d: {  	[sflag:s18] =	ssyncset.done $0x0  }
0x13e: {  	s1 =	simm.s32 $0xC200;
	s0 =	rddreg [dreg:$0x8];
	[sflag:s18] =	ssyncadd.s32 $0xFFFFA000  }
0x13f: {  	[hbm4b:s0+s2] =	stream.linear.scatter [tilespmem:s1], [sflag:$0x7], $0x6000, $0x38;
	[tilespmem:$0x18200] =	vst v63  }
0x140: {  	_ =	swait.ge [sflag:s19], $0x6000  }
0x141: {  	[sflag:s19] =	ssyncset.done $0x0  }
0x142: {  	s10 =	simm.s32 $0x100;
	s3 =	rddreg [dreg:$0x9];
	[sflag:s19] =	ssyncadd.s32 $0xFFFFA000  }
0x143: {  	[tilespmem:s10], [sflag:$0x9] =	stream.linear.gather [hbm4b:s3+s2], $0x20, $0x38;
	[tilespmem:$0x18200] =	vst v63  }
0x144: {  	_ =	swait.ge [sflag:s9], $0x20  }
0x145: {  	[sflag:s9] =	ssyncset.done $0x0  }
0x146: {  	[sflag:s9] =	ssyncadd.s32 $0xFFFFFFE0  }
0x147: {  	v3 =	vld [tilespmem:$0x100];
	_ =	sdelay $0x4  }
0x148: {  	v40 =	vshrl.u32 v3, $0x3  }
0x149: {  	v4 =	vmul.u32 $0x30, v40  }
0x14a: {  	v3 =	vand.u32 $0x7, v3  }
0x14b: {  	v3 =	vor.u32 v3, v4  }
0x14c: {  	v4 =	vperm.xlane v3, v0;
	_ =	sdelay $0x1  }
0x14d: {  	v4 =	vadd.s32 v1, v4;
	_ =	sdelay $0x3  }
0x14e: {  	v3 =	vperm.xlane v3, v2  }
0x14f: {  	[tilespmem:s1], [sflag:$0x3] =	stream.indirect_vreg.gather [hbm4b:s5+s2], $0x80, v4, vm0, $0xb8;
	[tilespmem:$0x18200] =	vst v63  }
0x150: {  	s17 =	simm.s32 $0xCA00;
	v3 =	vadd.s32 v1, v3  }
0x151: {  	[tilespmem:s17], [sflag:$0x3] =	stream.indirect_vreg.gather [hbm4b:s6+s2], $0x80, v4, vm0, $0xb8;
	[tilespmem:$0x18200] =	vst v63  }
0x152: {  	s20 =	simm.s32 $0xD200  }
0x153: {  	[tilespmem:s20], [sflag:$0x3] =	stream.indirect_vreg.gather [hbm4b:s7+s2], $0x80, v4, vm0, $0xb8;
	[tilespmem:$0x18200] =	vst v63  }
0x154: {  	s30 =	simm.s32 $0xDA00  }
0x155: {  	[tilespmem:s30], [sflag:$0x3] =	stream.indirect_vreg.gather [hbm4b:s5+s2], $0x80, v3, vm0, $0xb8;
	[tilespmem:$0x18200] =	vst v63  }
0x156: {  	s3 =	simm.s32 $0xE200  }
0x157: {  	[tilespmem:s3], [sflag:$0x3] =	stream.indirect_vreg.gather [hbm4b:s6+s2], $0x80, v3, vm0, $0xb8;
	[tilespmem:$0x18200] =	vst v63  }
0x158: {  	s10 =	simm.s32 $0xEA00  }
0x159: {  	[tilespmem:s10], [sflag:$0x3] =	stream.indirect_vreg.gather [hbm4b:s7+s2], $0x80, v3, vm0, $0xb8;
	[tilespmem:$0x18200] =	vst v63  }
0x15a: {  	v3 =	vld [tilespmem:$0x110];
	_ =	sdelay $0x4  }
0x15b: {  	v41 =	vshrl.u32 v3, $0x3  }
0x15c: {  	v4 =	vmul.u32 $0x30, v41  }
0x15d: {  	v3 =	vand.u32 $0x7, v3  }
0x15e: {  	v3 =	vor.u32 v3, v4  }
0x15f: {  	v4 =	vperm.xlane v3, v0;
	_ =	sdelay $0x1  }
0x160: {  	v4 =	vadd.s32 v1, v4;
	_ =	sdelay $0x3  }
0x161: {  	s12 =	simm.s32 $0xF200;
	v3 =	vperm.xlane v3, v2  }
0x162: {  	[tilespmem:s12], [sflag:$0x3] =	stream.indirect_vreg.gather [hbm4b:s5+s2], $0x80, v4, vm0, $0xb8;
	[tilespmem:$0x18200] =	vst v63  }
0x163: {  	s17 =	simm.s32 $0xFA00;
	v3 =	vadd.s32 v1, v3  }
0x164: {  	[tilespmem:s17], [sflag:$0x3] =	stream.indirect_vreg.gather [hbm4b:s6+s2], $0x80, v4, vm0, $0xb8;
	[tilespmem:$0x18200] =	vst v63  }
0x165: {  	s20 =	simm.s32 $0x10200  }
0x166: {  	[tilespmem:s20], [sflag:$0x3] =	stream.indirect_vreg.gather [hbm4b:s7+s2], $0x80, v4, vm0, $0xb8;
	[tilespmem:$0x18200] =	vst v63  }
0x167: {  	s21 =	simm.s32 $0x10A00  }
0x168: {  	[tilespmem:s21], [sflag:$0x3] =	stream.indirect_vreg.gather [hbm4b:s5+s2], $0x80, v3, vm0, $0xb8;
	[tilespmem:$0x18200] =	vst v63  }
0x169: {  	s28 =	simm.s32 $0x11200  }
0x16a: {  	[tilespmem:s28], [sflag:$0x3] =	stream.indirect_vreg.gather [hbm4b:s6+s2], $0x80, v3, vm0, $0xb8;
	[tilespmem:$0x18200] =	vst v63  }
0x16b: {  	s30 =	simm.s32 $0x11A00;
	s20 =	simm.s32 $0x4  }
0x16c: {  	[tilespmem:s30], [sflag:$0x3] =	stream.indirect_vreg.gather [hbm4b:s7+s2], $0x80, v3, vm0, $0xb8;
	[tilespmem:$0x18200] =	vst v63  }
0x16d: {  	_ =	swait.ge [sflag:s20], $0x6000  }
0x16e: {  	[sflag:s20] =	ssyncset.done $0x0  }
0x16f: {  	s10 =	simm.s32 $0x12200;
	s0 =	rddreg [dreg:$0xa];
	[sflag:s20] =	ssyncadd.s32 $0xFFFFA000  }
0x170: {  	[hbm4b:s0+s2] =	stream.linear.scatter [tilespmem:s10], [sflag:$0x8], $0x6000, $0x38;
	[tilespmem:$0x18200] =	vst v63  }
0x171: {  	s0 =	simm.s32 $0x8  }
0x172: {  	_ =	swait.ge [sflag:s0], $0x6000  }
0x173: {  	[sflag:s0] =	ssyncset.done $0x0  }
0x174: {  	s23 =	simm.s32 $0x180;
	s12 =	rddreg [dreg:$0xb];
	[sflag:s0] =	ssyncadd.s32 $0xFFFFA000  }
0x175: {  	[tilespmem:s23], [sflag:$0x9] =	stream.linear.gather [hbm4b:s12+s2], $0x20, $0x38;
	[tilespmem:$0x18200] =	vst v63  }
0x176: {  	_ =	swait.ge [sflag:s9], $0x20  }
0x177: {  	[sflag:s9] =	ssyncset.done $0x0  }
0x178: {  	[sflag:s9] =	ssyncadd.s32 $0xFFFFFFE0  }
0x179: {  	v3 =	vld [tilespmem:$0x180];
	_ =	sdelay $0x4  }
0x17a: {  	v42 =	vshrl.u32 v3, $0x3  }
0x17b: {  	v4 =	vmul.u32 $0x30, v42  }
0x17c: {  	v3 =	vand.u32 $0x7, v3  }
0x17d: {  	v3 =	vor.u32 v3, v4  }
0x17e: {  	v4 =	vperm.xlane v3, v0;
	_ =	sdelay $0x1  }
0x17f: {  	v4 =	vadd.s32 v1, v4;
	_ =	sdelay $0x3  }
0x180: {  	v3 =	vperm.xlane v3, v2  }
0x181: {  	[tilespmem:s10], [sflag:$0x4] =	stream.indirect_vreg.gather [hbm4b:s5+s2], $0x80, v4, vm0, $0xb8;
	[tilespmem:$0x18200] =	vst v63  }
0x182: {  	s28 =	simm.s32 $0x12A00;
	v3 =	vadd.s32 v1, v3  }
0x183: {  	[tilespmem:s28], [sflag:$0x4] =	stream.indirect_vreg.gather [hbm4b:s6+s2], $0x80, v4, vm0, $0xb8;
	[tilespmem:$0x18200] =	vst v63  }
0x184: {  	s30 =	simm.s32 $0x13200  }
0x185: {  	[tilespmem:s30], [sflag:$0x4] =	stream.indirect_vreg.gather [hbm4b:s7+s2], $0x80, v4, vm0, $0xb8;
	[tilespmem:$0x18200] =	vst v63  }
0x186: {  	s17 =	simm.s32 $0x13A00  }
0x187: {  	[tilespmem:s17], [sflag:$0x4] =	stream.indirect_vreg.gather [hbm4b:s5+s2], $0x80, v3, vm0, $0xb8;
	[tilespmem:$0x18200] =	vst v63  }
0x188: {  	s12 =	simm.s32 $0x14200  }
0x189: {  	[tilespmem:s12], [sflag:$0x4] =	stream.indirect_vreg.gather [hbm4b:s6+s2], $0x80, v3, vm0, $0xb8;
	[tilespmem:$0x18200] =	vst v63  }
0x18a: {  	s21 =	simm.s32 $0x14A00  }
0x18b: {  	[tilespmem:s21], [sflag:$0x4] =	stream.indirect_vreg.gather [hbm4b:s7+s2], $0x80, v3, vm0, $0xb8;
	[tilespmem:$0x18200] =	vst v63  }
0x18c: {  	v3 =	vld [tilespmem:$0x190];
	_ =	sdelay $0x4  }
0x18d: {  	v43 =	vshrl.u32 v3, $0x3  }
0x18e: {  	v4 =	vmul.u32 $0x30, v43  }
0x18f: {  	v3 =	vand.u32 $0x7, v3  }
0x190: {  	v3 =	vor.u32 v3, v4  }
0x191: {  	v4 =	vperm.xlane v3, v0;
	_ =	sdelay $0x1  }
0x192: {  	v4 =	vadd.s32 v1, v4;
	_ =	sdelay $0x3  }
0x193: {  	s23 =	simm.s32 $0x15200;
	v3 =	vperm.xlane v3, v2  }
0x194: {  	[tilespmem:s23], [sflag:$0x4] =	stream.indirect_vreg.gather [hbm4b:s5+s2], $0x80, v4, vm0, $0xb8;
	[tilespmem:$0x18200] =	vst v63  }
0x195: {  	s21 =	simm.s32 $0x15A00;
	v3 =	vadd.s32 v1, v3  }
0x196: {  	[tilespmem:s21], [sflag:$0x4] =	stream.indirect_vreg.gather [hbm4b:s6+s2], $0x80, v4, vm0, $0xb8;
	[tilespmem:$0x18200] =	vst v63  }
0x197: {  	s10 =	simm.s32 $0x16200  }
0x198: {  	[tilespmem:s10], [sflag:$0x4] =	stream.indirect_vreg.gather [hbm4b:s7+s2], $0x80, v4, vm0, $0xb8;
	[tilespmem:$0x18200] =	vst v63  }
0x199: {  	s23 =	simm.s32 $0x16A00  }
0x19a: {  	[tilespmem:s23], [sflag:$0x4] =	stream.indirect_vreg.gather [hbm4b:s5+s2], $0x80, v3, vm0, $0xb8;
	[tilespmem:$0x18200] =	vst v63  }
0x19b: {  	s23 =	simm.s32 $0x17200  }
0x19c: {  	[tilespmem:s23], [sflag:$0x4] =	stream.indirect_vreg.gather [hbm4b:s6+s2], $0x80, v3, vm0, $0xb8;
	[tilespmem:$0x18200] =	vst v63  }
0x19d: {  	s23 =	simm.s32 $0x17A00  }
0x19e: {  	[tilespmem:s23], [sflag:$0x4] =	stream.indirect_vreg.gather [hbm4b:s7+s2], $0x80, v3, vm0, $0xb8;
	[tilespmem:$0x18200] =	vst v63  }
0x19f: {  	_ =	swait.ge [sflag:s13], $0x6000  }
0x1a0: {  	[sflag:s13] =	ssyncset.done $0x0  }
0x1a1: {  	s23 =	simm.s32 $0x200;
	s21 =	rddreg [dreg:$0xc];
	[sflag:s13] =	ssyncadd.s32 $0xFFFFA000  }
0x1a2: {  	[hbm4b:s21+s2] =	stream.linear.scatter [tilespmem:s23], [sflag:$0x5], $0x6000, $0x38;
	[tilespmem:$0x18200] =	vst v63  }
0x1a3: {  	_ =	swait.ge [sflag:s14], $0x6000  }
0x1a4: {  	[sflag:s14] =	ssyncset.done $0x0  }
0x1a5: {  	s21 =	rddreg [dreg:$0xd];
	[sflag:s14] =	ssyncadd.s32 $0xFFFFA000  }
0x1a6: {  	[tilespmem:s2], [sflag:$0x9] =	stream.linear.gather [hbm4b:s21+s2], $0x20, $0x38;
	[tilespmem:$0x18200] =	vst v63  }
0x1a7: {  	_ =	swait.ge [sflag:s9], $0x20  }
0x1a8: {  	[sflag:s9] =	ssyncset.done $0x0  }
0x1a9: {  	[sflag:s9] =	ssyncadd.s32 $0xFFFFFFE0  }
0x1aa: {  	v3 =	vld [tilespmem:$0x0];
	_ =	sdelay $0x4  }
0x1ab: {  	v44 =	vshrl.u32 v3, $0x3  }
0x1ac: {  	v4 =	vmul.u32 $0x30, v44  }
0x1ad: {  	v3 =	vand.u32 $0x7, v3  }
0x1ae: {  	v3 =	vor.u32 v3, v4  }
0x1af: {  	v4 =	vperm.xlane v3, v0;
	_ =	sdelay $0x1  }
0x1b0: {  	v4 =	vadd.s32 v1, v4;
	_ =	sdelay $0x3  }
0x1b1: {  	v3 =	vperm.xlane v3, v2  }
0x1b2: {  	[tilespmem:s23], [sflag:$0x1] =	stream.indirect_vreg.gather [hbm4b:s5+s2], $0x80, v4, vm0, $0xb8;
	[tilespmem:$0x18200] =	vst v63  }
0x1b3: {  	v3 =	vadd.s32 v1, v3;
	s23 =	simm.s32 $0xA00  }
0x1b4: {  	[tilespmem:s23], [sflag:$0x1] =	stream.indirect_vreg.gather [hbm4b:s6+s2], $0x80, v4, vm0, $0xb8;
	[tilespmem:$0x18200] =	vst v63  }
0x1b5: {  	s23 =	simm.s32 $0x1200  }
0x1b6: {  	[tilespmem:s23], [sflag:$0x1] =	stream.indirect_vreg.gather [hbm4b:s7+s2], $0x80, v4, vm0, $0xb8;
	[tilespmem:$0x18200] =	vst v63  }
0x1b7: {  	s23 =	simm.s32 $0x1A00  }
0x1b8: {  	[tilespmem:s23], [sflag:$0x1] =	stream.indirect_vreg.gather [hbm4b:s5+s2], $0x80, v3, vm0, $0xb8;
	[tilespmem:$0x18200] =	vst v63  }
0x1b9: {  	s23 =	simm.s32 $0x2200  }
0x1ba: {  	[tilespmem:s23], [sflag:$0x1] =	stream.indirect_vreg.gather [hbm4b:s6+s2], $0x80, v3, vm0, $0xb8;
	[tilespmem:$0x18200] =	vst v63  }
0x1bb: {  	s23 =	simm.s32 $0x2A00  }
0x1bc: {  	[tilespmem:s23], [sflag:$0x1] =	stream.indirect_vreg.gather [hbm4b:s7+s2], $0x80, v3, vm0, $0xb8;
	[tilespmem:$0x18200] =	vst v63  }
0x1bd: {  	v3 =	vld [tilespmem:$0x10];
	_ =	sdelay $0x4  }
0x1be: {  	v45 =	vshrl.u32 v3, $0x3  }
0x1bf: {  	v4 =	vmul.u32 $0x30, v45  }
0x1c0: {  	v3 =	vand.u32 $0x7, v3  }
0x1c1: {  	v3 =	vor.u32 v3, v4  }
0x1c2: {  	v4 =	vperm.xlane v3, v0;
	_ =	sdelay $0x1  }
0x1c3: {  	v4 =	vadd.s32 v1, v4;
	_ =	sdelay $0x3  }
0x1c4: {  	v3 =	vperm.xlane v3, v2  }
0x1c5: {  	[tilespmem:s22], [sflag:$0x1] =	stream.indirect_vreg.gather [hbm4b:s5+s2], $0x80, v4, vm0, $0xb8;
	[tilespmem:$0x18200] =	vst v63  }
0x1c6: {  	s23 =	simm.s32 $0x3A00;
	v3 =	vadd.s32 v1, v3  }
0x1c7: {  	[tilespmem:s23], [sflag:$0x1] =	stream.indirect_vreg.gather [hbm4b:s6+s2], $0x80, v4, vm0, $0xb8;
	[tilespmem:$0x18200] =	vst v63  }
0x1c8: {  	s22 =	simm.s32 $0x4200  }
0x1c9: {  	[tilespmem:s22], [sflag:$0x1] =	stream.indirect_vreg.gather [hbm4b:s7+s2], $0x80, v4, vm0, $0xb8;
	[tilespmem:$0x18200] =	vst v63  }
0x1ca: {  	s23 =	simm.s32 $0x4A00  }
0x1cb: {  	[tilespmem:s23], [sflag:$0x1] =	stream.indirect_vreg.gather [hbm4b:s5+s2], $0x80, v3, vm0, $0xb8;
	[tilespmem:$0x18200] =	vst v63  }
0x1cc: {  	_ = 	snop  }
0x1cd: {  	[tilespmem:s31], [sflag:$0x1] =	stream.indirect_vreg.gather [hbm4b:s6+s2], $0x80, v3, vm0, $0xb8;
	[tilespmem:$0x18200] =	vst v63  }
0x1ce: {  	_ = 	snop  }
0x1cf: {  	[tilespmem:s29], [sflag:$0x1] =	stream.indirect_vreg.gather [hbm4b:s7+s2], $0x80, v3, vm0, $0xb8;
	[tilespmem:$0x18200] =	vst v63  }
0x1d0: {  	_ =	swait.ge [sflag:s15], $0x6000  }
0x1d1: {  	[sflag:s15] =	ssyncset.done $0x0  }
0x1d2: {  	s31 =	simm.s32 $0x6200;
	s29 =	rddreg [dreg:$0xe];
	[sflag:s15] =	ssyncadd.s32 $0xFFFFA000  }
0x1d3: {  	[hbm4b:s29+s2] =	stream.linear.scatter [tilespmem:s31], [sflag:$0x6], $0x6000, $0x38;
	[tilespmem:$0x18200] =	vst v63  }
0x1d4: {  	_ =	swait.ge [sflag:s16], $0x6000  }
0x1d5: {  	[sflag:s16] =	ssyncset.done $0x0  }
0x1d6: {  	s29 =	simm.s32 $0x80;
	s22 =	rddreg [dreg:$0xf];
	[sflag:s16] =	ssyncadd.s32 $0xFFFFA000  }
0x1d7: {  	[tilespmem:s29], [sflag:$0x9] =	stream.linear.gather [hbm4b:s22+s2], $0x20, $0x38;
	[tilespmem:$0x18200] =	vst v63  }
0x1d8: {  	_ =	swait.ge [sflag:s9], $0x20  }
0x1d9: {  	[sflag:s9] =	ssyncset.done $0x0  }
0x1da: {  	[sflag:s9] =	ssyncadd.s32 $0xFFFFFFE0  }
0x1db: {  	v3 =	vld [tilespmem:$0x80];
	_ =	sdelay $0x4  }
0x1dc: {  	v46 =	vshrl.u32 v3, $0x3  }
0x1dd: {  	v4 =	vmul.u32 $0x30, v46  }
0x1de: {  	v3 =	vand.u32 $0x7, v3  }
0x1df: {  	v3 =	vor.u32 v3, v4  }
0x1e0: {  	v4 =	vperm.xlane v3, v0;
	_ =	sdelay $0x1  }
0x1e1: {  	v4 =	vadd.s32 v1, v4;
	_ =	sdelay $0x3  }
0x1e2: {  	v3 =	vperm.xlane v3, v2  }
0x1e3: {  	[tilespmem:s31], [sflag:$0x2] =	stream.indirect_vreg.gather [hbm4b:s5+s2], $0x80, v4, vm0, $0xb8;
	[tilespmem:$0x18200] =	vst v63  }
0x1e4: {  	v3 =	vadd.s32 v1, v3;
	s31 =	simm.s32 $0x6A00  }
0x1e5: {  	[tilespmem:s31], [sflag:$0x2] =	stream.indirect_vreg.gather [hbm4b:s6+s2], $0x80, v4, vm0, $0xb8;
	[tilespmem:$0x18200] =	vst v63  }
0x1e6: {  	s22 =	simm.s32 $0x7200  }
0x1e7: {  	[tilespmem:s22], [sflag:$0x2] =	stream.indirect_vreg.gather [hbm4b:s7+s2], $0x80, v4, vm0, $0xb8;
	[tilespmem:$0x18200] =	vst v63  }
0x1e8: {  	s23 =	simm.s32 $0x7A00  }
0x1e9: {  	[tilespmem:s23], [sflag:$0x2] =	stream.indirect_vreg.gather [hbm4b:s5+s2], $0x80, v3, vm0, $0xb8;
	[tilespmem:$0x18200] =	vst v63  }
0x1ea: {  	_ = 	snop  }
0x1eb: {  	[tilespmem:s4], [sflag:$0x2] =	stream.indirect_vreg.gather [hbm4b:s6+s2], $0x80, v3, vm0, $0xb8;
	[tilespmem:$0x18200] =	vst v63  }
0x1ec: {  	s31 =	simm.s32 $0x8A00  }
0x1ed: {  	[tilespmem:s31], [sflag:$0x2] =	stream.indirect_vreg.gather [hbm4b:s7+s2], $0x80, v3, vm0, $0xb8;
	[tilespmem:$0x18200] =	vst v63  }
0x1ee: {  	v3 =	vld [tilespmem:$0x90];
	_ =	sdelay $0x4  }
0x1ef: {  	v47 =	vshrl.u32 v3, $0x3  }
0x1f0: {  	v4 =	vmul.u32 $0x30, v47  }
0x1f1: {  	v3 =	vand.u32 $0x7, v3  }
0x1f2: {  	v3 =	vor.u32 v3, v4  }
0x1f3: {  	v4 =	vperm.xlane v3, v0;
	_ =	sdelay $0x1  }
0x1f4: {  	v4 =	vadd.s32 v1, v4;
	_ =	sdelay $0x3  }
0x1f5: {  	s21 =	simm.s32 $0x9200;
	v3 =	vperm.xlane v3, v2  }
0x1f6: {  	[tilespmem:s21], [sflag:$0x2] =	stream.indirect_vreg.gather [hbm4b:s5+s2], $0x80, v4, vm0, $0xb8;
	[tilespmem:$0x18200] =	vst v63  }
0x1f7: {  	v3 =	vadd.s32 v1, v3  }
0x1f8: {  	[tilespmem:s11], [sflag:$0x2] =	stream.indirect_vreg.gather [hbm4b:s6+s2], $0x80, v4, vm0, $0xb8;
	[tilespmem:$0x18200] =	vst v63  }
0x1f9: {  	_ = 	snop  }
0x1fa: {  	[tilespmem:s24], [sflag:$0x2] =	stream.indirect_vreg.gather [hbm4b:s7+s2], $0x80, v4, vm0, $0xb8;
	[tilespmem:$0x18200] =	vst v63  }
0x1fb: {  	_ = 	snop  }
0x1fc: {  	[tilespmem:s25], [sflag:$0x2] =	stream.indirect_vreg.gather [hbm4b:s5+s2], $0x80, v3, vm0, $0xb8;
	[tilespmem:$0x18200] =	vst v63  }
0x1fd: {  	_ = 	snop  }
0x1fe: {  	[tilespmem:s26], [sflag:$0x2] =	stream.indirect_vreg.gather [hbm4b:s6+s2], $0x80, v3, vm0, $0xb8;
	[tilespmem:$0x18200] =	vst v63  }
0x1ff: {  	s22 =	simm.s32 $0xBA00  }
0x200: {  	[tilespmem:s22], [sflag:$0x2] =	stream.indirect_vreg.gather [hbm4b:s7+s2], $0x80, v3, vm0, $0xb8;
	[tilespmem:$0x18200] =	vst v63  }
0x201: {  	_ =	swait.ge [sflag:s18], $0x6000  }
0x202: {  	[sflag:s18] =	ssyncset.done $0x0  }
0x203: {  	s1 =	simm.s32 $0xC200;
	s23 =	rddreg [dreg:$0x10];
	[sflag:s18] =	ssyncadd.s32 $0xFFFFA000  }
0x204: {  	[hbm4b:s23+s2] =	stream.linear.scatter [tilespmem:s1], [sflag:$0x7], $0x6000, $0x38;
	[tilespmem:$0x18200] =	vst v63  }
0x205: {  	_ =	swait.ge [sflag:s19], $0x6000  }
0x206: {  	[sflag:s19] =	ssyncset.done $0x0  }
0x207: {  	s25 =	simm.s32 $0x100;
	s24 =	rddreg [dreg:$0x11];
	[sflag:s19] =	ssyncadd.s32 $0xFFFFA000  }
0x208: {  	[tilespmem:s25], [sflag:$0x9] =	stream.linear.gather [hbm4b:s24+s2], $0x20, $0x38;
	[tilespmem:$0x18200] =	vst v63  }
0x209: {  	_ =	swait.ge [sflag:s9], $0x20  }
0x20a: {  	[sflag:s9] =	ssyncset.done $0x0  }
0x20b: {  	[sflag:s9] =	ssyncadd.s32 $0xFFFFFFE0  }
0x20c: {  	v3 =	vld [tilespmem:$0x100];
	_ =	sdelay $0x4  }
0x20d: {  	v48 =	vshrl.u32 v3, $0x3  }
0x20e: {  	v4 =	vmul.u32 $0x30, v48  }
0x20f: {  	v3 =	vand.u32 $0x7, v3  }
0x210: {  	v3 =	vor.u32 v3, v4  }
0x211: {  	v4 =	vperm.xlane v3, v0;
	_ =	sdelay $0x1  }
0x212: {  	v4 =	vadd.s32 v1, v4;
	_ =	sdelay $0x3  }
0x213: {  	v3 =	vperm.xlane v3, v2  }
0x214: {  	[tilespmem:s1], [sflag:$0x3] =	stream.indirect_vreg.gather [hbm4b:s5+s2], $0x80, v4, vm0, $0xb8;
	[tilespmem:$0x18200] =	vst v63  }
0x215: {  	s23 =	simm.s32 $0xCA00;
	v3 =	vadd.s32 v1, v3  }
0x216: {  	[tilespmem:s23], [sflag:$0x3] =	stream.indirect_vreg.gather [hbm4b:s6+s2], $0x80, v4, vm0, $0xb8;
	[tilespmem:$0x18200] =	vst v63  }
0x217: {  	s26 =	simm.s32 $0xD200  }
0x218: {  	[tilespmem:s26], [sflag:$0x3] =	stream.indirect_vreg.gather [hbm4b:s7+s2], $0x80, v4, vm0, $0xb8;
	[tilespmem:$0x18200] =	vst v63  }
0x219: {  	s31 =	simm.s32 $0xDA00  }
0x21a: {  	[tilespmem:s31], [sflag:$0x3] =	stream.indirect_vreg.gather [hbm4b:s5+s2], $0x80, v3, vm0, $0xb8;
	[tilespmem:$0x18200] =	vst v63  }
0x21b: {  	_ = 	snop  }
0x21c: {  	[tilespmem:s3], [sflag:$0x3] =	stream.indirect_vreg.gather [hbm4b:s6+s2], $0x80, v3, vm0, $0xb8;
	[tilespmem:$0x18200] =	vst v63  }
0x21d: {  	s4 =	simm.s32 $0xEA00  }
0x21e: {  	[tilespmem:s4], [sflag:$0x3] =	stream.indirect_vreg.gather [hbm4b:s7+s2], $0x80, v3, vm0, $0xb8;
	[tilespmem:$0x18200] =	vst v63  }
0x21f: {  	v3 =	vld [tilespmem:$0x110];
	_ =	sdelay $0x4  }
0x220: {  	v49 =	vshrl.u32 v3, $0x3  }
0x221: {  	v4 =	vmul.u32 $0x30, v49  }
0x222: {  	v3 =	vand.u32 $0x7, v3  }
0x223: {  	v3 =	vor.u32 v3, v4  }
0x224: {  	v4 =	vperm.xlane v3, v0;
	_ =	sdelay $0x1  }
0x225: {  	v4 =	vadd.s32 v1, v4;
	_ =	sdelay $0x3  }
0x226: {  	s11 =	simm.s32 $0xF200;
	v3 =	vperm.xlane v3, v2  }
0x227: {  	[tilespmem:s11], [sflag:$0x3] =	stream.indirect_vreg.gather [hbm4b:s5+s2], $0x80, v4, vm0, $0xb8;
	[tilespmem:$0x18200] =	vst v63  }
0x228: {  	s21 =	simm.s32 $0xFA00;
	v3 =	vadd.s32 v1, v3  }
0x229: {  	[tilespmem:s21], [sflag:$0x3] =	stream.indirect_vreg.gather [hbm4b:s6+s2], $0x80, v4, vm0, $0xb8;
	[tilespmem:$0x18200] =	vst v63  }
0x22a: {  	s22 =	simm.s32 $0x10200  }
0x22b: {  	[tilespmem:s22], [sflag:$0x3] =	stream.indirect_vreg.gather [hbm4b:s7+s2], $0x80, v4, vm0, $0xb8;
	[tilespmem:$0x18200] =	vst v63  }
0x22c: {  	s24 =	simm.s32 $0x10A00  }
0x22d: {  	[tilespmem:s24], [sflag:$0x3] =	stream.indirect_vreg.gather [hbm4b:s5+s2], $0x80, v3, vm0, $0xb8;
	[tilespmem:$0x18200] =	vst v63  }
0x22e: {  	s25 =	simm.s32 $0x11200  }
0x22f: {  	[tilespmem:s25], [sflag:$0x3] =	stream.indirect_vreg.gather [hbm4b:s6+s2], $0x80, v3, vm0, $0xb8;
	[tilespmem:$0x18200] =	vst v63  }
0x230: {  	s26 =	simm.s32 $0x11A00  }
0x231: {  	[tilespmem:s26], [sflag:$0x3] =	stream.indirect_vreg.gather [hbm4b:s7+s2], $0x80, v3, vm0, $0xb8;
	[tilespmem:$0x18200] =	vst v63  }
0x232: {  	_ =	swait.ge [sflag:s20], $0x6000  }
0x233: {  	[sflag:s20] =	ssyncset.done $0x0  }
0x234: {  	s4 =	simm.s32 $0x12200;
	s3 =	rddreg [dreg:$0x12];
	[sflag:s20] =	ssyncadd.s32 $0xFFFFA000  }
0x235: {  	[hbm4b:s3+s2] =	stream.linear.scatter [tilespmem:s4], [sflag:$0x8], $0x6000, $0x38;
	[tilespmem:$0x18200] =	vst v63  }
0x236: {  	_ =	swait.ge [sflag:s0], $0x6000  }
0x237: {  	[sflag:s0] =	ssyncset.done $0x0  }
0x238: {  	s22 =	simm.s32 $0x180;
	s11 =	rddreg [dreg:$0x13];
	[sflag:s0] =	ssyncadd.s32 $0xFFFFA000  }
0x239: {  	[tilespmem:s22], [sflag:$0x9] =	stream.linear.gather [hbm4b:s11+s2], $0x20, $0x38;
	[tilespmem:$0x18200] =	vst v63  }
0x23a: {  	_ =	swait.ge [sflag:s9], $0x20  }
0x23b: {  	[sflag:s9] =	ssyncset.done $0x0  }
0x23c: {  	[sflag:s9] =	ssyncadd.s32 $0xFFFFFFE0  }
0x23d: {  	v3 =	vld [tilespmem:$0x180];
	_ =	sdelay $0x4  }
0x23e: {  	v50 =	vshrl.u32 v3, $0x3  }
0x23f: {  	v4 =	vmul.u32 $0x30, v50  }
0x240: {  	v3 =	vand.u32 $0x7, v3  }
0x241: {  	v3 =	vor.u32 v3, v4  }
0x242: {  	v4 =	vperm.xlane v3, v0;
	_ =	sdelay $0x1  }
0x243: {  	v4 =	vadd.s32 v1, v4;
	_ =	sdelay $0x3  }
0x244: {  	v3 =	vperm.xlane v3, v2  }
0x245: {  	[tilespmem:s4], [sflag:$0x4] =	stream.indirect_vreg.gather [hbm4b:s5+s2], $0x80, v4, vm0, $0xb8;
	[tilespmem:$0x18200] =	vst v63  }
0x246: {  	v3 =	vadd.s32 v1, v3  }
0x247: {  	[tilespmem:s28], [sflag:$0x4] =	stream.indirect_vreg.gather [hbm4b:s6+s2], $0x80, v4, vm0, $0xb8;
	[tilespmem:$0x18200] =	vst v63  }
0x248: {  	_ = 	snop  }
0x249: {  	[tilespmem:s30], [sflag:$0x4] =	stream.indirect_vreg.gather [hbm4b:s7+s2], $0x80, v4, vm0, $0xb8;
	[tilespmem:$0x18200] =	vst v63  }
0x24a: {  	_ = 	snop  }
0x24b: {  	[tilespmem:s17], [sflag:$0x4] =	stream.indirect_vreg.gather [hbm4b:s5+s2], $0x80, v3, vm0, $0xb8;
	[tilespmem:$0x18200] =	vst v63  }
0x24c: {  	_ = 	snop  }
0x24d: {  	[tilespmem:s12], [sflag:$0x4] =	stream.indirect_vreg.gather [hbm4b:s6+s2], $0x80, v3, vm0, $0xb8;
	[tilespmem:$0x18200] =	vst v63  }
0x24e: {  	s24 =	simm.s32 $0x14A00  }
0x24f: {  	[tilespmem:s24], [sflag:$0x4] =	stream.indirect_vreg.gather [hbm4b:s7+s2], $0x80, v3, vm0, $0xb8;
	[tilespmem:$0x18200] =	vst v63  }
0x250: {  	v3 =	vld [tilespmem:$0x190];
	_ =	sdelay $0x4  }
0x251: {  	v51 =	vshrl.u32 v3, $0x3  }
0x252: {  	v4 =	vmul.u32 $0x30, v51  }
0x253: {  	v3 =	vand.u32 $0x7, v3  }
0x254: {  	v3 =	vor.u32 v3, v4  }
0x255: {  	v4 =	vperm.xlane v3, v0;
	_ =	sdelay $0x1  }
0x256: {  	v4 =	vadd.s32 v1, v4;
	_ =	sdelay $0x3  }
0x257: {  	s26 =	simm.s32 $0x15200;
	v3 =	vperm.xlane v3, v2  }
0x258: {  	[tilespmem:s26], [sflag:$0x4] =	stream.indirect_vreg.gather [hbm4b:s5+s2], $0x80, v4, vm0, $0xb8;
	[tilespmem:$0x18200] =	vst v63  }
0x259: {  	s17 =	simm.s32 $0x15A00;
	v3 =	vadd.s32 v1, v3  }
0x25a: {  	[tilespmem:s17], [sflag:$0x4] =	stream.indirect_vreg.gather [hbm4b:s6+s2], $0x80, v4, vm0, $0xb8;
	[tilespmem:$0x18200] =	vst v63  }
0x25b: {  	_ = 	snop  }
0x25c: {  	[tilespmem:s10], [sflag:$0x4] =	stream.indirect_vreg.gather [hbm4b:s7+s2], $0x80, v4, vm0, $0xb8;
	[tilespmem:$0x18200] =	vst v63  }
0x25d: {  	s3 =	simm.s32 $0x16A00  }
0x25e: {  	[tilespmem:s3], [sflag:$0x4] =	stream.indirect_vreg.gather [hbm4b:s5+s2], $0x80, v3, vm0, $0xb8;
	[tilespmem:$0x18200] =	vst v63  }
0x25f: {  	s4 =	simm.s32 $0x17200  }
0x260: {  	[tilespmem:s4], [sflag:$0x4] =	stream.indirect_vreg.gather [hbm4b:s6+s2], $0x80, v3, vm0, $0xb8;
	[tilespmem:$0x18200] =	vst v63  }
0x261: {  	s10 =	simm.s32 $0x17A00  }
0x262: {  	[tilespmem:s10], [sflag:$0x4] =	stream.indirect_vreg.gather [hbm4b:s7+s2], $0x80, v3, vm0, $0xb8;
	[tilespmem:$0x18200] =	vst v63  }
0x263: {  	_ =	swait.ge [sflag:s13], $0x6000  }
0x264: {  	[sflag:s13] =	ssyncset.done $0x0  }
0x265: {  	s12 =	simm.s32 $0x200;
	s11 =	rddreg [dreg:$0x14];
	[sflag:s13] =	ssyncadd.s32 $0xFFFFA000  }
0x266: {  	[hbm4b:s11+s2] =	stream.linear.scatter [tilespmem:s12], [sflag:$0x5], $0x6000, $0x38;
	[tilespmem:$0x18200] =	vst v63  }
0x267: {  	_ =	swait.ge [sflag:s14], $0x6000  }
0x268: {  	[sflag:s14] =	ssyncset.done $0x0  }
0x269: {  	s24 =	rddreg [dreg:$0x15];
	[sflag:s14] =	ssyncadd.s32 $0xFFFFA000  }
0x26a: {  	[tilespmem:s2], [sflag:$0x9] =	stream.linear.gather [hbm4b:s24+s2], $0x20, $0x38;
	[tilespmem:$0x18200] =	vst v63  }
0x26b: {  	_ =	swait.ge [sflag:s9], $0x20  }
0x26c: {  	[sflag:s9] =	ssyncset.done $0x0  }
0x26d: {  	[sflag:s9] =	ssyncadd.s32 $0xFFFFFFE0  }
0x26e: {  	v3 =	vld [tilespmem:$0x0];
	_ =	sdelay $0x4  }
0x26f: {  	v52 =	vshrl.u32 v3, $0x3  }
0x270: {  	v4 =	vmul.u32 $0x30, v52  }
0x271: {  	v3 =	vand.u32 $0x7, v3  }
0x272: {  	v3 =	vor.u32 v3, v4  }
0x273: {  	v4 =	vperm.xlane v3, v0;
	_ =	sdelay $0x1  }
0x274: {  	v4 =	vadd.s32 v1, v4;
	_ =	sdelay $0x3  }
0x275: {  	v3 =	vperm.xlane v3, v2  }
0x276: {  	[tilespmem:s12], [sflag:$0x1] =	stream.indirect_vreg.gather [hbm4b:s5+s2], $0x80, v4, vm0, $0xb8;
	[tilespmem:$0x18200] =	vst v63  }
0x277: {  	s3 =	simm.s32 $0xA00;
	v3 =	vadd.s32 v1, v3  }
0x278: {  	[tilespmem:s3], [sflag:$0x1] =	stream.indirect_vreg.gather [hbm4b:s6+s2], $0x80, v4, vm0, $0xb8;
	[tilespmem:$0x18200] =	vst v63  }
0x279: {  	s4 =	simm.s32 $0x1200  }
0x27a: {  	[tilespmem:s4], [sflag:$0x1] =	stream.indirect_vreg.gather [hbm4b:s7+s2], $0x80, v4, vm0, $0xb8;
	[tilespmem:$0x18200] =	vst v63  }
0x27b: {  	s10 =	simm.s32 $0x1A00  }
0x27c: {  	[tilespmem:s10], [sflag:$0x1] =	stream.indirect_vreg.gather [hbm4b:s5+s2], $0x80, v3, vm0, $0xb8;
	[tilespmem:$0x18200] =	vst v63  }
0x27d: {  	s11 =	simm.s32 $0x2200  }
0x27e: {  	[tilespmem:s11], [sflag:$0x1] =	stream.indirect_vreg.gather [hbm4b:s6+s2], $0x80, v3, vm0, $0xb8;
	[tilespmem:$0x18200] =	vst v63  }
0x27f: {  	s12 =	simm.s32 $0x2A00  }
0x280: {  	[tilespmem:s12], [sflag:$0x1] =	stream.indirect_vreg.gather [hbm4b:s7+s2], $0x80, v3, vm0, $0xb8;
	[tilespmem:$0x18200] =	vst v63  }
0x281: {  	v3 =	vld [tilespmem:$0x10];
	_ =	sdelay $0x4  }
0x282: {  	v53 =	vshrl.u32 v3, $0x3  }
0x283: {  	v4 =	vmul.u32 $0x30, v53  }
0x284: {  	v3 =	vand.u32 $0x7, v3  }
0x285: {  	v3 =	vor.u32 v3, v4  }
0x286: {  	v4 =	vperm.xlane v3, v0;
	_ =	sdelay $0x1  }
0x287: {  	v4 =	vadd.s32 v1, v4;
	_ =	sdelay $0x3  }
0x288: {  	s26 =	simm.s32 $0x3200;
	v3 =	vperm.xlane v3, v2  }
0x289: {  	[tilespmem:s26], [sflag:$0x1] =	stream.indirect_vreg.gather [hbm4b:s5+s2], $0x80, v4, vm0, $0xb8;
	[tilespmem:$0x18200] =	vst v63  }
0x28a: {  	s21 =	simm.s32 $0x3A00;
	v3 =	vadd.s32 v1, v3  }
0x28b: {  	[tilespmem:s21], [sflag:$0x1] =	stream.indirect_vreg.gather [hbm4b:s6+s2], $0x80, v4, vm0, $0xb8;
	[tilespmem:$0x18200] =	vst v63  }
0x28c: {  	s26 =	simm.s32 $0x4200  }
0x28d: {  	[tilespmem:s26], [sflag:$0x1] =	stream.indirect_vreg.gather [hbm4b:s7+s2], $0x80, v4, vm0, $0xb8;
	[tilespmem:$0x18200] =	vst v63  }
0x28e: {  	s21 =	simm.s32 $0x4A00  }
0x28f: {  	[tilespmem:s21], [sflag:$0x1] =	stream.indirect_vreg.gather [hbm4b:s5+s2], $0x80, v3, vm0, $0xb8;
	[tilespmem:$0x18200] =	vst v63  }
0x290: {  	s26 =	simm.s32 $0x5200  }
0x291: {  	[tilespmem:s26], [sflag:$0x1] =	stream.indirect_vreg.gather [hbm4b:s6+s2], $0x80, v3, vm0, $0xb8;
	[tilespmem:$0x18200] =	vst v63  }
0x292: {  	s21 =	simm.s32 $0x5A00  }
0x293: {  	[tilespmem:s21], [sflag:$0x1] =	stream.indirect_vreg.gather [hbm4b:s7+s2], $0x80, v3, vm0, $0xb8;
	[tilespmem:$0x18200] =	vst v63  }
0x294: {  	_ =	swait.ge [sflag:s15], $0x6000  }
0x295: {  	[sflag:s15] =	ssyncset.done $0x0  }
0x296: {  	s29 =	simm.s32 $0x6200;
	s26 =	rddreg [dreg:$0x16];
	[sflag:s15] =	ssyncadd.s32 $0xFFFFA000  }
0x297: {  	[hbm4b:s26+s2] =	stream.linear.scatter [tilespmem:s29], [sflag:$0x6], $0x6000, $0x38;
	[tilespmem:$0x18200] =	vst v63  }
0x298: {  	_ =	swait.ge [sflag:s16], $0x6000  }
0x299: {  	[sflag:s16] =	ssyncset.done $0x0  }
0x29a: {  	s26 =	simm.s32 $0x80;
	s1 =	rddreg [dreg:$0x17];
	[sflag:s16] =	ssyncadd.s32 $0xFFFFA000  }
0x29b: {  	[tilespmem:s26], [sflag:$0x9] =	stream.linear.gather [hbm4b:s1+s2], $0x20, $0x38;
	[tilespmem:$0x18200] =	vst v63  }
0x29c: {  	_ =	swait.ge [sflag:s9], $0x20  }
0x29d: {  	[sflag:s9] =	ssyncset.done $0x0  }
0x29e: {  	[sflag:s9] =	ssyncadd.s32 $0xFFFFFFE0  }
0x29f: {  	v3 =	vld [tilespmem:$0x80];
	_ =	sdelay $0x4  }
0x2a0: {  	v54 =	vshrl.u32 v3, $0x3  }
0x2a1: {  	v4 =	vmul.u32 $0x30, v54  }
0x2a2: {  	v3 =	vand.u32 $0x7, v3  }
0x2a3: {  	v3 =	vor.u32 v3, v4  }
0x2a4: {  	v4 =	vperm.xlane v3, v0;
	_ =	sdelay $0x1  }
0x2a5: {  	v4 =	vadd.s32 v1, v4;
	_ =	sdelay $0x3  }
0x2a6: {  	v3 =	vperm.xlane v3, v2  }
0x2a7: {  	[tilespmem:s29], [sflag:$0x2] =	stream.indirect_vreg.gather [hbm4b:s5+s2], $0x80, v4, vm0, $0xb8;
	[tilespmem:$0x18200] =	vst v63  }
0x2a8: {  	s21 =	simm.s32 $0x6A00;
	v3 =	vadd.s32 v1, v3  }
0x2a9: {  	[tilespmem:s21], [sflag:$0x2] =	stream.indirect_vreg.gather [hbm4b:s6+s2], $0x80, v4, vm0, $0xb8;
	[tilespmem:$0x18200] =	vst v63  }
0x2aa: {  	s26 =	simm.s32 $0x7200  }
0x2ab: {  	[tilespmem:s26], [sflag:$0x2] =	stream.indirect_vreg.gather [hbm4b:s7+s2], $0x80, v4, vm0, $0xb8;
	[tilespmem:$0x18200] =	vst v63  }
0x2ac: {  	s21 =	simm.s32 $0x7A00  }
0x2ad: {  	[tilespmem:s21], [sflag:$0x2] =	stream.indirect_vreg.gather [hbm4b:s5+s2], $0x80, v3, vm0, $0xb8;
	[tilespmem:$0x18200] =	vst v63  }
0x2ae: {  	s26 =	simm.s32 $0x8200  }
0x2af: {  	[tilespmem:s26], [sflag:$0x2] =	stream.indirect_vreg.gather [hbm4b:s6+s2], $0x80, v3, vm0, $0xb8;
	[tilespmem:$0x18200] =	vst v63  }
0x2b0: {  	s21 =	simm.s32 $0x8A00  }
0x2b1: {  	[tilespmem:s21], [sflag:$0x2] =	stream.indirect_vreg.gather [hbm4b:s7+s2], $0x80, v3, vm0, $0xb8;
	[tilespmem:$0x18200] =	vst v63  }
0x2b2: {  	v3 =	vld [tilespmem:$0x90];
	_ =	sdelay $0x4  }
0x2b3: {  	v55 =	vshrl.u32 v3, $0x3  }
0x2b4: {  	v4 =	vmul.u32 $0x30, v55  }
0x2b5: {  	v3 =	vand.u32 $0x7, v3  }
0x2b6: {  	v3 =	vor.u32 v3, v4  }
0x2b7: {  	v4 =	vperm.xlane v3, v0;
	_ =	sdelay $0x1  }
0x2b8: {  	v4 =	vadd.s32 v1, v4;
	_ =	sdelay $0x3  }
0x2b9: {  	s26 =	simm.s32 $0x9200;
	v3 =	vperm.xlane v3, v2  }
0x2ba: {  	[tilespmem:s26], [sflag:$0x2] =	stream.indirect_vreg.gather [hbm4b:s5+s2], $0x80, v4, vm0, $0xb8;
	[tilespmem:$0x18200] =	vst v63  }
0x2bb: {  	s21 =	simm.s32 $0x9A00;
	v3 =	vadd.s32 v1, v3  }
0x2bc: {  	[tilespmem:s21], [sflag:$0x2] =	stream.indirect_vreg.gather [hbm4b:s6+s2], $0x80, v4, vm0, $0xb8;
	[tilespmem:$0x18200] =	vst v63  }
0x2bd: {  	s26 =	simm.s32 $0xA200  }
0x2be: {  	[tilespmem:s26], [sflag:$0x2] =	stream.indirect_vreg.gather [hbm4b:s7+s2], $0x80, v4, vm0, $0xb8;
	[tilespmem:$0x18200] =	vst v63  }
0x2bf: {  	s21 =	simm.s32 $0xAA00  }
0x2c0: {  	[tilespmem:s21], [sflag:$0x2] =	stream.indirect_vreg.gather [hbm4b:s5+s2], $0x80, v3, vm0, $0xb8;
	[tilespmem:$0x18200] =	vst v63  }
0x2c1: {  	s26 =	simm.s32 $0xB200  }
0x2c2: {  	[tilespmem:s26], [sflag:$0x2] =	stream.indirect_vreg.gather [hbm4b:s6+s2], $0x80, v3, vm0, $0xb8;
	[tilespmem:$0x18200] =	vst v63  }
0x2c3: {  	s21 =	simm.s32 $0xBA00  }
0x2c4: {  	[tilespmem:s21], [sflag:$0x2] =	stream.indirect_vreg.gather [hbm4b:s7+s2], $0x80, v3, vm0, $0xb8;
	[tilespmem:$0x18200] =	vst v63  }
0x2c5: {  	_ =	swait.ge [sflag:s18], $0x6000  }
0x2c6: {  	[sflag:s18] =	ssyncset.done $0x0  }
0x2c7: {  	s1 =	simm.s32 $0xC200;
	s26 =	rddreg [dreg:$0x18];
	[sflag:s18] =	ssyncadd.s32 $0xFFFFA000  }
0x2c8: {  	[hbm4b:s26+s2] =	stream.linear.scatter [tilespmem:s1], [sflag:$0x7], $0x6000, $0x38;
	[tilespmem:$0x18200] =	vst v63  }
0x2c9: {  	_ =	swait.ge [sflag:s19], $0x6000  }
0x2ca: {  	[sflag:s19] =	ssyncset.done $0x0  }
0x2cb: {  	s26 =	simm.s32 $0x100;
	s21 =	rddreg [dreg:$0x19];
	[sflag:s19] =	ssyncadd.s32 $0xFFFFA000  }
0x2cc: {  	[tilespmem:s26], [sflag:$0x9] =	stream.linear.gather [hbm4b:s21+s2], $0x20, $0x38;
	[tilespmem:$0x18200] =	vst v63  }
0x2cd: {  	_ =	swait.ge [sflag:s9], $0x20  }
0x2ce: {  	[sflag:s9] =	ssyncset.done $0x0  }
0x2cf: {  	[sflag:s9] =	ssyncadd.s32 $0xFFFFFFE0  }
0x2d0: {  	v3 =	vld [tilespmem:$0x100];
	_ =	sdelay $0x4  }
0x2d1: {  	v56 =	vshrl.u32 v3, $0x3  }
0x2d2: {  	v4 =	vmul.u32 $0x30, v56  }
0x2d3: {  	v3 =	vand.u32 $0x7, v3  }
0x2d4: {  	v3 =	vor.u32 v3, v4  }
0x2d5: {  	v4 =	vperm.xlane v3, v0;
	_ =	sdelay $0x1  }
0x2d6: {  	v4 =	vadd.s32 v1, v4;
	_ =	sdelay $0x3  }
0x2d7: {  	v3 =	vperm.xlane v3, v2  }
0x2d8: {  	[tilespmem:s1], [sflag:$0x3] =	stream.indirect_vreg.gather [hbm4b:s5+s2], $0x80, v4, vm0, $0xb8;
	[tilespmem:$0x18200] =	vst v63  }
0x2d9: {  	v3 =	vadd.s32 v1, v3  }
0x2da: {  	[tilespmem:s23], [sflag:$0x3] =	stream.indirect_vreg.gather [hbm4b:s6+s2], $0x80, v4, vm0, $0xb8;
	[tilespmem:$0x18200] =	vst v63  }
0x2db: {  	s26 =	simm.s32 $0xD200  }
0x2dc: {  	[tilespmem:s26], [sflag:$0x3] =	stream.indirect_vreg.gather [hbm4b:s7+s2], $0x80, v4, vm0, $0xb8;
	[tilespmem:$0x18200] =	vst v63  }
0x2dd: {  	s23 =	simm.s32 $0xDA00  }
0x2de: {  	[tilespmem:s23], [sflag:$0x3] =	stream.indirect_vreg.gather [hbm4b:s5+s2], $0x80, v3, vm0, $0xb8;
	[tilespmem:$0x18200] =	vst v63  }
0x2df: {  	s26 =	simm.s32 $0xE200  }
0x2e0: {  	[tilespmem:s26], [sflag:$0x3] =	stream.indirect_vreg.gather [hbm4b:s6+s2], $0x80, v3, vm0, $0xb8;
	[tilespmem:$0x18200] =	vst v63  }
0x2e1: {  	s31 =	simm.s32 $0xEA00  }
0x2e2: {  	[tilespmem:s31], [sflag:$0x3] =	stream.indirect_vreg.gather [hbm4b:s7+s2], $0x80, v3, vm0, $0xb8;
	[tilespmem:$0x18200] =	vst v63  }
0x2e3: {  	v3 =	vld [tilespmem:$0x110];
	_ =	sdelay $0x4  }
0x2e4: {  	v57 =	vshrl.u32 v3, $0x3  }
0x2e5: {  	v4 =	vmul.u32 $0x30, v57  }
0x2e6: {  	v3 =	vand.u32 $0x7, v3  }
0x2e7: {  	v3 =	vor.u32 v3, v4  }
0x2e8: {  	v4 =	vperm.xlane v3, v0;
	_ =	sdelay $0x1  }
0x2e9: {  	v4 =	vadd.s32 v1, v4;
	_ =	sdelay $0x3  }
0x2ea: {  	s31 =	simm.s32 $0xF200;
	v3 =	vperm.xlane v3, v2  }
0x2eb: {  	[tilespmem:s31], [sflag:$0x3] =	stream.indirect_vreg.gather [hbm4b:s5+s2], $0x80, v4, vm0, $0xb8;
	[tilespmem:$0x18200] =	vst v63  }
0x2ec: {  	s23 =	simm.s32 $0xFA00;
	v3 =	vadd.s32 v1, v3  }
0x2ed: {  	[tilespmem:s23], [sflag:$0x3] =	stream.indirect_vreg.gather [hbm4b:s6+s2], $0x80, v4, vm0, $0xb8;
	[tilespmem:$0x18200] =	vst v63  }
0x2ee: {  	s26 =	simm.s32 $0x10200  }
0x2ef: {  	[tilespmem:s26], [sflag:$0x3] =	stream.indirect_vreg.gather [hbm4b:s7+s2], $0x80, v4, vm0, $0xb8;
	[tilespmem:$0x18200] =	vst v63  }
0x2f0: {  	s31 =	simm.s32 $0x10A00  }
0x2f1: {  	[tilespmem:s31], [sflag:$0x3] =	stream.indirect_vreg.gather [hbm4b:s5+s2], $0x80, v3, vm0, $0xb8;
	[tilespmem:$0x18200] =	vst v63  }
0x2f2: {  	s23 =	simm.s32 $0x11200  }
0x2f3: {  	[tilespmem:s23], [sflag:$0x3] =	stream.indirect_vreg.gather [hbm4b:s6+s2], $0x80, v3, vm0, $0xb8;
	[tilespmem:$0x18200] =	vst v63  }
0x2f4: {  	s26 =	simm.s32 $0x11A00  }
0x2f5: {  	[tilespmem:s26], [sflag:$0x3] =	stream.indirect_vreg.gather [hbm4b:s7+s2], $0x80, v3, vm0, $0xb8;
	[tilespmem:$0x18200] =	vst v63  }
0x2f6: {  	_ =	swait.ge [sflag:s20], $0x6000  }
0x2f7: {  	[sflag:s20] =	ssyncset.done $0x0  }
0x2f8: {  	s25 =	simm.s32 $0x12200;
	s31 =	rddreg [dreg:$0x1a];
	[sflag:s20] =	ssyncadd.s32 $0xFFFFA000  }
0x2f9: {  	[hbm4b:s31+s2] =	stream.linear.scatter [tilespmem:s25], [sflag:$0x8], $0x6000, $0x38;
	[tilespmem:$0x18200] =	vst v63  }
0x2fa: {  	_ =	swait.ge [sflag:s0], $0x6000  }
0x2fb: {  	[sflag:s0] =	ssyncset.done $0x0  }
0x2fc: {  	s23 =	rddreg [dreg:$0x1b];
	[sflag:s0] =	ssyncadd.s32 $0xFFFFA000  }
0x2fd: {  	[tilespmem:s22], [sflag:$0x9] =	stream.linear.gather [hbm4b:s23+s2], $0x20, $0x38;
	[tilespmem:$0x18200] =	vst v63  }
0x2fe: {  	_ =	swait.ge [sflag:s9], $0x20  }
0x2ff: {  	[sflag:s9] =	ssyncset.done $0x0  }
0x300: {  	[sflag:s9] =	ssyncadd.s32 $0xFFFFFFE0  }
0x301: {  	v3 =	vld [tilespmem:$0x180];
	_ =	sdelay $0x4  }
0x302: {  	v58 =	vshrl.u32 v3, $0x3  }
0x303: {  	v4 =	vmul.u32 $0x30, v58  }
0x304: {  	v3 =	vand.u32 $0x7, v3  }
0x305: {  	v3 =	vor.u32 v3, v4  }
0x306: {  	v4 =	vperm.xlane v3, v0;
	_ =	sdelay $0x1  }
0x307: {  	v4 =	vadd.s32 v1, v4;
	_ =	sdelay $0x3  }
0x308: {  	v3 =	vperm.xlane v3, v2  }
0x309: {  	[tilespmem:s25], [sflag:$0x4] =	stream.indirect_vreg.gather [hbm4b:s5+s2], $0x80, v4, vm0, $0xb8;
	[tilespmem:$0x18200] =	vst v63  }
0x30a: {  	s28 =	simm.s32 $0x12A00;
	v3 =	vadd.s32 v1, v3  }
0x30b: {  	[tilespmem:s28], [sflag:$0x4] =	stream.indirect_vreg.gather [hbm4b:s6+s2], $0x80, v4, vm0, $0xb8;
	[tilespmem:$0x18200] =	vst v63  }
0x30c: {  	s30 =	simm.s32 $0x13200  }
0x30d: {  	[tilespmem:s30], [sflag:$0x4] =	stream.indirect_vreg.gather [hbm4b:s7+s2], $0x80, v4, vm0, $0xb8;
	[tilespmem:$0x18200] =	vst v63  }
0x30e: {  	s26 =	simm.s32 $0x13A00  }
0x30f: {  	[tilespmem:s26], [sflag:$0x4] =	stream.indirect_vreg.gather [hbm4b:s5+s2], $0x80, v3, vm0, $0xb8;
	[tilespmem:$0x18200] =	vst v63  }
0x310: {  	s28 =	simm.s32 $0x14200  }
0x311: {  	[tilespmem:s28], [sflag:$0x4] =	stream.indirect_vreg.gather [hbm4b:s6+s2], $0x80, v3, vm0, $0xb8;
	[tilespmem:$0x18200] =	vst v63  }
0x312: {  	s30 =	simm.s32 $0x14A00  }
0x313: {  	[tilespmem:s30], [sflag:$0x4] =	stream.indirect_vreg.gather [hbm4b:s7+s2], $0x80, v3, vm0, $0xb8;
	[tilespmem:$0x18200] =	vst v63  }
0x314: {  	v3 =	vld [tilespmem:$0x190];
	_ =	sdelay $0x4  }
0x315: {  	v59 =	vshrl.u32 v3, $0x3  }
0x316: {  	v4 =	vmul.u32 $0x30, v59  }
0x317: {  	v3 =	vand.u32 $0x7, v3  }
0x318: {  	v3 =	vor.u32 v3, v4  }
0x319: {  	v4 =	vperm.xlane v3, v0;
	_ =	sdelay $0x1  }
0x31a: {  	v4 =	vadd.s32 v1, v4;
	_ =	sdelay $0x3  }
0x31b: {  	s31 =	simm.s32 $0x15200;
	v3 =	vperm.xlane v3, v2  }
0x31c: {  	[tilespmem:s31], [sflag:$0x4] =	stream.indirect_vreg.gather [hbm4b:s5+s2], $0x80, v4, vm0, $0xb8;
	[tilespmem:$0x18200] =	vst v63  }
0x31d: {  	v3 =	vadd.s32 v1, v3  }
0x31e: {  	[tilespmem:s17], [sflag:$0x4] =	stream.indirect_vreg.gather [hbm4b:s6+s2], $0x80, v4, vm0, $0xb8;
	[tilespmem:$0x18200] =	vst v63  }
0x31f: {  	s22 =	simm.s32 $0x16200  }
0x320: {  	[tilespmem:s22], [sflag:$0x4] =	stream.indirect_vreg.gather [hbm4b:s7+s2], $0x80, v4, vm0, $0xb8;
	[tilespmem:$0x18200] =	vst v63  }
0x321: {  	s23 =	simm.s32 $0x16A00  }
0x322: {  	[tilespmem:s23], [sflag:$0x4] =	stream.indirect_vreg.gather [hbm4b:s5+s2], $0x80, v3, vm0, $0xb8;
	[tilespmem:$0x18200] =	vst v63  }
0x323: {  	s26 =	simm.s32 $0x17200  }
0x324: {  	[tilespmem:s26], [sflag:$0x4] =	stream.indirect_vreg.gather [hbm4b:s6+s2], $0x80, v3, vm0, $0xb8;
	[tilespmem:$0x18200] =	vst v63  }
0x325: {  	s28 =	simm.s32 $0x17A00  }
0x326: {  	[tilespmem:s28], [sflag:$0x4] =	stream.indirect_vreg.gather [hbm4b:s7+s2], $0x80, v3, vm0, $0xb8;
	[tilespmem:$0x18200] =	vst v63  }
0x327: {  	_ =	swait.ge [sflag:s13], $0x6000  }
0x328: {  	[sflag:s13] =	ssyncset.done $0x0  }
0x329: {  	s24 =	simm.s32 $0x200;
	s30 =	rddreg [dreg:$0x1c];
	[sflag:s13] =	ssyncadd.s32 $0xFFFFA000  }
0x32a: {  	[hbm4b:s30+s2] =	stream.linear.scatter [tilespmem:s24], [sflag:$0x5], $0x6000, $0x38;
	[tilespmem:$0x18200] =	vst v63  }
0x32b: {  	_ =	swait.ge [sflag:s14], $0x6000  }
0x32c: {  	[sflag:s14] =	ssyncset.done $0x0  }
0x32d: {  	s31 =	rddreg [dreg:$0x1d];
	[sflag:s14] =	ssyncadd.s32 $0xFFFFA000  }
0x32e: {  	[tilespmem:s2], [sflag:$0x9] =	stream.linear.gather [hbm4b:s31+s2], $0x20, $0x38;
	[tilespmem:$0x18200] =	vst v63  }
0x32f: {  	_ =	swait.ge [sflag:s9], $0x20  }
0x330: {  	[sflag:s9] =	ssyncset.done $0x0  }
0x331: {  	[sflag:s9] =	ssyncadd.s32 $0xFFFFFFE0  }
0x332: {  	v3 =	vld [tilespmem:$0x0];
	_ =	sdelay $0x4  }
0x333: {  	v60 =	vshrl.u32 v3, $0x3  }
0x334: {  	v4 =	vmul.u32 $0x30, v60  }
0x335: {  	v3 =	vand.u32 $0x7, v3  }
0x336: {  	v3 =	vor.u32 v3, v4  }
0x337: {  	v4 =	vperm.xlane v3, v0;
	_ =	sdelay $0x1  }
0x338: {  	v4 =	vadd.s32 v1, v4;
	_ =	sdelay $0x3  }
0x339: {  	v3 =	vperm.xlane v3, v2  }
0x33a: {  	[tilespmem:s24], [sflag:$0x1] =	stream.indirect_vreg.gather [hbm4b:s5+s2], $0x80, v4, vm0, $0xb8;
	[tilespmem:$0x18200] =	vst v63  }
0x33b: {  	v3 =	vadd.s32 v1, v3  }
0x33c: {  	[tilespmem:s3], [sflag:$0x1] =	stream.indirect_vreg.gather [hbm4b:s6+s2], $0x80, v4, vm0, $0xb8;
	[tilespmem:$0x18200] =	vst v63  }
0x33d: {  	_ = 	snop  }
0x33e: {  	[tilespmem:s4], [sflag:$0x1] =	stream.indirect_vreg.gather [hbm4b:s7+s2], $0x80, v4, vm0, $0xb8;
	[tilespmem:$0x18200] =	vst v63  }
0x33f: {  	_ = 	snop  }
0x340: {  	[tilespmem:s10], [sflag:$0x1] =	stream.indirect_vreg.gather [hbm4b:s5+s2], $0x80, v3, vm0, $0xb8;
	[tilespmem:$0x18200] =	vst v63  }
0x341: {  	_ = 	snop  }
0x342: {  	[tilespmem:s11], [sflag:$0x1] =	stream.indirect_vreg.gather [hbm4b:s6+s2], $0x80, v3, vm0, $0xb8;
	[tilespmem:$0x18200] =	vst v63  }
0x343: {  	_ = 	snop  }
0x344: {  	[tilespmem:s12], [sflag:$0x1] =	stream.indirect_vreg.gather [hbm4b:s7+s2], $0x80, v3, vm0, $0xb8;
	[tilespmem:$0x18200] =	vst v63  }
0x345: {  	v3 =	vld [tilespmem:$0x10];
	_ =	sdelay $0x4  }
0x346: {  	v61 =	vshrl.u32 v3, $0x3  }
0x347: {  	v4 =	vmul.u32 $0x30, v61  }
0x348: {  	v3 =	vand.u32 $0x7, v3  }
0x349: {  	v3 =	vor.u32 v3, v4  }
0x34a: {  	v4 =	vperm.xlane v3, v0;
	_ =	sdelay $0x1  }
0x34b: {  	v4 =	vadd.s32 v1, v4;
	_ =	sdelay $0x3  }
0x34c: {  	s4 =	simm.s32 $0x3200;
	v3 =	vperm.xlane v3, v2  }
0x34d: {  	[tilespmem:s4], [sflag:$0x1] =	stream.indirect_vreg.gather [hbm4b:s5+s2], $0x80, v4, vm0, $0xb8;
	[tilespmem:$0x18200] =	vst v63  }
0x34e: {  	s10 =	simm.s32 $0x3A00;
	v3 =	vadd.s32 v1, v3  }
0x34f: {  	[tilespmem:s10], [sflag:$0x1] =	stream.indirect_vreg.gather [hbm4b:s6+s2], $0x80, v4, vm0, $0xb8;
	[tilespmem:$0x18200] =	vst v63  }
0x350: {  	s11 =	simm.s32 $0x4200  }
0x351: {  	[tilespmem:s11], [sflag:$0x1] =	stream.indirect_vreg.gather [hbm4b:s7+s2], $0x80, v4, vm0, $0xb8;
	[tilespmem:$0x18200] =	vst v63  }
0x352: {  	s12 =	simm.s32 $0x4A00  }
0x353: {  	[tilespmem:s12], [sflag:$0x1] =	stream.indirect_vreg.gather [hbm4b:s5+s2], $0x80, v3, vm0, $0xb8;
	[tilespmem:$0x18200] =	vst v63  }
0x354: {  	s17 =	simm.s32 $0x5200  }
0x355: {  	[tilespmem:s17], [sflag:$0x1] =	stream.indirect_vreg.gather [hbm4b:s6+s2], $0x80, v3, vm0, $0xb8;
	[tilespmem:$0x18200] =	vst v63  }
0x356: {  	s21 =	simm.s32 $0x5A00  }
0x357: {  	[tilespmem:s21], [sflag:$0x1] =	stream.indirect_vreg.gather [hbm4b:s7+s2], $0x80, v3, vm0, $0xb8;
	[tilespmem:$0x18200] =	vst v63  }
0x358: {  	_ =	swait.ge [sflag:s15], $0x6000  }
0x359: {  	[sflag:s15] =	ssyncset.done $0x0  }
0x35a: {  	s22 =	rddreg [dreg:$0x1e];
	[sflag:s15] =	ssyncadd.s32 $0xFFFFA000  }
0x35b: {  	[hbm4b:s22+s2] =	stream.linear.scatter [tilespmem:s29], [sflag:$0x6], $0x6000, $0x38;
	[tilespmem:$0x18200] =	vst v63  }
0x35c: {  	_ =	swait.ge [sflag:s16], $0x6000  }
0x35d: {  	[sflag:s16] =	ssyncset.done $0x0  }
0x35e: {  	s26 =	simm.s32 $0x80;
	s23 =	rddreg [dreg:$0x1f];
	[sflag:s16] =	ssyncadd.s32 $0xFFFFA000  }
0x35f: {  	[tilespmem:s26], [sflag:$0x9] =	stream.linear.gather [hbm4b:s23+s2], $0x20, $0x38;
	[tilespmem:$0x18200] =	vst v63  }
0x360: {  	_ =	swait.ge [sflag:s9], $0x20  }
0x361: {  	[sflag:s9] =	ssyncset.done $0x0  }
0x362: {  	[sflag:s9] =	ssyncadd.s32 $0xFFFFFFE0  }
0x363: {  	v3 =	vld [tilespmem:$0x80];
	_ =	sdelay $0x4  }
0x364: {  	v62 =	vshrl.u32 v3, $0x3  }
0x365: {  	v4 =	vmul.u32 $0x30, v62  }
0x366: {  	v3 =	vand.u32 $0x7, v3  }
0x367: {  	v3 =	vor.u32 v3, v4  }
0x368: {  	v4 =	vperm.xlane v3, v0;
	_ =	sdelay $0x1  }
0x369: {  	v4 =	vadd.s32 v1, v4;
	_ =	sdelay $0x3  }
0x36a: {  	v3 =	vperm.xlane v3, v2  }
0x36b: {  	[tilespmem:s29], [sflag:$0x2] =	stream.indirect_vreg.gather [hbm4b:s5+s2], $0x80, v4, vm0, $0xb8;
	[tilespmem:$0x18200] =	vst v63  }
0x36c: {  	s28 =	simm.s32 $0x6A00;
	v3 =	vadd.s32 v1, v3  }
0x36d: {  	[tilespmem:s28], [sflag:$0x2] =	stream.indirect_vreg.gather [hbm4b:s6+s2], $0x80, v4, vm0, $0xb8;
	[tilespmem:$0x18200] =	vst v63  }
0x36e: {  	s30 =	simm.s32 $0x7200  }
0x36f: {  	[tilespmem:s30], [sflag:$0x2] =	stream.indirect_vreg.gather [hbm4b:s7+s2], $0x80, v4, vm0, $0xb8;
	[tilespmem:$0x18200] =	vst v63  }
0x370: {  	s31 =	simm.s32 $0x7A00  }
0x371: {  	[tilespmem:s31], [sflag:$0x2] =	stream.indirect_vreg.gather [hbm4b:s5+s2], $0x80, v3, vm0, $0xb8;
	[tilespmem:$0x18200] =	vst v63  }
0x372: {  	s4 =	simm.s32 $0x8200  }
0x373: {  	[tilespmem:s4], [sflag:$0x2] =	stream.indirect_vreg.gather [hbm4b:s6+s2], $0x80, v3, vm0, $0xb8;
	[tilespmem:$0x18200] =	vst v63  }
0x374: {  	s10 =	simm.s32 $0x8A00  }
0x375: {  	[tilespmem:s10], [sflag:$0x2] =	stream.indirect_vreg.gather [hbm4b:s7+s2], $0x80, v3, vm0, $0xb8;
	[tilespmem:$0x18200] =	vst v63  }
0x376: {  	v3 =	vld [tilespmem:$0x90];
	_ =	sdelay $0x4  }
0x377: {  	v63 =	vshrl.u32 v3, $0x3  }
0x378: {  	v4 =	vmul.u32 $0x30, v63  }
0x379: {  	v3 =	vand.u32 $0x7, v3  }
0x37a: {  	v3 =	vor.u32 v3, v4  }
0x37b: {  	v4 =	vperm.xlane v3, v0;
	_ =	sdelay $0x1  }
0x37c: {  	v4 =	vadd.s32 v1, v4;
	_ =	sdelay $0x3  }
0x37d: {  	s11 =	simm.s32 $0x9200;
	v3 =	vperm.xlane v3, v2  }
0x37e: {  	[tilespmem:s11], [sflag:$0x2] =	stream.indirect_vreg.gather [hbm4b:s5+s2], $0x80, v4, vm0, $0xb8;
	[tilespmem:$0x18200] =	vst v63  }
0x37f: {  	s12 =	simm.s32 $0x9A00;
	v3 =	vadd.s32 v1, v3  }
0x380: {  	[tilespmem:s12], [sflag:$0x2] =	stream.indirect_vreg.gather [hbm4b:s6+s2], $0x80, v4, vm0, $0xb8;
	[tilespmem:$0x18200] =	vst v63  }
0x381: {  	s17 =	simm.s32 $0xA200  }
0x382: {  	[tilespmem:s17], [sflag:$0x2] =	stream.indirect_vreg.gather [hbm4b:s7+s2], $0x80, v4, vm0, $0xb8;
	[tilespmem:$0x18200] =	vst v63  }
0x383: {  	s21 =	simm.s32 $0xAA00  }
0x384: {  	[tilespmem:s21], [sflag:$0x2] =	stream.indirect_vreg.gather [hbm4b:s5+s2], $0x80, v3, vm0, $0xb8;
	[tilespmem:$0x18200] =	vst v63  }
0x385: {  	s22 =	simm.s32 $0xB200  }
0x386: {  	[tilespmem:s22], [sflag:$0x2] =	stream.indirect_vreg.gather [hbm4b:s6+s2], $0x80, v3, vm0, $0xb8;
	[tilespmem:$0x18200] =	vst v63  }
0x387: {  	s23 =	simm.s32 $0xBA00  }
0x388: {  	[tilespmem:s23], [sflag:$0x2] =	stream.indirect_vreg.gather [hbm4b:s7+s2], $0x80, v3, vm0, $0xb8;
	[tilespmem:$0x18200] =	vst v63  }
0x389: {  	_ =	swait.ge [sflag:s18], $0x6000  }
0x38a: {  	s26 =	sld [smem:$0x7F9]  }
0x38b: {  	[sflag:s18] =	ssyncset.done $0x0  }
0x38c: {  	s1 =	simm.s32 $0xC200;
	[sflag:s18] =	ssyncadd.s32 $0xFFFFA000  }
0x38d: {  	[hbm4b:s26+s2] =	stream.linear.scatter [tilespmem:s1], [sflag:$0x7], $0x6000, $0x38;
	[tilespmem:$0x18200] =	vst v63  }
0x38e: {  	_ =	swait.ge [sflag:s20], $0x6000  }
0x38f: {  	s28 =	sld [smem:$0x7FA]  }
0x390: {  	[sflag:s20] =	ssyncset.done $0x0  }
0x391: {  	[sflag:s20] =	ssyncadd.s32 $0xFFFFA000  }
0x392: {  	[hbm4b:s28+s2] =	stream.linear.scatter [tilespmem:s25], [sflag:$0x8], $0x6000, $0x38;
	[tilespmem:$0x18200] =	vst v63  }
0x393: {  	_ =	swait.ge [sflag:s13], $0x6000  }
0x394: {  	s30 =	sld [smem:$0x7FB]  }
0x395: {  	[sflag:s13] =	ssyncset.done $0x0  }
0x396: {  	[sflag:s13] =	ssyncadd.s32 $0xFFFFA000  }
0x397: {  	[hbm4b:s30+s2] =	stream.linear.scatter [tilespmem:s24], [sflag:$0x5], $0x6000, $0x38;
	[tilespmem:$0x18200] =	vst v63  }
0x398: {  	_ =	swait.ge [sflag:s15], $0x6000  }
0x399: {  	s31 =	sld [smem:$0x7FD]  }
0x39a: {  	[sflag:s15] =	ssyncset.done $0x0  }
0x39b: {  	[sflag:s15] =	ssyncadd.s32 $0xFFFFA000  }
0x39c: {  	[hbm4b:s31+s2] =	stream.linear.scatter [tilespmem:s29], [sflag:$0x6], $0x6000, $0x38;
	[tilespmem:$0x18200] =	vst v63  }
0x39d: {  	_ =	swait.ge [sflag:s14], $0x6000  }
0x39e: {  	[sflag:s14] =	ssyncset.done $0x0  }
0x39f: {  	[sflag:s14] =	ssyncadd.s32 $0xFFFFA000  }
0x3a0: {  	_ =	swait.ge [sflag:s16], $0x6000  }
0x3a1: {  	[sflag:s16] =	ssyncset.done $0x0  }
0x3a2: {  	[sflag:s16] =	ssyncadd.s32 $0xFFFFA000  }
0x3a3: {  	p0 =	sne.s32 s8, $0x1;
	_ =	swait.ge [sflag:s19], $0x6000  }
.Ltmp0:
0x3a4: {  	[sflag:s19] =	ssyncset.done $0x0;
	(pc) =	sbr.rel @p0 .LBB2_1-.Ltmp0, $4  }
0x3a5: {  	[sflag:s19] =	ssyncadd.s32 $0xFFFFA000  }
0x3a6: {  	_ =	swait.ge [sflag:s0], $0x6000  }
0x3a7: {  	[sflag:s0] =	ssyncset.done $0x0  }
0x3a8: {  	s8 =	sadd.s32 $0xFFFFFFFF, s8;
	[sflag:s0] =	ssyncadd.s32 $0xFFFFA000  }
0x3a9: {  	_ =	sfence.sel $0x180000  }
0x3aa: {  	[bflag:$0x0] =	sbarrier.arrive $0xFFFF  }
0x3ab: {  	_ =	strace $0x90000047  }
0x3ac: {  	s0 =	stileid.u32;
	[bflag:$0x2] =	sbarrier.arrive $0xFFFF  }
0x3ad: {  	p0 =	sne.s32 s0, $0x0;
	s0 =	rddreg [dreg:$0x1]  }
0x3ae: {  	s0 =	sadd.s32 @!p0 $0x100000, s0  }
0x3af: {  	[sflag:s0] =	ssyncadd.tile.s32 @!p0 $0x1;
	_ =	shalt  }
.Lfunc_end2:
_tile_overlayer_lowered:
.L_overlay_start_2:
0x3b0: {  	(tag) =	ssettag $0x2  }
0x3b1: {  	s0 =	rddreg [dreg:$0x0];
	s2 =	stileid.u32  }
0x3b2: {  	s1 =	rddreg [dreg:$0x1];
	p0 =	sne.s32 s2, $0x0  }
0x3b3: {  	s3 =	rddreg [dreg:$0x2];
	[bflag:$0x3] =	sbarrier.arrive $0xFFFF;
	s2 =	simm.s32 @!p0 $0x1C09  }
0x3b4: {  	[timem:s3], [sflag:s2] =	dma.local @!p0 [hbm:s0], s1  }
0x3b5: {  	s0 =	simm.s32 @!p0 $0x9  }
0x3b6: {  	_ =	swait.ge @!p0 [sflag:s0], s1  }
0x3b7: {  	s1 =	ssub.s32 @!p0 $0x0, s1;
	[sflag:s0] =	ssyncset.done @!p0 $0x0  }
0x3b8: {  	[sflag:s0] =	ssyncadd.s32 @!p0 s1  }
0x3b9: {  	[bflag:$0x3] =	sbarrier.arrive $0xFFFF  }
0x3ba: {  	_ =	shalt  }

// kernel: kernel.7.cloned.1.call-start
scs
__scs_entry_jumppad:
0x0: {  	(pc) =	sbr.rel $0x88, $3  }
0x1: {  	(tag) =	ssettag $0x0;
	lr =	simm.s32 $0x1  }
0x2: {  	[smem:$0x3F9D] =	sst lr;
	_ =	strace $0xD0000000  }
0x3: {  	_ = 	snop  }
0x4: {  	_ = 	snop  }
0x5: {  	_ = 	snop  }
0x6: {  	_ = 	snop  }
0x7: {  	_ = 	snop  }
__scs_overlays_trampoline_lowered:
0x8: {  	[smem:$0x3FAC] =	sst s0  }
0x9: {  	[smem:$0x3FAD] =	sst s1  }
0xa: {  	[smem:$0x3FAE] =	sst s2  }
0xb: {  	[smem:$0x3FAF] =	sst s3  }
0xc: {  	[smem:$0x3FB0] =	sst s4  }
0xd: {  	[smem:$0x3FB1] =	sst s5  }
0xe: {  	[smem:$0x3FB2] =	sst s6  }
0xf: {  	[smem:$0x3FB3] =	sst s7  }
0x10: {  	[smem:$0x3FB4] =	sst s8  }
0x11: {  	[smem:$0x3FB5] =	sst s9;
	s0 =	simm.s32 @!p0 $0x0  }
0x12: {  	s1 =	sld [smem:$0x3F9B];
	s0 =	simm.s32 @p0 $0x1  }
0x13: {  	[smem:$0x3FB6] =	sst s0;
	s0 =	simm.s32 @!p1 $0x0  }
0x14: {  	s2 =	sld [smem:$0x3F9A];
	s0 =	simm.s32 @p1 $0x1  }
0x15: {  	[smem:$0x3FB7] =	sst s0;
	s0 =	simm.s32 @!p2 $0x0  }
0x16: {  	s3 =	sld [smem:$0x3FDB];
	s0 =	simm.s32 @p2 $0x1  }
0x17: {  	s4 =	simm.s32 $0x1BF5;
	[smem:$0x3FB9] =	sst s0  }
0x18: {  	s0 =	sld [smem:$0x3F9C];
	_ =	swait.ge [sflag:s4], $0x0  }
0x19: {  	s7 =	sld [smem:$0x3F9D]  }
0x1a: {  	s8 =	sadd.s32 $0xFFFFE003, lr  }
0x1b: {  	s9 =	sadd.s32 $0xFFFFFEF7, lr;
	s5 =	simm.s32 $0xFFFFFFFF;
	p2 =	slt.u32 s8, $0xFFFFF086  }
0x1c: {  	p1 =	slt.u32 s9, $0xF7A;
	s5 =	simm.s32 @!p2 $0x0  }
0x1d: {  	s5 =	simm.s32 @p1 $0x1;
	p0 =	seq.s32 s7, s2  }
0x1e: {  	s7 =	smul.u32 @!p0 $0xF7A, s2;
	p2 =	seq.s32 @!p0 s5, $0x0  }
0x1f: {  	s9 =	smul.u32 $0xF7A, s1;
	s8 =	simm.s32 @!p0 $0x1BF5;
	p2 =	por !p2, p0  }
0x20: {  	[sflag:s8] =	ssyncset.s32 @!p0 $0xFFFFF086;
	s6 =	sadd.s32 @!p0 s3, s7;
	s7 =	simm.s32 @!p0 $0x108  }
0x21: {  	s3 =	sadd.s32 s3, s9;
	s6 =	sadd.s32 @!p0 $0x88, s6;
	s7 =	simm.s32 @p2 $0x1082  }
0x22: {  	[simem:s7], [sflag:s8] =	dma.local @!p0 [hbm:s6], $0xF7A  }
0x23: {  	s9 =	sor.u32 $0xD0000000, s2;
	s6 =	simm.s32 $0x108;
	_ =	swait.ge @!p0 [sflag:s8], $0x0  }
0x24: {  	s3 =	sadd.s32 $0x88, s3;
	s6 =	simm.s32 @!p1 $0x1082;
	[sflag:s4] =	ssyncset.s32 $0xFFFFF086  }
0x25: {  	[simem:s6], [sflag:s4] =	dma.local [hbm:s3], $0xF7A  }
0x26: {  	[smem:$0x3F9D] =	sst s1;
	(tag) =	ssettag s2;
	_ =	strace s9  }
0x27: {  	s1 =	sld [smem:$0x3FAD]  }
0x28: {  	s2 =	sld [smem:$0x3FAE]  }
0x29: {  	s4 =	sld [smem:$0x3FB0]  }
0x2a: {  	p0 =	seq.s32 s5, $0x0;
	s5 =	sld [smem:$0x3FB1]  }
0x2b: {  	s6 =	sld [smem:$0x3FB2]  }
0x2c: {  	s7 =	sld [smem:$0x3FB3]  }
0x2d: {  	s3 =	simm.s32 $0x108;
	s8 =	sld [smem:$0x3FB4]  }
0x2e: {  	s3 =	simm.s32 @!p0 $0x1082;
	s9 =	sld [smem:$0x3FB5]  }
0x2f: {  	lr =	sadd.s32 s0, s3;
	s0 =	sld [smem:$0x3FAC]  }
0x30: {  	s3 =	sld [smem:$0x3FAF]  }
0x31: {  	[smem:$0x3FB8] =	sst s10  }
0x32: {  	s10 =	sld [smem:$0x3FB6];
	_ =	sdelay $0x3  }
0x33: {  	p0 =	seq.s32 s10, $0x1;
	s10 =	sld [smem:$0x3FB8];
	_ =	sdelay $0x3  }
0x34: {  	[smem:$0x3FB8] =	sst s10  }
0x35: {  	s10 =	sld [smem:$0x3FB7];
	_ =	sdelay $0x3  }
0x36: {  	p1 =	seq.s32 s10, $0x1;
	s10 =	sld [smem:$0x3FB8];
	_ =	sdelay $0x3  }
0x37: {  	[smem:$0x3FB8] =	sst s10  }
0x38: {  	s10 =	sld [smem:$0x3FB9]  }
0x39: {  	_ = 	snop;
	(pc) =	sbr.ind lr, $3  }
0x3a: {  	_ = 	snop  }
0x3b: {  	_ = 	snop  }
0x3c: {  	p2 =	seq.s32 s10, $0x1;
	s10 =	sld [smem:$0x3FB8]  }
0x3d: {  	_ =	shalt  }
0x3e: {  	_ =	shalt  }
0x3f: {  	_ =	shalt  }
0x40: {  	_ =	shalt  }
0x41: {  	_ =	shalt  }
0x42: {  	_ =	shalt  }
0x43: {  	_ =	shalt  }
0x44: {  	_ =	shalt  }
0x45: {  	_ =	shalt  }
0x46: {  	_ =	shalt  }
0x47: {  	_ =	shalt  }
0x48: {  	_ =	shalt  }
0x49: {  	_ =	shalt  }
0x4a: {  	_ =	shalt  }
0x4b: {  	_ =	shalt  }
0x4c: {  	_ =	shalt  }
0x4d: {  	_ =	shalt  }
0x4e: {  	_ =	shalt  }
0x4f: {  	_ =	shalt  }
0x50: {  	_ =	shalt  }
0x51: {  	_ =	shalt  }
0x52: {  	_ =	shalt  }
0x53: {  	_ =	shalt  }
0x54: {  	_ =	shalt  }
0x55: {  	_ =	shalt  }
0x56: {  	_ =	shalt  }
0x57: {  	_ =	shalt  }
0x58: {  	_ =	shalt  }
0x59: {  	_ =	shalt  }
0x5a: {  	_ =	shalt  }
0x5b: {  	_ =	shalt  }
0x5c: {  	_ =	shalt  }
0x5d: {  	_ =	shalt  }
0x5e: {  	_ =	shalt  }
0x5f: {  	_ =	shalt  }
0x60: {  	_ =	shalt  }
0x61: {  	_ =	shalt  }
0x62: {  	_ =	shalt  }
0x63: {  	_ =	shalt  }
0x64: {  	_ =	shalt  }
0x65: {  	_ =	shalt  }
0x66: {  	_ =	shalt  }
0x67: {  	_ =	shalt  }
0x68: {  	_ =	shalt  }
0x69: {  	_ =	shalt  }
0x6a: {  	_ =	shalt  }
0x6b: {  	_ =	shalt  }
0x6c: {  	_ =	shalt  }
0x6d: {  	_ =	shalt  }
0x6e: {  	_ =	shalt  }
0x6f: {  	_ =	shalt  }
0x70: {  	_ =	shalt  }
0x71: {  	_ =	shalt  }
0x72: {  	_ =	shalt  }
0x73: {  	_ =	shalt  }
0x74: {  	_ =	shalt  }
0x75: {  	_ =	shalt  }
0x76: {  	_ =	shalt  }
0x77: {  	_ =	shalt  }
0x78: {  	_ =	shalt  }
0x79: {  	_ =	shalt  }
0x7a: {  	_ =	shalt  }
0x7b: {  	_ =	shalt  }
0x7c: {  	_ =	shalt  }
0x7d: {  	_ =	shalt  }
0x7e: {  	_ =	shalt  }
0x7f: {  	_ =	shalt  }
0x80: {  	_ =	shalt  }
0x81: {  	_ =	shalt  }
0x82: {  	_ =	shalt  }
0x83: {  	_ =	shalt  }
0x84: {  	_ =	shalt  }
0x85: {  	_ =	shalt  }
0x86: {  	_ =	shalt  }
0x87: {  	_ =	shalt  }
.Lfunc_end0:
.L_simem_size_0:
called_computation_lowered:
.L_overlay_start_0:
0x88: {  	s2 =	sld [smem:$0x3FD9]  }
0x89: {  	s3 =	sld [smem:$0x3FFE];
	_ =	sdelay $0x1  }
0x8a: {  	s1 =	srdreg.scid  }
0x8b: {  	s0 =	sand.u32 $0x1, s1  }
0x8c: {  	s17 =	sshll.u32 s0, $0xA;
	s2 =	sadd.s32 s3, s2  }
0x8d: {  	s2 =	sadd.s32 s2, s17  }
0x8e: {  	[smem:$0x3FC4] =	sst s2  }
0x8f: {  	_ = 	snop  }
0x90: {  	(tm) =	ssettm $0x1  }
0x91: {  	s18 =	sld [smem:$0x3FFB];
	_ =	sdelay $0x3  }
0x92: {  	_ =	strace s18  }
0x93: {  	s2 =	sld [smem:$0x3FFC];
	_ =	sdelay $0x3  }
0x94: {  	_ =	strace s2  }
0x95: {  	s2 =	sld [smem:$0x3FFD];
	_ =	sdelay $0x3  }
0x96: {  	_ =	strace s2  }
0x97: {  	_ =	strace $0x8FFFFFFF  }
0x98: {  	s19 =	sld [smem:$0x3FDB];
	_ =	sdelay $0x1  }
0x99: {  	s20 =	simm.s32 $_scs_section_size  }
0x9a: {  	s4 =	simm.s32 $_size__tile_overlayer_lowered;
	s5 =	simm.s32 $_tile_overlayer_lowered  }
0x9b: {  	s6 =	simm.s32 $0x1BFF;
	s21 =	sshll.u32 s5, $0x1;
	s3 =	sadd.s32 s20, s19  }
0x9c: {  	s22 =	simm.s32 $0x0;
	s4 =	sshll.u32 s4, $0x1;
	s5 =	sadd.s32 s21, s3  }
0x9d: {  	[timem:s22], [sflag:s6] =	dma.local [hbm:s5], s4  }
0x9e: {  	_ =	swait.ge [sflag:s6], s4  }
0x9f: {  	s4 =	ssub.s32 $0x0, s4;
	[sflag:s6] =	ssyncset.done $0x0  }
0xa0: {  	[sflag:s6] =	ssyncadd.s32 s4;
	_ =	sdelay $0x1  }
0xa1: {  	s23 =	simm.s32 $0x1B8B  }
0xa2: {  	_ =	swait.ge [sflag:s23], $0x1  }
0xa3: {  	[sflag:s23] =	ssyncset.done $0x0  }
0xa4: {  	[sflag:s23] =	ssyncadd.s32 $0xFFFFFFFF  }
0xa5: {  	s4 =	sld [smem:$0x0]  }
0xa6: {  	s5 =	sand.u32 $0xFFFFFFFE, s1  }
0xa7: {  	p0 =	sne.s32 s1, s5  }
0xa8: {  	s5 =	sshll.u32 @p0 s5, $0xE  }
0xa9: {  	s5 =	sadd.s32 @p0 $0x11B8D, s5;
	s6 =	sshll.u32 @p0 s4, $0x11  }
0xaa: {  	s5 =	sor.u32 @p0 s6, s5  }
0xab: {  	[sflag:s5] =	ssyncadd.remote.s32 @p0 $0x1;
	_ =	sdelay $0x1  }
0xac: {  	s5 =	simm.s32 @p0 $0x1B8D  }
0xad: {  	_ =	swait.eq @p0 [sflag:s5], $0x1  }
0xae: {  	[sflag:s5] =	ssyncadd.s32 @p0 $0xFFFFFFFF  }
0xaf: {  	s6 =	sshll.u32 @!p0 s1, $0xE  }
0xb0: {  	s6 =	sor.u32 @!p0 $0x4000, s6;
	s5 =	simm.s32 @!p0 $0x1B8D  }
0xb1: {  	s4 =	sshll.u32 @!p0 s4, $0x11;
	s6 =	sadd.s32 @!p0 $0x11B8D, s6;
	_ =	swait.eq @!p0 [sflag:s5], $0x1  }
0xb2: {  	s4 =	sor.u32 @!p0 s4, s6;
	[sflag:s5] =	ssyncadd.s32 @!p0 $0xFFFFFFFF  }
0xb3: {  	s25 =	simm.s32 $0x1B8E;
	s24 =	sld [smem:$0x3FFE];
	[sflag:s4] =	ssyncadd.remote.s32 @!p0 $0x1  }
0xb4: {  	s26 =	simm.s32 $execute0_lowered;
	[smem:$0x3FD2] =	sst s25  }
0xb5: {  	s5 =	sshll.u32 s26, $0x1;
	_ =	strace $0x80000049;
	[dreg:$0x1] =	wrdreg $0xFFFFFFFF  }
0xb6: {  	s28 =	simm.s32 $_size_execute0_lowered;
	s3 =	sadd.s32 s3, s5;
	[dreg:$0x0] =	wrdreg $0x0  }
0xb7: {  	s5 =	sshll.u32 s28, $0x1;
	[dreg:$0x2] =	wrdreg s3  }
0xb8: {  	[dreg:$0x3] =	wrdreg s5  }
0xb9: {  	[dreg:$0x4] =	wrdreg $0xC0  }
0xba: {  	_ =	task [dreg:s22], $0x5FFFF  }
0xbb: {  	[dreg:$0x1] =	wrdreg $0xFFFFFFFF  }
0xbc: {  	[dreg:$0x0] =	wrdreg $0x60  }
0xbd: {  	[dreg:$0x2] =	wrdreg s24  }
0xbe: {  	[dreg:$0x3] =	wrdreg $0x9  }
0xbf: {  	_ =	task.clear_ibuf [dreg:s22], $0x4FFFF;
	_ =	strace $0x90000049  }
0xc0: {  	s29 =	simm.s32 $0x9;
	_ =	strace $0x8000004B  }
0xc1: {  	_ =	swait.ge [sflag:s29], $0x1  }
0xc2: {  	[sflag:s29] =	ssyncadd.s32 $0xFFFFFFFF  }
0xc3: {  	_ =	strace $0x9000004B  }
0xc4: {  	_ =	sfence  }
0xc5: {  	s30 =	sld [smem:$0x0];
	_ =	sdelay $0x2  }
0xc6: {  	s31 =	sshll.u32 s1, $0xD;
	s1 =	sshrl.u32 s1, $0x2  }
0xc7: {  	s4 =	sand.u32 $0x4000, s31;
	s1 =	sadd.s32 s1, s30  }
0xc8: {  	s0 =	sor.u32 s4, s0;
	s1 =	sshll.u32 s1, $0x11  }
0xc9: {  	s0 =	sor.u32 s1, s0  }
0xca: {  	s0 =	sadd.s32 $0x8F2B, s0  }
0xcb: {  	[sflag:s0] =	ssyncadd.remote.s32 $0x1  }
0xcc: {  	_ =	sfence.sel $0xFFFF  }
0xcd: {  	[dreg:$0x0] =	wrdreg $0xFFFFFFFF;
	(pc) =	sbr.abs _section_cstart, $3  }
0xce: {  	[dreg:$0x1] =	wrdreg $0xFFFFFFFF  }
0xcf: {  	_ =	task.clear_ibuf [dreg:s22], $0x2FFFF;
	_ =	strace $0x9FFFFFFF  }
0xd0: {  	(tm) =	ssettm $0x7FFFFFFF  }
0xd1: {  	_ =	shalt  }
tec
execute0_lowered:
.L_overlay_start_1:
0x0: {  	(tag) =	ssettag $0x1  }
0x1: {  	s0 =	srdreg.scid;
	s2 =	stileid.u32  }
0x2: {  	s1 =	sand.u32 $0x1, s0;
	s21 =	sshll.u32 s2, $0x1  }
0x3: {  	s0 =	sor.u32 s1, s21  }
0x4: {  	s3 =	smul.u32 $0x240, s0  }
0x5: {  	s0 =	rddreg [dreg:$0x0]  }
0x6: {  	s2 =	simm.s32 $0x0;
	s4 =	sadd.s32 $0x217800, s0;
	s3 =	sshrl.u32 s3, $0x3  }
0x7: {  	[smem:$0x7FF] =	sst s2;
	s5 =	sor.u32 $0x4, s3;
	s7 =	sadd.s32 s4, s3  }
0x8: {  	_ =	strace $0x8000004A;
	s4 =	sadd.s32 s4, s5;
	[smem:$0x7F8] =	sst s7  }
0x9: {  	s22 =	sadd.s32 $0x8, s7;
	[dreg:$0x2] =	wrdreg s4  }
0xa: {  	s23 =	sadd.s32 $0xC, s7;
	[dreg:$0x3] =	wrdreg s22  }
0xb: {  	s24 =	sadd.s32 $0x10, s7;
	[dreg:$0x4] =	wrdreg s23  }
0xc: {  	s26 =	sadd.s32 $0x14, s7;
	[dreg:$0x5] =	wrdreg s24  }
0xd: {  	s29 =	sadd.s32 $0x18, s7;
	[dreg:$0x7] =	wrdreg s26  }
0xe: {  	s31 =	sadd.s32 $0x1C, s7;
	[dreg:$0x9] =	wrdreg s29  }
0xf: {  	s9 =	sadd.s32 $0x24, s7;
	[dreg:$0xb] =	wrdreg s31  }
0x10: {  	s11 =	sadd.s32 $0x28, s7;
	[dreg:$0xf] =	wrdreg s9  }
0x11: {  	s13 =	sadd.s32 $0x2C, s7;
	[dreg:$0x11] =	wrdreg s11  }
0x12: {  	s15 =	sadd.s32 $0x30, s7;
	[dreg:$0x13] =	wrdreg s13  }
0x13: {  	s17 =	sadd.s32 $0x34, s7;
	[dreg:$0x15] =	wrdreg s15  }
0x14: {  	s6 =	sadd.s32 $0x218200, s0;
	s19 =	sadd.s32 $0x38, s7;
	[dreg:$0x17] =	wrdreg s17  }
0x15: {  	s3 =	smul.u32 $0x300, s3;
	s21 =	sadd.s32 $0x3C, s7;
	[dreg:$0x19] =	wrdreg s19  }
0x16: {  	s5 =	smul.u32 $0x300, s5;
	[dreg:$0x1b] =	wrdreg s21;
	s23 =	sadd.s32 $0x40, s7  }
0x17: {  	s8 =	sadd.s32 s6, s3;
	[dreg:$0x1d] =	wrdreg s23  }
0x18: {  	s25 =	sadd.s32 s6, s5;
	[smem:$0x7FC] =	sst s8  }
0x19: {  	s28 =	sadd.s32 $0x1800, s8;
	[dreg:$0x6] =	wrdreg s25  }
0x1a: {  	s30 =	sadd.s32 $0x2400, s8;
	[dreg:$0x8] =	wrdreg s28  }
0x1b: {  	s4 =	sadd.s32 $0x3000, s8;
	[dreg:$0xa] =	wrdreg s30  }
0x1c: {  	s5 =	sadd.s32 $0x20, s7;
	[dreg:$0xc] =	wrdreg s4  }
0x1d: {  	s6 =	sadd.s32 $0x3C00, s8;
	[dreg:$0xd] =	wrdreg s5  }
0x1e: {  	s10 =	sadd.s32 $0x4800, s8;
	[dreg:$0xe] =	wrdreg s6  }
0x1f: {  	s12 =	sadd.s32 $0x5400, s8;
	[dreg:$0x10] =	wrdreg s10  }
0x20: {  	s1 =	ssub.s32 $0x2, s1;
	s14 =	sadd.s32 $0x6000, s8;
	[dreg:$0x12] =	wrdreg s12  }
0x21: {  	s9 =	simm.s32 $0x9;
	s16 =	sadd.s32 $0x6C00, s8;
	[dreg:$0x14] =	wrdreg s14  }
0x22: {  	s13 =	simm.s32 $0x1;
	s18 =	sadd.s32 $0x7800, s8;
	[dreg:$0x16] =	wrdreg s16  }
0x23: {  	s15 =	simm.s32 $0x2;
	s20 =	sadd.s32 $0x8400, s8;
	[dreg:$0x18] =	wrdreg s18  }
0x24: {  	s19 =	simm.s32 $0x7;
	s22 =	sadd.s32 $0x9000, s8;
	[dreg:$0x1a] =	wrdreg s20  }
0x25: {  	s24 =	sadd.s32 $0x9C00, s8;
	s26 =	sadd.s32 $0xA800, s8;
	[dreg:$0x1c] =	wrdreg s22  }
0x26: {  	s29 =	sadd.s32 $0xB400, s8;
	s31 =	sadd.s32 $0xCC00, s8;
	[dreg:$0x1e] =	wrdreg s24  }
0x27: {  	s5 =	sadd.s32 $0x3800, s0;
	s25 =	sadd.s32 $0x44, s7;
	[smem:$0x7F9] =	sst s26  }
0x28: {  	s28 =	sshrl.u32 s1, $0x1;
	[smem:$0x7FA] =	sst s29;
	s30 =	sadd.s32 $0xC000, s8  }
0x29: {  	v2 =	vlaneseq.u32;
	s6 =	sadd.s32 $0x3900, s0;
	s7 =	sadd.s32 $0x3A00, s0;
	[smem:$0x7FD] =	sst s31  }
0x2a: {  	vm0 =	vmmov $0xffff;
	v1 =	vshrl.u32 v2, $0x3;
	s14 =	simm.s32 $0x5;
	[dreg:$0x1f] =	wrdreg s25;
	s1 =	ssub.s32 s1, s28  }
0x2b: {  	v0 =	vand.u32 $0x7, v2;
	v2 =	vor.u32 $0x8, v2;
	v1 =	vmul.u32 $0x8, v1;
	s16 =	simm.s32 $0x6;
	[smem:$0x7FB] =	sst s30;
	s8 =	smax.u32 s1, $0x1  }
.LBB2_1:
0x2c: {  	s21 =	sld [smem:$0x7F8];
	_ =	sdelay $0x2  }
0x2d: {  	[tilespmem:s2], [sflag:$0x9] =	stream.linear.gather [hbm4b:s21+s2], $0x20, $0x38;
	[tilespmem:$0x18200] =	vst v63  }
0x2e: {  	_ =	swait.ge [sflag:s9], $0x20  }
0x2f: {  	[sflag:s9] =	ssyncset.done $0x0  }
0x30: {  	[sflag:s9] =	ssyncadd.s32 $0xFFFFFFE0  }
0x31: {  	v3 =	vld [tilespmem:$0x0];
	_ =	sdelay $0x4  }
0x32: {  	v4 =	vshrl.u32 v3, $0x3  }
0x33: {  	v4 =	vmul.u32 $0x30, v4  }
0x34: {  	v3 =	vand.u32 $0x7, v3  }
0x35: {  	v3 =	vor.u32 v3, v4  }
0x36: {  	v4 =	vperm.xlane v3, v0;
	_ =	sdelay $0x1  }
0x37: {  	v4 =	vadd.s32 v1, v4;
	_ =	sdelay $0x3  }
0x38: {  	s0 =	simm.s32 $0x200;
	v3 =	vperm.xlane v3, v2  }
0x39: {  	[tilespmem:s0], [sflag:$0x1] =	stream.indirect_vreg.gather [hbm4b:s5+s2], $0x80, v4, vm0, $0xb8;
	[tilespmem:$0x18200] =	vst v63  }
0x3a: {  	s25 =	simm.s32 $0xA00;
	v3 =	vadd.s32 v1, v3  }
0x3b: {  	[tilespmem:s25], [sflag:$0x1] =	stream.indirect_vreg.gather [hbm4b:s6+s2], $0x80, v4, vm0, $0xb8;
	[tilespmem:$0x18200] =	vst v63  }
0x3c: {  	s26 =	simm.s32 $0x1200  }
0x3d: {  	[tilespmem:s26], [sflag:$0x1] =	stream.indirect_vreg.gather [hbm4b:s7+s2], $0x80, v4, vm0, $0xb8;
	[tilespmem:$0x18200] =	vst v63  }
0x3e: {  	s28 =	simm.s32 $0x1A00  }
0x3f: {  	[tilespmem:s28], [sflag:$0x1] =	stream.indirect_vreg.gather [hbm4b:s5+s2], $0x80, v3, vm0, $0xb8;
	[tilespmem:$0x18200] =	vst v63  }
0x40: {  	s29 =	simm.s32 $0x2200  }
0x41: {  	[tilespmem:s29], [sflag:$0x1] =	stream.indirect_vreg.gather [hbm4b:s6+s2], $0x80, v3, vm0, $0xb8;
	[tilespmem:$0x18200] =	vst v63  }
0x42: {  	s30 =	simm.s32 $0x2A00  }
0x43: {  	[tilespmem:s30], [sflag:$0x1] =	stream.indirect_vreg.gather [hbm4b:s7+s2], $0x80, v3, vm0, $0xb8;
	[tilespmem:$0x18200] =	vst v63  }
0x44: {  	v3 =	vld [tilespmem:$0x10];
	_ =	sdelay $0x4  }
0x45: {  	v29 =	vshrl.u32 v3, $0x3  }
0x46: {  	v4 =	vmul.u32 $0x30, v29  }
0x47: {  	v3 =	vand.u32 $0x7, v3  }
0x48: {  	v3 =	vor.u32 v3, v4  }
0x49: {  	v4 =	vperm.xlane v3, v0;
	_ =	sdelay $0x1  }
0x4a: {  	v4 =	vadd.s32 v1, v4;
	_ =	sdelay $0x3  }
0x4b: {  	s31 =	simm.s32 $0x3200;
	v3 =	vperm.xlane v3, v2  }
0x4c: {  	[tilespmem:s31], [sflag:$0x1] =	stream.indirect_vreg.gather [hbm4b:s5+s2], $0x80, v4, vm0, $0xb8;
	[tilespmem:$0x18200] =	vst v63  }
0x4d: {  	s1 =	simm.s32 $0x3A00;
	v3 =	vadd.s32 v1, v3  }
0x4e: {  	[tilespmem:s1], [sflag:$0x1] =	stream.indirect_vreg.gather [hbm4b:s6+s2], $0x80, v4, vm0, $0xb8;
	[tilespmem:$0x18200] =	vst v63  }
0x4f: {  	s10 =	simm.s32 $0x4200  }
0x50: {  	[tilespmem:s10], [sflag:$0x1] =	stream.indirect_vreg.gather [hbm4b:s7+s2], $0x80, v4, vm0, $0xb8;
	[tilespmem:$0x18200] =	vst v63  }
0x51: {  	s11 =	simm.s32 $0x4A00  }
0x52: {  	[tilespmem:s11], [sflag:$0x1] =	stream.indirect_vreg.gather [hbm4b:s5+s2], $0x80, v3, vm0, $0xb8;
	[tilespmem:$0x18200] =	vst v63  }
0x53: {  	s12 =	simm.s32 $0x5200  }
0x54: {  	[tilespmem:s12], [sflag:$0x1] =	stream.indirect_vreg.gather [hbm4b:s6+s2], $0x80, v3, vm0, $0xb8;
	[tilespmem:$0x18200] =	vst v63  }
0x55: {  	s18 =	simm.s32 $0x5A00  }
0x56: {  	[tilespmem:s18], [sflag:$0x1] =	stream.indirect_vreg.gather [hbm4b:s7+s2], $0x80, v3, vm0, $0xb8;
	[tilespmem:$0x18200] =	vst v63  }
0x57: {  	s20 =	simm.s32 $0x80;
	s17 =	rddreg [dreg:$0x2]  }
0x58: {  	[tilespmem:s20], [sflag:$0x9] =	stream.linear.gather [hbm4b:s17+s2], $0x20, $0x38;
	[tilespmem:$0x18200] =	vst v63  }
0x59: {  	_ =	swait.ge [sflag:s9], $0x20  }
0x5a: {  	[sflag:s9] =	ssyncset.done $0x0  }
0x5b: {  	[sflag:s9] =	ssyncadd.s32 $0xFFFFFFE0  }
0x5c: {  	v3 =	vld [tilespmem:$0x80];
	_ =	sdelay $0x4  }
0x5d: {  	v30 =	vshrl.u32 v3, $0x3  }
0x5e: {  	v4 =	vmul.u32 $0x30, v30  }
0x5f: {  	v3 =	vand.u32 $0x7, v3  }
0x60: {  	v3 =	vor.u32 v3, v4  }
0x61: {  	v4 =	vperm.xlane v3, v0;
	_ =	sdelay $0x1  }
0x62: {  	v4 =	vadd.s32 v1, v4;
	_ =	sdelay $0x3  }
0x63: {  	s21 =	simm.s32 $0x6200;
	v3 =	vperm.xlane v3, v2  }
0x64: {  	[tilespmem:s21], [sflag:$0x2] =	stream.indirect_vreg.gather [hbm4b:s5+s2], $0x80, v4, vm0, $0xb8;
	[tilespmem:$0x18200] =	vst v63  }
0x65: {  	s23 =	simm.s32 $0x6A00;
	v3 =	vadd.s32 v1, v3  }
0x66: {  	[tilespmem:s23], [sflag:$0x2] =	stream.indirect_vreg.gather [hbm4b:s6+s2], $0x80, v4, vm0, $0xb8;
	[tilespmem:$0x18200] =	vst v63  }
0x67: {  	s24 =	simm.s32 $0x7200  }
0x68: {  	[tilespmem:s24], [sflag:$0x2] =	stream.indirect_vreg.gather [hbm4b:s7+s2], $0x80, v4, vm0, $0xb8;
	[tilespmem:$0x18200] =	vst v63  }
0x69: {  	s30 =	simm.s32 $0x7A00  }
0x6a: {  	[tilespmem:s30], [sflag:$0x2] =	stream.indirect_vreg.gather [hbm4b:s5+s2], $0x80, v3, vm0, $0xb8;
	[tilespmem:$0x18200] =	vst v63  }
0x6b: {  	s10 =	simm.s32 $0x8200  }
0x6c: {  	[tilespmem:s10], [sflag:$0x2] =	stream.indirect_vreg.gather [hbm4b:s6+s2], $0x80, v3, vm0, $0xb8;
	[tilespmem:$0x18200] =	vst v63  }
0x6d: {  	s11 =	simm.s32 $0x8A00  }
0x6e: {  	[tilespmem:s11], [sflag:$0x2] =	stream.indirect_vreg.gather [hbm4b:s7+s2], $0x80, v3, vm0, $0xb8;
	[tilespmem:$0x18200] =	vst v63  }
0x6f: {  	v3 =	vld [tilespmem:$0x90];
	_ =	sdelay $0x4  }
0x70: {  	v31 =	vshrl.u32 v3, $0x3  }
0x71: {  	v4 =	vmul.u32 $0x30, v31  }
0x72: {  	v3 =	vand.u32 $0x7, v3  }
0x73: {  	v3 =	vor.u32 v3, v4  }
0x74: {  	v4 =	vperm.xlane v3, v0;
	_ =	sdelay $0x1  }
0x75: {  	v4 =	vadd.s32 v1, v4;
	_ =	sdelay $0x3  }
0x76: {  	s17 =	simm.s32 $0x9200;
	v3 =	vperm.xlane v3, v2  }
0x77: {  	[tilespmem:s17], [sflag:$0x2] =	stream.indirect_vreg.gather [hbm4b:s5+s2], $0x80, v4, vm0, $0xb8;
	[tilespmem:$0x18200] =	vst v63  }
0x78: {  	s18 =	simm.s32 $0x9A00;
	v3 =	vadd.s32 v1, v3  }
0x79: {  	[tilespmem:s18], [sflag:$0x2] =	stream.indirect_vreg.gather [hbm4b:s6+s2], $0x80, v4, vm0, $0xb8;
	[tilespmem:$0x18200] =	vst v63  }
0x7a: {  	s20 =	simm.s32 $0xA200  }
0x7b: {  	[tilespmem:s20], [sflag:$0x2] =	stream.indirect_vreg.gather [hbm4b:s7+s2], $0x80, v4, vm0, $0xb8;
	[tilespmem:$0x18200] =	vst v63  }
0x7c: {  	s21 =	simm.s32 $0xAA00  }
0x7d: {  	[tilespmem:s21], [sflag:$0x2] =	stream.indirect_vreg.gather [hbm4b:s5+s2], $0x80, v3, vm0, $0xb8;
	[tilespmem:$0x18200] =	vst v63  }
0x7e: {  	s23 =	simm.s32 $0xB200  }
0x7f: {  	[tilespmem:s23], [sflag:$0x2] =	stream.indirect_vreg.gather [hbm4b:s6+s2], $0x80, v3, vm0, $0xb8;
	[tilespmem:$0x18200] =	vst v63  }
0x80: {  	s10 =	simm.s32 $0xBA00  }
0x81: {  	[tilespmem:s10], [sflag:$0x2] =	stream.indirect_vreg.gather [hbm4b:s7+s2], $0x80, v3, vm0, $0xb8;
	[tilespmem:$0x18200] =	vst v63  }
0x82: {  	s30 =	rddreg [dreg:$0x3];
	s17 =	simm.s32 $0x100  }
0x83: {  	[tilespmem:s17], [sflag:$0x9] =	stream.linear.gather [hbm4b:s30+s2], $0x20, $0x38;
	[tilespmem:$0x18200] =	vst v63  }
0x84: {  	_ =	swait.ge [sflag:s9], $0x20  }
0x85: {  	[sflag:s9] =	ssyncset.done $0x0  }
0x86: {  	[sflag:s9] =	ssyncadd.s32 $0xFFFFFFE0  }
0x87: {  	v3 =	vld [tilespmem:$0x100];
	_ =	sdelay $0x4  }
0x88: {  	v32 =	vshrl.u32 v3, $0x3  }
0x89: {  	v4 =	vmul.u32 $0x30, v32  }
0x8a: {  	v3 =	vand.u32 $0x7, v3  }
0x8b: {  	v3 =	vor.u32 v3, v4  }
0x8c: {  	v4 =	vperm.xlane v3, v0;
	_ =	sdelay $0x1  }
0x8d: {  	v4 =	vadd.s32 v1, v4;
	_ =	sdelay $0x3  }
0x8e: {  	s20 =	simm.s32 $0xC200;
	v3 =	vperm.xlane v3, v2  }
0x8f: {  	[tilespmem:s20], [sflag:$0x3] =	stream.indirect_vreg.gather [hbm4b:s5+s2], $0x80, v4, vm0, $0xb8;
	[tilespmem:$0x18200] =	vst v63  }
0x90: {  	s21 =	simm.s32 $0xCA00;
	v3 =	vadd.s32 v1, v3  }
0x91: {  	[tilespmem:s21], [sflag:$0x3] =	stream.indirect_vreg.gather [hbm4b:s6+s2], $0x80, v4, vm0, $0xb8;
	[tilespmem:$0x18200] =	vst v63  }
0x92: {  	s23 =	simm.s32 $0xD200  }
0x93: {  	[tilespmem:s23], [sflag:$0x3] =	stream.indirect_vreg.gather [hbm4b:s7+s2], $0x80, v4, vm0, $0xb8;
	[tilespmem:$0x18200] =	vst v63  }
0x94: {  	s30 =	simm.s32 $0xDA00  }
0x95: {  	[tilespmem:s30], [sflag:$0x3] =	stream.indirect_vreg.gather [hbm4b:s5+s2], $0x80, v3, vm0, $0xb8;
	[tilespmem:$0x18200] =	vst v63  }
0x96: {  	s21 =	simm.s32 $0xE200  }
0x97: {  	[tilespmem:s21], [sflag:$0x3] =	stream.indirect_vreg.gather [hbm4b:s6+s2], $0x80, v3, vm0, $0xb8;
	[tilespmem:$0x18200] =	vst v63  }
0x98: {  	s23 =	simm.s32 $0xEA00  }
0x99: {  	[tilespmem:s23], [sflag:$0x3] =	stream.indirect_vreg.gather [hbm4b:s7+s2], $0x80, v3, vm0, $0xb8;
	[tilespmem:$0x18200] =	vst v63  }
0x9a: {  	v3 =	vld [tilespmem:$0x110];
	_ =	sdelay $0x4  }
0x9b: {  	v33 =	vshrl.u32 v3, $0x3  }
0x9c: {  	v4 =	vmul.u32 $0x30, v33  }
0x9d: {  	v3 =	vand.u32 $0x7, v3  }
0x9e: {  	v3 =	vor.u32 v3, v4  }
0x9f: {  	v4 =	vperm.xlane v3, v0;
	_ =	sdelay $0x1  }
0xa0: {  	v4 =	vadd.s32 v1, v4;
	_ =	sdelay $0x3  }
0xa1: {  	s21 =	simm.s32 $0xF200;
	v3 =	vperm.xlane v3, v2  }
0xa2: {  	[tilespmem:s21], [sflag:$0x3] =	stream.indirect_vreg.gather [hbm4b:s5+s2], $0x80, v4, vm0, $0xb8;
	[tilespmem:$0x18200] =	vst v63  }
0xa3: {  	s23 =	simm.s32 $0xFA00;
	v3 =	vadd.s32 v1, v3  }
0xa4: {  	[tilespmem:s23], [sflag:$0x3] =	stream.indirect_vreg.gather [hbm4b:s6+s2], $0x80, v4, vm0, $0xb8;
	[tilespmem:$0x18200] =	vst v63  }
0xa5: {  	s21 =	simm.s32 $0x10200  }
0xa6: {  	[tilespmem:s21], [sflag:$0x3] =	stream.indirect_vreg.gather [hbm4b:s7+s2], $0x80, v4, vm0, $0xb8;
	[tilespmem:$0x18200] =	vst v63  }
0xa7: {  	s23 =	simm.s32 $0x10A00  }
0xa8: {  	[tilespmem:s23], [sflag:$0x3] =	stream.indirect_vreg.gather [hbm4b:s5+s2], $0x80, v3, vm0, $0xb8;
	[tilespmem:$0x18200] =	vst v63  }
0xa9: {  	s21 =	simm.s32 $0x11200  }
0xaa: {  	[tilespmem:s21], [sflag:$0x3] =	stream.indirect_vreg.gather [hbm4b:s6+s2], $0x80, v3, vm0, $0xb8;
	[tilespmem:$0x18200] =	vst v63  }
0xab: {  	s23 =	simm.s32 $0x11A00  }
0xac: {  	[tilespmem:s23], [sflag:$0x3] =	stream.indirect_vreg.gather [hbm4b:s7+s2], $0x80, v3, vm0, $0xb8;
	[tilespmem:$0x18200] =	vst v63  }
0xad: {  	s21 =	rddreg [dreg:$0x4];
	s23 =	simm.s32 $0x180  }
0xae: {  	[tilespmem:s23], [sflag:$0x9] =	stream.linear.gather [hbm4b:s21+s2], $0x20, $0x38;
	[tilespmem:$0x18200] =	vst v63  }
0xaf: {  	_ =	swait.ge [sflag:s9], $0x20  }
0xb0: {  	[sflag:s9] =	ssyncset.done $0x0  }
0xb1: {  	[sflag:s9] =	ssyncadd.s32 $0xFFFFFFE0  }
0xb2: {  	v3 =	vld [tilespmem:$0x180];
	_ =	sdelay $0x4  }
0xb3: {  	v34 =	vshrl.u32 v3, $0x3  }
0xb4: {  	v4 =	vmul.u32 $0x30, v34  }
0xb5: {  	v3 =	vand.u32 $0x7, v3  }
0xb6: {  	v3 =	vor.u32 v3, v4  }
0xb7: {  	v4 =	vperm.xlane v3, v0;
	_ =	sdelay $0x1  }
0xb8: {  	v4 =	vadd.s32 v1, v4;
	_ =	sdelay $0x3  }
0xb9: {  	s21 =	simm.s32 $0x12200;
	v3 =	vperm.xlane v3, v2  }
0xba: {  	[tilespmem:s21], [sflag:$0x4] =	stream.indirect_vreg.gather [hbm4b:s5+s2], $0x80, v4, vm0, $0xb8;
	[tilespmem:$0x18200] =	vst v63  }
0xbb: {  	v3 =	vadd.s32 v1, v3;
	s21 =	simm.s32 $0x12A00  }
0xbc: {  	[tilespmem:s21], [sflag:$0x4] =	stream.indirect_vreg.gather [hbm4b:s6+s2], $0x80, v4, vm0, $0xb8;
	[tilespmem:$0x18200] =	vst v63  }
0xbd: {  	s21 =	simm.s32 $0x13200  }
0xbe: {  	[tilespmem:s21], [sflag:$0x4] =	stream.indirect_vreg.gather [hbm4b:s7+s2], $0x80, v4, vm0, $0xb8;
	[tilespmem:$0x18200] =	vst v63  }
0xbf: {  	s21 =	simm.s32 $0x13A00  }
0xc0: {  	[tilespmem:s21], [sflag:$0x4] =	stream.indirect_vreg.gather [hbm4b:s5+s2], $0x80, v3, vm0, $0xb8;
	[tilespmem:$0x18200] =	vst v63  }
0xc1: {  	s21 =	simm.s32 $0x14200  }
0xc2: {  	[tilespmem:s21], [sflag:$0x4] =	stream.indirect_vreg.gather [hbm4b:s6+s2], $0x80, v3, vm0, $0xb8;
	[tilespmem:$0x18200] =	vst v63  }
0xc3: {  	s21 =	simm.s32 $0x14A00  }
0xc4: {  	[tilespmem:s21], [sflag:$0x4] =	stream.indirect_vreg.gather [hbm4b:s7+s2], $0x80, v3, vm0, $0xb8;
	[tilespmem:$0x18200] =	vst v63  }
0xc5: {  	v3 =	vld [tilespmem:$0x190];
	_ =	sdelay $0x4  }
0xc6: {  	v35 =	vshrl.u32 v3, $0x3  }
0xc7: {  	v4 =	vmul.u32 $0x30, v35  }
0xc8: {  	v3 =	vand.u32 $0x7, v3  }
0xc9: {  	v3 =	vor.u32 v3, v4  }
0xca: {  	v4 =	vperm.xlane v3, v0;
	_ =	sdelay $0x1  }
0xcb: {  	v4 =	vadd.s32 v1, v4;
	_ =	sdelay $0x3  }
0xcc: {  	s21 =	simm.s32 $0x15200;
	v3 =	vperm.xlane v3, v2  }
0xcd: {  	[tilespmem:s21], [sflag:$0x4] =	stream.indirect_vreg.gather [hbm4b:s5+s2], $0x80, v4, vm0, $0xb8;
	[tilespmem:$0x18200] =	vst v63  }
0xce: {  	v3 =	vadd.s32 v1, v3;
	s21 =	simm.s32 $0x15A00  }
0xcf: {  	[tilespmem:s21], [sflag:$0x4] =	stream.indirect_vreg.gather [hbm4b:s6+s2], $0x80, v4, vm0, $0xb8;
	[tilespmem:$0x18200] =	vst v63  }
0xd0: {  	s21 =	simm.s32 $0x16200  }
0xd1: {  	[tilespmem:s21], [sflag:$0x4] =	stream.indirect_vreg.gather [hbm4b:s7+s2], $0x80, v4, vm0, $0xb8;
	[tilespmem:$0x18200] =	vst v63  }
0xd2: {  	s21 =	simm.s32 $0x16A00  }
0xd3: {  	[tilespmem:s21], [sflag:$0x4] =	stream.indirect_vreg.gather [hbm4b:s5+s2], $0x80, v3, vm0, $0xb8;
	[tilespmem:$0x18200] =	vst v63  }
0xd4: {  	s21 =	simm.s32 $0x17200  }
0xd5: {  	[tilespmem:s21], [sflag:$0x4] =	stream.indirect_vreg.gather [hbm4b:s6+s2], $0x80, v3, vm0, $0xb8;
	[tilespmem:$0x18200] =	vst v63  }
0xd6: {  	s21 =	simm.s32 $0x17A00  }
0xd7: {  	[tilespmem:s21], [sflag:$0x4] =	stream.indirect_vreg.gather [hbm4b:s7+s2], $0x80, v3, vm0, $0xb8;
	[tilespmem:$0x18200] =	vst v63  }
0xd8: {  	_ =	swait.ge [sflag:s13], $0x6000  }
0xd9: {  	s21 =	sld [smem:$0x7FC]  }
0xda: {  	[sflag:s13] =	ssyncset.done $0x0  }
0xdb: {  	s0 =	simm.s32 $0x200;
	[sflag:s13] =	ssyncadd.s32 $0xFFFFA000  }
0xdc: {  	[hbm4b:s21+s2] =	stream.linear.scatter [tilespmem:s0], [sflag:$0x5], $0x6000, $0x38;
	[tilespmem:$0x18200] =	vst v63  }
0xdd: {  	_ =	swait.ge [sflag:s14], $0x6000  }
0xde: {  	[sflag:s14] =	ssyncset.done $0x0  }
0xdf: {  	s21 =	rddreg [dreg:$0x5];
	[sflag:s14] =	ssyncadd.s32 $0xFFFFA000  }
0xe0: {  	[tilespmem:s2], [sflag:$0x9] =	stream.linear.gather [hbm4b:s21+s2], $0x20, $0x38;
	[tilespmem:$0x18200] =	vst v63  }
0xe1: {  	_ =	swait.ge [sflag:s9], $0x20  }
0xe2: {  	[sflag:s9] =	ssyncset.done $0x0  }
0xe3: {  	[sflag:s9] =	ssyncadd.s32 $0xFFFFFFE0  }
0xe4: {  	v3 =	vld [tilespmem:$0x0];
	_ =	sdelay $0x4  }
0xe5: {  	v36 =	vshrl.u32 v3, $0x3  }
0xe6: {  	v4 =	vmul.u32 $0x30, v36  }
0xe7: {  	v3 =	vand.u32 $0x7, v3  }
0xe8: {  	v3 =	vor.u32 v3, v4  }
0xe9: {  	v4 =	vperm.xlane v3, v0;
	_ =	sdelay $0x1  }
0xea: {  	v4 =	vadd.s32 v1, v4;
	_ =	sdelay $0x3  }
0xeb: {  	v3 =	vperm.xlane v3, v2  }
0xec: {  	[tilespmem:s0], [sflag:$0x1] =	stream.indirect_vreg.gather [hbm4b:s5+s2], $0x80, v4, vm0, $0xb8;
	[tilespmem:$0x18200] =	vst v63  }
0xed: {  	s3 =	simm.s32 $0xA00;
	v3 =	vadd.s32 v1, v3  }
0xee: {  	[tilespmem:s3], [sflag:$0x1] =	stream.indirect_vreg.gather [hbm4b:s6+s2], $0x80, v4, vm0, $0xb8;
	[tilespmem:$0x18200] =	vst v63  }
0xef: {  	s4 =	simm.s32 $0x1200  }
0xf0: {  	[tilespmem:s4], [sflag:$0x1] =	stream.indirect_vreg.gather [hbm4b:s7+s2], $0x80, v4, vm0, $0xb8;
	[tilespmem:$0x18200] =	vst v63  }
0xf1: {  	s25 =	simm.s32 $0x1A00  }
0xf2: {  	[tilespmem:s25], [sflag:$0x1] =	stream.indirect_vreg.gather [hbm4b:s5+s2], $0x80, v3, vm0, $0xb8;
	[tilespmem:$0x18200] =	vst v63  }
0xf3: {  	s26 =	simm.s32 $0x2200  }
0xf4: {  	[tilespmem:s26], [sflag:$0x1] =	stream.indirect_vreg.gather [hbm4b:s6+s2], $0x80, v3, vm0, $0xb8;
	[tilespmem:$0x18200] =	vst v63  }
0xf5: {  	s22 =	simm.s32 $0x2A00  }
0xf6: {  	[tilespmem:s22], [sflag:$0x1] =	stream.indirect_vreg.gather [hbm4b:s7+s2], $0x80, v3, vm0, $0xb8;
	[tilespmem:$0x18200] =	vst v63  }
0xf7: {  	v3 =	vld [tilespmem:$0x10];
	_ =	sdelay $0x4  }
0xf8: {  	v37 =	vshrl.u32 v3, $0x3  }
0xf9: {  	v4 =	vmul.u32 $0x30, v37  }
0xfa: {  	v3 =	vand.u32 $0x7, v3  }
0xfb: {  	v3 =	vor.u32 v3, v4  }
0xfc: {  	v4 =	vperm.xlane v3, v0;
	_ =	sdelay $0x1  }
0xfd: {  	v4 =	vadd.s32 v1, v4;
	_ =	sdelay $0x3  }
0xfe: {  	s22 =	simm.s32 $0x3200;
	v3 =	vperm.xlane v3, v2  }
0xff: {  	[tilespmem:s22], [sflag:$0x1] =	stream.indirect_vreg.gather [hbm4b:s5+s2], $0x80, v4, vm0, $0xb8;
	[tilespmem:$0x18200] =	vst v63  }
0x100: {  	s29 =	simm.s32 $0x3A00;
	v3 =	vadd.s32 v1, v3  }
0x101: {  	[tilespmem:s29], [sflag:$0x1] =	stream.indirect_vreg.gather [hbm4b:s6+s2], $0x80, v4, vm0, $0xb8;
	[tilespmem:$0x18200] =	vst v63  }
0x102: {  	s28 =	simm.s32 $0x4200  }
0x103: {  	[tilespmem:s28], [sflag:$0x1] =	stream.indirect_vreg.gather [hbm4b:s7+s2], $0x80, v4, vm0, $0xb8;
	[tilespmem:$0x18200] =	vst v63  }
0x104: {  	s31 =	simm.s32 $0x4A00  }
0x105: {  	[tilespmem:s31], [sflag:$0x1] =	stream.indirect_vreg.gather [hbm4b:s5+s2], $0x80, v3, vm0, $0xb8;
	[tilespmem:$0x18200] =	vst v63  }
0x106: {  	s31 =	simm.s32 $0x5200  }
0x107: {  	[tilespmem:s31], [sflag:$0x1] =	stream.indirect_vreg.gather [hbm4b:s6+s2], $0x80, v3, vm0, $0xb8;
	[tilespmem:$0x18200] =	vst v63  }
0x108: {  	s29 =	simm.s32 $0x5A00  }
0x109: {  	[tilespmem:s29], [sflag:$0x1] =	stream.indirect_vreg.gather [hbm4b:s7+s2], $0x80, v3, vm0, $0xb8;
	[tilespmem:$0x18200] =	vst v63  }
0x10a: {  	_ =	swait.ge [sflag:s15], $0x6000  }
0x10b: {  	[sflag:s15] =	ssyncset.done $0x0  }
0x10c: {  	s12 =	simm.s32 $0x6200;
	s3 =	rddreg [dreg:$0x6];
	[sflag:s15] =	ssyncadd.s32 $0xFFFFA000  }
0x10d: {  	[hbm4b:s3+s2] =	stream.linear.scatter [tilespmem:s12], [sflag:$0x6], $0x6000, $0x38;
	[tilespmem:$0x18200] =	vst v63  }
0x10e: {  	_ =	swait.ge [sflag:s16], $0x6000  }
0x10f: {  	[sflag:s16] =	ssyncset.done $0x0  }
0x110: {  	s1 =	simm.s32 $0x80;
	s4 =	rddreg [dreg:$0x7];
	[sflag:s16] =	ssyncadd.s32 $0xFFFFA000  }
0x111: {  	[tilespmem:s1], [sflag:$0x9] =	stream.linear.gather [hbm4b:s4+s2], $0x20, $0x38;
	[tilespmem:$0x18200] =	vst v63  }
0x112: {  	_ =	swait.ge [sflag:s9], $0x20  }
0x113: {  	[sflag:s9] =	ssyncset.done $0x0  }
0x114: {  	[sflag:s9] =	ssyncadd.s32 $0xFFFFFFE0  }
0x115: {  	v3 =	vld [tilespmem:$0x80];
	_ =	sdelay $0x4  }
0x116: {  	v38 =	vshrl.u32 v3, $0x3  }
0x117: {  	v4 =	vmul.u32 $0x30, v38  }
0x118: {  	v3 =	vand.u32 $0x7, v3  }
0x119: {  	v3 =	vor.u32 v3, v4  }
0x11a: {  	v4 =	vperm.xlane v3, v0;
	_ =	sdelay $0x1  }
0x11b: {  	v4 =	vadd.s32 v1, v4;
	_ =	sdelay $0x3  }
0x11c: {  	v3 =	vperm.xlane v3, v2  }
0x11d: {  	[tilespmem:s12], [sflag:$0x2] =	stream.indirect_vreg.gather [hbm4b:s5+s2], $0x80, v4, vm0, $0xb8;
	[tilespmem:$0x18200] =	vst v63  }
0x11e: {  	s25 =	simm.s32 $0x6A00;
	v3 =	vadd.s32 v1, v3  }
0x11f: {  	[tilespmem:s25], [sflag:$0x2] =	stream.indirect_vreg.gather [hbm4b:s6+s2], $0x80, v4, vm0, $0xb8;
	[tilespmem:$0x18200] =	vst v63  }
0x120: {  	s26 =	simm.s32 $0x7200  }
0x121: {  	[tilespmem:s26], [sflag:$0x2] =	stream.indirect_vreg.gather [hbm4b:s7+s2], $0x80, v4, vm0, $0xb8;
	[tilespmem:$0x18200] =	vst v63  }
0x122: {  	s28 =	simm.s32 $0x7A00  }
0x123: {  	[tilespmem:s28], [sflag:$0x2] =	stream.indirect_vreg.gather [hbm4b:s5+s2], $0x80, v3, vm0, $0xb8;
	[tilespmem:$0x18200] =	vst v63  }
0x124: {  	s4 =	simm.s32 $0x8200  }
0x125: {  	[tilespmem:s4], [sflag:$0x2] =	stream.indirect_vreg.gather [hbm4b:s6+s2], $0x80, v3, vm0, $0xb8;
	[tilespmem:$0x18200] =	vst v63  }
0x126: {  	s11 =	simm.s32 $0x8A00  }
0x127: {  	[tilespmem:s11], [sflag:$0x2] =	stream.indirect_vreg.gather [hbm4b:s7+s2], $0x80, v3, vm0, $0xb8;
	[tilespmem:$0x18200] =	vst v63  }
0x128: {  	v3 =	vld [tilespmem:$0x90];
	_ =	sdelay $0x4  }
0x129: {  	v39 =	vshrl.u32 v3, $0x3  }
0x12a: {  	v4 =	vmul.u32 $0x30, v39  }
0x12b: {  	v3 =	vand.u32 $0x7, v3  }
0x12c: {  	v3 =	vor.u32 v3, v4  }
0x12d: {  	v4 =	vperm.xlane v3, v0;
	_ =	sdelay $0x1  }
0x12e: {  	v4 =	vadd.s32 v1, v4;
	_ =	sdelay $0x3  }
0x12f: {  	s24 =	simm.s32 $0x9200;
	v3 =	vperm.xlane v3, v2  }
0x130: {  	[tilespmem:s24], [sflag:$0x2] =	stream.indirect_vreg.gather [hbm4b:s5+s2], $0x80, v4, vm0, $0xb8;
	[tilespmem:$0x18200] =	vst v63  }
0x131: {  	s11 =	simm.s32 $0x9A00;
	v3 =	vadd.s32 v1, v3  }
0x132: {  	[tilespmem:s11], [sflag:$0x2] =	stream.indirect_vreg.gather [hbm4b:s6+s2], $0x80, v4, vm0, $0xb8;
	[tilespmem:$0x18200] =	vst v63  }
0x133: {  	s24 =	simm.s32 $0xA200  }
0x134: {  	[tilespmem:s24], [sflag:$0x2] =	stream.indirect_vreg.gather [hbm4b:s7+s2], $0x80, v4, vm0, $0xb8;
	[tilespmem:$0x18200] =	vst v63  }
0x135: {  	s25 =	simm.s32 $0xAA00  }
0x136: {  	[tilespmem:s25], [sflag:$0x2] =	stream.indirect_vreg.gather [hbm4b:s5+s2], $0x80, v3, vm0, $0xb8;
	[tilespmem:$0x18200] =	vst v63  }
0x137: {  	s26 =	simm.s32 $0xB200  }
0x138: {  	[tilespmem:s26], [sflag:$0x2] =	stream.indirect_vreg.gather [hbm4b:s6+s2], $0x80, v3, vm0, $0xb8;
	[tilespmem:$0x18200] =	vst v63  }
0x139: {  	s18 =	simm.s32 $0xBA00  }
0x13a: {  	[tilespmem:s18], [sflag:$0x2] =	stream.indirect_vreg.gather [hbm4b:s7+s2], $0x80, v3, vm0, $0xb8;
	[tilespmem:$0x18200] =	vst v63  }
0x13b: {  	s18 =	simm.s32 $0x3  }
0x13c: {  	_ =	swait.ge [sflag:s18], $0x6000  }
0x13d: {  	[sflag:s18] =	ssyncset.done $0x0  }
0x13e: {  	s1 =	simm.s32 $0xC200;
	s0 =	rddreg [dreg:$0x8];
	[sflag:s18] =	ssyncadd.s32 $0xFFFFA000  }
0x13f: {  	[hbm4b:s0+s2] =	stream.linear.scatter [tilespmem:s1], [sflag:$0x7], $0x6000, $0x38;
	[tilespmem:$0x18200] =	vst v63  }
0x140: {  	_ =	swait.ge [sflag:s19], $0x6000  }
0x141: {  	[sflag:s19] =	ssyncset.done $0x0  }
0x142: {  	s10 =	simm.s32 $0x100;
	s3 =	rddreg [dreg:$0x9];
	[sflag:s19] =	ssyncadd.s32 $0xFFFFA000  }
0x143: {  	[tilespmem:s10], [sflag:$0x9] =	stream.linear.gather [hbm4b:s3+s2], $0x20, $0x38;
	[tilespmem:$0x18200] =	vst v63  }
0x144: {  	_ =	swait.ge [sflag:s9], $0x20  }
0x145: {  	[sflag:s9] =	ssyncset.done $0x0  }
0x146: {  	[sflag:s9] =	ssyncadd.s32 $0xFFFFFFE0  }
0x147: {  	v3 =	vld [tilespmem:$0x100];
	_ =	sdelay $0x4  }
0x148: {  	v40 =	vshrl.u32 v3, $0x3  }
0x149: {  	v4 =	vmul.u32 $0x30, v40  }
0x14a: {  	v3 =	vand.u32 $0x7, v3  }
0x14b: {  	v3 =	vor.u32 v3, v4  }
0x14c: {  	v4 =	vperm.xlane v3, v0;
	_ =	sdelay $0x1  }
0x14d: {  	v4 =	vadd.s32 v1, v4;
	_ =	sdelay $0x3  }
0x14e: {  	v3 =	vperm.xlane v3, v2  }
0x14f: {  	[tilespmem:s1], [sflag:$0x3] =	stream.indirect_vreg.gather [hbm4b:s5+s2], $0x80, v4, vm0, $0xb8;
	[tilespmem:$0x18200] =	vst v63  }
0x150: {  	s17 =	simm.s32 $0xCA00;
	v3 =	vadd.s32 v1, v3  }
0x151: {  	[tilespmem:s17], [sflag:$0x3] =	stream.indirect_vreg.gather [hbm4b:s6+s2], $0x80, v4, vm0, $0xb8;
	[tilespmem:$0x18200] =	vst v63  }
0x152: {  	s20 =	simm.s32 $0xD200  }
0x153: {  	[tilespmem:s20], [sflag:$0x3] =	stream.indirect_vreg.gather [hbm4b:s7+s2], $0x80, v4, vm0, $0xb8;
	[tilespmem:$0x18200] =	vst v63  }
0x154: {  	s30 =	simm.s32 $0xDA00  }
0x155: {  	[tilespmem:s30], [sflag:$0x3] =	stream.indirect_vreg.gather [hbm4b:s5+s2], $0x80, v3, vm0, $0xb8;
	[tilespmem:$0x18200] =	vst v63  }
0x156: {  	s3 =	simm.s32 $0xE200  }
0x157: {  	[tilespmem:s3], [sflag:$0x3] =	stream.indirect_vreg.gather [hbm4b:s6+s2], $0x80, v3, vm0, $0xb8;
	[tilespmem:$0x18200] =	vst v63  }
0x158: {  	s10 =	simm.s32 $0xEA00  }
0x159: {  	[tilespmem:s10], [sflag:$0x3] =	stream.indirect_vreg.gather [hbm4b:s7+s2], $0x80, v3, vm0, $0xb8;
	[tilespmem:$0x18200] =	vst v63  }
0x15a: {  	v3 =	vld [tilespmem:$0x110];
	_ =	sdelay $0x4  }
0x15b: {  	v41 =	vshrl.u32 v3, $0x3  }
0x15c: {  	v4 =	vmul.u32 $0x30, v41  }
0x15d: {  	v3 =	vand.u32 $0x7, v3  }
0x15e: {  	v3 =	vor.u32 v3, v4  }
0x15f: {  	v4 =	vperm.xlane v3, v0;
	_ =	sdelay $0x1  }
0x160: {  	v4 =	vadd.s32 v1, v4;
	_ =	sdelay $0x3  }
0x161: {  	s12 =	simm.s32 $0xF200;
	v3 =	vperm.xlane v3, v2  }
0x162: {  	[tilespmem:s12], [sflag:$0x3] =	stream.indirect_vreg.gather [hbm4b:s5+s2], $0x80, v4, vm0, $0xb8;
	[tilespmem:$0x18200] =	vst v63  }
0x163: {  	s17 =	simm.s32 $0xFA00;
	v3 =	vadd.s32 v1, v3  }
0x164: {  	[tilespmem:s17], [sflag:$0x3] =	stream.indirect_vreg.gather [hbm4b:s6+s2], $0x80, v4, vm0, $0xb8;
	[tilespmem:$0x18200] =	vst v63  }
0x165: {  	s20 =	simm.s32 $0x10200  }
0x166: {  	[tilespmem:s20], [sflag:$0x3] =	stream.indirect_vreg.gather [hbm4b:s7+s2], $0x80, v4, vm0, $0xb8;
	[tilespmem:$0x18200] =	vst v63  }
0x167: {  	s21 =	simm.s32 $0x10A00  }
0x168: {  	[tilespmem:s21], [sflag:$0x3] =	stream.indirect_vreg.gather [hbm4b:s5+s2], $0x80, v3, vm0, $0xb8;
	[tilespmem:$0x18200] =	vst v63  }
0x169: {  	s28 =	simm.s32 $0x11200  }
0x16a: {  	[tilespmem:s28], [sflag:$0x3] =	stream.indirect_vreg.gather [hbm4b:s6+s2], $0x80, v3, vm0, $0xb8;
	[tilespmem:$0x18200] =	vst v63  }
0x16b: {  	s30 =	simm.s32 $0x11A00;
	s20 =	simm.s32 $0x4  }
0x16c: {  	[tilespmem:s30], [sflag:$0x3] =	stream.indirect_vreg.gather [hbm4b:s7+s2], $0x80, v3, vm0, $0xb8;
	[tilespmem:$0x18200] =	vst v63  }
0x16d: {  	_ =	swait.ge [sflag:s20], $0x6000  }
0x16e: {  	[sflag:s20] =	ssyncset.done $0x0  }
0x16f: {  	s10 =	simm.s32 $0x12200;
	s0 =	rddreg [dreg:$0xa];
	[sflag:s20] =	ssyncadd.s32 $0xFFFFA000  }
0x170: {  	[hbm4b:s0+s2] =	stream.linear.scatter [tilespmem:s10], [sflag:$0x8], $0x6000, $0x38;
	[tilespmem:$0x18200] =	vst v63  }
0x171: {  	s0 =	simm.s32 $0x8  }
0x172: {  	_ =	swait.ge [sflag:s0], $0x6000  }
0x173: {  	[sflag:s0] =	ssyncset.done $0x0  }
0x174: {  	s23 =	simm.s32 $0x180;
	s12 =	rddreg [dreg:$0xb];
	[sflag:s0] =	ssyncadd.s32 $0xFFFFA000  }
0x175: {  	[tilespmem:s23], [sflag:$0x9] =	stream.linear.gather [hbm4b:s12+s2], $0x20, $0x38;
	[tilespmem:$0x18200] =	vst v63  }
0x176: {  	_ =	swait.ge [sflag:s9], $0x20  }
0x177: {  	[sflag:s9] =	ssyncset.done $0x0  }
0x178: {  	[sflag:s9] =	ssyncadd.s32 $0xFFFFFFE0  }
0x179: {  	v3 =	vld [tilespmem:$0x180];
	_ =	sdelay $0x4  }
0x17a: {  	v42 =	vshrl.u32 v3, $0x3  }
0x17b: {  	v4 =	vmul.u32 $0x30, v42  }
0x17c: {  	v3 =	vand.u32 $0x7, v3  }
0x17d: {  	v3 =	vor.u32 v3, v4  }
0x17e: {  	v4 =	vperm.xlane v3, v0;
	_ =	sdelay $0x1  }
0x17f: {  	v4 =	vadd.s32 v1, v4;
	_ =	sdelay $0x3  }
0x180: {  	v3 =	vperm.xlane v3, v2  }
0x181: {  	[tilespmem:s10], [sflag:$0x4] =	stream.indirect_vreg.gather [hbm4b:s5+s2], $0x80, v4, vm0, $0xb8;
	[tilespmem:$0x18200] =	vst v63  }
0x182: {  	s28 =	simm.s32 $0x12A00;
	v3 =	vadd.s32 v1, v3  }
0x183: {  	[tilespmem:s28], [sflag:$0x4] =	stream.indirect_vreg.gather [hbm4b:s6+s2], $0x80, v4, vm0, $0xb8;
	[tilespmem:$0x18200] =	vst v63  }
0x184: {  	s30 =	simm.s32 $0x13200  }
0x185: {  	[tilespmem:s30], [sflag:$0x4] =	stream.indirect_vreg.gather [hbm4b:s7+s2], $0x80, v4, vm0, $0xb8;
	[tilespmem:$0x18200] =	vst v63  }
0x186: {  	s17 =	simm.s32 $0x13A00  }
0x187: {  	[tilespmem:s17], [sflag:$0x4] =	stream.indirect_vreg.gather [hbm4b:s5+s2], $0x80, v3, vm0, $0xb8;
	[tilespmem:$0x18200] =	vst v63  }
0x188: {  	s12 =	simm.s32 $0x14200  }
0x189: {  	[tilespmem:s12], [sflag:$0x4] =	stream.indirect_vreg.gather [hbm4b:s6+s2], $0x80, v3, vm0, $0xb8;
	[tilespmem:$0x18200] =	vst v63  }
0x18a: {  	s21 =	simm.s32 $0x14A00  }
0x18b: {  	[tilespmem:s21], [sflag:$0x4] =	stream.indirect_vreg.gather [hbm4b:s7+s2], $0x80, v3, vm0, $0xb8;
	[tilespmem:$0x18200] =	vst v63  }
0x18c: {  	v3 =	vld [tilespmem:$0x190];
	_ =	sdelay $0x4  }
0x18d: {  	v43 =	vshrl.u32 v3, $0x3  }
0x18e: {  	v4 =	vmul.u32 $0x30, v43  }
0x18f: {  	v3 =	vand.u32 $0x7, v3  }
0x190: {  	v3 =	vor.u32 v3, v4  }
0x191: {  	v4 =	vperm.xlane v3, v0;
	_ =	sdelay $0x1  }
0x192: {  	v4 =	vadd.s32 v1, v4;
	_ =	sdelay $0x3  }
0x193: {  	s23 =	simm.s32 $0x15200;
	v3 =	vperm.xlane v3, v2  }
0x194: {  	[tilespmem:s23], [sflag:$0x4] =	stream.indirect_vreg.gather [hbm4b:s5+s2], $0x80, v4, vm0, $0xb8;
	[tilespmem:$0x18200] =	vst v63  }
0x195: {  	s21 =	simm.s32 $0x15A00;
	v3 =	vadd.s32 v1, v3  }
0x196: {  	[tilespmem:s21], [sflag:$0x4] =	stream.indirect_vreg.gather [hbm4b:s6+s2], $0x80, v4, vm0, $0xb8;
	[tilespmem:$0x18200] =	vst v63  }
0x197: {  	s10 =	simm.s32 $0x16200  }
0x198: {  	[tilespmem:s10], [sflag:$0x4] =	stream.indirect_vreg.gather [hbm4b:s7+s2], $0x80, v4, vm0, $0xb8;
	[tilespmem:$0x18200] =	vst v63  }
0x199: {  	s23 =	simm.s32 $0x16A00  }
0x19a: {  	[tilespmem:s23], [sflag:$0x4] =	stream.indirect_vreg.gather [hbm4b:s5+s2], $0x80, v3, vm0, $0xb8;
	[tilespmem:$0x18200] =	vst v63  }
0x19b: {  	s23 =	simm.s32 $0x17200  }
0x19c: {  	[tilespmem:s23], [sflag:$0x4] =	stream.indirect_vreg.gather [hbm4b:s6+s2], $0x80, v3, vm0, $0xb8;
	[tilespmem:$0x18200] =	vst v63  }
0x19d: {  	s23 =	simm.s32 $0x17A00  }
0x19e: {  	[tilespmem:s23], [sflag:$0x4] =	stream.indirect_vreg.gather [hbm4b:s7+s2], $0x80, v3, vm0, $0xb8;
	[tilespmem:$0x18200] =	vst v63  }
0x19f: {  	_ =	swait.ge [sflag:s13], $0x6000  }
0x1a0: {  	[sflag:s13] =	ssyncset.done $0x0  }
0x1a1: {  	s23 =	simm.s32 $0x200;
	s21 =	rddreg [dreg:$0xc];
	[sflag:s13] =	ssyncadd.s32 $0xFFFFA000  }
0x1a2: {  	[hbm4b:s21+s2] =	stream.linear.scatter [tilespmem:s23], [sflag:$0x5], $0x6000, $0x38;
	[tilespmem:$0x18200] =	vst v63  }
0x1a3: {  	_ =	swait.ge [sflag:s14], $0x6000  }
0x1a4: {  	[sflag:s14] =	ssyncset.done $0x0  }
0x1a5: {  	s21 =	rddreg [dreg:$0xd];
	[sflag:s14] =	ssyncadd.s32 $0xFFFFA000  }
0x1a6: {  	[tilespmem:s2], [sflag:$0x9] =	stream.linear.gather [hbm4b:s21+s2], $0x20, $0x38;
	[tilespmem:$0x18200] =	vst v63  }
0x1a7: {  	_ =	swait.ge [sflag:s9], $0x20  }
0x1a8: {  	[sflag:s9] =	ssyncset.done $0x0  }
0x1a9: {  	[sflag:s9] =	ssyncadd.s32 $0xFFFFFFE0  }
0x1aa: {  	v3 =	vld [tilespmem:$0x0];
	_ =	sdelay $0x4  }
0x1ab: {  	v44 =	vshrl.u32 v3, $0x3  }
0x1ac: {  	v4 =	vmul.u32 $0x30, v44  }
0x1ad: {  	v3 =	vand.u32 $0x7, v3  }
0x1ae: {  	v3 =	vor.u32 v3, v4  }
0x1af: {  	v4 =	vperm.xlane v3, v0;
	_ =	sdelay $0x1  }
0x1b0: {  	v4 =	vadd.s32 v1, v4;
	_ =	sdelay $0x3  }
0x1b1: {  	v3 =	vperm.xlane v3, v2  }
0x1b2: {  	[tilespmem:s23], [sflag:$0x1] =	stream.indirect_vreg.gather [hbm4b:s5+s2], $0x80, v4, vm0, $0xb8;
	[tilespmem:$0x18200] =	vst v63  }
0x1b3: {  	v3 =	vadd.s32 v1, v3;
	s23 =	simm.s32 $0xA00  }
0x1b4: {  	[tilespmem:s23], [sflag:$0x1] =	stream.indirect_vreg.gather [hbm4b:s6+s2], $0x80, v4, vm0, $0xb8;
	[tilespmem:$0x18200] =	vst v63  }
0x1b5: {  	s23 =	simm.s32 $0x1200  }
0x1b6: {  	[tilespmem:s23], [sflag:$0x1] =	stream.indirect_vreg.gather [hbm4b:s7+s2], $0x80, v4, vm0, $0xb8;
	[tilespmem:$0x18200] =	vst v63  }
0x1b7: {  	s23 =	simm.s32 $0x1A00  }
0x1b8: {  	[tilespmem:s23], [sflag:$0x1] =	stream.indirect_vreg.gather [hbm4b:s5+s2], $0x80, v3, vm0, $0xb8;
	[tilespmem:$0x18200] =	vst v63  }
0x1b9: {  	s23 =	simm.s32 $0x2200  }
0x1ba: {  	[tilespmem:s23], [sflag:$0x1] =	stream.indirect_vreg.gather [hbm4b:s6+s2], $0x80, v3, vm0, $0xb8;
	[tilespmem:$0x18200] =	vst v63  }
0x1bb: {  	s23 =	simm.s32 $0x2A00  }
0x1bc: {  	[tilespmem:s23], [sflag:$0x1] =	stream.indirect_vreg.gather [hbm4b:s7+s2], $0x80, v3, vm0, $0xb8;
	[tilespmem:$0x18200] =	vst v63  }
0x1bd: {  	v3 =	vld [tilespmem:$0x10];
	_ =	sdelay $0x4  }
0x1be: {  	v45 =	vshrl.u32 v3, $0x3  }
0x1bf: {  	v4 =	vmul.u32 $0x30, v45  }
0x1c0: {  	v3 =	vand.u32 $0x7, v3  }
0x1c1: {  	v3 =	vor.u32 v3, v4  }
0x1c2: {  	v4 =	vperm.xlane v3, v0;
	_ =	sdelay $0x1  }
0x1c3: {  	v4 =	vadd.s32 v1, v4;
	_ =	sdelay $0x3  }
0x1c4: {  	v3 =	vperm.xlane v3, v2  }
0x1c5: {  	[tilespmem:s22], [sflag:$0x1] =	stream.indirect_vreg.gather [hbm4b:s5+s2], $0x80, v4, vm0, $0xb8;
	[tilespmem:$0x18200] =	vst v63  }
0x1c6: {  	s23 =	simm.s32 $0x3A00;
	v3 =	vadd.s32 v1, v3  }
0x1c7: {  	[tilespmem:s23], [sflag:$0x1] =	stream.indirect_vreg.gather [hbm4b:s6+s2], $0x80, v4, vm0, $0xb8;
	[tilespmem:$0x18200] =	vst v63  }
0x1c8: {  	s22 =	simm.s32 $0x4200  }
0x1c9: {  	[tilespmem:s22], [sflag:$0x1] =	stream.indirect_vreg.gather [hbm4b:s7+s2], $0x80, v4, vm0, $0xb8;
	[tilespmem:$0x18200] =	vst v63  }
0x1ca: {  	s23 =	simm.s32 $0x4A00  }
0x1cb: {  	[tilespmem:s23], [sflag:$0x1] =	stream.indirect_vreg.gather [hbm4b:s5+s2], $0x80, v3, vm0, $0xb8;
	[tilespmem:$0x18200] =	vst v63  }
0x1cc: {  	_ = 	snop  }
0x1cd: {  	[tilespmem:s31], [sflag:$0x1] =	stream.indirect_vreg.gather [hbm4b:s6+s2], $0x80, v3, vm0, $0xb8;
	[tilespmem:$0x18200] =	vst v63  }
0x1ce: {  	_ = 	snop  }
0x1cf: {  	[tilespmem:s29], [sflag:$0x1] =	stream.indirect_vreg.gather [hbm4b:s7+s2], $0x80, v3, vm0, $0xb8;
	[tilespmem:$0x18200] =	vst v63  }
0x1d0: {  	_ =	swait.ge [sflag:s15], $0x6000  }
0x1d1: {  	[sflag:s15] =	ssyncset.done $0x0  }
0x1d2: {  	s31 =	simm.s32 $0x6200;
	s29 =	rddreg [dreg:$0xe];
	[sflag:s15] =	ssyncadd.s32 $0xFFFFA000  }
0x1d3: {  	[hbm4b:s29+s2] =	stream.linear.scatter [tilespmem:s31], [sflag:$0x6], $0x6000, $0x38;
	[tilespmem:$0x18200] =	vst v63  }
0x1d4: {  	_ =	swait.ge [sflag:s16], $0x6000  }
0x1d5: {  	[sflag:s16] =	ssyncset.done $0x0  }
0x1d6: {  	s29 =	simm.s32 $0x80;
	s22 =	rddreg [dreg:$0xf];
	[sflag:s16] =	ssyncadd.s32 $0xFFFFA000  }
0x1d7: {  	[tilespmem:s29], [sflag:$0x9] =	stream.linear.gather [hbm4b:s22+s2], $0x20, $0x38;
	[tilespmem:$0x18200] =	vst v63  }
0x1d8: {  	_ =	swait.ge [sflag:s9], $0x20  }
0x1d9: {  	[sflag:s9] =	ssyncset.done $0x0  }
0x1da: {  	[sflag:s9] =	ssyncadd.s32 $0xFFFFFFE0  }
0x1db: {  	v3 =	vld [tilespmem:$0x80];
	_ =	sdelay $0x4  }
0x1dc: {  	v46 =	vshrl.u32 v3, $0x3  }
0x1dd: {  	v4 =	vmul.u32 $0x30, v46  }
0x1de: {  	v3 =	vand.u32 $0x7, v3  }
0x1df: {  	v3 =	vor.u32 v3, v4  }
0x1e0: {  	v4 =	vperm.xlane v3, v0;
	_ =	sdelay $0x1  }
0x1e1: {  	v4 =	vadd.s32 v1, v4;
	_ =	sdelay $0x3  }
0x1e2: {  	v3 =	vperm.xlane v3, v2  }
0x1e3: {  	[tilespmem:s31], [sflag:$0x2] =	stream.indirect_vreg.gather [hbm4b:s5+s2], $0x80, v4, vm0, $0xb8;
	[tilespmem:$0x18200] =	vst v63  }
0x1e4: {  	v3 =	vadd.s32 v1, v3;
	s31 =	simm.s32 $0x6A00  }
0x1e5: {  	[tilespmem:s31], [sflag:$0x2] =	stream.indirect_vreg.gather [hbm4b:s6+s2], $0x80, v4, vm0, $0xb8;
	[tilespmem:$0x18200] =	vst v63  }
0x1e6: {  	s22 =	simm.s32 $0x7200  }
0x1e7: {  	[tilespmem:s22], [sflag:$0x2] =	stream.indirect_vreg.gather [hbm4b:s7+s2], $0x80, v4, vm0, $0xb8;
	[tilespmem:$0x18200] =	vst v63  }
0x1e8: {  	s23 =	simm.s32 $0x7A00  }
0x1e9: {  	[tilespmem:s23], [sflag:$0x2] =	stream.indirect_vreg.gather [hbm4b:s5+s2], $0x80, v3, vm0, $0xb8;
	[tilespmem:$0x18200] =	vst v63  }
0x1ea: {  	_ = 	snop  }
0x1eb: {  	[tilespmem:s4], [sflag:$0x2] =	stream.indirect_vreg.gather [hbm4b:s6+s2], $0x80, v3, vm0, $0xb8;
	[tilespmem:$0x18200] =	vst v63  }
0x1ec: {  	s31 =	simm.s32 $0x8A00  }
0x1ed: {  	[tilespmem:s31], [sflag:$0x2] =	stream.indirect_vreg.gather [hbm4b:s7+s2], $0x80, v3, vm0, $0xb8;
	[tilespmem:$0x18200] =	vst v63  }
0x1ee: {  	v3 =	vld [tilespmem:$0x90];
	_ =	sdelay $0x4  }
0x1ef: {  	v47 =	vshrl.u32 v3, $0x3  }
0x1f0: {  	v4 =	vmul.u32 $0x30, v47  }
0x1f1: {  	v3 =	vand.u32 $0x7, v3  }
0x1f2: {  	v3 =	vor.u32 v3, v4  }
0x1f3: {  	v4 =	vperm.xlane v3, v0;
	_ =	sdelay $0x1  }
0x1f4: {  	v4 =	vadd.s32 v1, v4;
	_ =	sdelay $0x3  }
0x1f5: {  	s21 =	simm.s32 $0x9200;
	v3 =	vperm.xlane v3, v2  }
0x1f6: {  	[tilespmem:s21], [sflag:$0x2] =	stream.indirect_vreg.gather [hbm4b:s5+s2], $0x80, v4, vm0, $0xb8;
	[tilespmem:$0x18200] =	vst v63  }
0x1f7: {  	v3 =	vadd.s32 v1, v3  }
0x1f8: {  	[tilespmem:s11], [sflag:$0x2] =	stream.indirect_vreg.gather [hbm4b:s6+s2], $0x80, v4, vm0, $0xb8;
	[tilespmem:$0x18200] =	vst v63  }
0x1f9: {  	_ = 	snop  }
0x1fa: {  	[tilespmem:s24], [sflag:$0x2] =	stream.indirect_vreg.gather [hbm4b:s7+s2], $0x80, v4, vm0, $0xb8;
	[tilespmem:$0x18200] =	vst v63  }
0x1fb: {  	_ = 	snop  }
0x1fc: {  	[tilespmem:s25], [sflag:$0x2] =	stream.indirect_vreg.gather [hbm4b:s5+s2], $0x80, v3, vm0, $0xb8;
	[tilespmem:$0x18200] =	vst v63  }
0x1fd: {  	_ = 	snop  }
0x1fe: {  	[tilespmem:s26], [sflag:$0x2] =	stream.indirect_vreg.gather [hbm4b:s6+s2], $0x80, v3, vm0, $0xb8;
	[tilespmem:$0x18200] =	vst v63  }
0x1ff: {  	s22 =	simm.s32 $0xBA00  }
0x200: {  	[tilespmem:s22], [sflag:$0x2] =	stream.indirect_vreg.gather [hbm4b:s7+s2], $0x80, v3, vm0, $0xb8;
	[tilespmem:$0x18200] =	vst v63  }
0x201: {  	_ =	swait.ge [sflag:s18], $0x6000  }
0x202: {  	[sflag:s18] =	ssyncset.done $0x0  }
0x203: {  	s1 =	simm.s32 $0xC200;
	s23 =	rddreg [dreg:$0x10];
	[sflag:s18] =	ssyncadd.s32 $0xFFFFA000  }
0x204: {  	[hbm4b:s23+s2] =	stream.linear.scatter [tilespmem:s1], [sflag:$0x7], $0x6000, $0x38;
	[tilespmem:$0x18200] =	vst v63  }
0x205: {  	_ =	swait.ge [sflag:s19], $0x6000  }
0x206: {  	[sflag:s19] =	ssyncset.done $0x0  }
0x207: {  	s25 =	simm.s32 $0x100;
	s24 =	rddreg [dreg:$0x11];
	[sflag:s19] =	ssyncadd.s32 $0xFFFFA000  }
0x208: {  	[tilespmem:s25], [sflag:$0x9] =	stream.linear.gather [hbm4b:s24+s2], $0x20, $0x38;
	[tilespmem:$0x18200] =	vst v63  }
0x209: {  	_ =	swait.ge [sflag:s9], $0x20  }
0x20a: {  	[sflag:s9] =	ssyncset.done $0x0  }
0x20b: {  	[sflag:s9] =	ssyncadd.s32 $0xFFFFFFE0  }
0x20c: {  	v3 =	vld [tilespmem:$0x100];
	_ =	sdelay $0x4  }
0x20d: {  	v48 =	vshrl.u32 v3, $0x3  }
0x20e: {  	v4 =	vmul.u32 $0x30, v48  }
0x20f: {  	v3 =	vand.u32 $0x7, v3  }
0x210: {  	v3 =	vor.u32 v3, v4  }
0x211: {  	v4 =	vperm.xlane v3, v0;
	_ =	sdelay $0x1  }
0x212: {  	v4 =	vadd.s32 v1, v4;
	_ =	sdelay $0x3  }
0x213: {  	v3 =	vperm.xlane v3, v2  }
0x214: {  	[tilespmem:s1], [sflag:$0x3] =	stream.indirect_vreg.gather [hbm4b:s5+s2], $0x80, v4, vm0, $0xb8;
	[tilespmem:$0x18200] =	vst v63  }
0x215: {  	s23 =	simm.s32 $0xCA00;
	v3 =	vadd.s32 v1, v3  }
0x216: {  	[tilespmem:s23], [sflag:$0x3] =	stream.indirect_vreg.gather [hbm4b:s6+s2], $0x80, v4, vm0, $0xb8;
	[tilespmem:$0x18200] =	vst v63  }
0x217: {  	s26 =	simm.s32 $0xD200  }
0x218: {  	[tilespmem:s26], [sflag:$0x3] =	stream.indirect_vreg.gather [hbm4b:s7+s2], $0x80, v4, vm0, $0xb8;
	[tilespmem:$0x18200] =	vst v63  }
0x219: {  	s31 =	simm.s32 $0xDA00  }
0x21a: {  	[tilespmem:s31], [sflag:$0x3] =	stream.indirect_vreg.gather [hbm4b:s5+s2], $0x80, v3, vm0, $0xb8;
	[tilespmem:$0x18200] =	vst v63  }
0x21b: {  	_ = 	snop  }
0x21c: {  	[tilespmem:s3], [sflag:$0x3] =	stream.indirect_vreg.gather [hbm4b:s6+s2], $0x80, v3, vm0, $0xb8;
	[tilespmem:$0x18200] =	vst v63  }
0x21d: {  	s4 =	simm.s32 $0xEA00  }
0x21e: {  	[tilespmem:s4], [sflag:$0x3] =	stream.indirect_vreg.gather [hbm4b:s7+s2], $0x80, v3, vm0, $0xb8;
	[tilespmem:$0x18200] =	vst v63  }
0x21f: {  	v3 =	vld [tilespmem:$0x110];
	_ =	sdelay $0x4  }
0x220: {  	v49 =	vshrl.u32 v3, $0x3  }
0x221: {  	v4 =	vmul.u32 $0x30, v49  }
0x222: {  	v3 =	vand.u32 $0x7, v3  }
0x223: {  	v3 =	vor.u32 v3, v4  }
0x224: {  	v4 =	vperm.xlane v3, v0;
	_ =	sdelay $0x1  }
0x225: {  	v4 =	vadd.s32 v1, v4;
	_ =	sdelay $0x3  }
0x226: {  	s11 =	simm.s32 $0xF200;
	v3 =	vperm.xlane v3, v2  }
0x227: {  	[tilespmem:s11], [sflag:$0x3] =	stream.indirect_vreg.gather [hbm4b:s5+s2], $0x80, v4, vm0, $0xb8;
	[tilespmem:$0x18200] =	vst v63  }
0x228: {  	s21 =	simm.s32 $0xFA00;
	v3 =	vadd.s32 v1, v3  }
0x229: {  	[tilespmem:s21], [sflag:$0x3] =	stream.indirect_vreg.gather [hbm4b:s6+s2], $0x80, v4, vm0, $0xb8;
	[tilespmem:$0x18200] =	vst v63  }
0x22a: {  	s22 =	simm.s32 $0x10200  }
0x22b: {  	[tilespmem:s22], [sflag:$0x3] =	stream.indirect_vreg.gather [hbm4b:s7+s2], $0x80, v4, vm0, $0xb8;
	[tilespmem:$0x18200] =	vst v63  }
0x22c: {  	s24 =	simm.s32 $0x10A00  }
0x22d: {  	[tilespmem:s24], [sflag:$0x3] =	stream.indirect_vreg.gather [hbm4b:s5+s2], $0x80, v3, vm0, $0xb8;
	[tilespmem:$0x18200] =	vst v63  }
0x22e: {  	s25 =	simm.s32 $0x11200  }
0x22f: {  	[tilespmem:s25], [sflag:$0x3] =	stream.indirect_vreg.gather [hbm4b:s6+s2], $0x80, v3, vm0, $0xb8;
	[tilespmem:$0x18200] =	vst v63  }
0x230: {  	s26 =	simm.s32 $0x11A00  }
0x231: {  	[tilespmem:s26], [sflag:$0x3] =	stream.indirect_vreg.gather [hbm4b:s7+s2], $0x80, v3, vm0, $0xb8;
	[tilespmem:$0x18200] =	vst v63  }
0x232: {  	_ =	swait.ge [sflag:s20], $0x6000  }
0x233: {  	[sflag:s20] =	ssyncset.done $0x0  }
0x234: {  	s4 =	simm.s32 $0x12200;
	s3 =	rddreg [dreg:$0x12];
	[sflag:s20] =	ssyncadd.s32 $0xFFFFA000  }
0x235: {  	[hbm4b:s3+s2] =	stream.linear.scatter [tilespmem:s4], [sflag:$0x8], $0x6000, $0x38;
	[tilespmem:$0x18200] =	vst v63  }
0x236: {  	_ =	swait.ge [sflag:s0], $0x6000  }
0x237: {  	[sflag:s0] =	ssyncset.done $0x0  }
0x238: {  	s22 =	simm.s32 $0x180;
	s11 =	rddreg [dreg:$0x13];
	[sflag:s0] =	ssyncadd.s32 $0xFFFFA000  }
0x239: {  	[tilespmem:s22], [sflag:$0x9] =	stream.linear.gather [hbm4b:s11+s2], $0x20, $0x38;
	[tilespmem:$0x18200] =	vst v63  }
0x23a: {  	_ =	swait.ge [sflag:s9], $0x20  }
0x23b: {  	[sflag:s9] =	ssyncset.done $0x0  }
0x23c: {  	[sflag:s9] =	ssyncadd.s32 $0xFFFFFFE0  }
0x23d: {  	v3 =	vld [tilespmem:$0x180];
	_ =	sdelay $0x4  }
0x23e: {  	v50 =	vshrl.u32 v3, $0x3  }
0x23f: {  	v4 =	vmul.u32 $0x30, v50  }
0x240: {  	v3 =	vand.u32 $0x7, v3  }
0x241: {  	v3 =	vor.u32 v3, v4  }
0x242: {  	v4 =	vperm.xlane v3, v0;
	_ =	sdelay $0x1  }
0x243: {  	v4 =	vadd.s32 v1, v4;
	_ =	sdelay $0x3  }
0x244: {  	v3 =	vperm.xlane v3, v2  }
0x245: {  	[tilespmem:s4], [sflag:$0x4] =	stream.indirect_vreg.gather [hbm4b:s5+s2], $0x80, v4, vm0, $0xb8;
	[tilespmem:$0x18200] =	vst v63  }
0x246: {  	v3 =	vadd.s32 v1, v3  }
0x247: {  	[tilespmem:s28], [sflag:$0x4] =	stream.indirect_vreg.gather [hbm4b:s6+s2], $0x80, v4, vm0, $0xb8;
	[tilespmem:$0x18200] =	vst v63  }
0x248: {  	_ = 	snop  }
0x249: {  	[tilespmem:s30], [sflag:$0x4] =	stream.indirect_vreg.gather [hbm4b:s7+s2], $0x80, v4, vm0, $0xb8;
	[tilespmem:$0x18200] =	vst v63  }
0x24a: {  	_ = 	snop  }
0x24b: {  	[tilespmem:s17], [sflag:$0x4] =	stream.indirect_vreg.gather [hbm4b:s5+s2], $0x80, v3, vm0, $0xb8;
	[tilespmem:$0x18200] =	vst v63  }
0x24c: {  	_ = 	snop  }
0x24d: {  	[tilespmem:s12], [sflag:$0x4] =	stream.indirect_vreg.gather [hbm4b:s6+s2], $0x80, v3, vm0, $0xb8;
	[tilespmem:$0x18200] =	vst v63  }
0x24e: {  	s24 =	simm.s32 $0x14A00  }
0x24f: {  	[tilespmem:s24], [sflag:$0x4] =	stream.indirect_vreg.gather [hbm4b:s7+s2], $0x80, v3, vm0, $0xb8;
	[tilespmem:$0x18200] =	vst v63  }
0x250: {  	v3 =	vld [tilespmem:$0x190];
	_ =	sdelay $0x4  }
0x251: {  	v51 =	vshrl.u32 v3, $0x3  }
0x252: {  	v4 =	vmul.u32 $0x30, v51  }
0x253: {  	v3 =	vand.u32 $0x7, v3  }
0x254: {  	v3 =	vor.u32 v3, v4  }
0x255: {  	v4 =	vperm.xlane v3, v0;
	_ =	sdelay $0x1  }
0x256: {  	v4 =	vadd.s32 v1, v4;
	_ =	sdelay $0x3  }
0x257: {  	s26 =	simm.s32 $0x15200;
	v3 =	vperm.xlane v3, v2  }
0x258: {  	[tilespmem:s26], [sflag:$0x4] =	stream.indirect_vreg.gather [hbm4b:s5+s2], $0x80, v4, vm0, $0xb8;
	[tilespmem:$0x18200] =	vst v63  }
0x259: {  	s17 =	simm.s32 $0x15A00;
	v3 =	vadd.s32 v1, v3  }
0x25a: {  	[tilespmem:s17], [sflag:$0x4] =	stream.indirect_vreg.gather [hbm4b:s6+s2], $0x80, v4, vm0, $0xb8;
	[tilespmem:$0x18200] =	vst v63  }
0x25b: {  	_ = 	snop  }
0x25c: {  	[tilespmem:s10], [sflag:$0x4] =	stream.indirect_vreg.gather [hbm4b:s7+s2], $0x80, v4, vm0, $0xb8;
	[tilespmem:$0x18200] =	vst v63  }
0x25d: {  	s3 =	simm.s32 $0x16A00  }
0x25e: {  	[tilespmem:s3], [sflag:$0x4] =	stream.indirect_vreg.gather [hbm4b:s5+s2], $0x80, v3, vm0, $0xb8;
	[tilespmem:$0x18200] =	vst v63  }
0x25f: {  	s4 =	simm.s32 $0x17200  }
0x260: {  	[tilespmem:s4], [sflag:$0x4] =	stream.indirect_vreg.gather [hbm4b:s6+s2], $0x80, v3, vm0, $0xb8;
	[tilespmem:$0x18200] =	vst v63  }
0x261: {  	s10 =	simm.s32 $0x17A00  }
0x262: {  	[tilespmem:s10], [sflag:$0x4] =	stream.indirect_vreg.gather [hbm4b:s7+s2], $0x80, v3, vm0, $0xb8;
	[tilespmem:$0x18200] =	vst v63  }
0x263: {  	_ =	swait.ge [sflag:s13], $0x6000  }
0x264: {  	[sflag:s13] =	ssyncset.done $0x0  }
0x265: {  	s12 =	simm.s32 $0x200;
	s11 =	rddreg [dreg:$0x14];
	[sflag:s13] =	ssyncadd.s32 $0xFFFFA000  }
0x266: {  	[hbm4b:s11+s2] =	stream.linear.scatter [tilespmem:s12], [sflag:$0x5], $0x6000, $0x38;
	[tilespmem:$0x18200] =	vst v63  }
0x267: {  	_ =	swait.ge [sflag:s14], $0x6000  }
0x268: {  	[sflag:s14] =	ssyncset.done $0x0  }
0x269: {  	s24 =	rddreg [dreg:$0x15];
	[sflag:s14] =	ssyncadd.s32 $0xFFFFA000  }
0x26a: {  	[tilespmem:s2], [sflag:$0x9] =	stream.linear.gather [hbm4b:s24+s2], $0x20, $0x38;
	[tilespmem:$0x18200] =	vst v63  }
0x26b: {  	_ =	swait.ge [sflag:s9], $0x20  }
0x26c: {  	[sflag:s9] =	ssyncset.done $0x0  }
0x26d: {  	[sflag:s9] =	ssyncadd.s32 $0xFFFFFFE0  }
0x26e: {  	v3 =	vld [tilespmem:$0x0];
	_ =	sdelay $0x4  }
0x26f: {  	v52 =	vshrl.u32 v3, $0x3  }
0x270: {  	v4 =	vmul.u32 $0x30, v52  }
0x271: {  	v3 =	vand.u32 $0x7, v3  }
0x272: {  	v3 =	vor.u32 v3, v4  }
0x273: {  	v4 =	vperm.xlane v3, v0;
	_ =	sdelay $0x1  }
0x274: {  	v4 =	vadd.s32 v1, v4;
	_ =	sdelay $0x3  }
0x275: {  	v3 =	vperm.xlane v3, v2  }
0x276: {  	[tilespmem:s12], [sflag:$0x1] =	stream.indirect_vreg.gather [hbm4b:s5+s2], $0x80, v4, vm0, $0xb8;
	[tilespmem:$0x18200] =	vst v63  }
0x277: {  	s3 =	simm.s32 $0xA00;
	v3 =	vadd.s32 v1, v3  }
0x278: {  	[tilespmem:s3], [sflag:$0x1] =	stream.indirect_vreg.gather [hbm4b:s6+s2], $0x80, v4, vm0, $0xb8;
	[tilespmem:$0x18200] =	vst v63  }
0x279: {  	s4 =	simm.s32 $0x1200  }
0x27a: {  	[tilespmem:s4], [sflag:$0x1] =	stream.indirect_vreg.gather [hbm4b:s7+s2], $0x80, v4, vm0, $0xb8;
	[tilespmem:$0x18200] =	vst v63  }
0x27b: {  	s10 =	simm.s32 $0x1A00  }
0x27c: {  	[tilespmem:s10], [sflag:$0x1] =	stream.indirect_vreg.gather [hbm4b:s5+s2], $0x80, v3, vm0, $0xb8;
	[tilespmem:$0x18200] =	vst v63  }
0x27d: {  	s11 =	simm.s32 $0x2200  }
0x27e: {  	[tilespmem:s11], [sflag:$0x1] =	stream.indirect_vreg.gather [hbm4b:s6+s2], $0x80, v3, vm0, $0xb8;
	[tilespmem:$0x18200] =	vst v63  }
0x27f: {  	s12 =	simm.s32 $0x2A00  }
0x280: {  	[tilespmem:s12], [sflag:$0x1] =	stream.indirect_vreg.gather [hbm4b:s7+s2], $0x80, v3, vm0, $0xb8;
	[tilespmem:$0x18200] =	vst v63  }
0x281: {  	v3 =	vld [tilespmem:$0x10];
	_ =	sdelay $0x4  }
0x282: {  	v53 =	vshrl.u32 v3, $0x3  }
0x283: {  	v4 =	vmul.u32 $0x30, v53  }
0x284: {  	v3 =	vand.u32 $0x7, v3  }
0x285: {  	v3 =	vor.u32 v3, v4  }
0x286: {  	v4 =	vperm.xlane v3, v0;
	_ =	sdelay $0x1  }
0x287: {  	v4 =	vadd.s32 v1, v4;
	_ =	sdelay $0x3  }
0x288: {  	s26 =	simm.s32 $0x3200;
	v3 =	vperm.xlane v3, v2  }
0x289: {  	[tilespmem:s26], [sflag:$0x1] =	stream.indirect_vreg.gather [hbm4b:s5+s2], $0x80, v4, vm0, $0xb8;
	[tilespmem:$0x18200] =	vst v63  }
0x28a: {  	s21 =	simm.s32 $0x3A00;
	v3 =	vadd.s32 v1, v3  }
0x28b: {  	[tilespmem:s21], [sflag:$0x1] =	stream.indirect_vreg.gather [hbm4b:s6+s2], $0x80, v4, vm0, $0xb8;
	[tilespmem:$0x18200] =	vst v63  }
0x28c: {  	s26 =	simm.s32 $0x4200  }
0x28d: {  	[tilespmem:s26], [sflag:$0x1] =	stream.indirect_vreg.gather [hbm4b:s7+s2], $0x80, v4, vm0, $0xb8;
	[tilespmem:$0x18200] =	vst v63  }
0x28e: {  	s21 =	simm.s32 $0x4A00  }
0x28f: {  	[tilespmem:s21], [sflag:$0x1] =	stream.indirect_vreg.gather [hbm4b:s5+s2], $0x80, v3, vm0, $0xb8;
	[tilespmem:$0x18200] =	vst v63  }
0x290: {  	s26 =	simm.s32 $0x5200  }
0x291: {  	[tilespmem:s26], [sflag:$0x1] =	stream.indirect_vreg.gather [hbm4b:s6+s2], $0x80, v3, vm0, $0xb8;
	[tilespmem:$0x18200] =	vst v63  }
0x292: {  	s21 =	simm.s32 $0x5A00  }
0x293: {  	[tilespmem:s21], [sflag:$0x1] =	stream.indirect_vreg.gather [hbm4b:s7+s2], $0x80, v3, vm0, $0xb8;
	[tilespmem:$0x18200] =	vst v63  }
0x294: {  	_ =	swait.ge [sflag:s15], $0x6000  }
0x295: {  	[sflag:s15] =	ssyncset.done $0x0  }
0x296: {  	s29 =	simm.s32 $0x6200;
	s26 =	rddreg [dreg:$0x16];
	[sflag:s15] =	ssyncadd.s32 $0xFFFFA000  }
0x297: {  	[hbm4b:s26+s2] =	stream.linear.scatter [tilespmem:s29], [sflag:$0x6], $0x6000, $0x38;
	[tilespmem:$0x18200] =	vst v63  }
0x298: {  	_ =	swait.ge [sflag:s16], $0x6000  }
0x299: {  	[sflag:s16] =	ssyncset.done $0x0  }
0x29a: {  	s26 =	simm.s32 $0x80;
	s1 =	rddreg [dreg:$0x17];
	[sflag:s16] =	ssyncadd.s32 $0xFFFFA000  }
0x29b: {  	[tilespmem:s26], [sflag:$0x9] =	stream.linear.gather [hbm4b:s1+s2], $0x20, $0x38;
	[tilespmem:$0x18200] =	vst v63  }
0x29c: {  	_ =	swait.ge [sflag:s9], $0x20  }
0x29d: {  	[sflag:s9] =	ssyncset.done $0x0  }
0x29e: {  	[sflag:s9] =	ssyncadd.s32 $0xFFFFFFE0  }
0x29f: {  	v3 =	vld [tilespmem:$0x80];
	_ =	sdelay $0x4  }
0x2a0: {  	v54 =	vshrl.u32 v3, $0x3  }
0x2a1: {  	v4 =	vmul.u32 $0x30, v54  }
0x2a2: {  	v3 =	vand.u32 $0x7, v3  }
0x2a3: {  	v3 =	vor.u32 v3, v4  }
0x2a4: {  	v4 =	vperm.xlane v3, v0;
	_ =	sdelay $0x1  }
0x2a5: {  	v4 =	vadd.s32 v1, v4;
	_ =	sdelay $0x3  }
0x2a6: {  	v3 =	vperm.xlane v3, v2  }
0x2a7: {  	[tilespmem:s29], [sflag:$0x2] =	stream.indirect_vreg.gather [hbm4b:s5+s2], $0x80, v4, vm0, $0xb8;
	[tilespmem:$0x18200] =	vst v63  }
0x2a8: {  	s21 =	simm.s32 $0x6A00;
	v3 =	vadd.s32 v1, v3  }
0x2a9: {  	[tilespmem:s21], [sflag:$0x2] =	stream.indirect_vreg.gather [hbm4b:s6+s2], $0x80, v4, vm0, $0xb8;
	[tilespmem:$0x18200] =	vst v63  }
0x2aa: {  	s26 =	simm.s32 $0x7200  }
0x2ab: {  	[tilespmem:s26], [sflag:$0x2] =	stream.indirect_vreg.gather [hbm4b:s7+s2], $0x80, v4, vm0, $0xb8;
	[tilespmem:$0x18200] =	vst v63  }
0x2ac: {  	s21 =	simm.s32 $0x7A00  }
0x2ad: {  	[tilespmem:s21], [sflag:$0x2] =	stream.indirect_vreg.gather [hbm4b:s5+s2], $0x80, v3, vm0, $0xb8;
	[tilespmem:$0x18200] =	vst v63  }
0x2ae: {  	s26 =	simm.s32 $0x8200  }
0x2af: {  	[tilespmem:s26], [sflag:$0x2] =	stream.indirect_vreg.gather [hbm4b:s6+s2], $0x80, v3, vm0, $0xb8;
	[tilespmem:$0x18200] =	vst v63  }
0x2b0: {  	s21 =	simm.s32 $0x8A00  }
0x2b1: {  	[tilespmem:s21], [sflag:$0x2] =	stream.indirect_vreg.gather [hbm4b:s7+s2], $0x80, v3, vm0, $0xb8;
	[tilespmem:$0x18200] =	vst v63  }
0x2b2: {  	v3 =	vld [tilespmem:$0x90];
	_ =	sdelay $0x4  }
0x2b3: {  	v55 =	vshrl.u32 v3, $0x3  }
0x2b4: {  	v4 =	vmul.u32 $0x30, v55  }
0x2b5: {  	v3 =	vand.u32 $0x7, v3  }
0x2b6: {  	v3 =	vor.u32 v3, v4  }
0x2b7: {  	v4 =	vperm.xlane v3, v0;
	_ =	sdelay $0x1  }
0x2b8: {  	v4 =	vadd.s32 v1, v4;
	_ =	sdelay $0x3  }
0x2b9: {  	s26 =	simm.s32 $0x9200;
	v3 =	vperm.xlane v3, v2  }
0x2ba: {  	[tilespmem:s26], [sflag:$0x2] =	stream.indirect_vreg.gather [hbm4b:s5+s2], $0x80, v4, vm0, $0xb8;
	[tilespmem:$0x18200] =	vst v63  }
0x2bb: {  	s21 =	simm.s32 $0x9A00;
	v3 =	vadd.s32 v1, v3  }
0x2bc: {  	[tilespmem:s21], [sflag:$0x2] =	stream.indirect_vreg.gather [hbm4b:s6+s2], $0x80, v4, vm0, $0xb8;
	[tilespmem:$0x18200] =	vst v63  }
0x2bd: {  	s26 =	simm.s32 $0xA200  }
0x2be: {  	[tilespmem:s26], [sflag:$0x2] =	stream.indirect_vreg.gather [hbm4b:s7+s2], $0x80, v4, vm0, $0xb8;
	[tilespmem:$0x18200] =	vst v63  }
0x2bf: {  	s21 =	simm.s32 $0xAA00  }
0x2c0: {  	[tilespmem:s21], [sflag:$0x2] =	stream.indirect_vreg.gather [hbm4b:s5+s2], $0x80, v3, vm0, $0xb8;
	[tilespmem:$0x18200] =	vst v63  }
0x2c1: {  	s26 =	simm.s32 $0xB200  }
0x2c2: {  	[tilespmem:s26], [sflag:$0x2] =	stream.indirect_vreg.gather [hbm4b:s6+s2], $0x80, v3, vm0, $0xb8;
	[tilespmem:$0x18200] =	vst v63  }
0x2c3: {  	s21 =	simm.s32 $0xBA00  }
0x2c4: {  	[tilespmem:s21], [sflag:$0x2] =	stream.indirect_vreg.gather [hbm4b:s7+s2], $0x80, v3, vm0, $0xb8;
	[tilespmem:$0x18200] =	vst v63  }
0x2c5: {  	_ =	swait.ge [sflag:s18], $0x6000  }
0x2c6: {  	[sflag:s18] =	ssyncset.done $0x0  }
0x2c7: {  	s1 =	simm.s32 $0xC200;
	s26 =	rddreg [dreg:$0x18];
	[sflag:s18] =	ssyncadd.s32 $0xFFFFA000  }
0x2c8: {  	[hbm4b:s26+s2] =	stream.linear.scatter [tilespmem:s1], [sflag:$0x7], $0x6000, $0x38;
	[tilespmem:$0x18200] =	vst v63  }
0x2c9: {  	_ =	swait.ge [sflag:s19], $0x6000  }
0x2ca: {  	[sflag:s19] =	ssyncset.done $0x0  }
0x2cb: {  	s26 =	simm.s32 $0x100;
	s21 =	rddreg [dreg:$0x19];
	[sflag:s19] =	ssyncadd.s32 $0xFFFFA000  }
0x2cc: {  	[tilespmem:s26], [sflag:$0x9] =	stream.linear.gather [hbm4b:s21+s2], $0x20, $0x38;
	[tilespmem:$0x18200] =	vst v63  }
0x2cd: {  	_ =	swait.ge [sflag:s9], $0x20  }
0x2ce: {  	[sflag:s9] =	ssyncset.done $0x0  }
0x2cf: {  	[sflag:s9] =	ssyncadd.s32 $0xFFFFFFE0  }
0x2d0: {  	v3 =	vld [tilespmem:$0x100];
	_ =	sdelay $0x4  }
0x2d1: {  	v56 =	vshrl.u32 v3, $0x3  }
0x2d2: {  	v4 =	vmul.u32 $0x30, v56  }
0x2d3: {  	v3 =	vand.u32 $0x7, v3  }
0x2d4: {  	v3 =	vor.u32 v3, v4  }
0x2d5: {  	v4 =	vperm.xlane v3, v0;
	_ =	sdelay $0x1  }
0x2d6: {  	v4 =	vadd.s32 v1, v4;
	_ =	sdelay $0x3  }
0x2d7: {  	v3 =	vperm.xlane v3, v2  }
0x2d8: {  	[tilespmem:s1], [sflag:$0x3] =	stream.indirect_vreg.gather [hbm4b:s5+s2], $0x80, v4, vm0, $0xb8;
	[tilespmem:$0x18200] =	vst v63  }
0x2d9: {  	v3 =	vadd.s32 v1, v3  }
0x2da: {  	[tilespmem:s23], [sflag:$0x3] =	stream.indirect_vreg.gather [hbm4b:s6+s2], $0x80, v4, vm0, $0xb8;
	[tilespmem:$0x18200] =	vst v63  }
0x2db: {  	s26 =	simm.s32 $0xD200  }
0x2dc: {  	[tilespmem:s26], [sflag:$0x3] =	stream.indirect_vreg.gather [hbm4b:s7+s2], $0x80, v4, vm0, $0xb8;
	[tilespmem:$0x18200] =	vst v63  }
0x2dd: {  	s23 =	simm.s32 $0xDA00  }
0x2de: {  	[tilespmem:s23], [sflag:$0x3] =	stream.indirect_vreg.gather [hbm4b:s5+s2], $0x80, v3, vm0, $0xb8;
	[tilespmem:$0x18200] =	vst v63  }
0x2df: {  	s26 =	simm.s32 $0xE200  }
0x2e0: {  	[tilespmem:s26], [sflag:$0x3] =	stream.indirect_vreg.gather [hbm4b:s6+s2], $0x80, v3, vm0, $0xb8;
	[tilespmem:$0x18200] =	vst v63  }
0x2e1: {  	s31 =	simm.s32 $0xEA00  }
0x2e2: {  	[tilespmem:s31], [sflag:$0x3] =	stream.indirect_vreg.gather [hbm4b:s7+s2], $0x80, v3, vm0, $0xb8;
	[tilespmem:$0x18200] =	vst v63  }
0x2e3: {  	v3 =	vld [tilespmem:$0x110];
	_ =	sdelay $0x4  }
0x2e4: {  	v57 =	vshrl.u32 v3, $0x3  }
0x2e5: {  	v4 =	vmul.u32 $0x30, v57  }
0x2e6: {  	v3 =	vand.u32 $0x7, v3  }
0x2e7: {  	v3 =	vor.u32 v3, v4  }
0x2e8: {  	v4 =	vperm.xlane v3, v0;
	_ =	sdelay $0x1  }
0x2e9: {  	v4 =	vadd.s32 v1, v4;
	_ =	sdelay $0x3  }
0x2ea: {  	s31 =	simm.s32 $0xF200;
	v3 =	vperm.xlane v3, v2  }
0x2eb: {  	[tilespmem:s31], [sflag:$0x3] =	stream.indirect_vreg.gather [hbm4b:s5+s2], $0x80, v4, vm0, $0xb8;
	[tilespmem:$0x18200] =	vst v63  }
0x2ec: {  	s23 =	simm.s32 $0xFA00;
	v3 =	vadd.s32 v1, v3  }
0x2ed: {  	[tilespmem:s23], [sflag:$0x3] =	stream.indirect_vreg.gather [hbm4b:s6+s2], $0x80, v4, vm0, $0xb8;
	[tilespmem:$0x18200] =	vst v63  }
0x2ee: {  	s26 =	simm.s32 $0x10200  }
0x2ef: {  	[tilespmem:s26], [sflag:$0x3] =	stream.indirect_vreg.gather [hbm4b:s7+s2], $0x80, v4, vm0, $0xb8;
	[tilespmem:$0x18200] =	vst v63  }
0x2f0: {  	s31 =	simm.s32 $0x10A00  }
0x2f1: {  	[tilespmem:s31], [sflag:$0x3] =	stream.indirect_vreg.gather [hbm4b:s5+s2], $0x80, v3, vm0, $0xb8;
	[tilespmem:$0x18200] =	vst v63  }
0x2f2: {  	s23 =	simm.s32 $0x11200  }
0x2f3: {  	[tilespmem:s23], [sflag:$0x3] =	stream.indirect_vreg.gather [hbm4b:s6+s2], $0x80, v3, vm0, $0xb8;
	[tilespmem:$0x18200] =	vst v63  }
0x2f4: {  	s26 =	simm.s32 $0x11A00  }
0x2f5: {  	[tilespmem:s26], [sflag:$0x3] =	stream.indirect_vreg.gather [hbm4b:s7+s2], $0x80, v3, vm0, $0xb8;
	[tilespmem:$0x18200] =	vst v63  }
0x2f6: {  	_ =	swait.ge [sflag:s20], $0x6000  }
0x2f7: {  	[sflag:s20] =	ssyncset.done $0x0  }
0x2f8: {  	s25 =	simm.s32 $0x12200;
	s31 =	rddreg [dreg:$0x1a];
	[sflag:s20] =	ssyncadd.s32 $0xFFFFA000  }
0x2f9: {  	[hbm4b:s31+s2] =	stream.linear.scatter [tilespmem:s25], [sflag:$0x8], $0x6000, $0x38;
	[tilespmem:$0x18200] =	vst v63  }
0x2fa: {  	_ =	swait.ge [sflag:s0], $0x6000  }
0x2fb: {  	[sflag:s0] =	ssyncset.done $0x0  }
0x2fc: {  	s23 =	rddreg [dreg:$0x1b];
	[sflag:s0] =	ssyncadd.s32 $0xFFFFA000  }
0x2fd: {  	[tilespmem:s22], [sflag:$0x9] =	stream.linear.gather [hbm4b:s23+s2], $0x20, $0x38;
	[tilespmem:$0x18200] =	vst v63  }
0x2fe: {  	_ =	swait.ge [sflag:s9], $0x20  }
0x2ff: {  	[sflag:s9] =	ssyncset.done $0x0  }
0x300: {  	[sflag:s9] =	ssyncadd.s32 $0xFFFFFFE0  }
0x301: {  	v3 =	vld [tilespmem:$0x180];
	_ =	sdelay $0x4  }
0x302: {  	v58 =	vshrl.u32 v3, $0x3  }
0x303: {  	v4 =	vmul.u32 $0x30, v58  }
0x304: {  	v3 =	vand.u32 $0x7, v3  }
0x305: {  	v3 =	vor.u32 v3, v4  }
0x306: {  	v4 =	vperm.xlane v3, v0;
	_ =	sdelay $0x1  }
0x307: {  	v4 =	vadd.s32 v1, v4;
	_ =	sdelay $0x3  }
0x308: {  	v3 =	vperm.xlane v3, v2  }
0x309: {  	[tilespmem:s25], [sflag:$0x4] =	stream.indirect_vreg.gather [hbm4b:s5+s2], $0x80, v4, vm0, $0xb8;
	[tilespmem:$0x18200] =	vst v63  }
0x30a: {  	s28 =	simm.s32 $0x12A00;
	v3 =	vadd.s32 v1, v3  }
0x30b: {  	[tilespmem:s28], [sflag:$0x4] =	stream.indirect_vreg.gather [hbm4b:s6+s2], $0x80, v4, vm0, $0xb8;
	[tilespmem:$0x18200] =	vst v63  }
0x30c: {  	s30 =	simm.s32 $0x13200  }
0x30d: {  	[tilespmem:s30], [sflag:$0x4] =	stream.indirect_vreg.gather [hbm4b:s7+s2], $0x80, v4, vm0, $0xb8;
	[tilespmem:$0x18200] =	vst v63  }
0x30e: {  	s26 =	simm.s32 $0x13A00  }
0x30f: {  	[tilespmem:s26], [sflag:$0x4] =	stream.indirect_vreg.gather [hbm4b:s5+s2], $0x80, v3, vm0, $0xb8;
	[tilespmem:$0x18200] =	vst v63  }
0x310: {  	s28 =	simm.s32 $0x14200  }
0x311: {  	[tilespmem:s28], [sflag:$0x4] =	stream.indirect_vreg.gather [hbm4b:s6+s2], $0x80, v3, vm0, $0xb8;
	[tilespmem:$0x18200] =	vst v63  }
0x312: {  	s30 =	simm.s32 $0x14A00  }
0x313: {  	[tilespmem:s30], [sflag:$0x4] =	stream.indirect_vreg.gather [hbm4b:s7+s2], $0x80, v3, vm0, $0xb8;
	[tilespmem:$0x18200] =	vst v63  }
0x314: {  	v3 =	vld [tilespmem:$0x190];
	_ =	sdelay $0x4  }
0x315: {  	v59 =	vshrl.u32 v3, $0x3  }
0x316: {  	v4 =	vmul.u32 $0x30, v59  }
0x317: {  	v3 =	vand.u32 $0x7, v3  }
0x318: {  	v3 =	vor.u32 v3, v4  }
0x319: {  	v4 =	vperm.xlane v3, v0;
	_ =	sdelay $0x1  }
0x31a: {  	v4 =	vadd.s32 v1, v4;
	_ =	sdelay $0x3  }
0x31b: {  	s31 =	simm.s32 $0x15200;
	v3 =	vperm.xlane v3, v2  }
0x31c: {  	[tilespmem:s31], [sflag:$0x4] =	stream.indirect_vreg.gather [hbm4b:s5+s2], $0x80, v4, vm0, $0xb8;
	[tilespmem:$0x18200] =	vst v63  }
0x31d: {  	v3 =	vadd.s32 v1, v3  }
0x31e: {  	[tilespmem:s17], [sflag:$0x4] =	stream.indirect_vreg.gather [hbm4b:s6+s2], $0x80, v4, vm0, $0xb8;
	[tilespmem:$0x18200] =	vst v63  }
0x31f: {  	s22 =	simm.s32 $0x16200  }
0x320: {  	[tilespmem:s22], [sflag:$0x4] =	stream.indirect_vreg.gather [hbm4b:s7+s2], $0x80, v4, vm0, $0xb8;
	[tilespmem:$0x18200] =	vst v63  }
0x321: {  	s23 =	simm.s32 $0x16A00  }
0x322: {  	[tilespmem:s23], [sflag:$0x4] =	stream.indirect_vreg.gather [hbm4b:s5+s2], $0x80, v3, vm0, $0xb8;
	[tilespmem:$0x18200] =	vst v63  }
0x323: {  	s26 =	simm.s32 $0x17200  }
0x324: {  	[tilespmem:s26], [sflag:$0x4] =	stream.indirect_vreg.gather [hbm4b:s6+s2], $0x80, v3, vm0, $0xb8;
	[tilespmem:$0x18200] =	vst v63  }
0x325: {  	s28 =	simm.s32 $0x17A00  }
0x326: {  	[tilespmem:s28], [sflag:$0x4] =	stream.indirect_vreg.gather [hbm4b:s7+s2], $0x80, v3, vm0, $0xb8;
	[tilespmem:$0x18200] =	vst v63  }
0x327: {  	_ =	swait.ge [sflag:s13], $0x6000  }
0x328: {  	[sflag:s13] =	ssyncset.done $0x0  }
0x329: {  	s24 =	simm.s32 $0x200;
	s30 =	rddreg [dreg:$0x1c];
	[sflag:s13] =	ssyncadd.s32 $0xFFFFA000  }
0x32a: {  	[hbm4b:s30+s2] =	stream.linear.scatter [tilespmem:s24], [sflag:$0x5], $0x6000, $0x38;
	[tilespmem:$0x18200] =	vst v63  }
0x32b: {  	_ =	swait.ge [sflag:s14], $0x6000  }
0x32c: {  	[sflag:s14] =	ssyncset.done $0x0  }
0x32d: {  	s31 =	rddreg [dreg:$0x1d];
	[sflag:s14] =	ssyncadd.s32 $0xFFFFA000  }
0x32e: {  	[tilespmem:s2], [sflag:$0x9] =	stream.linear.gather [hbm4b:s31+s2], $0x20, $0x38;
	[tilespmem:$0x18200] =	vst v63  }
0x32f: {  	_ =	swait.ge [sflag:s9], $0x20  }
0x330: {  	[sflag:s9] =	ssyncset.done $0x0  }
0x331: {  	[sflag:s9] =	ssyncadd.s32 $0xFFFFFFE0  }
0x332: {  	v3 =	vld [tilespmem:$0x0];
	_ =	sdelay $0x4  }
0x333: {  	v60 =	vshrl.u32 v3, $0x3  }
0x334: {  	v4 =	vmul.u32 $0x30, v60  }
0x335: {  	v3 =	vand.u32 $0x7, v3  }
0x336: {  	v3 =	vor.u32 v3, v4  }
0x337: {  	v4 =	vperm.xlane v3, v0;
	_ =	sdelay $0x1  }
0x338: {  	v4 =	vadd.s32 v1, v4;
	_ =	sdelay $0x3  }
0x339: {  	v3 =	vperm.xlane v3, v2  }
0x33a: {  	[tilespmem:s24], [sflag:$0x1] =	stream.indirect_vreg.gather [hbm4b:s5+s2], $0x80, v4, vm0, $0xb8;
	[tilespmem:$0x18200] =	vst v63  }
0x33b: {  	v3 =	vadd.s32 v1, v3  }
0x33c: {  	[tilespmem:s3], [sflag:$0x1] =	stream.indirect_vreg.gather [hbm4b:s6+s2], $0x80, v4, vm0, $0xb8;
	[tilespmem:$0x18200] =	vst v63  }
0x33d: {  	_ = 	snop  }
0x33e: {  	[tilespmem:s4], [sflag:$0x1] =	stream.indirect_vreg.gather [hbm4b:s7+s2], $0x80, v4, vm0, $0xb8;
	[tilespmem:$0x18200] =	vst v63  }
0x33f: {  	_ = 	snop  }
0x340: {  	[tilespmem:s10], [sflag:$0x1] =	stream.indirect_vreg.gather [hbm4b:s5+s2], $0x80, v3, vm0, $0xb8;
	[tilespmem:$0x18200] =	vst v63  }
0x341: {  	_ = 	snop  }
0x342: {  	[tilespmem:s11], [sflag:$0x1] =	stream.indirect_vreg.gather [hbm4b:s6+s2], $0x80, v3, vm0, $0xb8;
	[tilespmem:$0x18200] =	vst v63  }
0x343: {  	_ = 	snop  }
0x344: {  	[tilespmem:s12], [sflag:$0x1] =	stream.indirect_vreg.gather [hbm4b:s7+s2], $0x80, v3, vm0, $0xb8;
	[tilespmem:$0x18200] =	vst v63  }
0x345: {  	v3 =	vld [tilespmem:$0x10];
	_ =	sdelay $0x4  }
0x346: {  	v61 =	vshrl.u32 v3, $0x3  }
0x347: {  	v4 =	vmul.u32 $0x30, v61  }
0x348: {  	v3 =	vand.u32 $0x7, v3  }
0x349: {  	v3 =	vor.u32 v3, v4  }
0x34a: {  	v4 =	vperm.xlane v3, v0;
	_ =	sdelay $0x1  }
0x34b: {  	v4 =	vadd.s32 v1, v4;
	_ =	sdelay $0x3  }
0x34c: {  	s4 =	simm.s32 $0x3200;
	v3 =	vperm.xlane v3, v2  }
0x34d: {  	[tilespmem:s4], [sflag:$0x1] =	stream.indirect_vreg.gather [hbm4b:s5+s2], $0x80, v4, vm0, $0xb8;
	[tilespmem:$0x18200] =	vst v63  }
0x34e: {  	s10 =	simm.s32 $0x3A00;
	v3 =	vadd.s32 v1, v3  }
0x34f: {  	[tilespmem:s10], [sflag:$0x1] =	stream.indirect_vreg.gather [hbm4b:s6+s2], $0x80, v4, vm0, $0xb8;
	[tilespmem:$0x18200] =	vst v63  }
0x350: {  	s11 =	simm.s32 $0x4200  }
0x351: {  	[tilespmem:s11], [sflag:$0x1] =	stream.indirect_vreg.gather [hbm4b:s7+s2], $0x80, v4, vm0, $0xb8;
	[tilespmem:$0x18200] =	vst v63  }
0x352: {  	s12 =	simm.s32 $0x4A00  }
0x353: {  	[tilespmem:s12], [sflag:$0x1] =	stream.indirect_vreg.gather [hbm4b:s5+s2], $0x80, v3, vm0, $0xb8;
	[tilespmem:$0x18200] =	vst v63  }
0x354: {  	s17 =	simm.s32 $0x5200  }
0x355: {  	[tilespmem:s17], [sflag:$0x1] =	stream.indirect_vreg.gather [hbm4b:s6+s2], $0x80, v3, vm0, $0xb8;
	[tilespmem:$0x18200] =	vst v63  }
0x356: {  	s21 =	simm.s32 $0x5A00  }
0x357: {  	[tilespmem:s21], [sflag:$0x1] =	stream.indirect_vreg.gather [hbm4b:s7+s2], $0x80, v3, vm0, $0xb8;
	[tilespmem:$0x18200] =	vst v63  }
0x358: {  	_ =	swait.ge [sflag:s15], $0x6000  }
0x359: {  	[sflag:s15] =	ssyncset.done $0x0  }
0x35a: {  	s22 =	rddreg [dreg:$0x1e];
	[sflag:s15] =	ssyncadd.s32 $0xFFFFA000  }
0x35b: {  	[hbm4b:s22+s2] =	stream.linear.scatter [tilespmem:s29], [sflag:$0x6], $0x6000, $0x38;
	[tilespmem:$0x18200] =	vst v63  }
0x35c: {  	_ =	swait.ge [sflag:s16], $0x6000  }
0x35d: {  	[sflag:s16] =	ssyncset.done $0x0  }
0x35e: {  	s26 =	simm.s32 $0x80;
	s23 =	rddreg [dreg:$0x1f];
	[sflag:s16] =	ssyncadd.s32 $0xFFFFA000  }
0x35f: {  	[tilespmem:s26], [sflag:$0x9] =	stream.linear.gather [hbm4b:s23+s2], $0x20, $0x38;
	[tilespmem:$0x18200] =	vst v63  }
0x360: {  	_ =	swait.ge [sflag:s9], $0x20  }
0x361: {  	[sflag:s9] =	ssyncset.done $0x0  }
0x362: {  	[sflag:s9] =	ssyncadd.s32 $0xFFFFFFE0  }
0x363: {  	v3 =	vld [tilespmem:$0x80];
	_ =	sdelay $0x4  }
0x364: {  	v62 =	vshrl.u32 v3, $0x3  }
0x365: {  	v4 =	vmul.u32 $0x30, v62  }
0x366: {  	v3 =	vand.u32 $0x7, v3  }
0x367: {  	v3 =	vor.u32 v3, v4  }
0x368: {  	v4 =	vperm.xlane v3, v0;
	_ =	sdelay $0x1  }
0x369: {  	v4 =	vadd.s32 v1, v4;
	_ =	sdelay $0x3  }
0x36a: {  	v3 =	vperm.xlane v3, v2  }
0x36b: {  	[tilespmem:s29], [sflag:$0x2] =	stream.indirect_vreg.gather [hbm4b:s5+s2], $0x80, v4, vm0, $0xb8;
	[tilespmem:$0x18200] =	vst v63  }
0x36c: {  	s28 =	simm.s32 $0x6A00;
	v3 =	vadd.s32 v1, v3  }
0x36d: {  	[tilespmem:s28], [sflag:$0x2] =	stream.indirect_vreg.gather [hbm4b:s6+s2], $0x80, v4, vm0, $0xb8;
	[tilespmem:$0x18200] =	vst v63  }
0x36e: {  	s30 =	simm.s32 $0x7200  }
0x36f: {  	[tilespmem:s30], [sflag:$0x2] =	stream.indirect_vreg.gather [hbm4b:s7+s2], $0x80, v4, vm0, $0xb8;
	[tilespmem:$0x18200] =	vst v63  }
0x370: {  	s31 =	simm.s32 $0x7A00  }
0x371: {  	[tilespmem:s31], [sflag:$0x2] =	stream.indirect_vreg.gather [hbm4b:s5+s2], $0x80, v3, vm0, $0xb8;
	[tilespmem:$0x18200] =	vst v63  }
0x372: {  	s4 =	simm.s32 $0x8200  }
0x373: {  	[tilespmem:s4], [sflag:$0x2] =	stream.indirect_vreg.gather [hbm4b:s6+s2], $0x80, v3, vm0, $0xb8;
	[tilespmem:$0x18200] =	vst v63  }
0x374: {  	s10 =	simm.s32 $0x8A00  }
0x375: {  	[tilespmem:s10], [sflag:$0x2] =	stream.indirect_vreg.gather [hbm4b:s7+s2], $0x80, v3, vm0, $0xb8;
	[tilespmem:$0x18200] =	vst v63  }
0x376: {  	v3 =	vld [tilespmem:$0x90];
	_ =	sdelay $0x4  }
0x377: {  	v63 =	vshrl.u32 v3, $0x3  }
0x378: {  	v4 =	vmul.u32 $0x30, v63  }
0x379: {  	v3 =	vand.u32 $0x7, v3  }
0x37a: {  	v3 =	vor.u32 v3, v4  }
0x37b: {  	v4 =	vperm.xlane v3, v0;
	_ =	sdelay $0x1  }
0x37c: {  	v4 =	vadd.s32 v1, v4;
	_ =	sdelay $0x3  }
0x37d: {  	s11 =	simm.s32 $0x9200;
	v3 =	vperm.xlane v3, v2  }
0x37e: {  	[tilespmem:s11], [sflag:$0x2] =	stream.indirect_vreg.gather [hbm4b:s5+s2], $0x80, v4, vm0, $0xb8;
	[tilespmem:$0x18200] =	vst v63  }
0x37f: {  	s12 =	simm.s32 $0x9A00;
	v3 =	vadd.s32 v1, v3  }
0x380: {  	[tilespmem:s12], [sflag:$0x2] =	stream.indirect_vreg.gather [hbm4b:s6+s2], $0x80, v4, vm0, $0xb8;
	[tilespmem:$0x18200] =	vst v63  }
0x381: {  	s17 =	simm.s32 $0xA200  }
0x382: {  	[tilespmem:s17], [sflag:$0x2] =	stream.indirect_vreg.gather [hbm4b:s7+s2], $0x80, v4, vm0, $0xb8;
	[tilespmem:$0x18200] =	vst v63  }
0x383: {  	s21 =	simm.s32 $0xAA00  }
0x384: {  	[tilespmem:s21], [sflag:$0x2] =	stream.indirect_vreg.gather [hbm4b:s5+s2], $0x80, v3, vm0, $0xb8;
	[tilespmem:$0x18200] =	vst v63  }
0x385: {  	s22 =	simm.s32 $0xB200  }
0x386: {  	[tilespmem:s22], [sflag:$0x2] =	stream.indirect_vreg.gather [hbm4b:s6+s2], $0x80, v3, vm0, $0xb8;
	[tilespmem:$0x18200] =	vst v63  }
0x387: {  	s23 =	simm.s32 $0xBA00  }
0x388: {  	[tilespmem:s23], [sflag:$0x2] =	stream.indirect_vreg.gather [hbm4b:s7+s2], $0x80, v3, vm0, $0xb8;
	[tilespmem:$0x18200] =	vst v63  }
0x389: {  	_ =	swait.ge [sflag:s18], $0x6000  }
0x38a: {  	s26 =	sld [smem:$0x7F9]  }
0x38b: {  	[sflag:s18] =	ssyncset.done $0x0  }
0x38c: {  	s1 =	simm.s32 $0xC200;
	[sflag:s18] =	ssyncadd.s32 $0xFFFFA000  }
0x38d: {  	[hbm4b:s26+s2] =	stream.linear.scatter [tilespmem:s1], [sflag:$0x7], $0x6000, $0x38;
	[tilespmem:$0x18200] =	vst v63  }
0x38e: {  	_ =	swait.ge [sflag:s20], $0x6000  }
0x38f: {  	s28 =	sld [smem:$0x7FA]  }
0x390: {  	[sflag:s20] =	ssyncset.done $0x0  }
0x391: {  	[sflag:s20] =	ssyncadd.s32 $0xFFFFA000  }
0x392: {  	[hbm4b:s28+s2] =	stream.linear.scatter [tilespmem:s25], [sflag:$0x8], $0x6000, $0x38;
	[tilespmem:$0x18200] =	vst v63  }
0x393: {  	_ =	swait.ge [sflag:s13], $0x6000  }
0x394: {  	s30 =	sld [smem:$0x7FB]  }
0x395: {  	[sflag:s13] =	ssyncset.done $0x0  }
0x396: {  	[sflag:s13] =	ssyncadd.s32 $0xFFFFA000  }
0x397: {  	[hbm4b:s30+s2] =	stream.linear.scatter [tilespmem:s24], [sflag:$0x5], $0x6000, $0x38;
	[tilespmem:$0x18200] =	vst v63  }
0x398: {  	_ =	swait.ge [sflag:s15], $0x6000  }
0x399: {  	s31 =	sld [smem:$0x7FD]  }
0x39a: {  	[sflag:s15] =	ssyncset.done $0x0  }
0x39b: {  	[sflag:s15] =	ssyncadd.s32 $0xFFFFA000  }
0x39c: {  	[hbm4b:s31+s2] =	stream.linear.scatter [tilespmem:s29], [sflag:$0x6], $0x6000, $0x38;
	[tilespmem:$0x18200] =	vst v63  }
0x39d: {  	_ =	swait.ge [sflag:s14], $0x6000  }
0x39e: {  	[sflag:s14] =	ssyncset.done $0x0  }
0x39f: {  	[sflag:s14] =	ssyncadd.s32 $0xFFFFA000  }
0x3a0: {  	_ =	swait.ge [sflag:s16], $0x6000  }
0x3a1: {  	[sflag:s16] =	ssyncset.done $0x0  }
0x3a2: {  	[sflag:s16] =	ssyncadd.s32 $0xFFFFA000  }
0x3a3: {  	p0 =	sne.s32 s8, $0x1;
	_ =	swait.ge [sflag:s19], $0x6000  }
.Ltmp0:
0x3a4: {  	[sflag:s19] =	ssyncset.done $0x0;
	(pc) =	sbr.rel @p0 .LBB2_1-.Ltmp0, $4  }
0x3a5: {  	[sflag:s19] =	ssyncadd.s32 $0xFFFFA000  }
0x3a6: {  	_ =	swait.ge [sflag:s0], $0x6000  }
0x3a7: {  	[sflag:s0] =	ssyncset.done $0x0  }
0x3a8: {  	s8 =	sadd.s32 $0xFFFFFFFF, s8;
	[sflag:s0] =	ssyncadd.s32 $0xFFFFA000  }
0x3a9: {  	_ =	sfence.sel $0x180000  }
0x3aa: {  	[bflag:$0x0] =	sbarrier.arrive $0xFFFF  }
0x3ab: {  	_ =	strace $0x9000004A  }
0x3ac: {  	s0 =	stileid.u32;
	[bflag:$0x2] =	sbarrier.arrive $0xFFFF  }
0x3ad: {  	p0 =	sne.s32 s0, $0x0;
	s0 =	rddreg [dreg:$0x1]  }
0x3ae: {  	s0 =	sadd.s32 @!p0 $0x100000, s0  }
0x3af: {  	[sflag:s0] =	ssyncadd.tile.s32 @!p0 $0x1;
	_ =	shalt  }
.Lfunc_end2:
_tile_overlayer_lowered:
.L_overlay_start_2:
0x3b0: {  	(tag) =	ssettag $0x2  }
0x3b1: {  	s0 =	rddreg [dreg:$0x0];
	s2 =	stileid.u32  }
0x3b2: {  	s1 =	rddreg [dreg:$0x1];
	p0 =	sne.s32 s2, $0x0  }
0x3b3: {  	s3 =	rddreg [dreg:$0x2];
	[bflag:$0x3] =	sbarrier.arrive $0xFFFF;
	s2 =	simm.s32 @!p0 $0x1C09  }
0x3b4: {  	[timem:s3], [sflag:s2] =	dma.local @!p0 [hbm:s0], s1  }
0x3b5: {  	s0 =	simm.s32 @!p0 $0x9  }
0x3b6: {  	_ =	swait.ge @!p0 [sflag:s0], s1  }
0x3b7: {  	s1 =	ssub.s32 @!p0 $0x0, s1;
	[sflag:s0] =	ssyncset.done @!p0 $0x0  }
0x3b8: {  	[sflag:s0] =	ssyncadd.s32 @!p0 s1  }
0x3b9: {  	[bflag:$0x3] =	sbarrier.arrive $0xFFFF  }
0x3ba: {  	_ =	shalt  }

</sc_bundles>
